<compile_context>
chip_gen: v7x
topology: tpu7x:2x2x1
jax: 0.10.2.dev20260603
libtpu: 0.0.44.dev20260713+nightly
codegen_flags: <defaults>
</compile_context>

<pallas_src>
import functools

import jax
import jax.numpy as jnp
from jax import lax
from jax.experimental import pallas as pl
from jax.experimental.pallas import tpu as pltpu
from jax.experimental.pallas import tpu_sc as plsc

_N = 10000
_D = 128
_G = 64
_EPS = 1e-5
_NROWS = 10112
_RPT = _NROWS // 16
_EB = 128
_E = 320000
_NBLK = 160
_EPT = _EB * _NBLK
_EPAD = 16 * _EPT
_NBT = 16 * _NBLK

@functools.cache
def _mesh():
    return plsc.VectorSubcoreMesh(core_axis_name="c", subcore_axis_name="s")


def _sc_msgpass(hs, src2, dst2):

    @functools.partial(
        pl.kernel,
        out_type=jax.ShapeDtypeStruct((2, _NROWS, _D), jnp.float32),
        mesh=_mesh(),
        scratch_types=[
            pltpu.VMEM((_EB,), jnp.int32),
            pltpu.VMEM((_EB,), jnp.int32),
            pltpu.VMEM((_EB,), jnp.int32),
            pltpu.VMEM((_EB,), jnp.int32),
            pltpu.VMEM((_EB,), jnp.int32),
            pltpu.VMEM((_EB,), jnp.int32),
            pltpu.VMEM((_EB,), jnp.int32),
            pltpu.VMEM((_EB,), jnp.int32),
            pltpu.VMEM((_EB, _D), jnp.float32),
            pltpu.VMEM((_EB, _D), jnp.float32),
            pltpu.VMEM_SHARED((_NROWS, _D), jnp.float32),
            pltpu.SemaphoreType.DMA,
            pltpu.SemaphoreType.DMA,
            pltpu.SemaphoreType.DMA,
            pltpu.SemaphoreType.DMA,
            pltpu.SemaphoreType.DMA,
            pltpu.SemaphoreType.DMA,
            pltpu.SemaphoreType.DMA,
            pltpu.SemaphoreType.DMA,
            pltpu.SemaphoreType.DMA,
            pltpu.SemaphoreType.DMA,
            pltpu.SemaphoreType.DMA,
            pltpu.SemaphoreType.DMA,
        ],
    )
    def k(hs_hbm, src_hbm, dst_hbm, out_hbm,
          sx0, sx1, sx2, sx3, dx0, dx1, dx2, dx3, rows0, rows1, acc_sh,
          si0, si1, si2, si3, di0, di1, di2, di3, g0, g1, s0, s1):
        c = lax.axis_index("c")
        s = lax.axis_index("s")
        r0 = s * _RPT
        hs_c = hs_hbm.at[c]
        src_c = src_hbm.at[c]
        dst_c = dst_hbm.at[c]
        base = s * _EPT
        sidx = (sx0, sx1, sx2, sx3)
        didx = (dx0, dx1, dx2, dx3)
        sisem = (si0, si1, si2, si3)
        disem = (di0, di1, di2, di3)
        rows = (rows0, rows1)
        gsem = (g0, g1)
        ssem = (s0, s1)

        def sdma(i, q):
            return pltpu.make_async_copy(
                src_c.at[pl.ds(base + i * _EB, _EB)], sidx[q], sisem[q])

        def ddma(i, q):
            return pltpu.make_async_copy(
                dst_c.at[pl.ds(base + i * _EB, _EB)], didx[q], disem[q])

        def gat(q, b):
            return pltpu.make_async_copy(hs_c.at[sidx[q]], rows[b], gsem[b])

        def scat(q, b):
            return pltpu.make_async_copy(rows[b], acc_sh.at[didx[q]], ssem[b])

        pltpu.sync_copy(hs_c.at[pl.ds(r0, _RPT)], acc_sh.at[pl.ds(r0, _RPT)])
        plsc.subcore_barrier()

        for q in range(3):
            sdma(q, q).start()
            ddma(q, q).start()
        sdma(0, 0).wait()
        gat(0, 0).start()
        gat(0, 0).wait()
        sdma(3, 3).start()
        ddma(3, 3).start()
        sdma(1, 1).wait()
        ddma(1, 1).wait()
        gat(1, 1).start()
        ddma(0, 0).wait()
        scat(0, 0).start(add=True)

        @pl.loop(1, _NBLK - 3, step=4)
        def _(j):
            for t in range(4):
                i = j + t
                b = (t + 1) & 1
                q = (t + 1) & 3
                qp = t & 3
                qn = (t + 2) & 3
                gat(q, b).wait()
                scat(qp, b ^ 1).wait()
                sdma(i + 3, qp).start()
                ddma(i + 3, qp).start()
                sdma(i + 1, qn).wait()
                ddma(i + 1, qn).wait()
                gat(qn, b ^ 1).start()
                scat(q, b).start(add=True)

        gat(1, 1).wait()
        scat(0, 0).wait()
        sdma(_NBLK - 2, 2).wait()
        ddma(_NBLK - 2, 2).wait()
        gat(2, 0).start()
        scat(1, 1).start(add=True)

        gat(2, 0).wait()
        scat(1, 1).wait()
        sdma(_NBLK - 1, 3).wait()
        ddma(_NBLK - 1, 3).wait()
        gat(3, 1).start()
        scat(2, 0).start(add=True)

        gat(3, 1).wait()
        scat(2, 0).wait()
        scat(3, 1).start(add=True)
        scat(3, 1).wait()

        plsc.subcore_barrier()
        pltpu.sync_copy(acc_sh.at[pl.ds(r0, _RPT)],
                        out_hbm.at[c].at[pl.ds(r0, _RPT)])

    return k(hs, src2, dst2)


def _tc_pre(X, gamma, beta, W1, b1, W2, b2):

    def body(x_ref, g_ref, be_ref, w1_ref, b1_ref, w2_ref, b2_ref, o_ref):
        x = x_ref[0]
        mean = jnp.mean(x, axis=0, keepdims=True)
        xm = x - mean
        var = jnp.mean(xm * xm, axis=0, keepdims=True)
        xn = xm * lax.rsqrt(var + _EPS) * g_ref[...] + be_ref[...]
        y = jnp.maximum(jnp.dot(xn, w1_ref[...],
                                preferred_element_type=jnp.float32)
                        + b1_ref[...], 0.0)
        y = jnp.maximum(jnp.dot(y, w2_ref[...],
                                preferred_element_type=jnp.float32)
                        + b2_ref[...], 0.0)
        o_ref[0] = y

    full = lambda shape: pl.BlockSpec(shape, lambda b: (0,) * len(shape))
    return pl.pallas_call(
        body,
        grid=(2,),
        in_specs=[
            pl.BlockSpec((1, _N, _D), lambda b: (b, 0, 0)),
            full((1, _D)), full((1, _D)),
            full((_D, 2 * _D)), full((1, 2 * _D)),
            full((2 * _D, _D)), full((1, _D)),
        ],
        out_specs=pl.BlockSpec((1, _N, _D), lambda b: (b, 0, 0)),
        out_shape=jax.ShapeDtypeStruct((2, _N, _D), jnp.float32),
    )(X, gamma, beta, W1, b1, W2, b2)


def _dinv(deg_ref):
    return lax.rsqrt(deg_ref[0, :, 0:1])


def _tc_hs(Ypad, degraw, Wc):

    def body(y_ref, d_ref, w_ref, o_ref):
        h = jnp.dot(y_ref[0], w_ref[...], preferred_element_type=jnp.float32)
        o_ref[0] = h * _dinv(d_ref)

    return pl.pallas_call(
        body,
        grid=(2,),
        in_specs=[
            pl.BlockSpec((1, _NROWS, _D), lambda b: (b, 0, 0)),
            pl.BlockSpec((1, _NROWS, _D), lambda b: (b, 0, 0)),
            pl.BlockSpec((_D, _D), lambda b: (0, 0)),
        ],
        out_specs=pl.BlockSpec((1, _NROWS, _D), lambda b: (b, 0, 0)),
        out_shape=jax.ShapeDtypeStruct((2, _NROWS, _D), jnp.float32),
    )(Ypad, degraw, Wc)


def _tc_stage(agg, degraw, bc, Wnext):

    def body(a_ref, d_ref, b_ref, w_ref, o_ref):
        dinv = _dinv(d_ref)
        x = jnp.maximum(a_ref[0] * dinv + b_ref[...], 0.0)
        rows = lax.broadcasted_iota(jnp.int32, (_NROWS, 1), 0)
        x = jnp.where(rows < _N, x, 0.0)
        h = jnp.dot(x, w_ref[...], preferred_element_type=jnp.float32)
        o_ref[0] = h * dinv

    return pl.pallas_call(
        body,
        grid=(2,),
        in_specs=[
            pl.BlockSpec((1, _NROWS, _D), lambda b: (b, 0, 0)),
            pl.BlockSpec((1, _NROWS, _D), lambda b: (b, 0, 0)),
            pl.BlockSpec((1, _D), lambda b: (0, 0)),
            pl.BlockSpec((_D, _D), lambda b: (0, 0)),
        ],
        out_specs=pl.BlockSpec((1, _NROWS, _D), lambda b: (b, 0, 0)),
        out_shape=jax.ShapeDtypeStruct((2, _NROWS, _D), jnp.float32),
    )(agg, degraw, bc, Wnext)


def _tc_pool(agg, degraw, bc, batch2):

    def body(a_ref, d_ref, b_ref, bt_ref, o_ref):
        dinv = _dinv(d_ref)[: _N]
        x = jnp.maximum(a_ref[0, : _N, :] * dinv + b_ref[...], 0.0)
        gid = bt_ref[0]
        gids = lax.broadcasted_iota(jnp.int32, (1, _G), 1)
        oh = (gid == gids).astype(jnp.float32)
        s = lax.dot_general(oh, x, (((0,), (0,)), ((), ())),
                            preferred_element_type=jnp.float32)
        cnt = lax.dot_general(oh, jnp.ones((_N, _D), jnp.float32),
                              (((0,), (0,)), ((), ())),
                              preferred_element_type=jnp.float32)
        o_ref[0] = s / jnp.maximum(cnt, 1.0)

    return pl.pallas_call(
        body,
        grid=(2,),
        in_specs=[
            pl.BlockSpec((1, _NROWS, _D), lambda b: (b, 0, 0)),
            pl.BlockSpec((1, _NROWS, _D), lambda b: (b, 0, 0)),
            pl.BlockSpec((1, _D), lambda b: (0, 0)),
            pl.BlockSpec((1, _N, 1), lambda b: (b, 0, 0)),
        ],
        out_specs=pl.BlockSpec((1, _G, _D), lambda b: (b, 0, 0)),
        out_shape=jax.ShapeDtypeStruct((2, _G, _D), jnp.float32),
    )(agg, degraw, bc, batch2)


def _tc_head(h, W3, b3, W4, b4, W5, b5):
    def body(h_ref, w3_ref, b3_ref, w4_ref, b4_ref, w5_ref, b5_ref, o_ref):
        y = jnp.maximum(jnp.dot(h_ref[...], w3_ref[...],
                                preferred_element_type=jnp.float32)
                        + b3_ref[...], 0.0)
        y = jnp.maximum(jnp.dot(y, w4_ref[...],
                                preferred_element_type=jnp.float32)
                        + b4_ref[...], 0.0)
        o_ref[...] = jnp.dot(y, w5_ref[...],
                             preferred_element_type=jnp.float32) + b5_ref[...]

    return pl.pallas_call(
        body,
        out_shape=jax.ShapeDtypeStruct((_G, 1), jnp.float32),
    )(h, W3, b3, W4, b4, W5, b5)


def kernel(x0, x1, edge_index0, edge_index1, batch0, batch1, gamma, beta,
           W1, b1, W2, b2, Wc1, bc1, Wc2, bc2, Wc3, bc3, W3, b3, W4, b4,
           W5, b5):
    ei0 = edge_index0.astype(jnp.int32)
    ei1 = edge_index1.astype(jnp.int32)
    npad = _EPAD + 2 * _EB - _E
    pad = jnp.broadcast_to(
        _N + jnp.arange(npad, dtype=jnp.int32) % (_NROWS - _N), (2, npad))
    src2 = jnp.concatenate([jnp.stack([ei0[0], ei1[0]]), pad], axis=1)
    dst2 = jnp.concatenate([jnp.stack([ei0[1], ei1[1]]), pad], axis=1)
    X = jnp.stack([x0, x1])
    batch2 = jnp.stack([batch0, batch1]).astype(jnp.int32).reshape(2, _N, 1)
    ones128 = jnp.broadcast_to(
        (jnp.arange(_NROWS) < _N).astype(jnp.float32)[None, :, None],
        (2, _NROWS, _D))

    degraw = _sc_msgpass(ones128, src2, dst2)
    Y = _tc_pre(X, gamma.reshape(1, _D), beta.reshape(1, _D),
                W1, b1.reshape(1, 2 * _D), W2, b2.reshape(1, _D))
    Ypad = jnp.pad(Y, ((0, 0), (0, _NROWS - _N), (0, 0)))
    hs = _tc_hs(Ypad, degraw, Wc1)
    agg = _sc_msgpass(hs, src2, dst2)
    hs = _tc_stage(agg, degraw, bc1.reshape(1, _D), Wc2)
    agg = _sc_msgpass(hs, src2, dst2)
    hs = _tc_stage(agg, degraw, bc2.reshape(1, _D), Wc3)
    agg = _sc_msgpass(hs, src2, dst2)
    P = _tc_pool(agg, degraw, bc3.reshape(1, _D), batch2)
    h = jnp.concatenate([P[0], P[1]], axis=1)
    return _tc_head(h, W3, b3.reshape(1, 256), W4, b4.reshape(1, _D),
                    W5, b5.reshape(1, 1))

# --- scband reference (transcript-rebuilt; emitter-appended) ---
"""Pipeline reference for scband-gcn-1580547964985 (READ-ONLY COPY).

The authoritative reference and input builder live on the scoring server;
editing this copy changes nothing except your own understanding.
"""

import jax, jax.numpy as jnp
import numpy as np

N = 10000
E = 320000
D = 128
H = 128
G = 64
EPS = 1e-5

def _glorot(key, shape):
    s = (2.0 / (shape[0] + shape[1])) ** 0.5
    return jax.random.normal(key, shape, jnp.float32) * s

def setup_inputs(seed: int = 0):
    key = jax.random.key(seed)
    ks = jax.random.split(key, 24)
    inp = {}
    inp['x0'] = jax.random.normal(ks[0], (N, D), jnp.float32)
    inp['x1'] = jax.random.normal(ks[1], (N, D), jnp.float32)
    inp['edge_index0'] = jax.random.randint(ks[2], (2, E), 0, N)
    inp['edge_index1'] = jax.random.randint(ks[3], (2, E), 0, N)
    inp['batch0'] = jnp.sort(jax.random.randint(ks[4], (N,), 0, G))
    inp['batch1'] = jnp.sort(jax.random.randint(ks[5], (N,), 0, G))
    inp['gamma'] = jnp.ones((D,), jnp.float32)
    inp['beta'] = jnp.zeros((D,), jnp.float32)
    inp['W1'] = _glorot(ks[6], (D, 2 * H)); inp['b1'] = jnp.zeros((2 * H,), jnp.float32)
    inp['W2'] = _glorot(ks[7], (2 * H, H)); inp['b2'] = jnp.zeros((H,), jnp.float32)
    inp['Wc1'] = _glorot(ks[8], (H, H)); inp['bc1'] = jnp.zeros((H,), jnp.float32)
    inp['Wc2'] = _glorot(ks[9], (H, H)); inp['bc2'] = jnp.zeros((H,), jnp.float32)
    inp['Wc3'] = _glorot(ks[10], (H, H)); inp['bc3'] = jnp.zeros((H,), jnp.float32)
    inp['W3'] = _glorot(ks[11], (2 * H, 256)); inp['b3'] = jnp.zeros((256,), jnp.float32)
    inp['W4'] = _glorot(ks[12], (256, 128)); inp['b4'] = jnp.zeros((128,), jnp.float32)
    inp['W5'] = _glorot(ks[13], (128, 1)); inp['b5'] = jnp.zeros((1,), jnp.float32)
    return inp

def _batchnorm(x, gamma, beta):
    mean = x.mean(axis=0)
    var = x.var(axis=0)
    return (x - mean) / jnp.sqrt(var + EPS) * gamma + beta

def _gcn_conv(x, edge_index, W, b):
    n = x.shape[0]
    loop = jnp.arange(n, dtype=edge_index.dtype)
    src = jnp.concatenate([edge_index[0], loop])
    dst = jnp.concatenate([edge_index[1], loop])
    h = x @ W
    ones = jnp.ones((src.shape[0],), jnp.float32)
    deg = jax.ops.segment_sum(ones, dst, num_segments=n)
    dinv = jnp.where(deg > 0, 1.0 / jnp.sqrt(deg), 0.0)
    norm = dinv[src] * dinv[dst]
    msg = h[src] * norm[:, None]
    return jax.ops.segment_sum(msg, dst, num_segments=n) + b

def _global_mean_pool(x, batch, g):
    s = jax.ops.segment_sum(x, batch, num_segments=g)
    cnt = jax.ops.segment_sum(jnp.ones((x.shape[0],), jnp.float32), batch, num_segments=g)
    return s / jnp.maximum(cnt, 1.0)[:, None]

def reference(x0, x1, edge_index0, edge_index1, batch0, batch1, gamma, beta, W1, b1, W2, b2, Wc1, bc1, Wc2, bc2, Wc3, bc3, W3, b3, W4, b4, W5, b5):
    def branch(x, ei, batch):
        x = _batchnorm(x, gamma, beta)
        x = jax.nn.relu(x @ W1 + b1)
        x = jax.nn.relu(x @ W2 + b2)
        x = jax.nn.relu(_gcn_conv(x, ei, Wc1, bc1))
        x = jax.nn.relu(_gcn_conv(x, ei, Wc2, bc2))
        x = jax.nn.relu(_gcn_conv(x, ei, Wc3, bc3))
        return _global_mean_pool(x, batch, G)
    h0 = branch(x0, edge_index0, batch0)
    h1 = branch(x1, edge_index1, batch1)
    h = jnp.concatenate([h0, h1], axis=1)
    h = jax.nn.relu(h @ W3 + b3)
    h = jax.nn.relu(h @ W4 + b4)
    return h @ W5 + b5

if __name__ == "__main__":
    import jax
    _d = setup_inputs()
    print(jax.jit(kernel)(*tuple(_d.values())))

</pallas_src>

<mosaic_0001>
#map = affine_map<(d0, d1) -> (0, 0, 0)>
#map1 = affine_map<(d0, d1) -> (0, 0)>
module attributes {stable_mosaic.version = 14 : i64} {
  func.func @k(%arg0: i32, %arg1: i32, %arg2: memref<2x10112x128xf32, #tpu.memory_space<hbm>>, %arg3: memref<2x327936xi32, #tpu.memory_space<hbm>>, %arg4: memref<2x327936xi32, #tpu.memory_space<hbm>>, %arg5: memref<2x10112x128xf32, #tpu.memory_space<hbm>>, %arg6: memref<128xi32, #tpu.memory_space<vmem>>, %arg7: memref<128xi32, #tpu.memory_space<vmem>>, %arg8: memref<128xi32, #tpu.memory_space<vmem>>, %arg9: memref<128xi32, #tpu.memory_space<vmem>>, %arg10: memref<128xi32, #tpu.memory_space<vmem>>, %arg11: memref<128xi32, #tpu.memory_space<vmem>>, %arg12: memref<128xi32, #tpu.memory_space<vmem>>, %arg13: memref<128xi32, #tpu.memory_space<vmem>>, %arg14: memref<128x128xf32, #tpu.memory_space<vmem>>, %arg15: memref<128x128xf32, #tpu.memory_space<vmem>>, %arg16: memref<10112x128xf32, #tpu.memory_space<vmem_shared>>, %arg17: memref<!tpu.dma_semaphore, #tpu.memory_space<semaphore_mem>>, %arg18: memref<!tpu.dma_semaphore, #tpu.memory_space<semaphore_mem>>, %arg19: memref<!tpu.dma_semaphore, #tpu.memory_space<semaphore_mem>>, %arg20: memref<!tpu.dma_semaphore, #tpu.memory_space<semaphore_mem>>, %arg21: memref<!tpu.dma_semaphore, #tpu.memory_space<semaphore_mem>>, %arg22: memref<!tpu.dma_semaphore, #tpu.memory_space<semaphore_mem>>, %arg23: memref<!tpu.dma_semaphore, #tpu.memory_space<semaphore_mem>>, %arg24: memref<!tpu.dma_semaphore, #tpu.memory_space<semaphore_mem>>, %arg25: memref<!tpu.dma_semaphore, #tpu.memory_space<semaphore_mem>>, %arg26: memref<!tpu.dma_semaphore, #tpu.memory_space<semaphore_mem>>, %arg27: memref<!tpu.dma_semaphore, #tpu.memory_space<semaphore_mem>>, %arg28: memref<!tpu.dma_semaphore, #tpu.memory_space<semaphore_mem>>) attributes {dimension_semantics = [#tpu.dimension_semantics<core_parallel>, #tpu.dimension_semantics<subcore_parallel>], iteration_bounds = array<i64: 2, 16>, scalar_prefetch = 0 : i64, scratch_operands = 23 : i64, tpu.core_type = #tpu.core_type<sc_vector_subcore>, window_params = [{transform_indices = #map}, {transform_indices = #map1}, {transform_indices = #map1}, {transform_indices = #map}]} {
    %mul3A = arith.constant 632 : i32
    %mul3A_0 = arith.muli %arg1, %mul3A : i32
    %mul3A_1 = arith.constant 20480 : i32
    %mul3A_2 = arith.muli %arg1, %mul3A_1 : i32
    "tpu.region"() ({
      %run_scoped3A = tpu.sem_alloc : memref<!tpu.dma_semaphore, #tpu.memory_space<semaphore_mem>>
      %dma_start3A_245 = arith.constant 0 : i32
      %dma_start3A_246 = tpu.memref_slice %arg16[%mul3A_0, %dma_start3A_245] : memref<10112x128xf32, #tpu.memory_space<vmem_shared>> -> memref<632x128xf32, #tpu.memory_space<vmem_shared>>
      %dma_start3A_247 = arith.constant 0 : i32
      %dma_start3A_248 = arith.constant 0 : i32
      %dma_start3A_249 = tpu.memref_slice %arg2[%arg0, %dma_start3A_247, %dma_start3A_248] : memref<2x10112x128xf32, #tpu.memory_space<hbm>> -> memref<1x10112x128xf32, #tpu.memory_space<hbm>>
      %dma_start3A_250 = tpu.memref_squeeze %dma_start3A_249 : memref<1x10112x128xf32, #tpu.memory_space<hbm>> -> memref<10112x128xf32, #tpu.memory_space<hbm>>
      %dma_start3A_251 = arith.constant 0 : i32
      %dma_start3A_252 = tpu.memref_slice %dma_start3A_250[%mul3A_0, %dma_start3A_251] : memref<10112x128xf32, #tpu.memory_space<hbm>> -> memref<632x128xf32, #tpu.memory_space<hbm>>
      tpu.enqueue_dma source(%dma_start3A_252 : memref<632x128xf32, #tpu.memory_space<hbm>>) target(%dma_start3A_246 : memref<632x128xf32, #tpu.memory_space<vmem_shared>>) target_semaphore(%run_scoped3A : memref<!tpu.dma_semaphore, #tpu.memory_space<semaphore_mem>>)
      %dma_wait3A_253 = arith.constant 0 : i32
      %dma_wait3A_254 = tpu.memref_slice %arg16[%mul3A_0, %dma_wait3A_253] : memref<10112x128xf32, #tpu.memory_space<vmem_shared>> -> memref<632x128xf32, #tpu.memory_space<vmem_shared>>
      %dma_wait3A_255 = arith.constant 0 : i32
      %dma_wait3A_256 = arith.constant 0 : i32
      %dma_wait3A_257 = tpu.memref_slice %arg2[%arg0, %dma_wait3A_255, %dma_wait3A_256] : memref<2x10112x128xf32, #tpu.memory_space<hbm>> -> memref<1x10112x128xf32, #tpu.memory_space<hbm>>
      %dma_wait3A_258 = tpu.memref_squeeze %dma_wait3A_257 : memref<1x10112x128xf32, #tpu.memory_space<hbm>> -> memref<10112x128xf32, #tpu.memory_space<hbm>>
      %dma_wait3A_259 = arith.constant 0 : i32
      %dma_wait3A_260 = tpu.memref_slice %dma_wait3A_258[%mul3A_0, %dma_wait3A_259] : memref<10112x128xf32, #tpu.memory_space<hbm>> -> memref<632x128xf32, #tpu.memory_space<hbm>>
      tpu.wait_dma2 semaphore(%run_scoped3A : memref<!tpu.dma_semaphore, #tpu.memory_space<semaphore_mem>>) src(%dma_wait3A_260 : memref<632x128xf32, #tpu.memory_space<hbm>>) dst(%dma_wait3A_254 : memref<632x128xf32, #tpu.memory_space<vmem_shared>>)
      tpu.yield
    }) : () -> ()
    %barrier3A = arith.constant 0 : index
    tpu.barrier barrier_id(%barrier3A)
    %add3A = arith.constant 0 : i32
    %add3A_3 = arith.addi %mul3A_2, %add3A : i32
    %dma_start3A = arith.constant 0 : i32
    %dma_start3A_4 = tpu.memref_slice %arg3[%arg0, %dma_start3A] : memref<2x327936xi32, #tpu.memory_space<hbm>> -> memref<1x327936xi32, #tpu.memory_space<hbm>>
    %dma_start3A_5 = tpu.memref_squeeze %dma_start3A_4 : memref<1x327936xi32, #tpu.memory_space<hbm>> -> memref<327936xi32, #tpu.memory_space<hbm>>
    %dma_start3A_6 = tpu.memref_slice %dma_start3A_5[%add3A_3] : memref<327936xi32, #tpu.memory_space<hbm>> -> memref<128xi32, #tpu.memory_space<hbm>>
    %dma_start3A_7 = arith.constant 0 : i32
    %dma_start3A_8 = tpu.memref_slice %arg3[%arg0, %dma_start3A_7] : memref<2x327936xi32, #tpu.memory_space<hbm>> -> memref<1x327936xi32, #tpu.memory_space<hbm>>
    %dma_start3A_9 = tpu.memref_squeeze %dma_start3A_8 : memref<1x327936xi32, #tpu.memory_space<hbm>> -> memref<327936xi32, #tpu.memory_space<hbm>>
    %dma_start3A_10 = tpu.memref_slice %dma_start3A_9[%add3A_3] : memref<327936xi32, #tpu.memory_space<hbm>> -> memref<128xi32, #tpu.memory_space<hbm>>
    tpu.enqueue_dma source(%dma_start3A_10 : memref<128xi32, #tpu.memory_space<hbm>>) target(%arg6 : memref<128xi32, #tpu.memory_space<vmem>>) target_semaphore(%arg17 : memref<!tpu.dma_semaphore, #tpu.memory_space<semaphore_mem>>)
    %add3A_11 = arith.constant 0 : i32
    %add3A_12 = arith.addi %mul3A_2, %add3A_11 : i32
    %dma_start3A_13 = arith.constant 0 : i32
    %dma_start3A_14 = tpu.memref_slice %arg4[%arg0, %dma_start3A_13] : memref<2x327936xi32, #tpu.memory_space<hbm>> -> memref<1x327936xi32, #tpu.memory_space<hbm>>
    %dma_start3A_15 = tpu.memref_squeeze %dma_start3A_14 : memref<1x327936xi32, #tpu.memory_space<hbm>> -> memref<327936xi32, #tpu.memory_space<hbm>>
    %dma_start3A_16 = tpu.memref_slice %dma_start3A_15[%add3A_12] : memref<327936xi32, #tpu.memory_space<hbm>> -> memref<128xi32, #tpu.memory_space<hbm>>
    %dma_start3A_17 = arith.constant 0 : i32
    %dma_start3A_18 = tpu.memref_slice %arg4[%arg0, %dma_start3A_17] : memref<2x327936xi32, #tpu.memory_space<hbm>> -> memref<1x327936xi32, #tpu.memory_space<hbm>>
    %dma_start3A_19 = tpu.memref_squeeze %dma_start3A_18 : memref<1x327936xi32, #tpu.memory_space<hbm>> -> memref<327936xi32, #tpu.memory_space<hbm>>
    %dma_start3A_20 = tpu.memref_slice %dma_start3A_19[%add3A_12] : memref<327936xi32, #tpu.memory_space<hbm>> -> memref<128xi32, #tpu.memory_space<hbm>>
    tpu.enqueue_dma source(%dma_start3A_20 : memref<128xi32, #tpu.memory_space<hbm>>) target(%arg10 : memref<128xi32, #tpu.memory_space<vmem>>) target_semaphore(%arg21 : memref<!tpu.dma_semaphore, #tpu.memory_space<semaphore_mem>>)
    %add3A_21 = arith.constant 128 : i32
    %add3A_22 = arith.addi %mul3A_2, %add3A_21 : i32
    %dma_start3A_23 = arith.constant 0 : i32
    %dma_start3A_24 = tpu.memref_slice %arg3[%arg0, %dma_start3A_23] : memref<2x327936xi32, #tpu.memory_space<hbm>> -> memref<1x327936xi32, #tpu.memory_space<hbm>>
    %dma_start3A_25 = tpu.memref_squeeze %dma_start3A_24 : memref<1x327936xi32, #tpu.memory_space<hbm>> -> memref<327936xi32, #tpu.memory_space<hbm>>
    %dma_start3A_26 = tpu.memref_slice %dma_start3A_25[%add3A_22] : memref<327936xi32, #tpu.memory_space<hbm>> -> memref<128xi32, #tpu.memory_space<hbm>>
    %dma_start3A_27 = arith.constant 0 : i32
    %dma_start3A_28 = tpu.memref_slice %arg3[%arg0, %dma_start3A_27] : memref<2x327936xi32, #tpu.memory_space<hbm>> -> memref<1x327936xi32, #tpu.memory_space<hbm>>
    %dma_start3A_29 = tpu.memref_squeeze %dma_start3A_28 : memref<1x327936xi32, #tpu.memory_space<hbm>> -> memref<327936xi32, #tpu.memory_space<hbm>>
    %dma_start3A_30 = tpu.memref_slice %dma_start3A_29[%add3A_22] : memref<327936xi32, #tpu.memory_space<hbm>> -> memref<128xi32, #tpu.memory_space<hbm>>
    tpu.enqueue_dma source(%dma_start3A_30 : memref<128xi32, #tpu.memory_space<hbm>>) target(%arg7 : memref<128xi32, #tpu.memory_space<vmem>>) target_semaphore(%arg18 : memref<!tpu.dma_semaphore, #tpu.memory_space<semaphore_mem>>)
    %add3A_31 = arith.constant 128 : i32
    %add3A_32 = arith.addi %mul3A_2, %add3A_31 : i32
    %dma_start3A_33 = arith.constant 0 : i32
    %dma_start3A_34 = tpu.memref_slice %arg4[%arg0, %dma_start3A_33] : memref<2x327936xi32, #tpu.memory_space<hbm>> -> memref<1x327936xi32, #tpu.memory_space<hbm>>
    %dma_start3A_35 = tpu.memref_squeeze %dma_start3A_34 : memref<1x327936xi32, #tpu.memory_space<hbm>> -> memref<327936xi32, #tpu.memory_space<hbm>>
    %dma_start3A_36 = tpu.memref_slice %dma_start3A_35[%add3A_32] : memref<327936xi32, #tpu.memory_space<hbm>> -> memref<128xi32, #tpu.memory_space<hbm>>
    %dma_start3A_37 = arith.constant 0 : i32
    %dma_start3A_38 = tpu.memref_slice %arg4[%arg0, %dma_start3A_37] : memref<2x327936xi32, #tpu.memory_space<hbm>> -> memref<1x327936xi32, #tpu.memory_space<hbm>>
    %dma_start3A_39 = tpu.memref_squeeze %dma_start3A_38 : memref<1x327936xi32, #tpu.memory_space<hbm>> -> memref<327936xi32, #tpu.memory_space<hbm>>
    %dma_start3A_40 = tpu.memref_slice %dma_start3A_39[%add3A_32] : memref<327936xi32, #tpu.memory_space<hbm>> -> memref<128xi32, #tpu.memory_space<hbm>>
    tpu.enqueue_dma source(%dma_start3A_40 : memref<128xi32, #tpu.memory_space<hbm>>) target(%arg11 : memref<128xi32, #tpu.memory_space<vmem>>) target_semaphore(%arg22 : memref<!tpu.dma_semaphore, #tpu.memory_space<semaphore_mem>>)
    %add3A_41 = arith.constant 256 : i32
    %add3A_42 = arith.addi %mul3A_2, %add3A_41 : i32
    %dma_start3A_43 = arith.constant 0 : i32
    %dma_start3A_44 = tpu.memref_slice %arg3[%arg0, %dma_start3A_43] : memref<2x327936xi32, #tpu.memory_space<hbm>> -> memref<1x327936xi32, #tpu.memory_space<hbm>>
    %dma_start3A_45 = tpu.memref_squeeze %dma_start3A_44 : memref<1x327936xi32, #tpu.memory_space<hbm>> -> memref<327936xi32, #tpu.memory_space<hbm>>
    %dma_start3A_46 = tpu.memref_slice %dma_start3A_45[%add3A_42] : memref<327936xi32, #tpu.memory_space<hbm>> -> memref<128xi32, #tpu.memory_space<hbm>>
    %dma_start3A_47 = arith.constant 0 : i32
    %dma_start3A_48 = tpu.memref_slice %arg3[%arg0, %dma_start3A_47] : memref<2x327936xi32, #tpu.memory_space<hbm>> -> memref<1x327936xi32, #tpu.memory_space<hbm>>
    %dma_start3A_49 = tpu.memref_squeeze %dma_start3A_48 : memref<1x327936xi32, #tpu.memory_space<hbm>> -> memref<327936xi32, #tpu.memory_space<hbm>>
    %dma_start3A_50 = tpu.memref_slice %dma_start3A_49[%add3A_42] : memref<327936xi32, #tpu.memory_space<hbm>> -> memref<128xi32, #tpu.memory_space<hbm>>
    tpu.enqueue_dma source(%dma_start3A_50 : memref<128xi32, #tpu.memory_space<hbm>>) target(%arg8 : memref<128xi32, #tpu.memory_space<vmem>>) target_semaphore(%arg19 : memref<!tpu.dma_semaphore, #tpu.memory_space<semaphore_mem>>)
    %add3A_51 = arith.constant 256 : i32
    %add3A_52 = arith.addi %mul3A_2, %add3A_51 : i32
    %dma_start3A_53 = arith.constant 0 : i32
    %dma_start3A_54 = tpu.memref_slice %arg4[%arg0, %dma_start3A_53] : memref<2x327936xi32, #tpu.memory_space<hbm>> -> memref<1x327936xi32, #tpu.memory_space<hbm>>
    %dma_start3A_55 = tpu.memref_squeeze %dma_start3A_54 : memref<1x327936xi32, #tpu.memory_space<hbm>> -> memref<327936xi32, #tpu.memory_space<hbm>>
    %dma_start3A_56 = tpu.memref_slice %dma_start3A_55[%add3A_52] : memref<327936xi32, #tpu.memory_space<hbm>> -> memref<128xi32, #tpu.memory_space<hbm>>
    %dma_start3A_57 = arith.constant 0 : i32
    %dma_start3A_58 = tpu.memref_slice %arg4[%arg0, %dma_start3A_57] : memref<2x327936xi32, #tpu.memory_space<hbm>> -> memref<1x327936xi32, #tpu.memory_space<hbm>>
    %dma_start3A_59 = tpu.memref_squeeze %dma_start3A_58 : memref<1x327936xi32, #tpu.memory_space<hbm>> -> memref<327936xi32, #tpu.memory_space<hbm>>
    %dma_start3A_60 = tpu.memref_slice %dma_start3A_59[%add3A_52] : memref<327936xi32, #tpu.memory_space<hbm>> -> memref<128xi32, #tpu.memory_space<hbm>>
    tpu.enqueue_dma source(%dma_start3A_60 : memref<128xi32, #tpu.memory_space<hbm>>) target(%arg12 : memref<128xi32, #tpu.memory_space<vmem>>) target_semaphore(%arg23 : memref<!tpu.dma_semaphore, #tpu.memory_space<semaphore_mem>>)
    %add3A_61 = arith.constant 0 : i32
    %add3A_62 = arith.addi %mul3A_2, %add3A_61 : i32
    %dma_wait3A = arith.constant 0 : i32
    %dma_wait3A_63 = tpu.memref_slice %arg3[%arg0, %dma_wait3A] : memref<2x327936xi32, #tpu.memory_space<hbm>> -> memref<1x327936xi32, #tpu.memory_space<hbm>>
    %dma_wait3A_64 = tpu.memref_squeeze %dma_wait3A_63 : memref<1x327936xi32, #tpu.memory_space<hbm>> -> memref<327936xi32, #tpu.memory_space<hbm>>
    %dma_wait3A_65 = tpu.memref_slice %dma_wait3A_64[%add3A_62] : memref<327936xi32, #tpu.memory_space<hbm>> -> memref<128xi32, #tpu.memory_space<hbm>>
    %dma_wait3A_66 = arith.constant 0 : i32
    %dma_wait3A_67 = tpu.memref_slice %arg3[%arg0, %dma_wait3A_66] : memref<2x327936xi32, #tpu.memory_space<hbm>> -> memref<1x327936xi32, #tpu.memory_space<hbm>>
    %dma_wait3A_68 = tpu.memref_squeeze %dma_wait3A_67 : memref<1x327936xi32, #tpu.memory_space<hbm>> -> memref<327936xi32, #tpu.memory_space<hbm>>
    %dma_wait3A_69 = tpu.memref_slice %dma_wait3A_68[%add3A_62] : memref<327936xi32, #tpu.memory_space<hbm>> -> memref<128xi32, #tpu.memory_space<hbm>>
    tpu.wait_dma2 semaphore(%arg17 : memref<!tpu.dma_semaphore, #tpu.memory_space<semaphore_mem>>) src(%dma_wait3A_69 : memref<128xi32, #tpu.memory_space<hbm>>) dst(%arg6 : memref<128xi32, #tpu.memory_space<vmem>>)
    %dma_start3A_70 = arith.constant 0 : i32
    %dma_start3A_71 = arith.constant 0 : i32
    %dma_start3A_72 = tpu.memref_slice %arg2[%arg0, %dma_start3A_70, %dma_start3A_71] : memref<2x10112x128xf32, #tpu.memory_space<hbm>> -> memref<1x10112x128xf32, #tpu.memory_space<hbm>>
    %dma_start3A_73 = tpu.memref_squeeze %dma_start3A_72 : memref<1x10112x128xf32, #tpu.memory_space<hbm>> -> memref<10112x128xf32, #tpu.memory_space<hbm>>
    %dma_start3A_74 = arith.constant 0 : i32
    %dma_start3A_75 = arith.constant 0 : i32
    %dma_start3A_76 = tpu.memref_slice %dma_start3A_73[%dma_start3A_74, %dma_start3A_75] : memref<10112x128xf32, #tpu.memory_space<hbm>> -> memref<10112x128xf32, #tpu.memory_space<hbm>>
    tpu.enqueue_indirect_dma source(%dma_start3A_76 : memref<10112x128xf32, #tpu.memory_space<hbm>>) target(%arg14 : memref<128x128xf32, #tpu.memory_space<vmem>>) offsets(%arg6 : memref<128xi32, #tpu.memory_space<vmem>>) semaphore(%arg25 : memref<!tpu.dma_semaphore, #tpu.memory_space<semaphore_mem>>)
    %dma_wait3A_77 = arith.constant 0 : i32
    %dma_wait3A_78 = arith.constant 0 : i32
    %dma_wait3A_79 = tpu.memref_slice %arg2[%arg0, %dma_wait3A_77, %dma_wait3A_78] : memref<2x10112x128xf32, #tpu.memory_space<hbm>> -> memref<1x10112x128xf32, #tpu.memory_space<hbm>>
    %dma_wait3A_80 = tpu.memref_squeeze %dma_wait3A_79 : memref<1x10112x128xf32, #tpu.memory_space<hbm>> -> memref<10112x128xf32, #tpu.memory_space<hbm>>
    %dma_wait3A_81 = arith.constant 0 : i32
    %dma_wait3A_82 = arith.constant 0 : i32
    %dma_wait3A_83 = tpu.memref_slice %dma_wait3A_80[%dma_wait3A_81, %dma_wait3A_82] : memref<10112x128xf32, #tpu.memory_space<hbm>> -> memref<10112x128xf32, #tpu.memory_space<hbm>>
    tpu.wait_indirect_dma semaphore(%arg25 : memref<!tpu.dma_semaphore, #tpu.memory_space<semaphore_mem>>) src(%dma_wait3A_83 : memref<10112x128xf32, #tpu.memory_space<hbm>>) dst(%arg14 : memref<128x128xf32, #tpu.memory_space<vmem>>)
    %add3A_84 = arith.constant 384 : i32
    %add3A_85 = arith.addi %mul3A_2, %add3A_84 : i32
    %dma_start3A_86 = arith.constant 0 : i32
    %dma_start3A_87 = tpu.memref_slice %arg3[%arg0, %dma_start3A_86] : memref<2x327936xi32, #tpu.memory_space<hbm>> -> memref<1x327936xi32, #tpu.memory_space<hbm>>
    %dma_start3A_88 = tpu.memref_squeeze %dma_start3A_87 : memref<1x327936xi32, #tpu.memory_space<hbm>> -> memref<327936xi32, #tpu.memory_space<hbm>>
    %dma_start3A_89 = tpu.memref_slice %dma_start3A_88[%add3A_85] : memref<327936xi32, #tpu.memory_space<hbm>> -> memref<128xi32, #tpu.memory_space<hbm>>
    %dma_start3A_90 = arith.constant 0 : i32
    %dma_start3A_91 = tpu.memref_slice %arg3[%arg0, %dma_start3A_90] : memref<2x327936xi32, #tpu.memory_space<hbm>> -> memref<1x327936xi32, #tpu.memory_space<hbm>>
    %dma_start3A_92 = tpu.memref_squeeze %dma_start3A_91 : memref<1x327936xi32, #tpu.memory_space<hbm>> -> memref<327936xi32, #tpu.memory_space<hbm>>
    %dma_start3A_93 = tpu.memref_slice %dma_start3A_92[%add3A_85] : memref<327936xi32, #tpu.memory_space<hbm>> -> memref<128xi32, #tpu.memory_space<hbm>>
    tpu.enqueue_dma source(%dma_start3A_93 : memref<128xi32, #tpu.memory_space<hbm>>) target(%arg9 : memref<128xi32, #tpu.memory_space<vmem>>) target_semaphore(%arg20 : memref<!tpu.dma_semaphore, #tpu.memory_space<semaphore_mem>>)
    %add3A_94 = arith.constant 384 : i32
    %add3A_95 = arith.addi %mul3A_2, %add3A_94 : i32
    %dma_start3A_96 = arith.constant 0 : i32
    %dma_start3A_97 = tpu.memref_slice %arg4[%arg0, %dma_start3A_96] : memref<2x327936xi32, #tpu.memory_space<hbm>> -> memref<1x327936xi32, #tpu.memory_space<hbm>>
    %dma_start3A_98 = tpu.memref_squeeze %dma_start3A_97 : memref<1x327936xi32, #tpu.memory_space<hbm>> -> memref<327936xi32, #tpu.memory_space<hbm>>
    %dma_start3A_99 = tpu.memref_slice %dma_start3A_98[%add3A_95] : memref<327936xi32, #tpu.memory_space<hbm>> -> memref<128xi32, #tpu.memory_space<hbm>>
    %dma_start3A_100 = arith.constant 0 : i32
    %dma_start3A_101 = tpu.memref_slice %arg4[%arg0, %dma_start3A_100] : memref<2x327936xi32, #tpu.memory_space<hbm>> -> memref<1x327936xi32, #tpu.memory_space<hbm>>
    %dma_start3A_102 = tpu.memref_squeeze %dma_start3A_101 : memref<1x327936xi32, #tpu.memory_space<hbm>> -> memref<327936xi32, #tpu.memory_space<hbm>>
    %dma_start3A_103 = tpu.memref_slice %dma_start3A_102[%add3A_95] : memref<327936xi32, #tpu.memory_space<hbm>> -> memref<128xi32, #tpu.memory_space<hbm>>
    tpu.enqueue_dma source(%dma_start3A_103 : memref<128xi32, #tpu.memory_space<hbm>>) target(%arg13 : memref<128xi32, #tpu.memory_space<vmem>>) target_semaphore(%arg24 : memref<!tpu.dma_semaphore, #tpu.memory_space<semaphore_mem>>)
    %add3A_104 = arith.constant 128 : i32
    %add3A_105 = arith.addi %mul3A_2, %add3A_104 : i32
    %dma_wait3A_106 = arith.constant 0 : i32
    %dma_wait3A_107 = tpu.memref_slice %arg3[%arg0, %dma_wait3A_106] : memref<2x327936xi32, #tpu.memory_space<hbm>> -> memref<1x327936xi32, #tpu.memory_space<hbm>>
    %dma_wait3A_108 = tpu.memref_squeeze %dma_wait3A_107 : memref<1x327936xi32, #tpu.memory_space<hbm>> -> memref<327936xi32, #tpu.memory_space<hbm>>
    %dma_wait3A_109 = tpu.memref_slice %dma_wait3A_108[%add3A_105] : memref<327936xi32, #tpu.memory_space<hbm>> -> memref<128xi32, #tpu.memory_space<hbm>>
    %dma_wait3A_110 = arith.constant 0 : i32
    %dma_wait3A_111 = tpu.memref_slice %arg3[%arg0, %dma_wait3A_110] : memref<2x327936xi32, #tpu.memory_space<hbm>> -> memref<1x327936xi32, #tpu.memory_space<hbm>>
    %dma_wait3A_112 = tpu.memref_squeeze %dma_wait3A_111 : memref<1x327936xi32, #tpu.memory_space<hbm>> -> memref<327936xi32, #tpu.memory_space<hbm>>
    %dma_wait3A_113 = tpu.memref_slice %dma_wait3A_112[%add3A_105] : memref<327936xi32, #tpu.memory_space<hbm>> -> memref<128xi32, #tpu.memory_space<hbm>>
    tpu.wait_dma2 semaphore(%arg18 : memref<!tpu.dma_semaphore, #tpu.memory_space<semaphore_mem>>) src(%dma_wait3A_113 : memref<128xi32, #tpu.memory_space<hbm>>) dst(%arg7 : memref<128xi32, #tpu.memory_space<vmem>>)
    %add3A_114 = arith.constant 128 : i32
    %add3A_115 = arith.addi %mul3A_2, %add3A_114 : i32
    %dma_wait3A_116 = arith.constant 0 : i32
    %dma_wait3A_117 = tpu.memref_slice %arg4[%arg0, %dma_wait3A_116] : memref<2x327936xi32, #tpu.memory_space<hbm>> -> memref<1x327936xi32, #tpu.memory_space<hbm>>
    %dma_wait3A_118 = tpu.memref_squeeze %dma_wait3A_117 : memref<1x327936xi32, #tpu.memory_space<hbm>> -> memref<327936xi32, #tpu.memory_space<hbm>>
    %dma_wait3A_119 = tpu.memref_slice %dma_wait3A_118[%add3A_115] : memref<327936xi32, #tpu.memory_space<hbm>> -> memref<128xi32, #tpu.memory_space<hbm>>
    %dma_wait3A_120 = arith.constant 0 : i32
    %dma_wait3A_121 = tpu.memref_slice %arg4[%arg0, %dma_wait3A_120] : memref<2x327936xi32, #tpu.memory_space<hbm>> -> memref<1x327936xi32, #tpu.memory_space<hbm>>
    %dma_wait3A_122 = tpu.memref_squeeze %dma_wait3A_121 : memref<1x327936xi32, #tpu.memory_space<hbm>> -> memref<327936xi32, #tpu.memory_space<hbm>>
    %dma_wait3A_123 = tpu.memref_slice %dma_wait3A_122[%add3A_115] : memref<327936xi32, #tpu.memory_space<hbm>> -> memref<128xi32, #tpu.memory_space<hbm>>
    tpu.wait_dma2 semaphore(%arg22 : memref<!tpu.dma_semaphore, #tpu.memory_space<semaphore_mem>>) src(%dma_wait3A_123 : memref<128xi32, #tpu.memory_space<hbm>>) dst(%arg11 : memref<128xi32, #tpu.memory_space<vmem>>)
    %dma_start3A_124 = arith.constant 0 : i32
    %dma_start3A_125 = arith.constant 0 : i32
    %dma_start3A_126 = tpu.memref_slice %arg2[%arg0, %dma_start3A_124, %dma_start3A_125] : memref<2x10112x128xf32, #tpu.memory_space<hbm>> -> memref<1x10112x128xf32, #tpu.memory_space<hbm>>
    %dma_start3A_127 = tpu.memref_squeeze %dma_start3A_126 : memref<1x10112x128xf32, #tpu.memory_space<hbm>> -> memref<10112x128xf32, #tpu.memory_space<hbm>>
    %dma_start3A_128 = arith.constant 0 : i32
    %dma_start3A_129 = arith.constant 0 : i32
    %dma_start3A_130 = tpu.memref_slice %dma_start3A_127[%dma_start3A_128, %dma_start3A_129] : memref<10112x128xf32, #tpu.memory_space<hbm>> -> memref<10112x128xf32, #tpu.memory_space<hbm>>
    tpu.enqueue_indirect_dma source(%dma_start3A_130 : memref<10112x128xf32, #tpu.memory_space<hbm>>) target(%arg15 : memref<128x128xf32, #tpu.memory_space<vmem>>) offsets(%arg7 : memref<128xi32, #tpu.memory_space<vmem>>) semaphore(%arg26 : memref<!tpu.dma_semaphore, #tpu.memory_space<semaphore_mem>>)
    %add3A_131 = arith.constant 0 : i32
    %add3A_132 = arith.addi %mul3A_2, %add3A_131 : i32
    %dma_wait3A_133 = arith.constant 0 : i32
    %dma_wait3A_134 = tpu.memref_slice %arg4[%arg0, %dma_wait3A_133] : memref<2x327936xi32, #tpu.memory_space<hbm>> -> memref<1x327936xi32, #tpu.memory_space<hbm>>
    %dma_wait3A_135 = tpu.memref_squeeze %dma_wait3A_134 : memref<1x327936xi32, #tpu.memory_space<hbm>> -> memref<327936xi32, #tpu.memory_space<hbm>>
    %dma_wait3A_136 = tpu.memref_slice %dma_wait3A_135[%add3A_132] : memref<327936xi32, #tpu.memory_space<hbm>> -> memref<128xi32, #tpu.memory_space<hbm>>
    %dma_wait3A_137 = arith.constant 0 : i32
    %dma_wait3A_138 = tpu.memref_slice %arg4[%arg0, %dma_wait3A_137] : memref<2x327936xi32, #tpu.memory_space<hbm>> -> memref<1x327936xi32, #tpu.memory_space<hbm>>
    %dma_wait3A_139 = tpu.memref_squeeze %dma_wait3A_138 : memref<1x327936xi32, #tpu.memory_space<hbm>> -> memref<327936xi32, #tpu.memory_space<hbm>>
    %dma_wait3A_140 = tpu.memref_slice %dma_wait3A_139[%add3A_132] : memref<327936xi32, #tpu.memory_space<hbm>> -> memref<128xi32, #tpu.memory_space<hbm>>
    tpu.wait_dma2 semaphore(%arg21 : memref<!tpu.dma_semaphore, #tpu.memory_space<semaphore_mem>>) src(%dma_wait3A_140 : memref<128xi32, #tpu.memory_space<hbm>>) dst(%arg10 : memref<128xi32, #tpu.memory_space<vmem>>)
    %dma_start3A_141 = arith.constant 0 : i32
    %dma_start3A_142 = arith.constant 0 : i32
    %dma_start3A_143 = tpu.memref_slice %arg16[%dma_start3A_141, %dma_start3A_142] : memref<10112x128xf32, #tpu.memory_space<vmem_shared>> -> memref<10112x128xf32, #tpu.memory_space<vmem_shared>>
    tpu.enqueue_indirect_dma source(%arg14 : memref<128x128xf32, #tpu.memory_space<vmem>>) target(%dma_start3A_143 : memref<10112x128xf32, #tpu.memory_space<vmem_shared>>) offsets(%arg10 : memref<128xi32, #tpu.memory_space<vmem>>) semaphore(%arg27 : memref<!tpu.dma_semaphore, #tpu.memory_space<semaphore_mem>>) {add = true}
    %scan3A = arith.constant 0 : i32
    %scan3A_144 = arith.constant 39 : i32
    %scan3A_145 = arith.addi %scan3A, %scan3A_144 : i32
    %scan3A_146 = arith.constant 1 : i32
    scf.for %scan3A_245 = %scan3A to %scan3A_145 step %scan3A_146  : i32 {
      %mul3A_246 = arith.constant 4 : i32
      %mul3A_247 = arith.muli %scan3A_245, %mul3A_246 : i32
      %add3A_248 = arith.constant 1 : i32
      %add3A_249 = arith.addi %add3A_248, %mul3A_247 : i32
      %add3A_250 = arith.constant 0 : i32
      %add3A_251 = arith.addi %add3A_249, %add3A_250 : i32
      %dma_wait3A_252 = arith.constant 0 : i32
      %dma_wait3A_253 = arith.constant 0 : i32
      %dma_wait3A_254 = tpu.memref_slice %arg2[%arg0, %dma_wait3A_252, %dma_wait3A_253] : memref<2x10112x128xf32, #tpu.memory_space<hbm>> -> memref<1x10112x128xf32, #tpu.memory_space<hbm>>
      %dma_wait3A_255 = tpu.memref_squeeze %dma_wait3A_254 : memref<1x10112x128xf32, #tpu.memory_space<hbm>> -> memref<10112x128xf32, #tpu.memory_space<hbm>>
      %dma_wait3A_256 = arith.constant 0 : i32
      %dma_wait3A_257 = arith.constant 0 : i32
      %dma_wait3A_258 = tpu.memref_slice %dma_wait3A_255[%dma_wait3A_256, %dma_wait3A_257] : memref<10112x128xf32, #tpu.memory_space<hbm>> -> memref<10112x128xf32, #tpu.memory_space<hbm>>
      tpu.wait_indirect_dma semaphore(%arg26 : memref<!tpu.dma_semaphore, #tpu.memory_space<semaphore_mem>>) src(%dma_wait3A_258 : memref<10112x128xf32, #tpu.memory_space<hbm>>) dst(%arg15 : memref<128x128xf32, #tpu.memory_space<vmem>>)
      %dma_wait3A_259 = arith.constant 0 : i32
      %dma_wait3A_260 = arith.constant 0 : i32
      %dma_wait3A_261 = tpu.memref_slice %arg16[%dma_wait3A_259, %dma_wait3A_260] : memref<10112x128xf32, #tpu.memory_space<vmem_shared>> -> memref<10112x128xf32, #tpu.memory_space<vmem_shared>>
      tpu.wait_indirect_dma semaphore(%arg27 : memref<!tpu.dma_semaphore, #tpu.memory_space<semaphore_mem>>) src(%arg14 : memref<128x128xf32, #tpu.memory_space<vmem>>) dst(%dma_wait3A_261 : memref<10112x128xf32, #tpu.memory_space<vmem_shared>>)
      %add3A_262 = arith.constant 3 : i32
      %add3A_263 = arith.addi %add3A_251, %add3A_262 : i32
      %mul3A_264 = arith.constant 128 : i32
      %mul3A_265 = arith.muli %add3A_263, %mul3A_264 : i32
      %add3A_266 = arith.addi %mul3A_2, %mul3A_265 : i32
      %dma_start3A_267 = arith.constant 0 : i32
      %dma_start3A_268 = tpu.memref_slice %arg3[%arg0, %dma_start3A_267] : memref<2x327936xi32, #tpu.memory_space<hbm>> -> memref<1x327936xi32, #tpu.memory_space<hbm>>
      %dma_start3A_269 = tpu.memref_squeeze %dma_start3A_268 : memref<1x327936xi32, #tpu.memory_space<hbm>> -> memref<327936xi32, #tpu.memory_space<hbm>>
      %dma_start3A_270 = tpu.memref_slice %dma_start3A_269[%add3A_266] : memref<327936xi32, #tpu.memory_space<hbm>> -> memref<128xi32, #tpu.memory_space<hbm>>
      %dma_start3A_271 = arith.constant 0 : i32
      %dma_start3A_272 = tpu.memref_slice %arg3[%arg0, %dma_start3A_271] : memref<2x327936xi32, #tpu.memory_space<hbm>> -> memref<1x327936xi32, #tpu.memory_space<hbm>>
      %dma_start3A_273 = tpu.memref_squeeze %dma_start3A_272 : memref<1x327936xi32, #tpu.memory_space<hbm>> -> memref<327936xi32, #tpu.memory_space<hbm>>
      %dma_start3A_274 = tpu.memref_slice %dma_start3A_273[%add3A_266] : memref<327936xi32, #tpu.memory_space<hbm>> -> memref<128xi32, #tpu.memory_space<hbm>>
      tpu.enqueue_dma source(%dma_start3A_274 : memref<128xi32, #tpu.memory_space<hbm>>) target(%arg6 : memref<128xi32, #tpu.memory_space<vmem>>) target_semaphore(%arg17 : memref<!tpu.dma_semaphore, #tpu.memory_space<semaphore_mem>>)
      %add3A_275 = arith.constant 3 : i32
      %add3A_276 = arith.addi %add3A_251, %add3A_275 : i32
      %mul3A_277 = arith.constant 128 : i32
      %mul3A_278 = arith.muli %add3A_276, %mul3A_277 : i32
      %add3A_279 = arith.addi %mul3A_2, %mul3A_278 : i32
      %dma_start3A_280 = arith.constant 0 : i32
      %dma_start3A_281 = tpu.memref_slice %arg4[%arg0, %dma_start3A_280] : memref<2x327936xi32, #tpu.memory_space<hbm>> -> memref<1x327936xi32, #tpu.memory_space<hbm>>
      %dma_start3A_282 = tpu.memref_squeeze %dma_start3A_281 : memref<1x327936xi32, #tpu.memory_space<hbm>> -> memref<327936xi32, #tpu.memory_space<hbm>>
      %dma_start3A_283 = tpu.memref_slice %dma_start3A_282[%add3A_279] : memref<327936xi32, #tpu.memory_space<hbm>> -> memref<128xi32, #tpu.memory_space<hbm>>
      %dma_start3A_284 = arith.constant 0 : i32
      %dma_start3A_285 = tpu.memref_slice %arg4[%arg0, %dma_start3A_284] : memref<2x327936xi32, #tpu.memory_space<hbm>> -> memref<1x327936xi32, #tpu.memory_space<hbm>>
      %dma_start3A_286 = tpu.memref_squeeze %dma_start3A_285 : memref<1x327936xi32, #tpu.memory_space<hbm>> -> memref<327936xi32, #tpu.memory_space<hbm>>
      %dma_start3A_287 = tpu.memref_slice %dma_start3A_286[%add3A_279] : memref<327936xi32, #tpu.memory_space<hbm>> -> memref<128xi32, #tpu.memory_space<hbm>>
      tpu.enqueue_dma source(%dma_start3A_287 : memref<128xi32, #tpu.memory_space<hbm>>) target(%arg10 : memref<128xi32, #tpu.memory_space<vmem>>) target_semaphore(%arg21 : memref<!tpu.dma_semaphore, #tpu.memory_space<semaphore_mem>>)
      %add3A_288 = arith.constant 1 : i32
      %add3A_289 = arith.addi %add3A_251, %add3A_288 : i32
      %mul3A_290 = arith.constant 128 : i32
      %mul3A_291 = arith.muli %add3A_289, %mul3A_290 : i32
      %add3A_292 = arith.addi %mul3A_2, %mul3A_291 : i32
      %dma_wait3A_293 = arith.constant 0 : i32
      %dma_wait3A_294 = tpu.memref_slice %arg3[%arg0, %dma_wait3A_293] : memref<2x327936xi32, #tpu.memory_space<hbm>> -> memref<1x327936xi32, #tpu.memory_space<hbm>>
      %dma_wait3A_295 = tpu.memref_squeeze %dma_wait3A_294 : memref<1x327936xi32, #tpu.memory_space<hbm>> -> memref<327936xi32, #tpu.memory_space<hbm>>
      %dma_wait3A_296 = tpu.memref_slice %dma_wait3A_295[%add3A_292] : memref<327936xi32, #tpu.memory_space<hbm>> -> memref<128xi32, #tpu.memory_space<hbm>>
      %dma_wait3A_297 = arith.constant 0 : i32
      %dma_wait3A_298 = tpu.memref_slice %arg3[%arg0, %dma_wait3A_297] : memref<2x327936xi32, #tpu.memory_space<hbm>> -> memref<1x327936xi32, #tpu.memory_space<hbm>>
      %dma_wait3A_299 = tpu.memref_squeeze %dma_wait3A_298 : memref<1x327936xi32, #tpu.memory_space<hbm>> -> memref<327936xi32, #tpu.memory_space<hbm>>
      %dma_wait3A_300 = tpu.memref_slice %dma_wait3A_299[%add3A_292] : memref<327936xi32, #tpu.memory_space<hbm>> -> memref<128xi32, #tpu.memory_space<hbm>>
      tpu.wait_dma2 semaphore(%arg19 : memref<!tpu.dma_semaphore, #tpu.memory_space<semaphore_mem>>) src(%dma_wait3A_300 : memref<128xi32, #tpu.memory_space<hbm>>) dst(%arg8 : memref<128xi32, #tpu.memory_space<vmem>>)
      %add3A_301 = arith.constant 1 : i32
      %add3A_302 = arith.addi %add3A_251, %add3A_301 : i32
      %mul3A_303 = arith.constant 128 : i32
      %mul3A_304 = arith.muli %add3A_302, %mul3A_303 : i32
      %add3A_305 = arith.addi %mul3A_2, %mul3A_304 : i32
      %dma_wait3A_306 = arith.constant 0 : i32
      %dma_wait3A_307 = tpu.memref_slice %arg4[%arg0, %dma_wait3A_306] : memref<2x327936xi32, #tpu.memory_space<hbm>> -> memref<1x327936xi32, #tpu.memory_space<hbm>>
      %dma_wait3A_308 = tpu.memref_squeeze %dma_wait3A_307 : memref<1x327936xi32, #tpu.memory_space<hbm>> -> memref<327936xi32, #tpu.memory_space<hbm>>
      %dma_wait3A_309 = tpu.memref_slice %dma_wait3A_308[%add3A_305] : memref<327936xi32, #tpu.memory_space<hbm>> -> memref<128xi32, #tpu.memory_space<hbm>>
      %dma_wait3A_310 = arith.constant 0 : i32
      %dma_wait3A_311 = tpu.memref_slice %arg4[%arg0, %dma_wait3A_310] : memref<2x327936xi32, #tpu.memory_space<hbm>> -> memref<1x327936xi32, #tpu.memory_space<hbm>>
      %dma_wait3A_312 = tpu.memref_squeeze %dma_wait3A_311 : memref<1x327936xi32, #tpu.memory_space<hbm>> -> memref<327936xi32, #tpu.memory_space<hbm>>
      %dma_wait3A_313 = tpu.memref_slice %dma_wait3A_312[%add3A_305] : memref<327936xi32, #tpu.memory_space<hbm>> -> memref<128xi32, #tpu.memory_space<hbm>>
      tpu.wait_dma2 semaphore(%arg23 : memref<!tpu.dma_semaphore, #tpu.memory_space<semaphore_mem>>) src(%dma_wait3A_313 : memref<128xi32, #tpu.memory_space<hbm>>) dst(%arg12 : memref<128xi32, #tpu.memory_space<vmem>>)
      %dma_start3A_314 = arith.constant 0 : i32
      %dma_start3A_315 = arith.constant 0 : i32
      %dma_start3A_316 = tpu.memref_slice %arg2[%arg0, %dma_start3A_314, %dma_start3A_315] : memref<2x10112x128xf32, #tpu.memory_space<hbm>> -> memref<1x10112x128xf32, #tpu.memory_space<hbm>>
      %dma_start3A_317 = tpu.memref_squeeze %dma_start3A_316 : memref<1x10112x128xf32, #tpu.memory_space<hbm>> -> memref<10112x128xf32, #tpu.memory_space<hbm>>
      %dma_start3A_318 = arith.constant 0 : i32
      %dma_start3A_319 = arith.constant 0 : i32
      %dma_start3A_320 = tpu.memref_slice %dma_start3A_317[%dma_start3A_318, %dma_start3A_319] : memref<10112x128xf32, #tpu.memory_space<hbm>> -> memref<10112x128xf32, #tpu.memory_space<hbm>>
      tpu.enqueue_indirect_dma source(%dma_start3A_320 : memref<10112x128xf32, #tpu.memory_space<hbm>>) target(%arg14 : memref<128x128xf32, #tpu.memory_space<vmem>>) offsets(%arg8 : memref<128xi32, #tpu.memory_space<vmem>>) semaphore(%arg25 : memref<!tpu.dma_semaphore, #tpu.memory_space<semaphore_mem>>)
      %dma_start3A_321 = arith.constant 0 : i32
      %dma_start3A_322 = arith.constant 0 : i32
      %dma_start3A_323 = tpu.memref_slice %arg16[%dma_start3A_321, %dma_start3A_322] : memref<10112x128xf32, #tpu.memory_space<vmem_shared>> -> memref<10112x128xf32, #tpu.memory_space<vmem_shared>>
      tpu.enqueue_indirect_dma source(%arg15 : memref<128x128xf32, #tpu.memory_space<vmem>>) target(%dma_start3A_323 : memref<10112x128xf32, #tpu.memory_space<vmem_shared>>) offsets(%arg11 : memref<128xi32, #tpu.memory_space<vmem>>) semaphore(%arg28 : memref<!tpu.dma_semaphore, #tpu.memory_space<semaphore_mem>>) {add = true}
      %add3A_324 = arith.constant 1 : i32
      %add3A_325 = arith.addi %add3A_249, %add3A_324 : i32
      %dma_wait3A_326 = arith.constant 0 : i32
      %dma_wait3A_327 = arith.constant 0 : i32
      %dma_wait3A_328 = tpu.memref_slice %arg2[%arg0, %dma_wait3A_326, %dma_wait3A_327] : memref<2x10112x128xf32, #tpu.memory_space<hbm>> -> memref<1x10112x128xf32, #tpu.memory_space<hbm>>
      %dma_wait3A_329 = tpu.memref_squeeze %dma_wait3A_328 : memref<1x10112x128xf32, #tpu.memory_space<hbm>> -> memref<10112x128xf32, #tpu.memory_space<hbm>>
      %dma_wait3A_330 = arith.constant 0 : i32
      %dma_wait3A_331 = arith.constant 0 : i32
      %dma_wait3A_332 = tpu.memref_slice %dma_wait3A_329[%dma_wait3A_330, %dma_wait3A_331] : memref<10112x128xf32, #tpu.memory_space<hbm>> -> memref<10112x128xf32, #tpu.memory_space<hbm>>
      tpu.wait_indirect_dma semaphore(%arg25 : memref<!tpu.dma_semaphore, #tpu.memory_space<semaphore_mem>>) src(%dma_wait3A_332 : memref<10112x128xf32, #tpu.memory_space<hbm>>) dst(%arg14 : memref<128x128xf32, #tpu.memory_space<vmem>>)
      %dma_wait3A_333 = arith.constant 0 : i32
      %dma_wait3A_334 = arith.constant 0 : i32
      %dma_wait3A_335 = tpu.memref_slice %arg16[%dma_wait3A_333, %dma_wait3A_334] : memref<10112x128xf32, #tpu.memory_space<vmem_shared>> -> memref<10112x128xf32, #tpu.memory_space<vmem_shared>>
      tpu.wait_indirect_dma semaphore(%arg28 : memref<!tpu.dma_semaphore, #tpu.memory_space<semaphore_mem>>) src(%arg15 : memref<128x128xf32, #tpu.memory_space<vmem>>) dst(%dma_wait3A_335 : memref<10112x128xf32, #tpu.memory_space<vmem_shared>>)
      %add3A_336 = arith.constant 3 : i32
      %add3A_337 = arith.addi %add3A_325, %add3A_336 : i32
      %mul3A_338 = arith.constant 128 : i32
      %mul3A_339 = arith.muli %add3A_337, %mul3A_338 : i32
      %add3A_340 = arith.addi %mul3A_2, %mul3A_339 : i32
      %dma_start3A_341 = arith.constant 0 : i32
      %dma_start3A_342 = tpu.memref_slice %arg3[%arg0, %dma_start3A_341] : memref<2x327936xi32, #tpu.memory_space<hbm>> -> memref<1x327936xi32, #tpu.memory_space<hbm>>
      %dma_start3A_343 = tpu.memref_squeeze %dma_start3A_342 : memref<1x327936xi32, #tpu.memory_space<hbm>> -> memref<327936xi32, #tpu.memory_space<hbm>>
      %dma_start3A_344 = tpu.memref_slice %dma_start3A_343[%add3A_340] : memref<327936xi32, #tpu.memory_space<hbm>> -> memref<128xi32, #tpu.memory_space<hbm>>
      %dma_start3A_345 = arith.constant 0 : i32
      %dma_start3A_346 = tpu.memref_slice %arg3[%arg0, %dma_start3A_345] : memref<2x327936xi32, #tpu.memory_space<hbm>> -> memref<1x327936xi32, #tpu.memory_space<hbm>>
      %dma_start3A_347 = tpu.memref_squeeze %dma_start3A_346 : memref<1x327936xi32, #tpu.memory_space<hbm>> -> memref<327936xi32, #tpu.memory_space<hbm>>
      %dma_start3A_348 = tpu.memref_slice %dma_start3A_347[%add3A_340] : memref<327936xi32, #tpu.memory_space<hbm>> -> memref<128xi32, #tpu.memory_space<hbm>>
      tpu.enqueue_dma source(%dma_start3A_348 : memref<128xi32, #tpu.memory_space<hbm>>) target(%arg7 : memref<128xi32, #tpu.memory_space<vmem>>) target_semaphore(%arg18 : memref<!tpu.dma_semaphore, #tpu.memory_space<semaphore_mem>>)
      %add3A_349 = arith.constant 3 : i32
      %add3A_350 = arith.addi %add3A_325, %add3A_349 : i32
      %mul3A_351 = arith.constant 128 : i32
      %mul3A_352 = arith.muli %add3A_350, %mul3A_351 : i32
      %add3A_353 = arith.addi %mul3A_2, %mul3A_352 : i32
      %dma_start3A_354 = arith.constant 0 : i32
      %dma_start3A_355 = tpu.memref_slice %arg4[%arg0, %dma_start3A_354] : memref<2x327936xi32, #tpu.memory_space<hbm>> -> memref<1x327936xi32, #tpu.memory_space<hbm>>
      %dma_start3A_356 = tpu.memref_squeeze %dma_start3A_355 : memref<1x327936xi32, #tpu.memory_space<hbm>> -> memref<327936xi32, #tpu.memory_space<hbm>>
      %dma_start3A_357 = tpu.memref_slice %dma_start3A_356[%add3A_353] : memref<327936xi32, #tpu.memory_space<hbm>> -> memref<128xi32, #tpu.memory_space<hbm>>
      %dma_start3A_358 = arith.constant 0 : i32
      %dma_start3A_359 = tpu.memref_slice %arg4[%arg0, %dma_start3A_358] : memref<2x327936xi32, #tpu.memory_space<hbm>> -> memref<1x327936xi32, #tpu.memory_space<hbm>>
      %dma_start3A_360 = tpu.memref_squeeze %dma_start3A_359 : memref<1x327936xi32, #tpu.memory_space<hbm>> -> memref<327936xi32, #tpu.memory_space<hbm>>
      %dma_start3A_361 = tpu.memref_slice %dma_start3A_360[%add3A_353] : memref<327936xi32, #tpu.memory_space<hbm>> -> memref<128xi32, #tpu.memory_space<hbm>>
      tpu.enqueue_dma source(%dma_start3A_361 : memref<128xi32, #tpu.memory_space<hbm>>) target(%arg11 : memref<128xi32, #tpu.memory_space<vmem>>) target_semaphore(%arg22 : memref<!tpu.dma_semaphore, #tpu.memory_space<semaphore_mem>>)
      %add3A_362 = arith.constant 1 : i32
      %add3A_363 = arith.addi %add3A_325, %add3A_362 : i32
      %mul3A_364 = arith.constant 128 : i32
      %mul3A_365 = arith.muli %add3A_363, %mul3A_364 : i32
      %add3A_366 = arith.addi %mul3A_2, %mul3A_365 : i32
      %dma_wait3A_367 = arith.constant 0 : i32
      %dma_wait3A_368 = tpu.memref_slice %arg3[%arg0, %dma_wait3A_367] : memref<2x327936xi32, #tpu.memory_space<hbm>> -> memref<1x327936xi32, #tpu.memory_space<hbm>>
      %dma_wait3A_369 = tpu.memref_squeeze %dma_wait3A_368 : memref<1x327936xi32, #tpu.memory_space<hbm>> -> memref<327936xi32, #tpu.memory_space<hbm>>
      %dma_wait3A_370 = tpu.memref_slice %dma_wait3A_369[%add3A_366] : memref<327936xi32, #tpu.memory_space<hbm>> -> memref<128xi32, #tpu.memory_space<hbm>>
      %dma_wait3A_371 = arith.constant 0 : i32
      %dma_wait3A_372 = tpu.memref_slice %arg3[%arg0, %dma_wait3A_371] : memref<2x327936xi32, #tpu.memory_space<hbm>> -> memref<1x327936xi32, #tpu.memory_space<hbm>>
      %dma_wait3A_373 = tpu.memref_squeeze %dma_wait3A_372 : memref<1x327936xi32, #tpu.memory_space<hbm>> -> memref<327936xi32, #tpu.memory_space<hbm>>
      %dma_wait3A_374 = tpu.memref_slice %dma_wait3A_373[%add3A_366] : memref<327936xi32, #tpu.memory_space<hbm>> -> memref<128xi32, #tpu.memory_space<hbm>>
      tpu.wait_dma2 semaphore(%arg20 : memref<!tpu.dma_semaphore, #tpu.memory_space<semaphore_mem>>) src(%dma_wait3A_374 : memref<128xi32, #tpu.memory_space<hbm>>) dst(%arg9 : memref<128xi32, #tpu.memory_space<vmem>>)
      %add3A_375 = arith.constant 1 : i32
      %add3A_376 = arith.addi %add3A_325, %add3A_375 : i32
      %mul3A_377 = arith.constant 128 : i32
      %mul3A_378 = arith.muli %add3A_376, %mul3A_377 : i32
      %add3A_379 = arith.addi %mul3A_2, %mul3A_378 : i32
      %dma_wait3A_380 = arith.constant 0 : i32
      %dma_wait3A_381 = tpu.memref_slice %arg4[%arg0, %dma_wait3A_380] : memref<2x327936xi32, #tpu.memory_space<hbm>> -> memref<1x327936xi32, #tpu.memory_space<hbm>>
      %dma_wait3A_382 = tpu.memref_squeeze %dma_wait3A_381 : memref<1x327936xi32, #tpu.memory_space<hbm>> -> memref<327936xi32, #tpu.memory_space<hbm>>
      %dma_wait3A_383 = tpu.memref_slice %dma_wait3A_382[%add3A_379] : memref<327936xi32, #tpu.memory_space<hbm>> -> memref<128xi32, #tpu.memory_space<hbm>>
      %dma_wait3A_384 = arith.constant 0 : i32
      %dma_wait3A_385 = tpu.memref_slice %arg4[%arg0, %dma_wait3A_384] : memref<2x327936xi32, #tpu.memory_space<hbm>> -> memref<1x327936xi32, #tpu.memory_space<hbm>>
      %dma_wait3A_386 = tpu.memref_squeeze %dma_wait3A_385 : memref<1x327936xi32, #tpu.memory_space<hbm>> -> memref<327936xi32, #tpu.memory_space<hbm>>
      %dma_wait3A_387 = tpu.memref_slice %dma_wait3A_386[%add3A_379] : memref<327936xi32, #tpu.memory_space<hbm>> -> memref<128xi32, #tpu.memory_space<hbm>>
      tpu.wait_dma2 semaphore(%arg24 : memref<!tpu.dma_semaphore, #tpu.memory_space<semaphore_mem>>) src(%dma_wait3A_387 : memref<128xi32, #tpu.memory_space<hbm>>) dst(%arg13 : memref<128xi32, #tpu.memory_space<vmem>>)
      %dma_start3A_388 = arith.constant 0 : i32
      %dma_start3A_389 = arith.constant 0 : i32
      %dma_start3A_390 = tpu.memref_slice %arg2[%arg0, %dma_start3A_388, %dma_start3A_389] : memref<2x10112x128xf32, #tpu.memory_space<hbm>> -> memref<1x10112x128xf32, #tpu.memory_space<hbm>>
      %dma_start3A_391 = tpu.memref_squeeze %dma_start3A_390 : memref<1x10112x128xf32, #tpu.memory_space<hbm>> -> memref<10112x128xf32, #tpu.memory_space<hbm>>
      %dma_start3A_392 = arith.constant 0 : i32
      %dma_start3A_393 = arith.constant 0 : i32
      %dma_start3A_394 = tpu.memref_slice %dma_start3A_391[%dma_start3A_392, %dma_start3A_393] : memref<10112x128xf32, #tpu.memory_space<hbm>> -> memref<10112x128xf32, #tpu.memory_space<hbm>>
      tpu.enqueue_indirect_dma source(%dma_start3A_394 : memref<10112x128xf32, #tpu.memory_space<hbm>>) target(%arg15 : memref<128x128xf32, #tpu.memory_space<vmem>>) offsets(%arg9 : memref<128xi32, #tpu.memory_space<vmem>>) semaphore(%arg26 : memref<!tpu.dma_semaphore, #tpu.memory_space<semaphore_mem>>)
      %dma_start3A_395 = arith.constant 0 : i32
      %dma_start3A_396 = arith.constant 0 : i32
      %dma_start3A_397 = tpu.memref_slice %arg16[%dma_start3A_395, %dma_start3A_396] : memref<10112x128xf32, #tpu.memory_space<vmem_shared>> -> memref<10112x128xf32, #tpu.memory_space<vmem_shared>>
      tpu.enqueue_indirect_dma source(%arg14 : memref<128x128xf32, #tpu.memory_space<vmem>>) target(%dma_start3A_397 : memref<10112x128xf32, #tpu.memory_space<vmem_shared>>) offsets(%arg12 : memref<128xi32, #tpu.memory_space<vmem>>) semaphore(%arg27 : memref<!tpu.dma_semaphore, #tpu.memory_space<semaphore_mem>>) {add = true}
      %add3A_398 = arith.constant 2 : i32
      %add3A_399 = arith.addi %add3A_249, %add3A_398 : i32
      %dma_wait3A_400 = arith.constant 0 : i32
      %dma_wait3A_401 = arith.constant 0 : i32
      %dma_wait3A_402 = tpu.memref_slice %arg2[%arg0, %dma_wait3A_400, %dma_wait3A_401] : memref<2x10112x128xf32, #tpu.memory_space<hbm>> -> memref<1x10112x128xf32, #tpu.memory_space<hbm>>
      %dma_wait3A_403 = tpu.memref_squeeze %dma_wait3A_402 : memref<1x10112x128xf32, #tpu.memory_space<hbm>> -> memref<10112x128xf32, #tpu.memory_space<hbm>>
      %dma_wait3A_404 = arith.constant 0 : i32
      %dma_wait3A_405 = arith.constant 0 : i32
      %dma_wait3A_406 = tpu.memref_slice %dma_wait3A_403[%dma_wait3A_404, %dma_wait3A_405] : memref<10112x128xf32, #tpu.memory_space<hbm>> -> memref<10112x128xf32, #tpu.memory_space<hbm>>
      tpu.wait_indirect_dma semaphore(%arg26 : memref<!tpu.dma_semaphore, #tpu.memory_space<semaphore_mem>>) src(%dma_wait3A_406 : memref<10112x128xf32, #tpu.memory_space<hbm>>) dst(%arg15 : memref<128x128xf32, #tpu.memory_space<vmem>>)
      %dma_wait3A_407 = arith.constant 0 : i32
      %dma_wait3A_408 = arith.constant 0 : i32
      %dma_wait3A_409 = tpu.memref_slice %arg16[%dma_wait3A_407, %dma_wait3A_408] : memref<10112x128xf32, #tpu.memory_space<vmem_shared>> -> memref<10112x128xf32, #tpu.memory_space<vmem_shared>>
      tpu.wait_indirect_dma semaphore(%arg27 : memref<!tpu.dma_semaphore, #tpu.memory_space<semaphore_mem>>) src(%arg14 : memref<128x128xf32, #tpu.memory_space<vmem>>) dst(%dma_wait3A_409 : memref<10112x128xf32, #tpu.memory_space<vmem_shared>>)
      %add3A_410 = arith.constant 3 : i32
      %add3A_411 = arith.addi %add3A_399, %add3A_410 : i32
      %mul3A_412 = arith.constant 128 : i32
      %mul3A_413 = arith.muli %add3A_411, %mul3A_412 : i32
      %add3A_414 = arith.addi %mul3A_2, %mul3A_413 : i32
      %dma_start3A_415 = arith.constant 0 : i32
      %dma_start3A_416 = tpu.memref_slice %arg3[%arg0, %dma_start3A_415] : memref<2x327936xi32, #tpu.memory_space<hbm>> -> memref<1x327936xi32, #tpu.memory_space<hbm>>
      %dma_start3A_417 = tpu.memref_squeeze %dma_start3A_416 : memref<1x327936xi32, #tpu.memory_space<hbm>> -> memref<327936xi32, #tpu.memory_space<hbm>>
      %dma_start3A_418 = tpu.memref_slice %dma_start3A_417[%add3A_414] : memref<327936xi32, #tpu.memory_space<hbm>> -> memref<128xi32, #tpu.memory_space<hbm>>
      %dma_start3A_419 = arith.constant 0 : i32
      %dma_start3A_420 = tpu.memref_slice %arg3[%arg0, %dma_start3A_419] : memref<2x327936xi32, #tpu.memory_space<hbm>> -> memref<1x327936xi32, #tpu.memory_space<hbm>>
      %dma_start3A_421 = tpu.memref_squeeze %dma_start3A_420 : memref<1x327936xi32, #tpu.memory_space<hbm>> -> memref<327936xi32, #tpu.memory_space<hbm>>
      %dma_start3A_422 = tpu.memref_slice %dma_start3A_421[%add3A_414] : memref<327936xi32, #tpu.memory_space<hbm>> -> memref<128xi32, #tpu.memory_space<hbm>>
      tpu.enqueue_dma source(%dma_start3A_422 : memref<128xi32, #tpu.memory_space<hbm>>) target(%arg8 : memref<128xi32, #tpu.memory_space<vmem>>) target_semaphore(%arg19 : memref<!tpu.dma_semaphore, #tpu.memory_space<semaphore_mem>>)
      %add3A_423 = arith.constant 3 : i32
      %add3A_424 = arith.addi %add3A_399, %add3A_423 : i32
      %mul3A_425 = arith.constant 128 : i32
      %mul3A_426 = arith.muli %add3A_424, %mul3A_425 : i32
      %add3A_427 = arith.addi %mul3A_2, %mul3A_426 : i32
      %dma_start3A_428 = arith.constant 0 : i32
      %dma_start3A_429 = tpu.memref_slice %arg4[%arg0, %dma_start3A_428] : memref<2x327936xi32, #tpu.memory_space<hbm>> -> memref<1x327936xi32, #tpu.memory_space<hbm>>
      %dma_start3A_430 = tpu.memref_squeeze %dma_start3A_429 : memref<1x327936xi32, #tpu.memory_space<hbm>> -> memref<327936xi32, #tpu.memory_space<hbm>>
      %dma_start3A_431 = tpu.memref_slice %dma_start3A_430[%add3A_427] : memref<327936xi32, #tpu.memory_space<hbm>> -> memref<128xi32, #tpu.memory_space<hbm>>
      %dma_start3A_432 = arith.constant 0 : i32
      %dma_start3A_433 = tpu.memref_slice %arg4[%arg0, %dma_start3A_432] : memref<2x327936xi32, #tpu.memory_space<hbm>> -> memref<1x327936xi32, #tpu.memory_space<hbm>>
      %dma_start3A_434 = tpu.memref_squeeze %dma_start3A_433 : memref<1x327936xi32, #tpu.memory_space<hbm>> -> memref<327936xi32, #tpu.memory_space<hbm>>
      %dma_start3A_435 = tpu.memref_slice %dma_start3A_434[%add3A_427] : memref<327936xi32, #tpu.memory_space<hbm>> -> memref<128xi32, #tpu.memory_space<hbm>>
      tpu.enqueue_dma source(%dma_start3A_435 : memref<128xi32, #tpu.memory_space<hbm>>) target(%arg12 : memref<128xi32, #tpu.memory_space<vmem>>) target_semaphore(%arg23 : memref<!tpu.dma_semaphore, #tpu.memory_space<semaphore_mem>>)
      %add3A_436 = arith.constant 1 : i32
      %add3A_437 = arith.addi %add3A_399, %add3A_436 : i32
      %mul3A_438 = arith.constant 128 : i32
      %mul3A_439 = arith.muli %add3A_437, %mul3A_438 : i32
      %add3A_440 = arith.addi %mul3A_2, %mul3A_439 : i32
      %dma_wait3A_441 = arith.constant 0 : i32
      %dma_wait3A_442 = tpu.memref_slice %arg3[%arg0, %dma_wait3A_441] : memref<2x327936xi32, #tpu.memory_space<hbm>> -> memref<1x327936xi32, #tpu.memory_space<hbm>>
      %dma_wait3A_443 = tpu.memref_squeeze %dma_wait3A_442 : memref<1x327936xi32, #tpu.memory_space<hbm>> -> memref<327936xi32, #tpu.memory_space<hbm>>
      %dma_wait3A_444 = tpu.memref_slice %dma_wait3A_443[%add3A_440] : memref<327936xi32, #tpu.memory_space<hbm>> -> memref<128xi32, #tpu.memory_space<hbm>>
      %dma_wait3A_445 = arith.constant 0 : i32
      %dma_wait3A_446 = tpu.memref_slice %arg3[%arg0, %dma_wait3A_445] : memref<2x327936xi32, #tpu.memory_space<hbm>> -> memref<1x327936xi32, #tpu.memory_space<hbm>>
      %dma_wait3A_447 = tpu.memref_squeeze %dma_wait3A_446 : memref<1x327936xi32, #tpu.memory_space<hbm>> -> memref<327936xi32, #tpu.memory_space<hbm>>
      %dma_wait3A_448 = tpu.memref_slice %dma_wait3A_447[%add3A_440] : memref<327936xi32, #tpu.memory_space<hbm>> -> memref<128xi32, #tpu.memory_space<hbm>>
      tpu.wait_dma2 semaphore(%arg17 : memref<!tpu.dma_semaphore, #tpu.memory_space<semaphore_mem>>) src(%dma_wait3A_448 : memref<128xi32, #tpu.memory_space<hbm>>) dst(%arg6 : memref<128xi32, #tpu.memory_space<vmem>>)
      %add3A_449 = arith.constant 1 : i32
      %add3A_450 = arith.addi %add3A_399, %add3A_449 : i32
      %mul3A_451 = arith.constant 128 : i32
      %mul3A_452 = arith.muli %add3A_450, %mul3A_451 : i32
      %add3A_453 = arith.addi %mul3A_2, %mul3A_452 : i32
      %dma_wait3A_454 = arith.constant 0 : i32
      %dma_wait3A_455 = tpu.memref_slice %arg4[%arg0, %dma_wait3A_454] : memref<2x327936xi32, #tpu.memory_space<hbm>> -> memref<1x327936xi32, #tpu.memory_space<hbm>>
      %dma_wait3A_456 = tpu.memref_squeeze %dma_wait3A_455 : memref<1x327936xi32, #tpu.memory_space<hbm>> -> memref<327936xi32, #tpu.memory_space<hbm>>
      %dma_wait3A_457 = tpu.memref_slice %dma_wait3A_456[%add3A_453] : memref<327936xi32, #tpu.memory_space<hbm>> -> memref<128xi32, #tpu.memory_space<hbm>>
      %dma_wait3A_458 = arith.constant 0 : i32
      %dma_wait3A_459 = tpu.memref_slice %arg4[%arg0, %dma_wait3A_458] : memref<2x327936xi32, #tpu.memory_space<hbm>> -> memref<1x327936xi32, #tpu.memory_space<hbm>>
      %dma_wait3A_460 = tpu.memref_squeeze %dma_wait3A_459 : memref<1x327936xi32, #tpu.memory_space<hbm>> -> memref<327936xi32, #tpu.memory_space<hbm>>
      %dma_wait3A_461 = tpu.memref_slice %dma_wait3A_460[%add3A_453] : memref<327936xi32, #tpu.memory_space<hbm>> -> memref<128xi32, #tpu.memory_space<hbm>>
      tpu.wait_dma2 semaphore(%arg21 : memref<!tpu.dma_semaphore, #tpu.memory_space<semaphore_mem>>) src(%dma_wait3A_461 : memref<128xi32, #tpu.memory_space<hbm>>) dst(%arg10 : memref<128xi32, #tpu.memory_space<vmem>>)
      %dma_start3A_462 = arith.constant 0 : i32
      %dma_start3A_463 = arith.constant 0 : i32
      %dma_start3A_464 = tpu.memref_slice %arg2[%arg0, %dma_start3A_462, %dma_start3A_463] : memref<2x10112x128xf32, #tpu.memory_space<hbm>> -> memref<1x10112x128xf32, #tpu.memory_space<hbm>>
      %dma_start3A_465 = tpu.memref_squeeze %dma_start3A_464 : memref<1x10112x128xf32, #tpu.memory_space<hbm>> -> memref<10112x128xf32, #tpu.memory_space<hbm>>
      %dma_start3A_466 = arith.constant 0 : i32
      %dma_start3A_467 = arith.constant 0 : i32
      %dma_start3A_468 = tpu.memref_slice %dma_start3A_465[%dma_start3A_466, %dma_start3A_467] : memref<10112x128xf32, #tpu.memory_space<hbm>> -> memref<10112x128xf32, #tpu.memory_space<hbm>>
      tpu.enqueue_indirect_dma source(%dma_start3A_468 : memref<10112x128xf32, #tpu.memory_space<hbm>>) target(%arg14 : memref<128x128xf32, #tpu.memory_space<vmem>>) offsets(%arg6 : memref<128xi32, #tpu.memory_space<vmem>>) semaphore(%arg25 : memref<!tpu.dma_semaphore, #tpu.memory_space<semaphore_mem>>)
      %dma_start3A_469 = arith.constant 0 : i32
      %dma_start3A_470 = arith.constant 0 : i32
      %dma_start3A_471 = tpu.memref_slice %arg16[%dma_start3A_469, %dma_start3A_470] : memref<10112x128xf32, #tpu.memory_space<vmem_shared>> -> memref<10112x128xf32, #tpu.memory_space<vmem_shared>>
      tpu.enqueue_indirect_dma source(%arg15 : memref<128x128xf32, #tpu.memory_space<vmem>>) target(%dma_start3A_471 : memref<10112x128xf32, #tpu.memory_space<vmem_shared>>) offsets(%arg13 : memref<128xi32, #tpu.memory_space<vmem>>) semaphore(%arg28 : memref<!tpu.dma_semaphore, #tpu.memory_space<semaphore_mem>>) {add = true}
      %add3A_472 = arith.constant 3 : i32
      %add3A_473 = arith.addi %add3A_249, %add3A_472 : i32
      %dma_wait3A_474 = arith.constant 0 : i32
      %dma_wait3A_475 = arith.constant 0 : i32
      %dma_wait3A_476 = tpu.memref_slice %arg2[%arg0, %dma_wait3A_474, %dma_wait3A_475] : memref<2x10112x128xf32, #tpu.memory_space<hbm>> -> memref<1x10112x128xf32, #tpu.memory_space<hbm>>
      %dma_wait3A_477 = tpu.memref_squeeze %dma_wait3A_476 : memref<1x10112x128xf32, #tpu.memory_space<hbm>> -> memref<10112x128xf32, #tpu.memory_space<hbm>>
      %dma_wait3A_478 = arith.constant 0 : i32
      %dma_wait3A_479 = arith.constant 0 : i32
      %dma_wait3A_480 = tpu.memref_slice %dma_wait3A_477[%dma_wait3A_478, %dma_wait3A_479] : memref<10112x128xf32, #tpu.memory_space<hbm>> -> memref<10112x128xf32, #tpu.memory_space<hbm>>
      tpu.wait_indirect_dma semaphore(%arg25 : memref<!tpu.dma_semaphore, #tpu.memory_space<semaphore_mem>>) src(%dma_wait3A_480 : memref<10112x128xf32, #tpu.memory_space<hbm>>) dst(%arg14 : memref<128x128xf32, #tpu.memory_space<vmem>>)
      %dma_wait3A_481 = arith.constant 0 : i32
      %dma_wait3A_482 = arith.constant 0 : i32
      %dma_wait3A_483 = tpu.memref_slice %arg16[%dma_wait3A_481, %dma_wait3A_482] : memref<10112x128xf32, #tpu.memory_space<vmem_shared>> -> memref<10112x128xf32, #tpu.memory_space<vmem_shared>>
      tpu.wait_indirect_dma semaphore(%arg28 : memref<!tpu.dma_semaphore, #tpu.memory_space<semaphore_mem>>) src(%arg15 : memref<128x128xf32, #tpu.memory_space<vmem>>) dst(%dma_wait3A_483 : memref<10112x128xf32, #tpu.memory_space<vmem_shared>>)
      %add3A_484 = arith.constant 3 : i32
      %add3A_485 = arith.addi %add3A_473, %add3A_484 : i32
      %mul3A_486 = arith.constant 128 : i32
      %mul3A_487 = arith.muli %add3A_485, %mul3A_486 : i32
      %add3A_488 = arith.addi %mul3A_2, %mul3A_487 : i32
      %dma_start3A_489 = arith.constant 0 : i32
      %dma_start3A_490 = tpu.memref_slice %arg3[%arg0, %dma_start3A_489] : memref<2x327936xi32, #tpu.memory_space<hbm>> -> memref<1x327936xi32, #tpu.memory_space<hbm>>
      %dma_start3A_491 = tpu.memref_squeeze %dma_start3A_490 : memref<1x327936xi32, #tpu.memory_space<hbm>> -> memref<327936xi32, #tpu.memory_space<hbm>>
      %dma_start3A_492 = tpu.memref_slice %dma_start3A_491[%add3A_488] : memref<327936xi32, #tpu.memory_space<hbm>> -> memref<128xi32, #tpu.memory_space<hbm>>
      %dma_start3A_493 = arith.constant 0 : i32
      %dma_start3A_494 = tpu.memref_slice %arg3[%arg0, %dma_start3A_493] : memref<2x327936xi32, #tpu.memory_space<hbm>> -> memref<1x327936xi32, #tpu.memory_space<hbm>>
      %dma_start3A_495 = tpu.memref_squeeze %dma_start3A_494 : memref<1x327936xi32, #tpu.memory_space<hbm>> -> memref<327936xi32, #tpu.memory_space<hbm>>
      %dma_start3A_496 = tpu.memref_slice %dma_start3A_495[%add3A_488] : memref<327936xi32, #tpu.memory_space<hbm>> -> memref<128xi32, #tpu.memory_space<hbm>>
      tpu.enqueue_dma source(%dma_start3A_496 : memref<128xi32, #tpu.memory_space<hbm>>) target(%arg9 : memref<128xi32, #tpu.memory_space<vmem>>) target_semaphore(%arg20 : memref<!tpu.dma_semaphore, #tpu.memory_space<semaphore_mem>>)
      %add3A_497 = arith.constant 3 : i32
      %add3A_498 = arith.addi %add3A_473, %add3A_497 : i32
      %mul3A_499 = arith.constant 128 : i32
      %mul3A_500 = arith.muli %add3A_498, %mul3A_499 : i32
      %add3A_501 = arith.addi %mul3A_2, %mul3A_500 : i32
      %dma_start3A_502 = arith.constant 0 : i32
      %dma_start3A_503 = tpu.memref_slice %arg4[%arg0, %dma_start3A_502] : memref<2x327936xi32, #tpu.memory_space<hbm>> -> memref<1x327936xi32, #tpu.memory_space<hbm>>
      %dma_start3A_504 = tpu.memref_squeeze %dma_start3A_503 : memref<1x327936xi32, #tpu.memory_space<hbm>> -> memref<327936xi32, #tpu.memory_space<hbm>>
      %dma_start3A_505 = tpu.memref_slice %dma_start3A_504[%add3A_501] : memref<327936xi32, #tpu.memory_space<hbm>> -> memref<128xi32, #tpu.memory_space<hbm>>
      %dma_start3A_506 = arith.constant 0 : i32
      %dma_start3A_507 = tpu.memref_slice %arg4[%arg0, %dma_start3A_506] : memref<2x327936xi32, #tpu.memory_space<hbm>> -> memref<1x327936xi32, #tpu.memory_space<hbm>>
      %dma_start3A_508 = tpu.memref_squeeze %dma_start3A_507 : memref<1x327936xi32, #tpu.memory_space<hbm>> -> memref<327936xi32, #tpu.memory_space<hbm>>
      %dma_start3A_509 = tpu.memref_slice %dma_start3A_508[%add3A_501] : memref<327936xi32, #tpu.memory_space<hbm>> -> memref<128xi32, #tpu.memory_space<hbm>>
      tpu.enqueue_dma source(%dma_start3A_509 : memref<128xi32, #tpu.memory_space<hbm>>) target(%arg13 : memref<128xi32, #tpu.memory_space<vmem>>) target_semaphore(%arg24 : memref<!tpu.dma_semaphore, #tpu.memory_space<semaphore_mem>>)
      %add3A_510 = arith.constant 1 : i32
      %add3A_511 = arith.addi %add3A_473, %add3A_510 : i32
      %mul3A_512 = arith.constant 128 : i32
      %mul3A_513 = arith.muli %add3A_511, %mul3A_512 : i32
      %add3A_514 = arith.addi %mul3A_2, %mul3A_513 : i32
      %dma_wait3A_515 = arith.constant 0 : i32
      %dma_wait3A_516 = tpu.memref_slice %arg3[%arg0, %dma_wait3A_515] : memref<2x327936xi32, #tpu.memory_space<hbm>> -> memref<1x327936xi32, #tpu.memory_space<hbm>>
      %dma_wait3A_517 = tpu.memref_squeeze %dma_wait3A_516 : memref<1x327936xi32, #tpu.memory_space<hbm>> -> memref<327936xi32, #tpu.memory_space<hbm>>
      %dma_wait3A_518 = tpu.memref_slice %dma_wait3A_517[%add3A_514] : memref<327936xi32, #tpu.memory_space<hbm>> -> memref<128xi32, #tpu.memory_space<hbm>>
      %dma_wait3A_519 = arith.constant 0 : i32
      %dma_wait3A_520 = tpu.memref_slice %arg3[%arg0, %dma_wait3A_519] : memref<2x327936xi32, #tpu.memory_space<hbm>> -> memref<1x327936xi32, #tpu.memory_space<hbm>>
      %dma_wait3A_521 = tpu.memref_squeeze %dma_wait3A_520 : memref<1x327936xi32, #tpu.memory_space<hbm>> -> memref<327936xi32, #tpu.memory_space<hbm>>
      %dma_wait3A_522 = tpu.memref_slice %dma_wait3A_521[%add3A_514] : memref<327936xi32, #tpu.memory_space<hbm>> -> memref<128xi32, #tpu.memory_space<hbm>>
      tpu.wait_dma2 semaphore(%arg18 : memref<!tpu.dma_semaphore, #tpu.memory_space<semaphore_mem>>) src(%dma_wait3A_522 : memref<128xi32, #tpu.memory_space<hbm>>) dst(%arg7 : memref<128xi32, #tpu.memory_space<vmem>>)
      %add3A_523 = arith.constant 1 : i32
      %add3A_524 = arith.addi %add3A_473, %add3A_523 : i32
      %mul3A_525 = arith.constant 128 : i32
      %mul3A_526 = arith.muli %add3A_524, %mul3A_525 : i32
      %add3A_527 = arith.addi %mul3A_2, %mul3A_526 : i32
      %dma_wait3A_528 = arith.constant 0 : i32
      %dma_wait3A_529 = tpu.memref_slice %arg4[%arg0, %dma_wait3A_528] : memref<2x327936xi32, #tpu.memory_space<hbm>> -> memref<1x327936xi32, #tpu.memory_space<hbm>>
      %dma_wait3A_530 = tpu.memref_squeeze %dma_wait3A_529 : memref<1x327936xi32, #tpu.memory_space<hbm>> -> memref<327936xi32, #tpu.memory_space<hbm>>
      %dma_wait3A_531 = tpu.memref_slice %dma_wait3A_530[%add3A_527] : memref<327936xi32, #tpu.memory_space<hbm>> -> memref<128xi32, #tpu.memory_space<hbm>>
      %dma_wait3A_532 = arith.constant 0 : i32
      %dma_wait3A_533 = tpu.memref_slice %arg4[%arg0, %dma_wait3A_532] : memref<2x327936xi32, #tpu.memory_space<hbm>> -> memref<1x327936xi32, #tpu.memory_space<hbm>>
      %dma_wait3A_534 = tpu.memref_squeeze %dma_wait3A_533 : memref<1x327936xi32, #tpu.memory_space<hbm>> -> memref<327936xi32, #tpu.memory_space<hbm>>
      %dma_wait3A_535 = tpu.memref_slice %dma_wait3A_534[%add3A_527] : memref<327936xi32, #tpu.memory_space<hbm>> -> memref<128xi32, #tpu.memory_space<hbm>>
      tpu.wait_dma2 semaphore(%arg22 : memref<!tpu.dma_semaphore, #tpu.memory_space<semaphore_mem>>) src(%dma_wait3A_535 : memref<128xi32, #tpu.memory_space<hbm>>) dst(%arg11 : memref<128xi32, #tpu.memory_space<vmem>>)
      %dma_start3A_536 = arith.constant 0 : i32
      %dma_start3A_537 = arith.constant 0 : i32
      %dma_start3A_538 = tpu.memref_slice %arg2[%arg0, %dma_start3A_536, %dma_start3A_537] : memref<2x10112x128xf32, #tpu.memory_space<hbm>> -> memref<1x10112x128xf32, #tpu.memory_space<hbm>>
      %dma_start3A_539 = tpu.memref_squeeze %dma_start3A_538 : memref<1x10112x128xf32, #tpu.memory_space<hbm>> -> memref<10112x128xf32, #tpu.memory_space<hbm>>
      %dma_start3A_540 = arith.constant 0 : i32
      %dma_start3A_541 = arith.constant 0 : i32
      %dma_start3A_542 = tpu.memref_slice %dma_start3A_539[%dma_start3A_540, %dma_start3A_541] : memref<10112x128xf32, #tpu.memory_space<hbm>> -> memref<10112x128xf32, #tpu.memory_space<hbm>>
      tpu.enqueue_indirect_dma source(%dma_start3A_542 : memref<10112x128xf32, #tpu.memory_space<hbm>>) target(%arg15 : memref<128x128xf32, #tpu.memory_space<vmem>>) offsets(%arg7 : memref<128xi32, #tpu.memory_space<vmem>>) semaphore(%arg26 : memref<!tpu.dma_semaphore, #tpu.memory_space<semaphore_mem>>)
      %dma_start3A_543 = arith.constant 0 : i32
      %dma_start3A_544 = arith.constant 0 : i32
      %dma_start3A_545 = tpu.memref_slice %arg16[%dma_start3A_543, %dma_start3A_544] : memref<10112x128xf32, #tpu.memory_space<vmem_shared>> -> memref<10112x128xf32, #tpu.memory_space<vmem_shared>>
      tpu.enqueue_indirect_dma source(%arg14 : memref<128x128xf32, #tpu.memory_space<vmem>>) target(%dma_start3A_545 : memref<10112x128xf32, #tpu.memory_space<vmem_shared>>) offsets(%arg10 : memref<128xi32, #tpu.memory_space<vmem>>) semaphore(%arg27 : memref<!tpu.dma_semaphore, #tpu.memory_space<semaphore_mem>>) {add = true}
    }
    %scan3A_147 = arith.constant 39 : i32
    %dma_wait3A_148 = arith.constant 0 : i32
    %dma_wait3A_149 = arith.constant 0 : i32
    %dma_wait3A_150 = tpu.memref_slice %arg2[%arg0, %dma_wait3A_148, %dma_wait3A_149] : memref<2x10112x128xf32, #tpu.memory_space<hbm>> -> memref<1x10112x128xf32, #tpu.memory_space<hbm>>
    %dma_wait3A_151 = tpu.memref_squeeze %dma_wait3A_150 : memref<1x10112x128xf32, #tpu.memory_space<hbm>> -> memref<10112x128xf32, #tpu.memory_space<hbm>>
    %dma_wait3A_152 = arith.constant 0 : i32
    %dma_wait3A_153 = arith.constant 0 : i32
    %dma_wait3A_154 = tpu.memref_slice %dma_wait3A_151[%dma_wait3A_152, %dma_wait3A_153] : memref<10112x128xf32, #tpu.memory_space<hbm>> -> memref<10112x128xf32, #tpu.memory_space<hbm>>
    tpu.wait_indirect_dma semaphore(%arg26 : memref<!tpu.dma_semaphore, #tpu.memory_space<semaphore_mem>>) src(%dma_wait3A_154 : memref<10112x128xf32, #tpu.memory_space<hbm>>) dst(%arg15 : memref<128x128xf32, #tpu.memory_space<vmem>>)
    %dma_wait3A_155 = arith.constant 0 : i32
    %dma_wait3A_156 = arith.constant 0 : i32
    %dma_wait3A_157 = tpu.memref_slice %arg16[%dma_wait3A_155, %dma_wait3A_156] : memref<10112x128xf32, #tpu.memory_space<vmem_shared>> -> memref<10112x128xf32, #tpu.memory_space<vmem_shared>>
    tpu.wait_indirect_dma semaphore(%arg27 : memref<!tpu.dma_semaphore, #tpu.memory_space<semaphore_mem>>) src(%arg14 : memref<128x128xf32, #tpu.memory_space<vmem>>) dst(%dma_wait3A_157 : memref<10112x128xf32, #tpu.memory_space<vmem_shared>>)
    %add3A_158 = arith.constant 20224 : i32
    %add3A_159 = arith.addi %mul3A_2, %add3A_158 : i32
    %dma_wait3A_160 = arith.constant 0 : i32
    %dma_wait3A_161 = tpu.memref_slice %arg3[%arg0, %dma_wait3A_160] : memref<2x327936xi32, #tpu.memory_space<hbm>> -> memref<1x327936xi32, #tpu.memory_space<hbm>>
    %dma_wait3A_162 = tpu.memref_squeeze %dma_wait3A_161 : memref<1x327936xi32, #tpu.memory_space<hbm>> -> memref<327936xi32, #tpu.memory_space<hbm>>
    %dma_wait3A_163 = tpu.memref_slice %dma_wait3A_162[%add3A_159] : memref<327936xi32, #tpu.memory_space<hbm>> -> memref<128xi32, #tpu.memory_space<hbm>>
    %dma_wait3A_164 = arith.constant 0 : i32
    %dma_wait3A_165 = tpu.memref_slice %arg3[%arg0, %dma_wait3A_164] : memref<2x327936xi32, #tpu.memory_space<hbm>> -> memref<1x327936xi32, #tpu.memory_space<hbm>>
    %dma_wait3A_166 = tpu.memref_squeeze %dma_wait3A_165 : memref<1x327936xi32, #tpu.memory_space<hbm>> -> memref<327936xi32, #tpu.memory_space<hbm>>
    %dma_wait3A_167 = tpu.memref_slice %dma_wait3A_166[%add3A_159] : memref<327936xi32, #tpu.memory_space<hbm>> -> memref<128xi32, #tpu.memory_space<hbm>>
    tpu.wait_dma2 semaphore(%arg19 : memref<!tpu.dma_semaphore, #tpu.memory_space<semaphore_mem>>) src(%dma_wait3A_167 : memref<128xi32, #tpu.memory_space<hbm>>) dst(%arg8 : memref<128xi32, #tpu.memory_space<vmem>>)
    %add3A_168 = arith.constant 20224 : i32
    %add3A_169 = arith.addi %mul3A_2, %add3A_168 : i32
    %dma_wait3A_170 = arith.constant 0 : i32
    %dma_wait3A_171 = tpu.memref_slice %arg4[%arg0, %dma_wait3A_170] : memref<2x327936xi32, #tpu.memory_space<hbm>> -> memref<1x327936xi32, #tpu.memory_space<hbm>>
    %dma_wait3A_172 = tpu.memref_squeeze %dma_wait3A_171 : memref<1x327936xi32, #tpu.memory_space<hbm>> -> memref<327936xi32, #tpu.memory_space<hbm>>
    %dma_wait3A_173 = tpu.memref_slice %dma_wait3A_172[%add3A_169] : memref<327936xi32, #tpu.memory_space<hbm>> -> memref<128xi32, #tpu.memory_space<hbm>>
    %dma_wait3A_174 = arith.constant 0 : i32
    %dma_wait3A_175 = tpu.memref_slice %arg4[%arg0, %dma_wait3A_174] : memref<2x327936xi32, #tpu.memory_space<hbm>> -> memref<1x327936xi32, #tpu.memory_space<hbm>>
    %dma_wait3A_176 = tpu.memref_squeeze %dma_wait3A_175 : memref<1x327936xi32, #tpu.memory_space<hbm>> -> memref<327936xi32, #tpu.memory_space<hbm>>
    %dma_wait3A_177 = tpu.memref_slice %dma_wait3A_176[%add3A_169] : memref<327936xi32, #tpu.memory_space<hbm>> -> memref<128xi32, #tpu.memory_space<hbm>>
    tpu.wait_dma2 semaphore(%arg23 : memref<!tpu.dma_semaphore, #tpu.memory_space<semaphore_mem>>) src(%dma_wait3A_177 : memref<128xi32, #tpu.memory_space<hbm>>) dst(%arg12 : memref<128xi32, #tpu.memory_space<vmem>>)
    %dma_start3A_178 = arith.constant 0 : i32
    %dma_start3A_179 = arith.constant 0 : i32
    %dma_start3A_180 = tpu.memref_slice %arg2[%arg0, %dma_start3A_178, %dma_start3A_179] : memref<2x10112x128xf32, #tpu.memory_space<hbm>> -> memref<1x10112x128xf32, #tpu.memory_space<hbm>>
    %dma_start3A_181 = tpu.memref_squeeze %dma_start3A_180 : memref<1x10112x128xf32, #tpu.memory_space<hbm>> -> memref<10112x128xf32, #tpu.memory_space<hbm>>
    %dma_start3A_182 = arith.constant 0 : i32
    %dma_start3A_183 = arith.constant 0 : i32
    %dma_start3A_184 = tpu.memref_slice %dma_start3A_181[%dma_start3A_182, %dma_start3A_183] : memref<10112x128xf32, #tpu.memory_space<hbm>> -> memref<10112x128xf32, #tpu.memory_space<hbm>>
    tpu.enqueue_indirect_dma source(%dma_start3A_184 : memref<10112x128xf32, #tpu.memory_space<hbm>>) target(%arg14 : memref<128x128xf32, #tpu.memory_space<vmem>>) offsets(%arg8 : memref<128xi32, #tpu.memory_space<vmem>>) semaphore(%arg25 : memref<!tpu.dma_semaphore, #tpu.memory_space<semaphore_mem>>)
    %dma_start3A_185 = arith.constant 0 : i32
    %dma_start3A_186 = arith.constant 0 : i32
    %dma_start3A_187 = tpu.memref_slice %arg16[%dma_start3A_185, %dma_start3A_186] : memref<10112x128xf32, #tpu.memory_space<vmem_shared>> -> memref<10112x128xf32, #tpu.memory_space<vmem_shared>>
    tpu.enqueue_indirect_dma source(%arg15 : memref<128x128xf32, #tpu.memory_space<vmem>>) target(%dma_start3A_187 : memref<10112x128xf32, #tpu.memory_space<vmem_shared>>) offsets(%arg11 : memref<128xi32, #tpu.memory_space<vmem>>) semaphore(%arg28 : memref<!tpu.dma_semaphore, #tpu.memory_space<semaphore_mem>>) {add = true}
    %dma_wait3A_188 = arith.constant 0 : i32
    %dma_wait3A_189 = arith.constant 0 : i32
    %dma_wait3A_190 = tpu.memref_slice %arg2[%arg0, %dma_wait3A_188, %dma_wait3A_189] : memref<2x10112x128xf32, #tpu.memory_space<hbm>> -> memref<1x10112x128xf32, #tpu.memory_space<hbm>>
    %dma_wait3A_191 = tpu.memref_squeeze %dma_wait3A_190 : memref<1x10112x128xf32, #tpu.memory_space<hbm>> -> memref<10112x128xf32, #tpu.memory_space<hbm>>
    %dma_wait3A_192 = arith.constant 0 : i32
    %dma_wait3A_193 = arith.constant 0 : i32
    %dma_wait3A_194 = tpu.memref_slice %dma_wait3A_191[%dma_wait3A_192, %dma_wait3A_193] : memref<10112x128xf32, #tpu.memory_space<hbm>> -> memref<10112x128xf32, #tpu.memory_space<hbm>>
    tpu.wait_indirect_dma semaphore(%arg25 : memref<!tpu.dma_semaphore, #tpu.memory_space<semaphore_mem>>) src(%dma_wait3A_194 : memref<10112x128xf32, #tpu.memory_space<hbm>>) dst(%arg14 : memref<128x128xf32, #tpu.memory_space<vmem>>)
    %dma_wait3A_195 = arith.constant 0 : i32
    %dma_wait3A_196 = arith.constant 0 : i32
    %dma_wait3A_197 = tpu.memref_slice %arg16[%dma_wait3A_195, %dma_wait3A_196] : memref<10112x128xf32, #tpu.memory_space<vmem_shared>> -> memref<10112x128xf32, #tpu.memory_space<vmem_shared>>
    tpu.wait_indirect_dma semaphore(%arg28 : memref<!tpu.dma_semaphore, #tpu.memory_space<semaphore_mem>>) src(%arg15 : memref<128x128xf32, #tpu.memory_space<vmem>>) dst(%dma_wait3A_197 : memref<10112x128xf32, #tpu.memory_space<vmem_shared>>)
    %add3A_198 = arith.constant 20352 : i32
    %add3A_199 = arith.addi %mul3A_2, %add3A_198 : i32
    %dma_wait3A_200 = arith.constant 0 : i32
    %dma_wait3A_201 = tpu.memref_slice %arg3[%arg0, %dma_wait3A_200] : memref<2x327936xi32, #tpu.memory_space<hbm>> -> memref<1x327936xi32, #tpu.memory_space<hbm>>
    %dma_wait3A_202 = tpu.memref_squeeze %dma_wait3A_201 : memref<1x327936xi32, #tpu.memory_space<hbm>> -> memref<327936xi32, #tpu.memory_space<hbm>>
    %dma_wait3A_203 = tpu.memref_slice %dma_wait3A_202[%add3A_199] : memref<327936xi32, #tpu.memory_space<hbm>> -> memref<128xi32, #tpu.memory_space<hbm>>
    %dma_wait3A_204 = arith.constant 0 : i32
    %dma_wait3A_205 = tpu.memref_slice %arg3[%arg0, %dma_wait3A_204] : memref<2x327936xi32, #tpu.memory_space<hbm>> -> memref<1x327936xi32, #tpu.memory_space<hbm>>
    %dma_wait3A_206 = tpu.memref_squeeze %dma_wait3A_205 : memref<1x327936xi32, #tpu.memory_space<hbm>> -> memref<327936xi32, #tpu.memory_space<hbm>>
    %dma_wait3A_207 = tpu.memref_slice %dma_wait3A_206[%add3A_199] : memref<327936xi32, #tpu.memory_space<hbm>> -> memref<128xi32, #tpu.memory_space<hbm>>
    tpu.wait_dma2 semaphore(%arg20 : memref<!tpu.dma_semaphore, #tpu.memory_space<semaphore_mem>>) src(%dma_wait3A_207 : memref<128xi32, #tpu.memory_space<hbm>>) dst(%arg9 : memref<128xi32, #tpu.memory_space<vmem>>)
    %add3A_208 = arith.constant 20352 : i32
    %add3A_209 = arith.addi %mul3A_2, %add3A_208 : i32
    %dma_wait3A_210 = arith.constant 0 : i32
    %dma_wait3A_211 = tpu.memref_slice %arg4[%arg0, %dma_wait3A_210] : memref<2x327936xi32, #tpu.memory_space<hbm>> -> memref<1x327936xi32, #tpu.memory_space<hbm>>
    %dma_wait3A_212 = tpu.memref_squeeze %dma_wait3A_211 : memref<1x327936xi32, #tpu.memory_space<hbm>> -> memref<327936xi32, #tpu.memory_space<hbm>>
    %dma_wait3A_213 = tpu.memref_slice %dma_wait3A_212[%add3A_209] : memref<327936xi32, #tpu.memory_space<hbm>> -> memref<128xi32, #tpu.memory_space<hbm>>
    %dma_wait3A_214 = arith.constant 0 : i32
    %dma_wait3A_215 = tpu.memref_slice %arg4[%arg0, %dma_wait3A_214] : memref<2x327936xi32, #tpu.memory_space<hbm>> -> memref<1x327936xi32, #tpu.memory_space<hbm>>
    %dma_wait3A_216 = tpu.memref_squeeze %dma_wait3A_215 : memref<1x327936xi32, #tpu.memory_space<hbm>> -> memref<327936xi32, #tpu.memory_space<hbm>>
    %dma_wait3A_217 = tpu.memref_slice %dma_wait3A_216[%add3A_209] : memref<327936xi32, #tpu.memory_space<hbm>> -> memref<128xi32, #tpu.memory_space<hbm>>
    tpu.wait_dma2 semaphore(%arg24 : memref<!tpu.dma_semaphore, #tpu.memory_space<semaphore_mem>>) src(%dma_wait3A_217 : memref<128xi32, #tpu.memory_space<hbm>>) dst(%arg13 : memref<128xi32, #tpu.memory_space<vmem>>)
    %dma_start3A_218 = arith.constant 0 : i32
    %dma_start3A_219 = arith.constant 0 : i32
    %dma_start3A_220 = tpu.memref_slice %arg2[%arg0, %dma_start3A_218, %dma_start3A_219] : memref<2x10112x128xf32, #tpu.memory_space<hbm>> -> memref<1x10112x128xf32, #tpu.memory_space<hbm>>
    %dma_start3A_221 = tpu.memref_squeeze %dma_start3A_220 : memref<1x10112x128xf32, #tpu.memory_space<hbm>> -> memref<10112x128xf32, #tpu.memory_space<hbm>>
    %dma_start3A_222 = arith.constant 0 : i32
    %dma_start3A_223 = arith.constant 0 : i32
    %dma_start3A_224 = tpu.memref_slice %dma_start3A_221[%dma_start3A_222, %dma_start3A_223] : memref<10112x128xf32, #tpu.memory_space<hbm>> -> memref<10112x128xf32, #tpu.memory_space<hbm>>
    tpu.enqueue_indirect_dma source(%dma_start3A_224 : memref<10112x128xf32, #tpu.memory_space<hbm>>) target(%arg15 : memref<128x128xf32, #tpu.memory_space<vmem>>) offsets(%arg9 : memref<128xi32, #tpu.memory_space<vmem>>) semaphore(%arg26 : memref<!tpu.dma_semaphore, #tpu.memory_space<semaphore_mem>>)
    %dma_start3A_225 = arith.constant 0 : i32
    %dma_start3A_226 = arith.constant 0 : i32
    %dma_start3A_227 = tpu.memref_slice %arg16[%dma_start3A_225, %dma_start3A_226] : memref<10112x128xf32, #tpu.memory_space<vmem_shared>> -> memref<10112x128xf32, #tpu.memory_space<vmem_shared>>
    tpu.enqueue_indirect_dma source(%arg14 : memref<128x128xf32, #tpu.memory_space<vmem>>) target(%dma_start3A_227 : memref<10112x128xf32, #tpu.memory_space<vmem_shared>>) offsets(%arg12 : memref<128xi32, #tpu.memory_space<vmem>>) semaphore(%arg27 : memref<!tpu.dma_semaphore, #tpu.memory_space<semaphore_mem>>) {add = true}
    %dma_wait3A_228 = arith.constant 0 : i32
    %dma_wait3A_229 = arith.constant 0 : i32
    %dma_wait3A_230 = tpu.memref_slice %arg2[%arg0, %dma_wait3A_228, %dma_wait3A_229] : memref<2x10112x128xf32, #tpu.memory_space<hbm>> -> memref<1x10112x128xf32, #tpu.memory_space<hbm>>
    %dma_wait3A_231 = tpu.memref_squeeze %dma_wait3A_230 : memref<1x10112x128xf32, #tpu.memory_space<hbm>> -> memref<10112x128xf32, #tpu.memory_space<hbm>>
    %dma_wait3A_232 = arith.constant 0 : i32
    %dma_wait3A_233 = arith.constant 0 : i32
    %dma_wait3A_234 = tpu.memref_slice %dma_wait3A_231[%dma_wait3A_232, %dma_wait3A_233] : memref<10112x128xf32, #tpu.memory_space<hbm>> -> memref<10112x128xf32, #tpu.memory_space<hbm>>
    tpu.wait_indirect_dma semaphore(%arg26 : memref<!tpu.dma_semaphore, #tpu.memory_space<semaphore_mem>>) src(%dma_wait3A_234 : memref<10112x128xf32, #tpu.memory_space<hbm>>) dst(%arg15 : memref<128x128xf32, #tpu.memory_space<vmem>>)
    %dma_wait3A_235 = arith.constant 0 : i32
    %dma_wait3A_236 = arith.constant 0 : i32
    %dma_wait3A_237 = tpu.memref_slice %arg16[%dma_wait3A_235, %dma_wait3A_236] : memref<10112x128xf32, #tpu.memory_space<vmem_shared>> -> memref<10112x128xf32, #tpu.memory_space<vmem_shared>>
    tpu.wait_indirect_dma semaphore(%arg27 : memref<!tpu.dma_semaphore, #tpu.memory_space<semaphore_mem>>) src(%arg14 : memref<128x128xf32, #tpu.memory_space<vmem>>) dst(%dma_wait3A_237 : memref<10112x128xf32, #tpu.memory_space<vmem_shared>>)
    %dma_start3A_238 = arith.constant 0 : i32
    %dma_start3A_239 = arith.constant 0 : i32
    %dma_start3A_240 = tpu.memref_slice %arg16[%dma_start3A_238, %dma_start3A_239] : memref<10112x128xf32, #tpu.memory_space<vmem_shared>> -> memref<10112x128xf32, #tpu.memory_space<vmem_shared>>
    tpu.enqueue_indirect_dma source(%arg15 : memref<128x128xf32, #tpu.memory_space<vmem>>) target(%dma_start3A_240 : memref<10112x128xf32, #tpu.memory_space<vmem_shared>>) offsets(%arg13 : memref<128xi32, #tpu.memory_space<vmem>>) semaphore(%arg28 : memref<!tpu.dma_semaphore, #tpu.memory_space<semaphore_mem>>) {add = true}
    %dma_wait3A_241 = arith.constant 0 : i32
    %dma_wait3A_242 = arith.constant 0 : i32
    %dma_wait3A_243 = tpu.memref_slice %arg16[%dma_wait3A_241, %dma_wait3A_242] : memref<10112x128xf32, #tpu.memory_space<vmem_shared>> -> memref<10112x128xf32, #tpu.memory_space<vmem_shared>>
    tpu.wait_indirect_dma semaphore(%arg28 : memref<!tpu.dma_semaphore, #tpu.memory_space<semaphore_mem>>) src(%arg15 : memref<128x128xf32, #tpu.memory_space<vmem>>) dst(%dma_wait3A_243 : memref<10112x128xf32, #tpu.memory_space<vmem_shared>>)
    %barrier3A_244 = arith.constant 0 : index
    tpu.barrier barrier_id(%barrier3A_244)
    "tpu.region"() ({
      %run_scoped3A = tpu.sem_alloc : memref<!tpu.dma_semaphore, #tpu.memory_space<semaphore_mem>>
      %dma_start3A_245 = arith.constant 0 : i32
      %dma_start3A_246 = arith.constant 0 : i32
      %dma_start3A_247 = tpu.memref_slice %arg5[%arg0, %dma_start3A_245, %dma_start3A_246] : memref<2x10112x128xf32, #tpu.memory_space<hbm>> -> memref<1x10112x128xf32, #tpu.memory_space<hbm>>
      %dma_start3A_248 = tpu.memref_squeeze %dma_start3A_247 : memref<1x10112x128xf32, #tpu.memory_space<hbm>> -> memref<10112x128xf32, #tpu.memory_space<hbm>>
      %dma_start3A_249 = arith.constant 0 : i32
      %dma_start3A_250 = tpu.memref_slice %dma_start3A_248[%mul3A_0, %dma_start3A_249] : memref<10112x128xf32, #tpu.memory_space<hbm>> -> memref<632x128xf32, #tpu.memory_space<hbm>>
      %dma_start3A_251 = arith.constant 0 : i32
      %dma_start3A_252 = tpu.memref_slice %arg16[%mul3A_0, %dma_start3A_251] : memref<10112x128xf32, #tpu.memory_space<vmem_shared>> -> memref<632x128xf32, #tpu.memory_space<vmem_shared>>
      tpu.enqueue_dma source(%dma_start3A_252 : memref<632x128xf32, #tpu.memory_space<vmem_shared>>) target(%dma_start3A_250 : memref<632x128xf32, #tpu.memory_space<hbm>>) target_semaphore(%run_scoped3A : memref<!tpu.dma_semaphore, #tpu.memory_space<semaphore_mem>>)
      %dma_wait3A_253 = arith.constant 0 : i32
      %dma_wait3A_254 = arith.constant 0 : i32
      %dma_wait3A_255 = tpu.memref_slice %arg5[%arg0, %dma_wait3A_253, %dma_wait3A_254] : memref<2x10112x128xf32, #tpu.memory_space<hbm>> -> memref<1x10112x128xf32, #tpu.memory_space<hbm>>
      %dma_wait3A_256 = tpu.memref_squeeze %dma_wait3A_255 : memref<1x10112x128xf32, #tpu.memory_space<hbm>> -> memref<10112x128xf32, #tpu.memory_space<hbm>>
      %dma_wait3A_257 = arith.constant 0 : i32
      %dma_wait3A_258 = tpu.memref_slice %dma_wait3A_256[%mul3A_0, %dma_wait3A_257] : memref<10112x128xf32, #tpu.memory_space<hbm>> -> memref<632x128xf32, #tpu.memory_space<hbm>>
      %dma_wait3A_259 = arith.constant 0 : i32
      %dma_wait3A_260 = tpu.memref_slice %arg16[%mul3A_0, %dma_wait3A_259] : memref<10112x128xf32, #tpu.memory_space<vmem_shared>> -> memref<632x128xf32, #tpu.memory_space<vmem_shared>>
      tpu.wait_dma2 semaphore(%run_scoped3A : memref<!tpu.dma_semaphore, #tpu.memory_space<semaphore_mem>>) src(%dma_wait3A_260 : memref<632x128xf32, #tpu.memory_space<vmem_shared>>) dst(%dma_wait3A_258 : memref<632x128xf32, #tpu.memory_space<hbm>>)
      tpu.yield
    }) : () -> ()
    return
  }
}

#map = affine_map<(d0, d1) -> (0, 0, 0)>
#map1 = affine_map<(d0, d1) -> (0, 0)>
module attributes {stable_mosaic.version = 14 : i64} {
  func.func @k(%arg0: i32, %arg1: i32, %arg2: memref<2x10112x128xf32, #tpu.memory_space<hbm>>, %arg3: memref<2x327936xi32, #tpu.memory_space<hbm>>, %arg4: memref<2x327936xi32, #tpu.memory_space<hbm>>, %arg5: memref<2x10112x128xf32, #tpu.memory_space<hbm>>, %arg6: memref<128xi32, #tpu.memory_space<vmem>>, %arg7: memref<128xi32, #tpu.memory_space<vmem>>, %arg8: memref<128xi32, #tpu.memory_space<vmem>>, %arg9: memref<128xi32, #tpu.memory_space<vmem>>, %arg10: memref<128xi32, #tpu.memory_space<vmem>>, %arg11: memref<128xi32, #tpu.memory_space<vmem>>, %arg12: memref<128xi32, #tpu.memory_space<vmem>>, %arg13: memref<128xi32, #tpu.memory_space<vmem>>, %arg14: memref<128x128xf32, #tpu.memory_space<vmem>>, %arg15: memref<128x128xf32, #tpu.memory_space<vmem>>, %arg16: memref<10112x128xf32, #tpu.memory_space<vmem_shared>>, %arg17: memref<!tpu.dma_semaphore, #tpu.memory_space<semaphore_mem>>, %arg18: memref<!tpu.dma_semaphore, #tpu.memory_space<semaphore_mem>>, %arg19: memref<!tpu.dma_semaphore, #tpu.memory_space<semaphore_mem>>, %arg20: memref<!tpu.dma_semaphore, #tpu.memory_space<semaphore_mem>>, %arg21: memref<!tpu.dma_semaphore, #tpu.memory_space<semaphore_mem>>, %arg22: memref<!tpu.dma_semaphore, #tpu.memory_space<semaphore_mem>>, %arg23: memref<!tpu.dma_semaphore, #tpu.memory_space<semaphore_mem>>, %arg24: memref<!tpu.dma_semaphore, #tpu.memory_space<semaphore_mem>>, %arg25: memref<!tpu.dma_semaphore, #tpu.memory_space<semaphore_mem>>, %arg26: memref<!tpu.dma_semaphore, #tpu.memory_space<semaphore_mem>>, %arg27: memref<!tpu.dma_semaphore, #tpu.memory_space<semaphore_mem>>, %arg28: memref<!tpu.dma_semaphore, #tpu.memory_space<semaphore_mem>>) attributes {dimension_semantics = [#tpu.dimension_semantics<core_parallel>, #tpu.dimension_semantics<subcore_parallel>], iteration_bounds = array<i64: 2, 16>, scalar_prefetch = 0 : i64, scratch_operands = 23 : i64, tpu.core_type = #tpu.core_type<sc_vector_subcore>, window_params = [{transform_indices = #map}, {transform_indices = #map1}, {transform_indices = #map1}, {transform_indices = #map}]} {
    %mul3A = arith.constant 632 : i32
    %mul3A_0 = arith.muli %arg1, %mul3A : i32
    %mul3A_1 = arith.constant 20480 : i32
    %mul3A_2 = arith.muli %arg1, %mul3A_1 : i32
    "tpu.region"() ({
      %run_scoped3A = tpu.sem_alloc : memref<!tpu.dma_semaphore, #tpu.memory_space<semaphore_mem>>
      %dma_start3A_245 = arith.constant 0 : i32
      %dma_start3A_246 = tpu.memref_slice %arg16[%mul3A_0, %dma_start3A_245] : memref<10112x128xf32, #tpu.memory_space<vmem_shared>> -> memref<632x128xf32, #tpu.memory_space<vmem_shared>>
      %dma_start3A_247 = arith.constant 0 : i32
      %dma_start3A_248 = arith.constant 0 : i32
      %dma_start3A_249 = tpu.memref_slice %arg2[%arg0, %dma_start3A_247, %dma_start3A_248] : memref<2x10112x128xf32, #tpu.memory_space<hbm>> -> memref<1x10112x128xf32, #tpu.memory_space<hbm>>
      %dma_start3A_250 = tpu.memref_squeeze %dma_start3A_249 : memref<1x10112x128xf32, #tpu.memory_space<hbm>> -> memref<10112x128xf32, #tpu.memory_space<hbm>>
      %dma_start3A_251 = arith.constant 0 : i32
      %dma_start3A_252 = tpu.memref_slice %dma_start3A_250[%mul3A_0, %dma_start3A_251] : memref<10112x128xf32, #tpu.memory_space<hbm>> -> memref<632x128xf32, #tpu.memory_space<hbm>>
      tpu.enqueue_dma source(%dma_start3A_252 : memref<632x128xf32, #tpu.memory_space<hbm>>) target(%dma_start3A_246 : memref<632x128xf32, #tpu.memory_space<vmem_shared>>) target_semaphore(%run_scoped3A : memref<!tpu.dma_semaphore, #tpu.memory_space<semaphore_mem>>)
      %dma_wait3A_253 = arith.constant 0 : i32
      %dma_wait3A_254 = tpu.memref_slice %arg16[%mul3A_0, %dma_wait3A_253] : memref<10112x128xf32, #tpu.memory_space<vmem_shared>> -> memref<632x128xf32, #tpu.memory_space<vmem_shared>>
      %dma_wait3A_255 = arith.constant 0 : i32
      %dma_wait3A_256 = arith.constant 0 : i32
      %dma_wait3A_257 = tpu.memref_slice %arg2[%arg0, %dma_wait3A_255, %dma_wait3A_256] : memref<2x10112x128xf32, #tpu.memory_space<hbm>> -> memref<1x10112x128xf32, #tpu.memory_space<hbm>>
      %dma_wait3A_258 = tpu.memref_squeeze %dma_wait3A_257 : memref<1x10112x128xf32, #tpu.memory_space<hbm>> -> memref<10112x128xf32, #tpu.memory_space<hbm>>
      %dma_wait3A_259 = arith.constant 0 : i32
      %dma_wait3A_260 = tpu.memref_slice %dma_wait3A_258[%mul3A_0, %dma_wait3A_259] : memref<10112x128xf32, #tpu.memory_space<hbm>> -> memref<632x128xf32, #tpu.memory_space<hbm>>
      tpu.wait_dma2 semaphore(%run_scoped3A : memref<!tpu.dma_semaphore, #tpu.memory_space<semaphore_mem>>) src(%dma_wait3A_260 : memref<632x128xf32, #tpu.memory_space<hbm>>) dst(%dma_wait3A_254 : memref<632x128xf32, #tpu.memory_space<vmem_shared>>)
      tpu.yield
    }) : () -> ()
    %barrier3A = arith.constant 0 : index
    tpu.barrier barrier_id(%barrier3A)
    %add3A = arith.constant 0 : i32
    %add3A_3 = arith.addi %mul3A_2, %add3A : i32
    %dma_start3A = arith.constant 0 : i32
    %dma_start3A_4 = tpu.memref_slice %arg3[%arg0, %dma_start3A] : memref<2x327936xi32, #tpu.memory_space<hbm>> -> memref<1x327936xi32, #tpu.memory_space<hbm>>
    %dma_start3A_5 = tpu.memref_squeeze %dma_start3A_4 : memref<1x327936xi32, #tpu.memory_space<hbm>> -> memref<327936xi32, #tpu.memory_space<hbm>>
    %dma_start3A_6 = tpu.memref_slice %dma_start3A_5[%add3A_3] : memref<327936xi32, #tpu.memory_space<hbm>> -> memref<128xi32, #tpu.memory_space<hbm>>
    %dma_start3A_7 = arith.constant 0 : i32
    %dma_start3A_8 = tpu.memref_slice %arg3[%arg0, %dma_start3A_7] : memref<2x327936xi32, #tpu.memory_space<hbm>> -> memref<1x327936xi32, #tpu.memory_space<hbm>>
    %dma_start3A_9 = tpu.memref_squeeze %dma_start3A_8 : memref<1x327936xi32, #tpu.memory_space<hbm>> -> memref<327936xi32, #tpu.memory_space<hbm>>
    %dma_start3A_10 = tpu.memref_slice %dma_start3A_9[%add3A_3] : memref<327936xi32, #tpu.memory_space<hbm>> -> memref<128xi32, #tpu.memory_space<hbm>>
    tpu.enqueue_dma source(%dma_start3A_10 : memref<128xi32, #tpu.memory_space<hbm>>) target(%arg6 : memref<128xi32, #tpu.memory_space<vmem>>) target_semaphore(%arg17 : memref<!tpu.dma_semaphore, #tpu.memory_space<semaphore_mem>>)
    %add3A_11 = arith.constant 0 : i32
    %add3A_12 = arith.addi %mul3A_2, %add3A_11 : i32
    %dma_start3A_13 = arith.constant 0 : i32
    %dma_start3A_14 = tpu.memref_slice %arg4[%arg0, %dma_start3A_13] : memref<2x327936xi32, #tpu.memory_space<hbm>> -> memref<1x327936xi32, #tpu.memory_space<hbm>>
    %dma_start3A_15 = tpu.memref_squeeze %dma_start3A_14 : memref<1x327936xi32, #tpu.memory_space<hbm>> -> memref<327936xi32, #tpu.memory_space<hbm>>
    %dma_start3A_16 = tpu.memref_slice %dma_start3A_15[%add3A_12] : memref<327936xi32, #tpu.memory_space<hbm>> -> memref<128xi32, #tpu.memory_space<hbm>>
    %dma_start3A_17 = arith.constant 0 : i32
    %dma_start3A_18 = tpu.memref_slice %arg4[%arg0, %dma_start3A_17] : memref<2x327936xi32, #tpu.memory_space<hbm>> -> memref<1x327936xi32, #tpu.memory_space<hbm>>
    %dma_start3A_19 = tpu.memref_squeeze %dma_start3A_18 : memref<1x327936xi32, #tpu.memory_space<hbm>> -> memref<327936xi32, #tpu.memory_space<hbm>>
    %dma_start3A_20 = tpu.memref_slice %dma_start3A_19[%add3A_12] : memref<327936xi32, #tpu.memory_space<hbm>> -> memref<128xi32, #tpu.memory_space<hbm>>
    tpu.enqueue_dma source(%dma_start3A_20 : memref<128xi32, #tpu.memory_space<hbm>>) target(%arg10 : memref<128xi32, #tpu.memory_space<vmem>>) target_semaphore(%arg21 : memref<!tpu.dma_semaphore, #tpu.memory_space<semaphore_mem>>)
    %add3A_21 = arith.constant 128 : i32
    %add3A_22 = arith.addi %mul3A_2, %add3A_21 : i32
    %dma_start3A_23 = arith.constant 0 : i32
    %dma_start3A_24 = tpu.memref_slice %arg3[%arg0, %dma_start3A_23] : memref<2x327936xi32, #tpu.memory_space<hbm>> -> memref<1x327936xi32, #tpu.memory_space<hbm>>
    %dma_start3A_25 = tpu.memref_squeeze %dma_start3A_24 : memref<1x327936xi32, #tpu.memory_space<hbm>> -> memref<327936xi32, #tpu.memory_space<hbm>>
    %dma_start3A_26 = tpu.memref_slice %dma_start3A_25[%add3A_22] : memref<327936xi32, #tpu.memory_space<hbm>> -> memref<128xi32, #tpu.memory_space<hbm>>
    %dma_start3A_27 = arith.constant 0 : i32
    %dma_start3A_28 = tpu.memref_slice %arg3[%arg0, %dma_start3A_27] : memref<2x327936xi32, #tpu.memory_space<hbm>> -> memref<1x327936xi32, #tpu.memory_space<hbm>>
    %dma_start3A_29 = tpu.memref_squeeze %dma_start3A_28 : memref<1x327936xi32, #tpu.memory_space<hbm>> -> memref<327936xi32, #tpu.memory_space<hbm>>
    %dma_start3A_30 = tpu.memref_slice %dma_start3A_29[%add3A_22] : memref<327936xi32, #tpu.memory_space<hbm>> -> memref<128xi32, #tpu.memory_space<hbm>>
    tpu.enqueue_dma source(%dma_start3A_30 : memref<128xi32, #tpu.memory_space<hbm>>) target(%arg7 : memref<128xi32, #tpu.memory_space<vmem>>) target_semaphore(%arg18 : memref<!tpu.dma_semaphore, #tpu.memory_space<semaphore_mem>>)
    %add3A_31 = arith.constant 128 : i32
    %add3A_32 = arith.addi %mul3A_2, %add3A_31 : i32
    %dma_start3A_33 = arith.constant 0 : i32
    %dma_start3A_34 = tpu.memref_slice %arg4[%arg0, %dma_start3A_33] : memref<2x327936xi32, #tpu.memory_space<hbm>> -> memref<1x327936xi32, #tpu.memory_space<hbm>>
    %dma_start3A_35 = tpu.memref_squeeze %dma_start3A_34 : memref<1x327936xi32, #tpu.memory_space<hbm>> -> memref<327936xi32, #tpu.memory_space<hbm>>
    %dma_start3A_36 = tpu.memref_slice %dma_start3A_35[%add3A_32] : memref<327936xi32, #tpu.memory_space<hbm>> -> memref<128xi32, #tpu.memory_space<hbm>>
    %dma_start3A_37 = arith.constant 0 : i32
    %dma_start3A_38 = tpu.memref_slice %arg4[%arg0, %dma_start3A_37] : memref<2x327936xi32, #tpu.memory_space<hbm>> -> memref<1x327936xi32, #tpu.memory_space<hbm>>
    %dma_start3A_39 = tpu.memref_squeeze %dma_start3A_38 : memref<1x327936xi32, #tpu.memory_space<hbm>> -> memref<327936xi32, #tpu.memory_space<hbm>>
    %dma_start3A_40 = tpu.memref_slice %dma_start3A_39[%add3A_32] : memref<327936xi32, #tpu.memory_space<hbm>> -> memref<128xi32, #tpu.memory_space<hbm>>
    tpu.enqueue_dma source(%dma_start3A_40 : memref<128xi32, #tpu.memory_space<hbm>>) target(%arg11 : memref<128xi32, #tpu.memory_space<vmem>>) target_semaphore(%arg22 : memref<!tpu.dma_semaphore, #tpu.memory_space<semaphore_mem>>)
    %add3A_41 = arith.constant 256 : i32
    %add3A_42 = arith.addi %mul3A_2, %add3A_41 : i32
    %dma_start3A_43 = arith.constant 0 : i32
    %dma_start3A_44 = tpu.memref_slice %arg3[%arg0, %dma_start3A_43] : memref<2x327936xi32, #tpu.memory_space<hbm>> -> memref<1x327936xi32, #tpu.memory_space<hbm>>
    %dma_start3A_45 = tpu.memref_squeeze %dma_start3A_44 : memref<1x327936xi32, #tpu.memory_space<hbm>> -> memref<327936xi32, #tpu.memory_space<hbm>>
    %dma_start3A_46 = tpu.memref_slice %dma_start3A_45[%add3A_42] : memref<327936xi32, #tpu.memory_space<hbm>> -> memref<128xi32, #tpu.memory_space<hbm>>
    %dma_start3A_47 = arith.constant 0 : i32
    %dma_start3A_48 = tpu.memref_slice %arg3[%arg0, %dma_start3A_47] : memref<2x327936xi32, #tpu.memory_space<hbm>> -> memref<1x327936xi32, #tpu.memory_space<hbm>>
    %dma_start3A_49 = tpu.memref_squeeze %dma_start3A_48 : memref<1x327936xi32, #tpu.memory_space<hbm>> -> memref<327936xi32, #tpu.memory_space<hbm>>
    %dma_start3A_50 = tpu.memref_slice %dma_start3A_49[%add3A_42] : memref<327936xi32, #tpu.memory_space<hbm>> -> memref<128xi32, #tpu.memory_space<hbm>>
    tpu.enqueue_dma source(%dma_start3A_50 : memref<128xi32, #tpu.memory_space<hbm>>) target(%arg8 : memref<128xi32, #tpu.memory_space<vmem>>) target_semaphore(%arg19 : memref<!tpu.dma_semaphore, #tpu.memory_space<semaphore_mem>>)
    %add3A_51 = arith.constant 256 : i32
    %add3A_52 = arith.addi %mul3A_2, %add3A_51 : i32
    %dma_start3A_53 = arith.constant 0 : i32
    %dma_start3A_54 = tpu.memref_slice %arg4[%arg0, %dma_start3A_53] : memref<2x327936xi32, #tpu.memory_space<hbm>> -> memref<1x327936xi32, #tpu.memory_space<hbm>>
    %dma_start3A_55 = tpu.memref_squeeze %dma_start3A_54 : memref<1x327936xi32, #tpu.memory_space<hbm>> -> memref<327936xi32, #tpu.memory_space<hbm>>
    %dma_start3A_56 = tpu.memref_slice %dma_start3A_55[%add3A_52] : memref<327936xi32, #tpu.memory_space<hbm>> -> memref<128xi32, #tpu.memory_space<hbm>>
    %dma_start3A_57 = arith.constant 0 : i32
    %dma_start3A_58 = tpu.memref_slice %arg4[%arg0, %dma_start3A_57] : memref<2x327936xi32, #tpu.memory_space<hbm>> -> memref<1x327936xi32, #tpu.memory_space<hbm>>
    %dma_start3A_59 = tpu.memref_squeeze %dma_start3A_58 : memref<1x327936xi32, #tpu.memory_space<hbm>> -> memref<327936xi32, #tpu.memory_space<hbm>>
    %dma_start3A_60 = tpu.memref_slice %dma_start3A_59[%add3A_52] : memref<327936xi32, #tpu.memory_space<hbm>> -> memref<128xi32, #tpu.memory_space<hbm>>
    tpu.enqueue_dma source(%dma_start3A_60 : memref<128xi32, #tpu.memory_space<hbm>>) target(%arg12 : memref<128xi32, #tpu.memory_space<vmem>>) target_semaphore(%arg23 : memref<!tpu.dma_semaphore, #tpu.memory_space<semaphore_mem>>)
    %add3A_61 = arith.constant 0 : i32
    %add3A_62 = arith.addi %mul3A_2, %add3A_61 : i32
    %dma_wait3A = arith.constant 0 : i32
    %dma_wait3A_63 = tpu.memref_slice %arg3[%arg0, %dma_wait3A] : memref<2x327936xi32, #tpu.memory_space<hbm>> -> memref<1x327936xi32, #tpu.memory_space<hbm>>
    %dma_wait3A_64 = tpu.memref_squeeze %dma_wait3A_63 : memref<1x327936xi32, #tpu.memory_space<hbm>> -> memref<327936xi32, #tpu.memory_space<hbm>>
    %dma_wait3A_65 = tpu.memref_slice %dma_wait3A_64[%add3A_62] : memref<327936xi32, #tpu.memory_space<hbm>> -> memref<128xi32, #tpu.memory_space<hbm>>
    %dma_wait3A_66 = arith.constant 0 : i32
    %dma_wait3A_67 = tpu.memref_slice %arg3[%arg0, %dma_wait3A_66] : memref<2x327936xi32, #tpu.memory_space<hbm>> -> memref<1x327936xi32, #tpu.memory_space<hbm>>
    %dma_wait3A_68 = tpu.memref_squeeze %dma_wait3A_67 : memref<1x327936xi32, #tpu.memory_space<hbm>> -> memref<327936xi32, #tpu.memory_space<hbm>>
    %dma_wait3A_69 = tpu.memref_slice %dma_wait3A_68[%add3A_62] : memref<327936xi32, #tpu.memory_space<hbm>> -> memref<128xi32, #tpu.memory_space<hbm>>
    tpu.wait_dma2 semaphore(%arg17 : memref<!tpu.dma_semaphore, #tpu.memory_space<semaphore_mem>>) src(%dma_wait3A_69 : memref<128xi32, #tpu.memory_space<hbm>>) dst(%arg6 : memref<128xi32, #tpu.memory_space<vmem>>)
    %dma_start3A_70 = arith.constant 0 : i32
    %dma_start3A_71 = arith.constant 0 : i32
    %dma_start3A_72 = tpu.memref_slice %arg2[%arg0, %dma_start3A_70, %dma_start3A_71] : memref<2x10112x128xf32, #tpu.memory_space<hbm>> -> memref<1x10112x128xf32, #tpu.memory_space<hbm>>
    %dma_start3A_73 = tpu.memref_squeeze %dma_start3A_72 : memref<1x10112x128xf32, #tpu.memory_space<hbm>> -> memref<10112x128xf32, #tpu.memory_space<hbm>>
    %dma_start3A_74 = arith.constant 0 : i32
    %dma_start3A_75 = arith.constant 0 : i32
    %dma_start3A_76 = tpu.memref_slice %dma_start3A_73[%dma_start3A_74, %dma_start3A_75] : memref<10112x128xf32, #tpu.memory_space<hbm>> -> memref<10112x128xf32, #tpu.memory_space<hbm>>
    tpu.enqueue_indirect_dma source(%dma_start3A_76 : memref<10112x128xf32, #tpu.memory_space<hbm>>) target(%arg14 : memref<128x128xf32, #tpu.memory_space<vmem>>) offsets(%arg6 : memref<128xi32, #tpu.memory_space<vmem>>) semaphore(%arg25 : memref<!tpu.dma_semaphore, #tpu.memory_space<semaphore_mem>>)
    %dma_wait3A_77 = arith.constant 0 : i32
    %dma_wait3A_78 = arith.constant 0 : i32
    %dma_wait3A_79 = tpu.memref_slice %arg2[%arg0, %dma_wait3A_77, %dma_wait3A_78] : memref<2x10112x128xf32, #tpu.memory_space<hbm>> -> memref<1x10112x128xf32, #tpu.memory_space<hbm>>
    %dma_wait3A_80 = tpu.memref_squeeze %dma_wait3A_79 : memref<1x10112x128xf32, #tpu.memory_space<hbm>> -> memref<10112x128xf32, #tpu.memory_space<hbm>>
    %dma_wait3A_81 = arith.constant 0 : i32
    %dma_wait3A_82 = arith.constant 0 : i32
    %dma_wait3A_83 = tpu.memref_slice %dma_wait3A_80[%dma_wait3A_81, %dma_wait3A_82] : memref<10112x128xf32, #tpu.memory_space<hbm>> -> memref<10112x128xf32, #tpu.memory_space<hbm>>
    tpu.wait_indirect_dma semaphore(%arg25 : memref<!tpu.dma_semaphore, #tpu.memory_space<semaphore_mem>>) src(%dma_wait3A_83 : memref<10112x128xf32, #tpu.memory_space<hbm>>) dst(%arg14 : memref<128x128xf32, #tpu.memory_space<vmem>>)
    %add3A_84 = arith.constant 384 : i32
    %add3A_85 = arith.addi %mul3A_2, %add3A_84 : i32
    %dma_start3A_86 = arith.constant 0 : i32
    %dma_start3A_87 = tpu.memref_slice %arg3[%arg0, %dma_start3A_86] : memref<2x327936xi32, #tpu.memory_space<hbm>> -> memref<1x327936xi32, #tpu.memory_space<hbm>>
    %dma_start3A_88 = tpu.memref_squeeze %dma_start3A_87 : memref<1x327936xi32, #tpu.memory_space<hbm>> -> memref<327936xi32, #tpu.memory_space<hbm>>
    %dma_start3A_89 = tpu.memref_slice %dma_start3A_88[%add3A_85] : memref<327936xi32, #tpu.memory_space<hbm>> -> memref<128xi32, #tpu.memory_space<hbm>>
    %dma_start3A_90 = arith.constant 0 : i32
    %dma_start3A_91 = tpu.memref_slice %arg3[%arg0, %dma_start3A_90] : memref<2x327936xi32, #tpu.memory_space<hbm>> -> memref<1x327936xi32, #tpu.memory_space<hbm>>
    %dma_start3A_92 = tpu.memref_squeeze %dma_start3A_91 : memref<1x327936xi32, #tpu.memory_space<hbm>> -> memref<327936xi32, #tpu.memory_space<hbm>>
    %dma_start3A_93 = tpu.memref_slice %dma_start3A_92[%add3A_85] : memref<327936xi32, #tpu.memory_space<hbm>> -> memref<128xi32, #tpu.memory_space<hbm>>
    tpu.enqueue_dma source(%dma_start3A_93 : memref<128xi32, #tpu.memory_space<hbm>>) target(%arg9 : memref<128xi32, #tpu.memory_space<vmem>>) target_semaphore(%arg20 : memref<!tpu.dma_semaphore, #tpu.memory_space<semaphore_mem>>)
    %add3A_94 = arith.constant 384 : i32
    %add3A_95 = arith.addi %mul3A_2, %add3A_94 : i32
    %dma_start3A_96 = arith.constant 0 : i32
    %dma_start3A_97 = tpu.memref_slice %arg4[%arg0, %dma_start3A_96] : memref<2x327936xi32, #tpu.memory_space<hbm>> -> memref<1x327936xi32, #tpu.memory_space<hbm>>
    %dma_start3A_98 = tpu.memref_squeeze %dma_start3A_97 : memref<1x327936xi32, #tpu.memory_space<hbm>> -> memref<327936xi32, #tpu.memory_space<hbm>>
    %dma_start3A_99 = tpu.memref_slice %dma_start3A_98[%add3A_95] : memref<327936xi32, #tpu.memory_space<hbm>> -> memref<128xi32, #tpu.memory_space<hbm>>
    %dma_start3A_100 = arith.constant 0 : i32
    %dma_start3A_101 = tpu.memref_slice %arg4[%arg0, %dma_start3A_100] : memref<2x327936xi32, #tpu.memory_space<hbm>> -> memref<1x327936xi32, #tpu.memory_space<hbm>>
    %dma_start3A_102 = tpu.memref_squeeze %dma_start3A_101 : memref<1x327936xi32, #tpu.memory_space<hbm>> -> memref<327936xi32, #tpu.memory_space<hbm>>
    %dma_start3A_103 = tpu.memref_slice %dma_start3A_102[%add3A_95] : memref<327936xi32, #tpu.memory_space<hbm>> -> memref<128xi32, #tpu.memory_space<hbm>>
    tpu.enqueue_dma source(%dma_start3A_103 : memref<128xi32, #tpu.memory_space<hbm>>) target(%arg13 : memref<128xi32, #tpu.memory_space<vmem>>) target_semaphore(%arg24 : memref<!tpu.dma_semaphore, #tpu.memory_space<semaphore_mem>>)
    %add3A_104 = arith.constant 128 : i32
    %add3A_105 = arith.addi %mul3A_2, %add3A_104 : i32
    %dma_wait3A_106 = arith.constant 0 : i32
    %dma_wait3A_107 = tpu.memref_slice %arg3[%arg0, %dma_wait3A_106] : memref<2x327936xi32, #tpu.memory_space<hbm>> -> memref<1x327936xi32, #tpu.memory_space<hbm>>
    %dma_wait3A_108 = tpu.memref_squeeze %dma_wait3A_107 : memref<1x327936xi32, #tpu.memory_space<hbm>> -> memref<327936xi32, #tpu.memory_space<hbm>>
    %dma_wait3A_109 = tpu.memref_slice %dma_wait3A_108[%add3A_105] : memref<327936xi32, #tpu.memory_space<hbm>> -> memref<128xi32, #tpu.memory_space<hbm>>
    %dma_wait3A_110 = arith.constant 0 : i32
    %dma_wait3A_111 = tpu.memref_slice %arg3[%arg0, %dma_wait3A_110] : memref<2x327936xi32, #tpu.memory_space<hbm>> -> memref<1x327936xi32, #tpu.memory_space<hbm>>
    %dma_wait3A_112 = tpu.memref_squeeze %dma_wait3A_111 : memref<1x327936xi32, #tpu.memory_space<hbm>> -> memref<327936xi32, #tpu.memory_space<hbm>>
    %dma_wait3A_113 = tpu.memref_slice %dma_wait3A_112[%add3A_105] : memref<327936xi32, #tpu.memory_space<hbm>> -> memref<128xi32, #tpu.memory_space<hbm>>
    tpu.wait_dma2 semaphore(%arg18 : memref<!tpu.dma_semaphore, #tpu.memory_space<semaphore_mem>>) src(%dma_wait3A_113 : memref<128xi32, #tpu.memory_space<hbm>>) dst(%arg7 : memref<128xi32, #tpu.memory_space<vmem>>)
    %add3A_114 = arith.constant 128 : i32
    %add3A_115 = arith.addi %mul3A_2, %add3A_114 : i32
    %dma_wait3A_116 = arith.constant 0 : i32
    %dma_wait3A_117 = tpu.memref_slice %arg4[%arg0, %dma_wait3A_116] : memref<2x327936xi32, #tpu.memory_space<hbm>> -> memref<1x327936xi32, #tpu.memory_space<hbm>>
    %dma_wait3A_118 = tpu.memref_squeeze %dma_wait3A_117 : memref<1x327936xi32, #tpu.memory_space<hbm>> -> memref<327936xi32, #tpu.memory_space<hbm>>
    %dma_wait3A_119 = tpu.memref_slice %dma_wait3A_118[%add3A_115] : memref<327936xi32, #tpu.memory_space<hbm>> -> memref<128xi32, #tpu.memory_space<hbm>>
    %dma_wait3A_120 = arith.constant 0 : i32
    %dma_wait3A_121 = tpu.memref_slice %arg4[%arg0, %dma_wait3A_120] : memref<2x327936xi32, #tpu.memory_space<hbm>> -> memref<1x327936xi32, #tpu.memory_space<hbm>>
    %dma_wait3A_122 = tpu.memref_squeeze %dma_wait3A_121 : memref<1x327936xi32, #tpu.memory_space<hbm>> -> memref<327936xi32, #tpu.memory_space<hbm>>
    %dma_wait3A_123 = tpu.memref_slice %dma_wait3A_122[%add3A_115] : memref<327936xi32, #tpu.memory_space<hbm>> -> memref<128xi32, #tpu.memory_space<hbm>>
    tpu.wait_dma2 semaphore(%arg22 : memref<!tpu.dma_semaphore, #tpu.memory_space<semaphore_mem>>) src(%dma_wait3A_123 : memref<128xi32, #tpu.memory_space<hbm>>) dst(%arg11 : memref<128xi32, #tpu.memory_space<vmem>>)
    %dma_start3A_124 = arith.constant 0 : i32
    %dma_start3A_125 = arith.constant 0 : i32
    %dma_start3A_126 = tpu.memref_slice %arg2[%arg0, %dma_start3A_124, %dma_start3A_125] : memref<2x10112x128xf32, #tpu.memory_space<hbm>> -> memref<1x10112x128xf32, #tpu.memory_space<hbm>>
    %dma_start3A_127 = tpu.memref_squeeze %dma_start3A_126 : memref<1x10112x128xf32, #tpu.memory_space<hbm>> -> memref<10112x128xf32, #tpu.memory_space<hbm>>
    %dma_start3A_128 = arith.constant 0 : i32
    %dma_start3A_129 = arith.constant 0 : i32
    %dma_start3A_130 = tpu.memref_slice %dma_start3A_127[%dma_start3A_128, %dma_start3A_129] : memref<10112x128xf32, #tpu.memory_space<hbm>> -> memref<10112x128xf32, #tpu.memory_space<hbm>>
    tpu.enqueue_indirect_dma source(%dma_start3A_130 : memref<10112x128xf32, #tpu.memory_space<hbm>>) target(%arg15 : memref<128x128xf32, #tpu.memory_space<vmem>>) offsets(%arg7 : memref<128xi32, #tpu.memory_space<vmem>>) semaphore(%arg26 : memref<!tpu.dma_semaphore, #tpu.memory_space<semaphore_mem>>)
    %add3A_131 = arith.constant 0 : i32
    %add3A_132 = arith.addi %mul3A_2, %add3A_131 : i32
    %dma_wait3A_133 = arith.constant 0 : i32
    %dma_wait3A_134 = tpu.memref_slice %arg4[%arg0, %dma_wait3A_133] : memref<2x327936xi32, #tpu.memory_space<hbm>> -> memref<1x327936xi32, #tpu.memory_space<hbm>>
    %dma_wait3A_135 = tpu.memref_squeeze %dma_wait3A_134 : memref<1x327936xi32, #tpu.memory_space<hbm>> -> memref<327936xi32, #tpu.memory_space<hbm>>
    %dma_wait3A_136 = tpu.memref_slice %dma_wait3A_135[%add3A_132] : memref<327936xi32, #tpu.memory_space<hbm>> -> memref<128xi32, #tpu.memory_space<hbm>>
    %dma_wait3A_137 = arith.constant 0 : i32
    %dma_wait3A_138 = tpu.memref_slice %arg4[%arg0, %dma_wait3A_137] : memref<2x327936xi32, #tpu.memory_space<hbm>> -> memref<1x327936xi32, #tpu.memory_space<hbm>>
    %dma_wait3A_139 = tpu.memref_squeeze %dma_wait3A_138 : memref<1x327936xi32, #tpu.memory_space<hbm>> -> memref<327936xi32, #tpu.memory_space<hbm>>
    %dma_wait3A_140 = tpu.memref_slice %dma_wait3A_139[%add3A_132] : memref<327936xi32, #tpu.memory_space<hbm>> -> memref<128xi32, #tpu.memory_space<hbm>>
    tpu.wait_dma2 semaphore(%arg21 : memref<!tpu.dma_semaphore, #tpu.memory_space<semaphore_mem>>) src(%dma_wait3A_140 : memref<128xi32, #tpu.memory_space<hbm>>) dst(%arg10 : memref<128xi32, #tpu.memory_space<vmem>>)
    %dma_start3A_141 = arith.constant 0 : i32
    %dma_start3A_142 = arith.constant 0 : i32
    %dma_start3A_143 = tpu.memref_slice %arg16[%dma_start3A_141, %dma_start3A_142] : memref<10112x128xf32, #tpu.memory_space<vmem_shared>> -> memref<10112x128xf32, #tpu.memory_space<vmem_shared>>
    tpu.enqueue_indirect_dma source(%arg14 : memref<128x128xf32, #tpu.memory_space<vmem>>) target(%dma_start3A_143 : memref<10112x128xf32, #tpu.memory_space<vmem_shared>>) offsets(%arg10 : memref<128xi32, #tpu.memory_space<vmem>>) semaphore(%arg27 : memref<!tpu.dma_semaphore, #tpu.memory_space<semaphore_mem>>) {add = true}
    %scan3A = arith.constant 0 : i32
    %scan3A_144 = arith.constant 39 : i32
    %scan3A_145 = arith.addi %scan3A, %scan3A_144 : i32
    %scan3A_146 = arith.constant 1 : i32
    scf.for %scan3A_245 = %scan3A to %scan3A_145 step %scan3A_146  : i32 {
      %mul3A_246 = arith.constant 4 : i32
      %mul3A_247 = arith.muli %scan3A_245, %mul3A_246 : i32
      %add3A_248 = arith.constant 1 : i32
      %add3A_249 = arith.addi %add3A_248, %mul3A_247 : i32
      %add3A_250 = arith.constant 0 : i32
      %add3A_251 = arith.addi %add3A_249, %add3A_250 : i32
      %dma_wait3A_252 = arith.constant 0 : i32
      %dma_wait3A_253 = arith.constant 0 : i32
      %dma_wait3A_254 = tpu.memref_slice %arg2[%arg0, %dma_wait3A_252, %dma_wait3A_253] : memref<2x10112x128xf32, #tpu.memory_space<hbm>> -> memref<1x10112x128xf32, #tpu.memory_space<hbm>>
      %dma_wait3A_255 = tpu.memref_squeeze %dma_wait3A_254 : memref<1x10112x128xf32, #tpu.memory_space<hbm>> -> memref<10112x128xf32, #tpu.memory_space<hbm>>
      %dma_wait3A_256 = arith.constant 0 : i32
      %dma_wait3A_257 = arith.constant 0 : i32
      %dma_wait3A_258 = tpu.memref_slice %dma_wait3A_255[%dma_wait3A_256, %dma_wait3A_257] : memref<10112x128xf32, #tpu.memory_space<hbm>> -> memref<10112x128xf32, #tpu.memory_space<hbm>>
      tpu.wait_indirect_dma semaphore(%arg26 : memref<!tpu.dma_semaphore, #tpu.memory_space<semaphore_mem>>) src(%dma_wait3A_258 : memref<10112x128xf32, #tpu.memory_space<hbm>>) dst(%arg15 : memref<128x128xf32, #tpu.memory_space<vmem>>)
      %dma_wait3A_259 = arith.constant 0 : i32
      %dma_wait3A_260 = arith.constant 0 : i32
      %dma_wait3A_261 = tpu.memref_slice %arg16[%dma_wait3A_259, %dma_wait3A_260] : memref<10112x128xf32, #tpu.memory_space<vmem_shared>> -> memref<10112x128xf32, #tpu.memory_space<vmem_shared>>
      tpu.wait_indirect_dma semaphore(%arg27 : memref<!tpu.dma_semaphore, #tpu.memory_space<semaphore_mem>>) src(%arg14 : memref<128x128xf32, #tpu.memory_space<vmem>>) dst(%dma_wait3A_261 : memref<10112x128xf32, #tpu.memory_space<vmem_shared>>)
      %add3A_262 = arith.constant 3 : i32
      %add3A_263 = arith.addi %add3A_251, %add3A_262 : i32
      %mul3A_264 = arith.constant 128 : i32
      %mul3A_265 = arith.muli %add3A_263, %mul3A_264 : i32
      %add3A_266 = arith.addi %mul3A_2, %mul3A_265 : i32
      %dma_start3A_267 = arith.constant 0 : i32
      %dma_start3A_268 = tpu.memref_slice %arg3[%arg0, %dma_start3A_267] : memref<2x327936xi32, #tpu.memory_space<hbm>> -> memref<1x327936xi32, #tpu.memory_space<hbm>>
      %dma_start3A_269 = tpu.memref_squeeze %dma_start3A_268 : memref<1x327936xi32, #tpu.memory_space<hbm>> -> memref<327936xi32, #tpu.memory_space<hbm>>
      %dma_start3A_270 = tpu.memref_slice %dma_start3A_269[%add3A_266] : memref<327936xi32, #tpu.memory_space<hbm>> -> memref<128xi32, #tpu.memory_space<hbm>>
      %dma_start3A_271 = arith.constant 0 : i32
      %dma_start3A_272 = tpu.memref_slice %arg3[%arg0, %dma_start3A_271] : memref<2x327936xi32, #tpu.memory_space<hbm>> -> memref<1x327936xi32, #tpu.memory_space<hbm>>
      %dma_start3A_273 = tpu.memref_squeeze %dma_start3A_272 : memref<1x327936xi32, #tpu.memory_space<hbm>> -> memref<327936xi32, #tpu.memory_space<hbm>>
      %dma_start3A_274 = tpu.memref_slice %dma_start3A_273[%add3A_266] : memref<327936xi32, #tpu.memory_space<hbm>> -> memref<128xi32, #tpu.memory_space<hbm>>
      tpu.enqueue_dma source(%dma_start3A_274 : memref<128xi32, #tpu.memory_space<hbm>>) target(%arg6 : memref<128xi32, #tpu.memory_space<vmem>>) target_semaphore(%arg17 : memref<!tpu.dma_semaphore, #tpu.memory_space<semaphore_mem>>)
      %add3A_275 = arith.constant 3 : i32
      %add3A_276 = arith.addi %add3A_251, %add3A_275 : i32
      %mul3A_277 = arith.constant 128 : i32
      %mul3A_278 = arith.muli %add3A_276, %mul3A_277 : i32
      %add3A_279 = arith.addi %mul3A_2, %mul3A_278 : i32
      %dma_start3A_280 = arith.constant 0 : i32
      %dma_start3A_281 = tpu.memref_slice %arg4[%arg0, %dma_start3A_280] : memref<2x327936xi32, #tpu.memory_space<hbm>> -> memref<1x327936xi32, #tpu.memory_space<hbm>>
      %dma_start3A_282 = tpu.memref_squeeze %dma_start3A_281 : memref<1x327936xi32, #tpu.memory_space<hbm>> -> memref<327936xi32, #tpu.memory_space<hbm>>
      %dma_start3A_283 = tpu.memref_slice %dma_start3A_282[%add3A_279] : memref<327936xi32, #tpu.memory_space<hbm>> -> memref<128xi32, #tpu.memory_space<hbm>>
      %dma_start3A_284 = arith.constant 0 : i32
      %dma_start3A_285 = tpu.memref_slice %arg4[%arg0, %dma_start3A_284] : memref<2x327936xi32, #tpu.memory_space<hbm>> -> memref<1x327936xi32, #tpu.memory_space<hbm>>
      %dma_start3A_286 = tpu.memref_squeeze %dma_start3A_285 : memref<1x327936xi32, #tpu.memory_space<hbm>> -> memref<327936xi32, #tpu.memory_space<hbm>>
      %dma_start3A_287 = tpu.memref_slice %dma_start3A_286[%add3A_279] : memref<327936xi32, #tpu.memory_space<hbm>> -> memref<128xi32, #tpu.memory_space<hbm>>
      tpu.enqueue_dma source(%dma_start3A_287 : memref<128xi32, #tpu.memory_space<hbm>>) target(%arg10 : memref<128xi32, #tpu.memory_space<vmem>>) target_semaphore(%arg21 : memref<!tpu.dma_semaphore, #tpu.memory_space<semaphore_mem>>)
      %add3A_288 = arith.constant 1 : i32
      %add3A_289 = arith.addi %add3A_251, %add3A_288 : i32
      %mul3A_290 = arith.constant 128 : i32
      %mul3A_291 = arith.muli %add3A_289, %mul3A_290 : i32
      %add3A_292 = arith.addi %mul3A_2, %mul3A_291 : i32
      %dma_wait3A_293 = arith.constant 0 : i32
      %dma_wait3A_294 = tpu.memref_slice %arg3[%arg0, %dma_wait3A_293] : memref<2x327936xi32, #tpu.memory_space<hbm>> -> memref<1x327936xi32, #tpu.memory_space<hbm>>
      %dma_wait3A_295 = tpu.memref_squeeze %dma_wait3A_294 : memref<1x327936xi32, #tpu.memory_space<hbm>> -> memref<327936xi32, #tpu.memory_space<hbm>>
      %dma_wait3A_296 = tpu.memref_slice %dma_wait3A_295[%add3A_292] : memref<327936xi32, #tpu.memory_space<hbm>> -> memref<128xi32, #tpu.memory_space<hbm>>
      %dma_wait3A_297 = arith.constant 0 : i32
      %dma_wait3A_298 = tpu.memref_slice %arg3[%arg0, %dma_wait3A_297] : memref<2x327936xi32, #tpu.memory_space<hbm>> -> memref<1x327936xi32, #tpu.memory_space<hbm>>
      %dma_wait3A_299 = tpu.memref_squeeze %dma_wait3A_298 : memref<1x327936xi32, #tpu.memory_space<hbm>> -> memref<327936xi32, #tpu.memory_space<hbm>>
      %dma_wait3A_300 = tpu.memref_slice %dma_wait3A_299[%add3A_292] : memref<327936xi32, #tpu.memory_space<hbm>> -> memref<128xi32, #tpu.memory_space<hbm>>
      tpu.wait_dma2 semaphore(%arg19 : memref<!tpu.dma_semaphore, #tpu.memory_space<semaphore_mem>>) src(%dma_wait3A_300 : memref<128xi32, #tpu.memory_space<hbm>>) dst(%arg8 : memref<128xi32, #tpu.memory_space<vmem>>)
      %add3A_301 = arith.constant 1 : i32
      %add3A_302 = arith.addi %add3A_251, %add3A_301 : i32
      %mul3A_303 = arith.constant 128 : i32
      %mul3A_304 = arith.muli %add3A_302, %mul3A_303 : i32
      %add3A_305 = arith.addi %mul3A_2, %mul3A_304 : i32
      %dma_wait3A_306 = arith.constant 0 : i32
      %dma_wait3A_307 = tpu.memref_slice %arg4[%arg0, %dma_wait3A_306] : memref<2x327936xi32, #tpu.memory_space<hbm>> -> memref<1x327936xi32, #tpu.memory_space<hbm>>
      %dma_wait3A_308 = tpu.memref_squeeze %dma_wait3A_307 : memref<1x327936xi32, #tpu.memory_space<hbm>> -> memref<327936xi32, #tpu.memory_space<hbm>>
      %dma_wait3A_309 = tpu.memref_slice %dma_wait3A_308[%add3A_305] : memref<327936xi32, #tpu.memory_space<hbm>> -> memref<128xi32, #tpu.memory_space<hbm>>
      %dma_wait3A_310 = arith.constant 0 : i32
      %dma_wait3A_311 = tpu.memref_slice %arg4[%arg0, %dma_wait3A_310] : memref<2x327936xi32, #tpu.memory_space<hbm>> -> memref<1x327936xi32, #tpu.memory_space<hbm>>
      %dma_wait3A_312 = tpu.memref_squeeze %dma_wait3A_311 : memref<1x327936xi32, #tpu.memory_space<hbm>> -> memref<327936xi32, #tpu.memory_space<hbm>>
      %dma_wait3A_313 = tpu.memref_slice %dma_wait3A_312[%add3A_305] : memref<327936xi32, #tpu.memory_space<hbm>> -> memref<128xi32, #tpu.memory_space<hbm>>
      tpu.wait_dma2 semaphore(%arg23 : memref<!tpu.dma_semaphore, #tpu.memory_space<semaphore_mem>>) src(%dma_wait3A_313 : memref<128xi32, #tpu.memory_space<hbm>>) dst(%arg12 : memref<128xi32, #tpu.memory_space<vmem>>)
      %dma_start3A_314 = arith.constant 0 : i32
      %dma_start3A_315 = arith.constant 0 : i32
      %dma_start3A_316 = tpu.memref_slice %arg2[%arg0, %dma_start3A_314, %dma_start3A_315] : memref<2x10112x128xf32, #tpu.memory_space<hbm>> -> memref<1x10112x128xf32, #tpu.memory_space<hbm>>
      %dma_start3A_317 = tpu.memref_squeeze %dma_start3A_316 : memref<1x10112x128xf32, #tpu.memory_space<hbm>> -> memref<10112x128xf32, #tpu.memory_space<hbm>>
      %dma_start3A_318 = arith.constant 0 : i32
      %dma_start3A_319 = arith.constant 0 : i32
      %dma_start3A_320 = tpu.memref_slice %dma_start3A_317[%dma_start3A_318, %dma_start3A_319] : memref<10112x128xf32, #tpu.memory_space<hbm>> -> memref<10112x128xf32, #tpu.memory_space<hbm>>
      tpu.enqueue_indirect_dma source(%dma_start3A_320 : memref<10112x128xf32, #tpu.memory_space<hbm>>) target(%arg14 : memref<128x128xf32, #tpu.memory_space<vmem>>) offsets(%arg8 : memref<128xi32, #tpu.memory_space<vmem>>) semaphore(%arg25 : memref<!tpu.dma_semaphore, #tpu.memory_space<semaphore_mem>>)
      %dma_start3A_321 = arith.constant 0 : i32
      %dma_start3A_322 = arith.constant 0 : i32
      %dma_start3A_323 = tpu.memref_slice %arg16[%dma_start3A_321, %dma_start3A_322] : memref<10112x128xf32, #tpu.memory_space<vmem_shared>> -> memref<10112x128xf32, #tpu.memory_space<vmem_shared>>
      tpu.enqueue_indirect_dma source(%arg15 : memref<128x128xf32, #tpu.memory_space<vmem>>) target(%dma_start3A_323 : memref<10112x128xf32, #tpu.memory_space<vmem_shared>>) offsets(%arg11 : memref<128xi32, #tpu.memory_space<vmem>>) semaphore(%arg28 : memref<!tpu.dma_semaphore, #tpu.memory_space<semaphore_mem>>) {add = true}
      %add3A_324 = arith.constant 1 : i32
      %add3A_325 = arith.addi %add3A_249, %add3A_324 : i32
      %dma_wait3A_326 = arith.constant 0 : i32
      %dma_wait3A_327 = arith.constant 0 : i32
      %dma_wait3A_328 = tpu.memref_slice %arg2[%arg0, %dma_wait3A_326, %dma_wait3A_327] : memref<2x10112x128xf32, #tpu.memory_space<hbm>> -> memref<1x10112x128xf32, #tpu.memory_space<hbm>>
      %dma_wait3A_329 = tpu.memref_squeeze %dma_wait3A_328 : memref<1x10112x128xf32, #tpu.memory_space<hbm>> -> memref<10112x128xf32, #tpu.memory_space<hbm>>
      %dma_wait3A_330 = arith.constant 0 : i32
      %dma_wait3A_331 = arith.constant 0 : i32
      %dma_wait3A_332 = tpu.memref_slice %dma_wait3A_329[%dma_wait3A_330, %dma_wait3A_331] : memref<10112x128xf32, #tpu.memory_space<hbm>> -> memref<10112x128xf32, #tpu.memory_space<hbm>>
      tpu.wait_indirect_dma semaphore(%arg25 : memref<!tpu.dma_semaphore, #tpu.memory_space<semaphore_mem>>) src(%dma_wait3A_332 : memref<10112x128xf32, #tpu.memory_space<hbm>>) dst(%arg14 : memref<128x128xf32, #tpu.memory_space<vmem>>)
      %dma_wait3A_333 = arith.constant 0 : i32
      %dma_wait3A_334 = arith.constant 0 : i32
      %dma_wait3A_335 = tpu.memref_slice %arg16[%dma_wait3A_333, %dma_wait3A_334] : memref<10112x128xf32, #tpu.memory_space<vmem_shared>> -> memref<10112x128xf32, #tpu.memory_space<vmem_shared>>
      tpu.wait_indirect_dma semaphore(%arg28 : memref<!tpu.dma_semaphore, #tpu.memory_space<semaphore_mem>>) src(%arg15 : memref<128x128xf32, #tpu.memory_space<vmem>>) dst(%dma_wait3A_335 : memref<10112x128xf32, #tpu.memory_space<vmem_shared>>)
      %add3A_336 = arith.constant 3 : i32
      %add3A_337 = arith.addi %add3A_325, %add3A_336 : i32
      %mul3A_338 = arith.constant 128 : i32
      %mul3A_339 = arith.muli %add3A_337, %mul3A_338 : i32
      %add3A_340 = arith.addi %mul3A_2, %mul3A_339 : i32
      %dma_start3A_341 = arith.constant 0 : i32
      %dma_start3A_342 = tpu.memref_slice %arg3[%arg0, %dma_start3A_341] : memref<2x327936xi32, #tpu.memory_space<hbm>> -> memref<1x327936xi32, #tpu.memory_space<hbm>>
      %dma_start3A_343 = tpu.memref_squeeze %dma_start3A_342 : memref<1x327936xi32, #tpu.memory_space<hbm>> -> memref<327936xi32, #tpu.memory_space<hbm>>
      %dma_start3A_344 = tpu.memref_slice %dma_start3A_343[%add3A_340] : memref<327936xi32, #tpu.memory_space<hbm>> -> memref<128xi32, #tpu.memory_space<hbm>>
      %dma_start3A_345 = arith.constant 0 : i32
      %dma_start3A_346 = tpu.memref_slice %arg3[%arg0, %dma_start3A_345] : memref<2x327936xi32, #tpu.memory_space<hbm>> -> memref<1x327936xi32, #tpu.memory_space<hbm>>
      %dma_start3A_347 = tpu.memref_squeeze %dma_start3A_346 : memref<1x327936xi32, #tpu.memory_space<hbm>> -> memref<327936xi32, #tpu.memory_space<hbm>>
      %dma_start3A_348 = tpu.memref_slice %dma_start3A_347[%add3A_340] : memref<327936xi32, #tpu.memory_space<hbm>> -> memref<128xi32, #tpu.memory_space<hbm>>
      tpu.enqueue_dma source(%dma_start3A_348 : memref<128xi32, #tpu.memory_space<hbm>>) target(%arg7 : memref<128xi32, #tpu.memory_space<vmem>>) target_semaphore(%arg18 : memref<!tpu.dma_semaphore, #tpu.memory_space<semaphore_mem>>)
      %add3A_349 = arith.constant 3 : i32
      %add3A_350 = arith.addi %add3A_325, %add3A_349 : i32
      %mul3A_351 = arith.constant 128 : i32
      %mul3A_352 = arith.muli %add3A_350, %mul3A_351 : i32
      %add3A_353 = arith.addi %mul3A_2, %mul3A_352 : i32
      %dma_start3A_354 = arith.constant 0 : i32
      %dma_start3A_355 = tpu.memref_slice %arg4[%arg0, %dma_start3A_354] : memref<2x327936xi32, #tpu.memory_space<hbm>> -> memref<1x327936xi32, #tpu.memory_space<hbm>>
      %dma_start3A_356 = tpu.memref_squeeze %dma_start3A_355 : memref<1x327936xi32, #tpu.memory_space<hbm>> -> memref<327936xi32, #tpu.memory_space<hbm>>
      %dma_start3A_357 = tpu.memref_slice %dma_start3A_356[%add3A_353] : memref<327936xi32, #tpu.memory_space<hbm>> -> memref<128xi32, #tpu.memory_space<hbm>>
      %dma_start3A_358 = arith.constant 0 : i32
      %dma_start3A_359 = tpu.memref_slice %arg4[%arg0, %dma_start3A_358] : memref<2x327936xi32, #tpu.memory_space<hbm>> -> memref<1x327936xi32, #tpu.memory_space<hbm>>
      %dma_start3A_360 = tpu.memref_squeeze %dma_start3A_359 : memref<1x327936xi32, #tpu.memory_space<hbm>> -> memref<327936xi32, #tpu.memory_space<hbm>>
      %dma_start3A_361 = tpu.memref_slice %dma_start3A_360[%add3A_353] : memref<327936xi32, #tpu.memory_space<hbm>> -> memref<128xi32, #tpu.memory_space<hbm>>
      tpu.enqueue_dma source(%dma_start3A_361 : memref<128xi32, #tpu.memory_space<hbm>>) target(%arg11 : memref<128xi32, #tpu.memory_space<vmem>>) target_semaphore(%arg22 : memref<!tpu.dma_semaphore, #tpu.memory_space<semaphore_mem>>)
      %add3A_362 = arith.constant 1 : i32
      %add3A_363 = arith.addi %add3A_325, %add3A_362 : i32
      %mul3A_364 = arith.constant 128 : i32
      %mul3A_365 = arith.muli %add3A_363, %mul3A_364 : i32
      %add3A_366 = arith.addi %mul3A_2, %mul3A_365 : i32
      %dma_wait3A_367 = arith.constant 0 : i32
      %dma_wait3A_368 = tpu.memref_slice %arg3[%arg0, %dma_wait3A_367] : memref<2x327936xi32, #tpu.memory_space<hbm>> -> memref<1x327936xi32, #tpu.memory_space<hbm>>
      %dma_wait3A_369 = tpu.memref_squeeze %dma_wait3A_368 : memref<1x327936xi32, #tpu.memory_space<hbm>> -> memref<327936xi32, #tpu.memory_space<hbm>>
      %dma_wait3A_370 = tpu.memref_slice %dma_wait3A_369[%add3A_366] : memref<327936xi32, #tpu.memory_space<hbm>> -> memref<128xi32, #tpu.memory_space<hbm>>
      %dma_wait3A_371 = arith.constant 0 : i32
      %dma_wait3A_372 = tpu.memref_slice %arg3[%arg0, %dma_wait3A_371] : memref<2x327936xi32, #tpu.memory_space<hbm>> -> memref<1x327936xi32, #tpu.memory_space<hbm>>
      %dma_wait3A_373 = tpu.memref_squeeze %dma_wait3A_372 : memref<1x327936xi32, #tpu.memory_space<hbm>> -> memref<327936xi32, #tpu.memory_space<hbm>>
      %dma_wait3A_374 = tpu.memref_slice %dma_wait3A_373[%add3A_366] : memref<327936xi32, #tpu.memory_space<hbm>> -> memref<128xi32, #tpu.memory_space<hbm>>
      tpu.wait_dma2 semaphore(%arg20 : memref<!tpu.dma_semaphore, #tpu.memory_space<semaphore_mem>>) src(%dma_wait3A_374 : memref<128xi32, #tpu.memory_space<hbm>>) dst(%arg9 : memref<128xi32, #tpu.memory_space<vmem>>)
      %add3A_375 = arith.constant 1 : i32
      %add3A_376 = arith.addi %add3A_325, %add3A_375 : i32
      %mul3A_377 = arith.constant 128 : i32
      %mul3A_378 = arith.muli %add3A_376, %mul3A_377 : i32
      %add3A_379 = arith.addi %mul3A_2, %mul3A_378 : i32
      %dma_wait3A_380 = arith.constant 0 : i32
      %dma_wait3A_381 = tpu.memref_slice %arg4[%arg0, %dma_wait3A_380] : memref<2x327936xi32, #tpu.memory_space<hbm>> -> memref<1x327936xi32, #tpu.memory_space<hbm>>
      %dma_wait3A_382 = tpu.memref_squeeze %dma_wait3A_381 : memref<1x327936xi32, #tpu.memory_space<hbm>> -> memref<327936xi32, #tpu.memory_space<hbm>>
      %dma_wait3A_383 = tpu.memref_slice %dma_wait3A_382[%add3A_379] : memref<327936xi32, #tpu.memory_space<hbm>> -> memref<128xi32, #tpu.memory_space<hbm>>
      %dma_wait3A_384 = arith.constant 0 : i32
      %dma_wait3A_385 = tpu.memref_slice %arg4[%arg0, %dma_wait3A_384] : memref<2x327936xi32, #tpu.memory_space<hbm>> -> memref<1x327936xi32, #tpu.memory_space<hbm>>
      %dma_wait3A_386 = tpu.memref_squeeze %dma_wait3A_385 : memref<1x327936xi32, #tpu.memory_space<hbm>> -> memref<327936xi32, #tpu.memory_space<hbm>>
      %dma_wait3A_387 = tpu.memref_slice %dma_wait3A_386[%add3A_379] : memref<327936xi32, #tpu.memory_space<hbm>> -> memref<128xi32, #tpu.memory_space<hbm>>
      tpu.wait_dma2 semaphore(%arg24 : memref<!tpu.dma_semaphore, #tpu.memory_space<semaphore_mem>>) src(%dma_wait3A_387 : memref<128xi32, #tpu.memory_space<hbm>>) dst(%arg13 : memref<128xi32, #tpu.memory_space<vmem>>)
      %dma_start3A_388 = arith.constant 0 : i32
      %dma_start3A_389 = arith.constant 0 : i32
      %dma_start3A_390 = tpu.memref_slice %arg2[%arg0, %dma_start3A_388, %dma_start3A_389] : memref<2x10112x128xf32, #tpu.memory_space<hbm>> -> memref<1x10112x128xf32, #tpu.memory_space<hbm>>
      %dma_start3A_391 = tpu.memref_squeeze %dma_start3A_390 : memref<1x10112x128xf32, #tpu.memory_space<hbm>> -> memref<10112x128xf32, #tpu.memory_space<hbm>>
      %dma_start3A_392 = arith.constant 0 : i32
      %dma_start3A_393 = arith.constant 0 : i32
      %dma_start3A_394 = tpu.memref_slice %dma_start3A_391[%dma_start3A_392, %dma_start3A_393] : memref<10112x128xf32, #tpu.memory_space<hbm>> -> memref<10112x128xf32, #tpu.memory_space<hbm>>
      tpu.enqueue_indirect_dma source(%dma_start3A_394 : memref<10112x128xf32, #tpu.memory_space<hbm>>) target(%arg15 : memref<128x128xf32, #tpu.memory_space<vmem>>) offsets(%arg9 : memref<128xi32, #tpu.memory_space<vmem>>) semaphore(%arg26 : memref<!tpu.dma_semaphore, #tpu.memory_space<semaphore_mem>>)
      %dma_start3A_395 = arith.constant 0 : i32
      %dma_start3A_396 = arith.constant 0 : i32
      %dma_start3A_397 = tpu.memref_slice %arg16[%dma_start3A_395, %dma_start3A_396] : memref<10112x128xf32, #tpu.memory_space<vmem_shared>> -> memref<10112x128xf32, #tpu.memory_space<vmem_shared>>
      tpu.enqueue_indirect_dma source(%arg14 : memref<128x128xf32, #tpu.memory_space<vmem>>) target(%dma_start3A_397 : memref<10112x128xf32, #tpu.memory_space<vmem_shared>>) offsets(%arg12 : memref<128xi32, #tpu.memory_space<vmem>>) semaphore(%arg27 : memref<!tpu.dma_semaphore, #tpu.memory_space<semaphore_mem>>) {add = true}
      %add3A_398 = arith.constant 2 : i32
      %add3A_399 = arith.addi %add3A_249, %add3A_398 : i32
      %dma_wait3A_400 = arith.constant 0 : i32
      %dma_wait3A_401 = arith.constant 0 : i32
      %dma_wait3A_402 = tpu.memref_slice %arg2[%arg0, %dma_wait3A_400, %dma_wait3A_401] : memref<2x10112x128xf32, #tpu.memory_space<hbm>> -> memref<1x10112x128xf32, #tpu.memory_space<hbm>>
      %dma_wait3A_403 = tpu.memref_squeeze %dma_wait3A_402 : memref<1x10112x128xf32, #tpu.memory_space<hbm>> -> memref<10112x128xf32, #tpu.memory_space<hbm>>
      %dma_wait3A_404 = arith.constant 0 : i32
      %dma_wait3A_405 = arith.constant 0 : i32
      %dma_wait3A_406 = tpu.memref_slice %dma_wait3A_403[%dma_wait3A_404, %dma_wait3A_405] : memref<10112x128xf32, #tpu.memory_space<hbm>> -> memref<10112x128xf32, #tpu.memory_space<hbm>>
      tpu.wait_indirect_dma semaphore(%arg26 : memref<!tpu.dma_semaphore, #tpu.memory_space<semaphore_mem>>) src(%dma_wait3A_406 : memref<10112x128xf32, #tpu.memory_space<hbm>>) dst(%arg15 : memref<128x128xf32, #tpu.memory_space<vmem>>)
      %dma_wait3A_407 = arith.constant 0 : i32
      %dma_wait3A_408 = arith.constant 0 : i32
      %dma_wait3A_409 = tpu.memref_slice %arg16[%dma_wait3A_407, %dma_wait3A_408] : memref<10112x128xf32, #tpu.memory_space<vmem_shared>> -> memref<10112x128xf32, #tpu.memory_space<vmem_shared>>
      tpu.wait_indirect_dma semaphore(%arg27 : memref<!tpu.dma_semaphore, #tpu.memory_space<semaphore_mem>>) src(%arg14 : memref<128x128xf32, #tpu.memory_space<vmem>>) dst(%dma_wait3A_409 : memref<10112x128xf32, #tpu.memory_space<vmem_shared>>)
      %add3A_410 = arith.constant 3 : i32
      %add3A_411 = arith.addi %add3A_399, %add3A_410 : i32
      %mul3A_412 = arith.constant 128 : i32
      %mul3A_413 = arith.muli %add3A_411, %mul3A_412 : i32
      %add3A_414 = arith.addi %mul3A_2, %mul3A_413 : i32
      %dma_start3A_415 = arith.constant 0 : i32
      %dma_start3A_416 = tpu.memref_slice %arg3[%arg0, %dma_start3A_415] : memref<2x327936xi32, #tpu.memory_space<hbm>> -> memref<1x327936xi32, #tpu.memory_space<hbm>>
      %dma_start3A_417 = tpu.memref_squeeze %dma_start3A_416 : memref<1x327936xi32, #tpu.memory_space<hbm>> -> memref<327936xi32, #tpu.memory_space<hbm>>
      %dma_start3A_418 = tpu.memref_slice %dma_start3A_417[%add3A_414] : memref<327936xi32, #tpu.memory_space<hbm>> -> memref<128xi32, #tpu.memory_space<hbm>>
      %dma_start3A_419 = arith.constant 0 : i32
      %dma_start3A_420 = tpu.memref_slice %arg3[%arg0, %dma_start3A_419] : memref<2x327936xi32, #tpu.memory_space<hbm>> -> memref<1x327936xi32, #tpu.memory_space<hbm>>
      %dma_start3A_421 = tpu.memref_squeeze %dma_start3A_420 : memref<1x327936xi32, #tpu.memory_space<hbm>> -> memref<327936xi32, #tpu.memory_space<hbm>>
      %dma_start3A_422 = tpu.memref_slice %dma_start3A_421[%add3A_414] : memref<327936xi32, #tpu.memory_space<hbm>> -> memref<128xi32, #tpu.memory_space<hbm>>
      tpu.enqueue_dma source(%dma_start3A_422 : memref<128xi32, #tpu.memory_space<hbm>>) target(%arg8 : memref<128xi32, #tpu.memory_space<vmem>>) target_semaphore(%arg19 : memref<!tpu.dma_semaphore, #tpu.memory_space<semaphore_mem>>)
      %add3A_423 = arith.constant 3 : i32
      %add3A_424 = arith.addi %add3A_399, %add3A_423 : i32
      %mul3A_425 = arith.constant 128 : i32
      %mul3A_426 = arith.muli %add3A_424, %mul3A_425 : i32
      %add3A_427 = arith.addi %mul3A_2, %mul3A_426 : i32
      %dma_start3A_428 = arith.constant 0 : i32
      %dma_start3A_429 = tpu.memref_slice %arg4[%arg0, %dma_start3A_428] : memref<2x327936xi32, #tpu.memory_space<hbm>> -> memref<1x327936xi32, #tpu.memory_space<hbm>>
      %dma_start3A_430 = tpu.memref_squeeze %dma_start3A_429 : memref<1x327936xi32, #tpu.memory_space<hbm>> -> memref<327936xi32, #tpu.memory_space<hbm>>
      %dma_start3A_431 = tpu.memref_slice %dma_start3A_430[%add3A_427] : memref<327936xi32, #tpu.memory_space<hbm>> -> memref<128xi32, #tpu.memory_space<hbm>>
      %dma_start3A_432 = arith.constant 0 : i32
      %dma_start3A_433 = tpu.memref_slice %arg4[%arg0, %dma_start3A_432] : memref<2x327936xi32, #tpu.memory_space<hbm>> -> memref<1x327936xi32, #tpu.memory_space<hbm>>
      %dma_start3A_434 = tpu.memref_squeeze %dma_start3A_433 : memref<1x327936xi32, #tpu.memory_space<hbm>> -> memref<327936xi32, #tpu.memory_space<hbm>>
      %dma_start3A_435 = tpu.memref_slice %dma_start3A_434[%add3A_427] : memref<327936xi32, #tpu.memory_space<hbm>> -> memref<128xi32, #tpu.memory_space<hbm>>
      tpu.enqueue_dma source(%dma_start3A_435 : memref<128xi32, #tpu.memory_space<hbm>>) target(%arg12 : memref<128xi32, #tpu.memory_space<vmem>>) target_semaphore(%arg23 : memref<!tpu.dma_semaphore, #tpu.memory_space<semaphore_mem>>)
      %add3A_436 = arith.constant 1 : i32
      %add3A_437 = arith.addi %add3A_399, %add3A_436 : i32
      %mul3A_438 = arith.constant 128 : i32
      %mul3A_439 = arith.muli %add3A_437, %mul3A_438 : i32
      %add3A_440 = arith.addi %mul3A_2, %mul3A_439 : i32
      %dma_wait3A_441 = arith.constant 0 : i32
      %dma_wait3A_442 = tpu.memref_slice %arg3[%arg0, %dma_wait3A_441] : memref<2x327936xi32, #tpu.memory_space<hbm>> -> memref<1x327936xi32, #tpu.memory_space<hbm>>
      %dma_wait3A_443 = tpu.memref_squeeze %dma_wait3A_442 : memref<1x327936xi32, #tpu.memory_space<hbm>> -> memref<327936xi32, #tpu.memory_space<hbm>>
      %dma_wait3A_444 = tpu.memref_slice %dma_wait3A_443[%add3A_440] : memref<327936xi32, #tpu.memory_space<hbm>> -> memref<128xi32, #tpu.memory_space<hbm>>
      %dma_wait3A_445 = arith.constant 0 : i32
      %dma_wait3A_446 = tpu.memref_slice %arg3[%arg0, %dma_wait3A_445] : memref<2x327936xi32, #tpu.memory_space<hbm>> -> memref<1x327936xi32, #tpu.memory_space<hbm>>
      %dma_wait3A_447 = tpu.memref_squeeze %dma_wait3A_446 : memref<1x327936xi32, #tpu.memory_space<hbm>> -> memref<327936xi32, #tpu.memory_space<hbm>>
      %dma_wait3A_448 = tpu.memref_slice %dma_wait3A_447[%add3A_440] : memref<327936xi32, #tpu.memory_space<hbm>> -> memref<128xi32, #tpu.memory_space<hbm>>
      tpu.wait_dma2 semaphore(%arg17 : memref<!tpu.dma_semaphore, #tpu.memory_space<semaphore_mem>>) src(%dma_wait3A_448 : memref<128xi32, #tpu.memory_space<hbm>>) dst(%arg6 : memref<128xi32, #tpu.memory_space<vmem>>)
      %add3A_449 = arith.constant 1 : i32
      %add3A_450 = arith.addi %add3A_399, %add3A_449 : i32
      %mul3A_451 = arith.constant 128 : i32
      %mul3A_452 = arith.muli %add3A_450, %mul3A_451 : i32
      %add3A_453 = arith.addi %mul3A_2, %mul3A_452 : i32
      %dma_wait3A_454 = arith.constant 0 : i32
      %dma_wait3A_455 = tpu.memref_slice %arg4[%arg0, %dma_wait3A_454] : memref<2x327936xi32, #tpu.memory_space<hbm>> -> memref<1x327936xi32, #tpu.memory_space<hbm>>
      %dma_wait3A_456 = tpu.memref_squeeze %dma_wait3A_455 : memref<1x327936xi32, #tpu.memory_space<hbm>> -> memref<327936xi32, #tpu.memory_space<hbm>>
      %dma_wait3A_457 = tpu.memref_slice %dma_wait3A_456[%add3A_453] : memref<327936xi32, #tpu.memory_space<hbm>> -> memref<128xi32, #tpu.memory_space<hbm>>
      %dma_wait3A_458 = arith.constant 0 : i32
      %dma_wait3A_459 = tpu.memref_slice %arg4[%arg0, %dma_wait3A_458] : memref<2x327936xi32, #tpu.memory_space<hbm>> -> memref<1x327936xi32, #tpu.memory_space<hbm>>
      %dma_wait3A_460 = tpu.memref_squeeze %dma_wait3A_459 : memref<1x327936xi32, #tpu.memory_space<hbm>> -> memref<327936xi32, #tpu.memory_space<hbm>>
      %dma_wait3A_461 = tpu.memref_slice %dma_wait3A_460[%add3A_453] : memref<327936xi32, #tpu.memory_space<hbm>> -> memref<128xi32, #tpu.memory_space<hbm>>
      tpu.wait_dma2 semaphore(%arg21 : memref<!tpu.dma_semaphore, #tpu.memory_space<semaphore_mem>>) src(%dma_wait3A_461 : memref<128xi32, #tpu.memory_space<hbm>>) dst(%arg10 : memref<128xi32, #tpu.memory_space<vmem>>)
      %dma_start3A_462 = arith.constant 0 : i32
      %dma_start3A_463 = arith.constant 0 : i32
      %dma_start3A_464 = tpu.memref_slice %arg2[%arg0, %dma_start3A_462, %dma_start3A_463] : memref<2x10112x128xf32, #tpu.memory_space<hbm>> -> memref<1x10112x128xf32, #tpu.memory_space<hbm>>
      %dma_start3A_465 = tpu.memref_squeeze %dma_start3A_464 : memref<1x10112x128xf32, #tpu.memory_space<hbm>> -> memref<10112x128xf32, #tpu.memory_space<hbm>>
      %dma_start3A_466 = arith.constant 0 : i32
      %dma_start3A_467 = arith.constant 0 : i32
      %dma_start3A_468 = tpu.memref_slice %dma_start3A_465[%dma_start3A_466, %dma_start3A_467] : memref<10112x128xf32, #tpu.memory_space<hbm>> -> memref<10112x128xf32, #tpu.memory_space<hbm>>
      tpu.enqueue_indirect_dma source(%dma_start3A_468 : memref<10112x128xf32, #tpu.memory_space<hbm>>) target(%arg14 : memref<128x128xf32, #tpu.memory_space<vmem>>) offsets(%arg6 : memref<128xi32, #tpu.memory_space<vmem>>) semaphore(%arg25 : memref<!tpu.dma_semaphore, #tpu.memory_space<semaphore_mem>>)
      %dma_start3A_469 = arith.constant 0 : i32
      %dma_start3A_470 = arith.constant 0 : i32
      %dma_start3A_471 = tpu.memref_slice %arg16[%dma_start3A_469, %dma_start3A_470] : memref<10112x128xf32, #tpu.memory_space<vmem_shared>> -> memref<10112x128xf32, #tpu.memory_space<vmem_shared>>
      tpu.enqueue_indirect_dma source(%arg15 : memref<128x128xf32, #tpu.memory_space<vmem>>) target(%dma_start3A_471 : memref<10112x128xf32, #tpu.memory_space<vmem_shared>>) offsets(%arg13 : memref<128xi32, #tpu.memory_space<vmem>>) semaphore(%arg28 : memref<!tpu.dma_semaphore, #tpu.memory_space<semaphore_mem>>) {add = true}
      %add3A_472 = arith.constant 3 : i32
      %add3A_473 = arith.addi %add3A_249, %add3A_472 : i32
      %dma_wait3A_474 = arith.constant 0 : i32
      %dma_wait3A_475 = arith.constant 0 : i32
      %dma_wait3A_476 = tpu.memref_slice %arg2[%arg0, %dma_wait3A_474, %dma_wait3A_475] : memref<2x10112x128xf32, #tpu.memory_space<hbm>> -> memref<1x10112x128xf32, #tpu.memory_space<hbm>>
      %dma_wait3A_477 = tpu.memref_squeeze %dma_wait3A_476 : memref<1x10112x128xf32, #tpu.memory_space<hbm>> -> memref<10112x128xf32, #tpu.memory_space<hbm>>
      %dma_wait3A_478 = arith.constant 0 : i32
      %dma_wait3A_479 = arith.constant 0 : i32
      %dma_wait3A_480 = tpu.memref_slice %dma_wait3A_477[%dma_wait3A_478, %dma_wait3A_479] : memref<10112x128xf32, #tpu.memory_space<hbm>> -> memref<10112x128xf32, #tpu.memory_space<hbm>>
      tpu.wait_indirect_dma semaphore(%arg25 : memref<!tpu.dma_semaphore, #tpu.memory_space<semaphore_mem>>) src(%dma_wait3A_480 : memref<10112x128xf32, #tpu.memory_space<hbm>>) dst(%arg14 : memref<128x128xf32, #tpu.memory_space<vmem>>)
      %dma_wait3A_481 = arith.constant 0 : i32
      %dma_wait3A_482 = arith.constant 0 : i32
      %dma_wait3A_483 = tpu.memref_slice %arg16[%dma_wait3A_481, %dma_wait3A_482] : memref<10112x128xf32, #tpu.memory_space<vmem_shared>> -> memref<10112x128xf32, #tpu.memory_space<vmem_shared>>
      tpu.wait_indirect_dma semaphore(%arg28 : memref<!tpu.dma_semaphore, #tpu.memory_space<semaphore_mem>>) src(%arg15 : memref<128x128xf32, #tpu.memory_space<vmem>>) dst(%dma_wait3A_483 : memref<10112x128xf32, #tpu.memory_space<vmem_shared>>)
      %add3A_484 = arith.constant 3 : i32
      %add3A_485 = arith.addi %add3A_473, %add3A_484 : i32
      %mul3A_486 = arith.constant 128 : i32
      %mul3A_487 = arith.muli %add3A_485, %mul3A_486 : i32
      %add3A_488 = arith.addi %mul3A_2, %mul3A_487 : i32
      %dma_start3A_489 = arith.constant 0 : i32
      %dma_start3A_490 = tpu.memref_slice %arg3[%arg0, %dma_start3A_489] : memref<2x327936xi32, #tpu.memory_space<hbm>> -> memref<1x327936xi32, #tpu.memory_space<hbm>>
      %dma_start3A_491 = tpu.memref_squeeze %dma_start3A_490 : memref<1x327936xi32, #tpu.memory_space<hbm>> -> memref<327936xi32, #tpu.memory_space<hbm>>
      %dma_start3A_492 = tpu.memref_slice %dma_start3A_491[%add3A_488] : memref<327936xi32, #tpu.memory_space<hbm>> -> memref<128xi32, #tpu.memory_space<hbm>>
      %dma_start3A_493 = arith.constant 0 : i32
      %dma_start3A_494 = tpu.memref_slice %arg3[%arg0, %dma_start3A_493] : memref<2x327936xi32, #tpu.memory_space<hbm>> -> memref<1x327936xi32, #tpu.memory_space<hbm>>
      %dma_start3A_495 = tpu.memref_squeeze %dma_start3A_494 : memref<1x327936xi32, #tpu.memory_space<hbm>> -> memref<327936xi32, #tpu.memory_space<hbm>>
      %dma_start3A_496 = tpu.memref_slice %dma_start3A_495[%add3A_488] : memref<327936xi32, #tpu.memory_space<hbm>> -> memref<128xi32, #tpu.memory_space<hbm>>
      tpu.enqueue_dma source(%dma_start3A_496 : memref<128xi32, #tpu.memory_space<hbm>>) target(%arg9 : memref<128xi32, #tpu.memory_space<vmem>>) target_semaphore(%arg20 : memref<!tpu.dma_semaphore, #tpu.memory_space<semaphore_mem>>)
      %add3A_497 = arith.constant 3 : i32
      %add3A_498 = arith.addi %add3A_473, %add3A_497 : i32
      %mul3A_499 = arith.constant 128 : i32
      %mul3A_500 = arith.muli %add3A_498, %mul3A_499 : i32
      %add3A_501 = arith.addi %mul3A_2, %mul3A_500 : i32
      %dma_start3A_502 = arith.constant 0 : i32
      %dma_start3A_503 = tpu.memref_slice %arg4[%arg0, %dma_start3A_502] : memref<2x327936xi32, #tpu.memory_space<hbm>> -> memref<1x327936xi32, #tpu.memory_space<hbm>>
      %dma_start3A_504 = tpu.memref_squeeze %dma_start3A_503 : memref<1x327936xi32, #tpu.memory_space<hbm>> -> memref<327936xi32, #tpu.memory_space<hbm>>
      %dma_start3A_505 = tpu.memref_slice %dma_start3A_504[%add3A_501] : memref<327936xi32, #tpu.memory_space<hbm>> -> memref<128xi32, #tpu.memory_space<hbm>>
      %dma_start3A_506 = arith.constant 0 : i32
      %dma_start3A_507 = tpu.memref_slice %arg4[%arg0, %dma_start3A_506] : memref<2x327936xi32, #tpu.memory_space<hbm>> -> memref<1x327936xi32, #tpu.memory_space<hbm>>
      %dma_start3A_508 = tpu.memref_squeeze %dma_start3A_507 : memref<1x327936xi32, #tpu.memory_space<hbm>> -> memref<327936xi32, #tpu.memory_space<hbm>>
      %dma_start3A_509 = tpu.memref_slice %dma_start3A_508[%add3A_501] : memref<327936xi32, #tpu.memory_space<hbm>> -> memref<128xi32, #tpu.memory_space<hbm>>
      tpu.enqueue_dma source(%dma_start3A_509 : memref<128xi32, #tpu.memory_space<hbm>>) target(%arg13 : memref<128xi32, #tpu.memory_space<vmem>>) target_semaphore(%arg24 : memref<!tpu.dma_semaphore, #tpu.memory_space<semaphore_mem>>)
      %add3A_510 = arith.constant 1 : i32
      %add3A_511 = arith.addi %add3A_473, %add3A_510 : i32
      %mul3A_512 = arith.constant 128 : i32
      %mul3A_513 = arith.muli %add3A_511, %mul3A_512 : i32
      %add3A_514 = arith.addi %mul3A_2, %mul3A_513 : i32
      %dma_wait3A_515 = arith.constant 0 : i32
      %dma_wait3A_516 = tpu.memref_slice %arg3[%arg0, %dma_wait3A_515] : memref<2x327936xi32, #tpu.memory_space<hbm>> -> memref<1x327936xi32, #tpu.memory_space<hbm>>
      %dma_wait3A_517 = tpu.memref_squeeze %dma_wait3A_516 : memref<1x327936xi32, #tpu.memory_space<hbm>> -> memref<327936xi32, #tpu.memory_space<hbm>>
      %dma_wait3A_518 = tpu.memref_slice %dma_wait3A_517[%add3A_514] : memref<327936xi32, #tpu.memory_space<hbm>> -> memref<128xi32, #tpu.memory_space<hbm>>
      %dma_wait3A_519 = arith.constant 0 : i32
      %dma_wait3A_520 = tpu.memref_slice %arg3[%arg0, %dma_wait3A_519] : memref<2x327936xi32, #tpu.memory_space<hbm>> -> memref<1x327936xi32, #tpu.memory_space<hbm>>
      %dma_wait3A_521 = tpu.memref_squeeze %dma_wait3A_520 : memref<1x327936xi32, #tpu.memory_space<hbm>> -> memref<327936xi32, #tpu.memory_space<hbm>>
      %dma_wait3A_522 = tpu.memref_slice %dma_wait3A_521[%add3A_514] : memref<327936xi32, #tpu.memory_space<hbm>> -> memref<128xi32, #tpu.memory_space<hbm>>
      tpu.wait_dma2 semaphore(%arg18 : memref<!tpu.dma_semaphore, #tpu.memory_space<semaphore_mem>>) src(%dma_wait3A_522 : memref<128xi32, #tpu.memory_space<hbm>>) dst(%arg7 : memref<128xi32, #tpu.memory_space<vmem>>)
      %add3A_523 = arith.constant 1 : i32
      %add3A_524 = arith.addi %add3A_473, %add3A_523 : i32
      %mul3A_525 = arith.constant 128 : i32
      %mul3A_526 = arith.muli %add3A_524, %mul3A_525 : i32
      %add3A_527 = arith.addi %mul3A_2, %mul3A_526 : i32
      %dma_wait3A_528 = arith.constant 0 : i32
      %dma_wait3A_529 = tpu.memref_slice %arg4[%arg0, %dma_wait3A_528] : memref<2x327936xi32, #tpu.memory_space<hbm>> -> memref<1x327936xi32, #tpu.memory_space<hbm>>
      %dma_wait3A_530 = tpu.memref_squeeze %dma_wait3A_529 : memref<1x327936xi32, #tpu.memory_space<hbm>> -> memref<327936xi32, #tpu.memory_space<hbm>>
      %dma_wait3A_531 = tpu.memref_slice %dma_wait3A_530[%add3A_527] : memref<327936xi32, #tpu.memory_space<hbm>> -> memref<128xi32, #tpu.memory_space<hbm>>
      %dma_wait3A_532 = arith.constant 0 : i32
      %dma_wait3A_533 = tpu.memref_slice %arg4[%arg0, %dma_wait3A_532] : memref<2x327936xi32, #tpu.memory_space<hbm>> -> memref<1x327936xi32, #tpu.memory_space<hbm>>
      %dma_wait3A_534 = tpu.memref_squeeze %dma_wait3A_533 : memref<1x327936xi32, #tpu.memory_space<hbm>> -> memref<327936xi32, #tpu.memory_space<hbm>>
      %dma_wait3A_535 = tpu.memref_slice %dma_wait3A_534[%add3A_527] : memref<327936xi32, #tpu.memory_space<hbm>> -> memref<128xi32, #tpu.memory_space<hbm>>
      tpu.wait_dma2 semaphore(%arg22 : memref<!tpu.dma_semaphore, #tpu.memory_space<semaphore_mem>>) src(%dma_wait3A_535 : memref<128xi32, #tpu.memory_space<hbm>>) dst(%arg11 : memref<128xi32, #tpu.memory_space<vmem>>)
      %dma_start3A_536 = arith.constant 0 : i32
      %dma_start3A_537 = arith.constant 0 : i32
      %dma_start3A_538 = tpu.memref_slice %arg2[%arg0, %dma_start3A_536, %dma_start3A_537] : memref<2x10112x128xf32, #tpu.memory_space<hbm>> -> memref<1x10112x128xf32, #tpu.memory_space<hbm>>
      %dma_start3A_539 = tpu.memref_squeeze %dma_start3A_538 : memref<1x10112x128xf32, #tpu.memory_space<hbm>> -> memref<10112x128xf32, #tpu.memory_space<hbm>>
      %dma_start3A_540 = arith.constant 0 : i32
      %dma_start3A_541 = arith.constant 0 : i32
      %dma_start3A_542 = tpu.memref_slice %dma_start3A_539[%dma_start3A_540, %dma_start3A_541] : memref<10112x128xf32, #tpu.memory_space<hbm>> -> memref<10112x128xf32, #tpu.memory_space<hbm>>
      tpu.enqueue_indirect_dma source(%dma_start3A_542 : memref<10112x128xf32, #tpu.memory_space<hbm>>) target(%arg15 : memref<128x128xf32, #tpu.memory_space<vmem>>) offsets(%arg7 : memref<128xi32, #tpu.memory_space<vmem>>) semaphore(%arg26 : memref<!tpu.dma_semaphore, #tpu.memory_space<semaphore_mem>>)
      %dma_start3A_543 = arith.constant 0 : i32
      %dma_start3A_544 = arith.constant 0 : i32
      %dma_start3A_545 = tpu.memref_slice %arg16[%dma_start3A_543, %dma_start3A_544] : memref<10112x128xf32, #tpu.memory_space<vmem_shared>> -> memref<10112x128xf32, #tpu.memory_space<vmem_shared>>
      tpu.enqueue_indirect_dma source(%arg14 : memref<128x128xf32, #tpu.memory_space<vmem>>) target(%dma_start3A_545 : memref<10112x128xf32, #tpu.memory_space<vmem_shared>>) offsets(%arg10 : memref<128xi32, #tpu.memory_space<vmem>>) semaphore(%arg27 : memref<!tpu.dma_semaphore, #tpu.memory_space<semaphore_mem>>) {add = true}
    }
    %scan3A_147 = arith.constant 39 : i32
    %dma_wait3A_148 = arith.constant 0 : i32
    %dma_wait3A_149 = arith.constant 0 : i32
    %dma_wait3A_150 = tpu.memref_slice %arg2[%arg0, %dma_wait3A_148, %dma_wait3A_149] : memref<2x10112x128xf32, #tpu.memory_space<hbm>> -> memref<1x10112x128xf32, #tpu.memory_space<hbm>>
    %dma_wait3A_151 = tpu.memref_squeeze %dma_wait3A_150 : memref<1x10112x128xf32, #tpu.memory_space<hbm>> -> memref<10112x128xf32, #tpu.memory_space<hbm>>
    %dma_wait3A_152 = arith.constant 0 : i32
    %dma_wait3A_153 = arith.constant 0 : i32
    %dma_wait3A_154 = tpu.memref_slice %dma_wait3A_151[%dma_wait3A_152, %dma_wait3A_153] : memref<10112x128xf32, #tpu.memory_space<hbm>> -> memref<10112x128xf32, #tpu.memory_space<hbm>>
    tpu.wait_indirect_dma semaphore(%arg26 : memref<!tpu.dma_semaphore, #tpu.memory_space<semaphore_mem>>) src(%dma_wait3A_154 : memref<10112x128xf32, #tpu.memory_space<hbm>>) dst(%arg15 : memref<128x128xf32, #tpu.memory_space<vmem>>)
    %dma_wait3A_155 = arith.constant 0 : i32
    %dma_wait3A_156 = arith.constant 0 : i32
    %dma_wait3A_157 = tpu.memref_slice %arg16[%dma_wait3A_155, %dma_wait3A_156] : memref<10112x128xf32, #tpu.memory_space<vmem_shared>> -> memref<10112x128xf32, #tpu.memory_space<vmem_shared>>
    tpu.wait_indirect_dma semaphore(%arg27 : memref<!tpu.dma_semaphore, #tpu.memory_space<semaphore_mem>>) src(%arg14 : memref<128x128xf32, #tpu.memory_space<vmem>>) dst(%dma_wait3A_157 : memref<10112x128xf32, #tpu.memory_space<vmem_shared>>)
    %add3A_158 = arith.constant 20224 : i32
    %add3A_159 = arith.addi %mul3A_2, %add3A_158 : i32
    %dma_wait3A_160 = arith.constant 0 : i32
    %dma_wait3A_161 = tpu.memref_slice %arg3[%arg0, %dma_wait3A_160] : memref<2x327936xi32, #tpu.memory_space<hbm>> -> memref<1x327936xi32, #tpu.memory_space<hbm>>
    %dma_wait3A_162 = tpu.memref_squeeze %dma_wait3A_161 : memref<1x327936xi32, #tpu.memory_space<hbm>> -> memref<327936xi32, #tpu.memory_space<hbm>>
    %dma_wait3A_163 = tpu.memref_slice %dma_wait3A_162[%add3A_159] : memref<327936xi32, #tpu.memory_space<hbm>> -> memref<128xi32, #tpu.memory_space<hbm>>
    %dma_wait3A_164 = arith.constant 0 : i32
    %dma_wait3A_165 = tpu.memref_slice %arg3[%arg0, %dma_wait3A_164] : memref<2x327936xi32, #tpu.memory_space<hbm>> -> memref<1x327936xi32, #tpu.memory_space<hbm>>
    %dma_wait3A_166 = tpu.memref_squeeze %dma_wait3A_165 : memref<1x327936xi32, #tpu.memory_space<hbm>> -> memref<327936xi32, #tpu.memory_space<hbm>>
    %dma_wait3A_167 = tpu.memref_slice %dma_wait3A_166[%add3A_159] : memref<327936xi32, #tpu.memory_space<hbm>> -> memref<128xi32, #tpu.memory_space<hbm>>
    tpu.wait_dma2 semaphore(%arg19 : memref<!tpu.dma_semaphore, #tpu.memory_space<semaphore_mem>>) src(%dma_wait3A_167 : memref<128xi32, #tpu.memory_space<hbm>>) dst(%arg8 : memref<128xi32, #tpu.memory_space<vmem>>)
    %add3A_168 = arith.constant 20224 : i32
    %add3A_169 = arith.addi %mul3A_2, %add3A_168 : i32
    %dma_wait3A_170 = arith.constant 0 : i32
    %dma_wait3A_171 = tpu.memref_slice %arg4[%arg0, %dma_wait3A_170] : memref<2x327936xi32, #tpu.memory_space<hbm>> -> memref<1x327936xi32, #tpu.memory_space<hbm>>
    %dma_wait3A_172 = tpu.memref_squeeze %dma_wait3A_171 : memref<1x327936xi32, #tpu.memory_space<hbm>> -> memref<327936xi32, #tpu.memory_space<hbm>>
    %dma_wait3A_173 = tpu.memref_slice %dma_wait3A_172[%add3A_169] : memref<327936xi32, #tpu.memory_space<hbm>> -> memref<128xi32, #tpu.memory_space<hbm>>
    %dma_wait3A_174 = arith.constant 0 : i32
    %dma_wait3A_175 = tpu.memref_slice %arg4[%arg0, %dma_wait3A_174] : memref<2x327936xi32, #tpu.memory_space<hbm>> -> memref<1x327936xi32, #tpu.memory_space<hbm>>
    %dma_wait3A_176 = tpu.memref_squeeze %dma_wait3A_175 : memref<1x327936xi32, #tpu.memory_space<hbm>> -> memref<327936xi32, #tpu.memory_space<hbm>>
    %dma_wait3A_177 = tpu.memref_slice %dma_wait3A_176[%add3A_169] : memref<327936xi32, #tpu.memory_space<hbm>> -> memref<128xi32, #tpu.memory_space<hbm>>
    tpu.wait_dma2 semaphore(%arg23 : memref<!tpu.dma_semaphore, #tpu.memory_space<semaphore_mem>>) src(%dma_wait3A_177 : memref<128xi32, #tpu.memory_space<hbm>>) dst(%arg12 : memref<128xi32, #tpu.memory_space<vmem>>)
    %dma_start3A_178 = arith.constant 0 : i32
    %dma_start3A_179 = arith.constant 0 : i32
    %dma_start3A_180 = tpu.memref_slice %arg2[%arg0, %dma_start3A_178, %dma_start3A_179] : memref<2x10112x128xf32, #tpu.memory_space<hbm>> -> memref<1x10112x128xf32, #tpu.memory_space<hbm>>
    %dma_start3A_181 = tpu.memref_squeeze %dma_start3A_180 : memref<1x10112x128xf32, #tpu.memory_space<hbm>> -> memref<10112x128xf32, #tpu.memory_space<hbm>>
    %dma_start3A_182 = arith.constant 0 : i32
    %dma_start3A_183 = arith.constant 0 : i32
    %dma_start3A_184 = tpu.memref_slice %dma_start3A_181[%dma_start3A_182, %dma_start3A_183] : memref<10112x128xf32, #tpu.memory_space<hbm>> -> memref<10112x128xf32, #tpu.memory_space<hbm>>
    tpu.enqueue_indirect_dma source(%dma_start3A_184 : memref<10112x128xf32, #tpu.memory_space<hbm>>) target(%arg14 : memref<128x128xf32, #tpu.memory_space<vmem>>) offsets(%arg8 : memref<128xi32, #tpu.memory_space<vmem>>) semaphore(%arg25 : memref<!tpu.dma_semaphore, #tpu.memory_space<semaphore_mem>>)
    %dma_start3A_185 = arith.constant 0 : i32
    %dma_start3A_186 = arith.constant 0 : i32
    %dma_start3A_187 = tpu.memref_slice %arg16[%dma_start3A_185, %dma_start3A_186] : memref<10112x128xf32, #tpu.memory_space<vmem_shared>> -> memref<10112x128xf32, #tpu.memory_space<vmem_shared>>
    tpu.enqueue_indirect_dma source(%arg15 : memref<128x128xf32, #tpu.memory_space<vmem>>) target(%dma_start3A_187 : memref<10112x128xf32, #tpu.memory_space<vmem_shared>>) offsets(%arg11 : memref<128xi32, #tpu.memory_space<vmem>>) semaphore(%arg28 : memref<!tpu.dma_semaphore, #tpu.memory_space<semaphore_mem>>) {add = true}
    %dma_wait3A_188 = arith.constant 0 : i32
    %dma_wait3A_189 = arith.constant 0 : i32
    %dma_wait3A_190 = tpu.memref_slice %arg2[%arg0, %dma_wait3A_188, %dma_wait3A_189] : memref<2x10112x128xf32, #tpu.memory_space<hbm>> -> memref<1x10112x128xf32, #tpu.memory_space<hbm>>
    %dma_wait3A_191 = tpu.memref_squeeze %dma_wait3A_190 : memref<1x10112x128xf32, #tpu.memory_space<hbm>> -> memref<10112x128xf32, #tpu.memory_space<hbm>>
    %dma_wait3A_192 = arith.constant 0 : i32
    %dma_wait3A_193 = arith.constant 0 : i32
    %dma_wait3A_194 = tpu.memref_slice %dma_wait3A_191[%dma_wait3A_192, %dma_wait3A_193] : memref<10112x128xf32, #tpu.memory_space<hbm>> -> memref<10112x128xf32, #tpu.memory_space<hbm>>
    tpu.wait_indirect_dma semaphore(%arg25 : memref<!tpu.dma_semaphore, #tpu.memory_space<semaphore_mem>>) src(%dma_wait3A_194 : memref<10112x128xf32, #tpu.memory_space<hbm>>) dst(%arg14 : memref<128x128xf32, #tpu.memory_space<vmem>>)
    %dma_wait3A_195 = arith.constant 0 : i32
    %dma_wait3A_196 = arith.constant 0 : i32
    %dma_wait3A_197 = tpu.memref_slice %arg16[%dma_wait3A_195, %dma_wait3A_196] : memref<10112x128xf32, #tpu.memory_space<vmem_shared>> -> memref<10112x128xf32, #tpu.memory_space<vmem_shared>>
    tpu.wait_indirect_dma semaphore(%arg28 : memref<!tpu.dma_semaphore, #tpu.memory_space<semaphore_mem>>) src(%arg15 : memref<128x128xf32, #tpu.memory_space<vmem>>) dst(%dma_wait3A_197 : memref<10112x128xf32, #tpu.memory_space<vmem_shared>>)
    %add3A_198 = arith.constant 20352 : i32
    %add3A_199 = arith.addi %mul3A_2, %add3A_198 : i32
    %dma_wait3A_200 = arith.constant 0 : i32
    %dma_wait3A_201 = tpu.memref_slice %arg3[%arg0, %dma_wait3A_200] : memref<2x327936xi32, #tpu.memory_space<hbm>> -> memref<1x327936xi32, #tpu.memory_space<hbm>>
    %dma_wait3A_202 = tpu.memref_squeeze %dma_wait3A_201 : memref<1x327936xi32, #tpu.memory_space<hbm>> -> memref<327936xi32, #tpu.memory_space<hbm>>
    %dma_wait3A_203 = tpu.memref_slice %dma_wait3A_202[%add3A_199] : memref<327936xi32, #tpu.memory_space<hbm>> -> memref<128xi32, #tpu.memory_space<hbm>>
    %dma_wait3A_204 = arith.constant 0 : i32
    %dma_wait3A_205 = tpu.memref_slice %arg3[%arg0, %dma_wait3A_204] : memref<2x327936xi32, #tpu.memory_space<hbm>> -> memref<1x327936xi32, #tpu.memory_space<hbm>>
    %dma_wait3A_206 = tpu.memref_squeeze %dma_wait3A_205 : memref<1x327936xi32, #tpu.memory_space<hbm>> -> memref<327936xi32, #tpu.memory_space<hbm>>
    %dma_wait3A_207 = tpu.memref_slice %dma_wait3A_206[%add3A_199] : memref<327936xi32, #tpu.memory_space<hbm>> -> memref<128xi32, #tpu.memory_space<hbm>>
    tpu.wait_dma2 semaphore(%arg20 : memref<!tpu.dma_semaphore, #tpu.memory_space<semaphore_mem>>) src(%dma_wait3A_207 : memref<128xi32, #tpu.memory_space<hbm>>) dst(%arg9 : memref<128xi32, #tpu.memory_space<vmem>>)
    %add3A_208 = arith.constant 20352 : i32
    %add3A_209 = arith.addi %mul3A_2, %add3A_208 : i32
    %dma_wait3A_210 = arith.constant 0 : i32
    %dma_wait3A_211 = tpu.memref_slice %arg4[%arg0, %dma_wait3A_210] : memref<2x327936xi32, #tpu.memory_space<hbm>> -> memref<1x327936xi32, #tpu.memory_space<hbm>>
    %dma_wait3A_212 = tpu.memref_squeeze %dma_wait3A_211 : memref<1x327936xi32, #tpu.memory_space<hbm>> -> memref<327936xi32, #tpu.memory_space<hbm>>
    %dma_wait3A_213 = tpu.memref_slice %dma_wait3A_212[%add3A_209] : memref<327936xi32, #tpu.memory_space<hbm>> -> memref<128xi32, #tpu.memory_space<hbm>>
    %dma_wait3A_214 = arith.constant 0 : i32
    %dma_wait3A_215 = tpu.memref_slice %arg4[%arg0, %dma_wait3A_214] : memref<2x327936xi32, #tpu.memory_space<hbm>> -> memref<1x327936xi32, #tpu.memory_space<hbm>>
    %dma_wait3A_216 = tpu.memref_squeeze %dma_wait3A_215 : memref<1x327936xi32, #tpu.memory_space<hbm>> -> memref<327936xi32, #tpu.memory_space<hbm>>
    %dma_wait3A_217 = tpu.memref_slice %dma_wait3A_216[%add3A_209] : memref<327936xi32, #tpu.memory_space<hbm>> -> memref<128xi32, #tpu.memory_space<hbm>>
    tpu.wait_dma2 semaphore(%arg24 : memref<!tpu.dma_semaphore, #tpu.memory_space<semaphore_mem>>) src(%dma_wait3A_217 : memref<128xi32, #tpu.memory_space<hbm>>) dst(%arg13 : memref<128xi32, #tpu.memory_space<vmem>>)
    %dma_start3A_218 = arith.constant 0 : i32
    %dma_start3A_219 = arith.constant 0 : i32
    %dma_start3A_220 = tpu.memref_slice %arg2[%arg0, %dma_start3A_218, %dma_start3A_219] : memref<2x10112x128xf32, #tpu.memory_space<hbm>> -> memref<1x10112x128xf32, #tpu.memory_space<hbm>>
    %dma_start3A_221 = tpu.memref_squeeze %dma_start3A_220 : memref<1x10112x128xf32, #tpu.memory_space<hbm>> -> memref<10112x128xf32, #tpu.memory_space<hbm>>
    %dma_start3A_222 = arith.constant 0 : i32
    %dma_start3A_223 = arith.constant 0 : i32
    %dma_start3A_224 = tpu.memref_slice %dma_start3A_221[%dma_start3A_222, %dma_start3A_223] : memref<10112x128xf32, #tpu.memory_space<hbm>> -> memref<10112x128xf32, #tpu.memory_space<hbm>>
    tpu.enqueue_indirect_dma source(%dma_start3A_224 : memref<10112x128xf32, #tpu.memory_space<hbm>>) target(%arg15 : memref<128x128xf32, #tpu.memory_space<vmem>>) offsets(%arg9 : memref<128xi32, #tpu.memory_space<vmem>>) semaphore(%arg26 : memref<!tpu.dma_semaphore, #tpu.memory_space<semaphore_mem>>)
    %dma_start3A_225 = arith.constant 0 : i32
    %dma_start3A_226 = arith.constant 0 : i32
    %dma_start3A_227 = tpu.memref_slice %arg16[%dma_start3A_225, %dma_start3A_226] : memref<10112x128xf32, #tpu.memory_space<vmem_shared>> -> memref<10112x128xf32, #tpu.memory_space<vmem_shared>>
    tpu.enqueue_indirect_dma source(%arg14 : memref<128x128xf32, #tpu.memory_space<vmem>>) target(%dma_start3A_227 : memref<10112x128xf32, #tpu.memory_space<vmem_shared>>) offsets(%arg12 : memref<128xi32, #tpu.memory_space<vmem>>) semaphore(%arg27 : memref<!tpu.dma_semaphore, #tpu.memory_space<semaphore_mem>>) {add = true}
    %dma_wait3A_228 = arith.constant 0 : i32
    %dma_wait3A_229 = arith.constant 0 : i32
    %dma_wait3A_230 = tpu.memref_slice %arg2[%arg0, %dma_wait3A_228, %dma_wait3A_229] : memref<2x10112x128xf32, #tpu.memory_space<hbm>> -> memref<1x10112x128xf32, #tpu.memory_space<hbm>>
    %dma_wait3A_231 = tpu.memref_squeeze %dma_wait3A_230 : memref<1x10112x128xf32, #tpu.memory_space<hbm>> -> memref<10112x128xf32, #tpu.memory_space<hbm>>
    %dma_wait3A_232 = arith.constant 0 : i32
    %dma_wait3A_233 = arith.constant 0 : i32
    %dma_wait3A_234 = tpu.memref_slice %dma_wait3A_231[%dma_wait3A_232, %dma_wait3A_233] : memref<10112x128xf32, #tpu.memory_space<hbm>> -> memref<10112x128xf32, #tpu.memory_space<hbm>>
    tpu.wait_indirect_dma semaphore(%arg26 : memref<!tpu.dma_semaphore, #tpu.memory_space<semaphore_mem>>) src(%dma_wait3A_234 : memref<10112x128xf32, #tpu.memory_space<hbm>>) dst(%arg15 : memref<128x128xf32, #tpu.memory_space<vmem>>)
    %dma_wait3A_235 = arith.constant 0 : i32
    %dma_wait3A_236 = arith.constant 0 : i32
    %dma_wait3A_237 = tpu.memref_slice %arg16[%dma_wait3A_235, %dma_wait3A_236] : memref<10112x128xf32, #tpu.memory_space<vmem_shared>> -> memref<10112x128xf32, #tpu.memory_space<vmem_shared>>
    tpu.wait_indirect_dma semaphore(%arg27 : memref<!tpu.dma_semaphore, #tpu.memory_space<semaphore_mem>>) src(%arg14 : memref<128x128xf32, #tpu.memory_space<vmem>>) dst(%dma_wait3A_237 : memref<10112x128xf32, #tpu.memory_space<vmem_shared>>)
    %dma_start3A_238 = arith.constant 0 : i32
    %dma_start3A_239 = arith.constant 0 : i32
    %dma_start3A_240 = tpu.memref_slice %arg16[%dma_start3A_238, %dma_start3A_239] : memref<10112x128xf32, #tpu.memory_space<vmem_shared>> -> memref<10112x128xf32, #tpu.memory_space<vmem_shared>>
    tpu.enqueue_indirect_dma source(%arg15 : memref<128x128xf32, #tpu.memory_space<vmem>>) target(%dma_start3A_240 : memref<10112x128xf32, #tpu.memory_space<vmem_shared>>) offsets(%arg13 : memref<128xi32, #tpu.memory_space<vmem>>) semaphore(%arg28 : memref<!tpu.dma_semaphore, #tpu.memory_space<semaphore_mem>>) {add = true}
    %dma_wait3A_241 = arith.constant 0 : i32
    %dma_wait3A_242 = arith.constant 0 : i32
    %dma_wait3A_243 = tpu.memref_slice %arg16[%dma_wait3A_241, %dma_wait3A_242] : memref<10112x128xf32, #tpu.memory_space<vmem_shared>> -> memref<10112x128xf32, #tpu.memory_space<vmem_shared>>
    tpu.wait_indirect_dma semaphore(%arg28 : memref<!tpu.dma_semaphore, #tpu.memory_space<semaphore_mem>>) src(%arg15 : memref<128x128xf32, #tpu.memory_space<vmem>>) dst(%dma_wait3A_243 : memref<10112x128xf32, #tpu.memory_space<vmem_shared>>)
    %barrier3A_244 = arith.constant 0 : index
    tpu.barrier barrier_id(%barrier3A_244)
    "tpu.region"() ({
      %run_scoped3A = tpu.sem_alloc : memref<!tpu.dma_semaphore, #tpu.memory_space<semaphore_mem>>
      %dma_start3A_245 = arith.constant 0 : i32
      %dma_start3A_246 = arith.constant 0 : i32
      %dma_start3A_247 = tpu.memref_slice %arg5[%arg0, %dma_start3A_245, %dma_start3A_246] : memref<2x10112x128xf32, #tpu.memory_space<hbm>> -> memref<1x10112x128xf32, #tpu.memory_space<hbm>>
      %dma_start3A_248 = tpu.memref_squeeze %dma_start3A_247 : memref<1x10112x128xf32, #tpu.memory_space<hbm>> -> memref<10112x128xf32, #tpu.memory_space<hbm>>
      %dma_start3A_249 = arith.constant 0 : i32
      %dma_start3A_250 = tpu.memref_slice %dma_start3A_248[%mul3A_0, %dma_start3A_249] : memref<10112x128xf32, #tpu.memory_space<hbm>> -> memref<632x128xf32, #tpu.memory_space<hbm>>
      %dma_start3A_251 = arith.constant 0 : i32
      %dma_start3A_252 = tpu.memref_slice %arg16[%mul3A_0, %dma_start3A_251] : memref<10112x128xf32, #tpu.memory_space<vmem_shared>> -> memref<632x128xf32, #tpu.memory_space<vmem_shared>>
      tpu.enqueue_dma source(%dma_start3A_252 : memref<632x128xf32, #tpu.memory_space<vmem_shared>>) target(%dma_start3A_250 : memref<632x128xf32, #tpu.memory_space<hbm>>) target_semaphore(%run_scoped3A : memref<!tpu.dma_semaphore, #tpu.memory_space<semaphore_mem>>)
      %dma_wait3A_253 = arith.constant 0 : i32
      %dma_wait3A_254 = arith.constant 0 : i32
      %dma_wait3A_255 = tpu.memref_slice %arg5[%arg0, %dma_wait3A_253, %dma_wait3A_254] : memref<2x10112x128xf32, #tpu.memory_space<hbm>> -> memref<1x10112x128xf32, #tpu.memory_space<hbm>>
      %dma_wait3A_256 = tpu.memref_squeeze %dma_wait3A_255 : memref<1x10112x128xf32, #tpu.memory_space<hbm>> -> memref<10112x128xf32, #tpu.memory_space<hbm>>
      %dma_wait3A_257 = arith.constant 0 : i32
      %dma_wait3A_258 = tpu.memref_slice %dma_wait3A_256[%mul3A_0, %dma_wait3A_257] : memref<10112x128xf32, #tpu.memory_space<hbm>> -> memref<632x128xf32, #tpu.memory_space<hbm>>
      %dma_wait3A_259 = arith.constant 0 : i32
      %dma_wait3A_260 = tpu.memref_slice %arg16[%mul3A_0, %dma_wait3A_259] : memref<10112x128xf32, #tpu.memory_space<vmem_shared>> -> memref<632x128xf32, #tpu.memory_space<vmem_shared>>
      tpu.wait_dma2 semaphore(%run_scoped3A : memref<!tpu.dma_semaphore, #tpu.memory_space<semaphore_mem>>) src(%dma_wait3A_260 : memref<632x128xf32, #tpu.memory_space<vmem_shared>>) dst(%dma_wait3A_258 : memref<632x128xf32, #tpu.memory_space<hbm>>)
      tpu.yield
    }) : () -> ()
    return
  }
}

#map = affine_map<(d0, d1) -> (0, 0, 0)>
#map1 = affine_map<(d0, d1) -> (0, 0)>
module attributes {stable_mosaic.version = 14 : i64} {
  func.func @k(%arg0: i32, %arg1: i32, %arg2: memref<2x10112x128xf32, #tpu.memory_space<hbm>>, %arg3: memref<2x327936xi32, #tpu.memory_space<hbm>>, %arg4: memref<2x327936xi32, #tpu.memory_space<hbm>>, %arg5: memref<2x10112x128xf32, #tpu.memory_space<hbm>>, %arg6: memref<128xi32, #tpu.memory_space<vmem>>, %arg7: memref<128xi32, #tpu.memory_space<vmem>>, %arg8: memref<128xi32, #tpu.memory_space<vmem>>, %arg9: memref<128xi32, #tpu.memory_space<vmem>>, %arg10: memref<128xi32, #tpu.memory_space<vmem>>, %arg11: memref<128xi32, #tpu.memory_space<vmem>>, %arg12: memref<128xi32, #tpu.memory_space<vmem>>, %arg13: memref<128xi32, #tpu.memory_space<vmem>>, %arg14: memref<128x128xf32, #tpu.memory_space<vmem>>, %arg15: memref<128x128xf32, #tpu.memory_space<vmem>>, %arg16: memref<10112x128xf32, #tpu.memory_space<vmem_shared>>, %arg17: memref<!tpu.dma_semaphore, #tpu.memory_space<semaphore_mem>>, %arg18: memref<!tpu.dma_semaphore, #tpu.memory_space<semaphore_mem>>, %arg19: memref<!tpu.dma_semaphore, #tpu.memory_space<semaphore_mem>>, %arg20: memref<!tpu.dma_semaphore, #tpu.memory_space<semaphore_mem>>, %arg21: memref<!tpu.dma_semaphore, #tpu.memory_space<semaphore_mem>>, %arg22: memref<!tpu.dma_semaphore, #tpu.memory_space<semaphore_mem>>, %arg23: memref<!tpu.dma_semaphore, #tpu.memory_space<semaphore_mem>>, %arg24: memref<!tpu.dma_semaphore, #tpu.memory_space<semaphore_mem>>, %arg25: memref<!tpu.dma_semaphore, #tpu.memory_space<semaphore_mem>>, %arg26: memref<!tpu.dma_semaphore, #tpu.memory_space<semaphore_mem>>, %arg27: memref<!tpu.dma_semaphore, #tpu.memory_space<semaphore_mem>>, %arg28: memref<!tpu.dma_semaphore, #tpu.memory_space<semaphore_mem>>) attributes {dimension_semantics = [#tpu.dimension_semantics<core_parallel>, #tpu.dimension_semantics<subcore_parallel>], iteration_bounds = array<i64: 2, 16>, scalar_prefetch = 0 : i64, scratch_operands = 23 : i64, tpu.core_type = #tpu.core_type<sc_vector_subcore>, window_params = [{transform_indices = #map}, {transform_indices = #map1}, {transform_indices = #map1}, {transform_indices = #map}]} {
    %mul3A = arith.constant 632 : i32
    %mul3A_0 = arith.muli %arg1, %mul3A : i32
    %mul3A_1 = arith.constant 20480 : i32
    %mul3A_2 = arith.muli %arg1, %mul3A_1 : i32
    "tpu.region"() ({
      %run_scoped3A = tpu.sem_alloc : memref<!tpu.dma_semaphore, #tpu.memory_space<semaphore_mem>>
      %dma_start3A_245 = arith.constant 0 : i32
      %dma_start3A_246 = tpu.memref_slice %arg16[%mul3A_0, %dma_start3A_245] : memref<10112x128xf32, #tpu.memory_space<vmem_shared>> -> memref<632x128xf32, #tpu.memory_space<vmem_shared>>
      %dma_start3A_247 = arith.constant 0 : i32
      %dma_start3A_248 = arith.constant 0 : i32
      %dma_start3A_249 = tpu.memref_slice %arg2[%arg0, %dma_start3A_247, %dma_start3A_248] : memref<2x10112x128xf32, #tpu.memory_space<hbm>> -> memref<1x10112x128xf32, #tpu.memory_space<hbm>>
      %dma_start3A_250 = tpu.memref_squeeze %dma_start3A_249 : memref<1x10112x128xf32, #tpu.memory_space<hbm>> -> memref<10112x128xf32, #tpu.memory_space<hbm>>
      %dma_start3A_251 = arith.constant 0 : i32
      %dma_start3A_252 = tpu.memref_slice %dma_start3A_250[%mul3A_0, %dma_start3A_251] : memref<10112x128xf32, #tpu.memory_space<hbm>> -> memref<632x128xf32, #tpu.memory_space<hbm>>
      tpu.enqueue_dma source(%dma_start3A_252 : memref<632x128xf32, #tpu.memory_space<hbm>>) target(%dma_start3A_246 : memref<632x128xf32, #tpu.memory_space<vmem_shared>>) target_semaphore(%run_scoped3A : memref<!tpu.dma_semaphore, #tpu.memory_space<semaphore_mem>>)
      %dma_wait3A_253 = arith.constant 0 : i32
      %dma_wait3A_254 = tpu.memref_slice %arg16[%mul3A_0, %dma_wait3A_253] : memref<10112x128xf32, #tpu.memory_space<vmem_shared>> -> memref<632x128xf32, #tpu.memory_space<vmem_shared>>
      %dma_wait3A_255 = arith.constant 0 : i32
      %dma_wait3A_256 = arith.constant 0 : i32
      %dma_wait3A_257 = tpu.memref_slice %arg2[%arg0, %dma_wait3A_255, %dma_wait3A_256] : memref<2x10112x128xf32, #tpu.memory_space<hbm>> -> memref<1x10112x128xf32, #tpu.memory_space<hbm>>
      %dma_wait3A_258 = tpu.memref_squeeze %dma_wait3A_257 : memref<1x10112x128xf32, #tpu.memory_space<hbm>> -> memref<10112x128xf32, #tpu.memory_space<hbm>>
      %dma_wait3A_259 = arith.constant 0 : i32
      %dma_wait3A_260 = tpu.memref_slice %dma_wait3A_258[%mul3A_0, %dma_wait3A_259] : memref<10112x128xf32, #tpu.memory_space<hbm>> -> memref<632x128xf32, #tpu.memory_space<hbm>>
      tpu.wait_dma2 semaphore(%run_scoped3A : memref<!tpu.dma_semaphore, #tpu.memory_space<semaphore_mem>>) src(%dma_wait3A_260 : memref<632x128xf32, #tpu.memory_space<hbm>>) dst(%dma_wait3A_254 : memref<632x128xf32, #tpu.memory_space<vmem_shared>>)
      tpu.yield
    }) : () -> ()
    %barrier3A = arith.constant 0 : index
    tpu.barrier barrier_id(%barrier3A)
    %add3A = arith.constant 0 : i32
    %add3A_3 = arith.addi %mul3A_2, %add3A : i32
    %dma_start3A = arith.constant 0 : i32
    %dma_start3A_4 = tpu.memref_slice %arg3[%arg0, %dma_start3A] : memref<2x327936xi32, #tpu.memory_space<hbm>> -> memref<1x327936xi32, #tpu.memory_space<hbm>>
    %dma_start3A_5 = tpu.memref_squeeze %dma_start3A_4 : memref<1x327936xi32, #tpu.memory_space<hbm>> -> memref<327936xi32, #tpu.memory_space<hbm>>
    %dma_start3A_6 = tpu.memref_slice %dma_start3A_5[%add3A_3] : memref<327936xi32, #tpu.memory_space<hbm>> -> memref<128xi32, #tpu.memory_space<hbm>>
    %dma_start3A_7 = arith.constant 0 : i32
    %dma_start3A_8 = tpu.memref_slice %arg3[%arg0, %dma_start3A_7] : memref<2x327936xi32, #tpu.memory_space<hbm>> -> memref<1x327936xi32, #tpu.memory_space<hbm>>
    %dma_start3A_9 = tpu.memref_squeeze %dma_start3A_8 : memref<1x327936xi32, #tpu.memory_space<hbm>> -> memref<327936xi32, #tpu.memory_space<hbm>>
    %dma_start3A_10 = tpu.memref_slice %dma_start3A_9[%add3A_3] : memref<327936xi32, #tpu.memory_space<hbm>> -> memref<128xi32, #tpu.memory_space<hbm>>
    tpu.enqueue_dma source(%dma_start3A_10 : memref<128xi32, #tpu.memory_space<hbm>>) target(%arg6 : memref<128xi32, #tpu.memory_space<vmem>>) target_semaphore(%arg17 : memref<!tpu.dma_semaphore, #tpu.memory_space<semaphore_mem>>)
    %add3A_11 = arith.constant 0 : i32
    %add3A_12 = arith.addi %mul3A_2, %add3A_11 : i32
    %dma_start3A_13 = arith.constant 0 : i32
    %dma_start3A_14 = tpu.memref_slice %arg4[%arg0, %dma_start3A_13] : memref<2x327936xi32, #tpu.memory_space<hbm>> -> memref<1x327936xi32, #tpu.memory_space<hbm>>
    %dma_start3A_15 = tpu.memref_squeeze %dma_start3A_14 : memref<1x327936xi32, #tpu.memory_space<hbm>> -> memref<327936xi32, #tpu.memory_space<hbm>>
    %dma_start3A_16 = tpu.memref_slice %dma_start3A_15[%add3A_12] : memref<327936xi32, #tpu.memory_space<hbm>> -> memref<128xi32, #tpu.memory_space<hbm>>
    %dma_start3A_17 = arith.constant 0 : i32
    %dma_start3A_18 = tpu.memref_slice %arg4[%arg0, %dma_start3A_17] : memref<2x327936xi32, #tpu.memory_space<hbm>> -> memref<1x327936xi32, #tpu.memory_space<hbm>>
    %dma_start3A_19 = tpu.memref_squeeze %dma_start3A_18 : memref<1x327936xi32, #tpu.memory_space<hbm>> -> memref<327936xi32, #tpu.memory_space<hbm>>
    %dma_start3A_20 = tpu.memref_slice %dma_start3A_19[%add3A_12] : memref<327936xi32, #tpu.memory_space<hbm>> -> memref<128xi32, #tpu.memory_space<hbm>>
    tpu.enqueue_dma source(%dma_start3A_20 : memref<128xi32, #tpu.memory_space<hbm>>) target(%arg10 : memref<128xi32, #tpu.memory_space<vmem>>) target_semaphore(%arg21 : memref<!tpu.dma_semaphore, #tpu.memory_space<semaphore_mem>>)
    %add3A_21 = arith.constant 128 : i32
    %add3A_22 = arith.addi %mul3A_2, %add3A_21 : i32
    %dma_start3A_23 = arith.constant 0 : i32
    %dma_start3A_24 = tpu.memref_slice %arg3[%arg0, %dma_start3A_23] : memref<2x327936xi32, #tpu.memory_space<hbm>> -> memref<1x327936xi32, #tpu.memory_space<hbm>>
    %dma_start3A_25 = tpu.memref_squeeze %dma_start3A_24 : memref<1x327936xi32, #tpu.memory_space<hbm>> -> memref<327936xi32, #tpu.memory_space<hbm>>
    %dma_start3A_26 = tpu.memref_slice %dma_start3A_25[%add3A_22] : memref<327936xi32, #tpu.memory_space<hbm>> -> memref<128xi32, #tpu.memory_space<hbm>>
    %dma_start3A_27 = arith.constant 0 : i32
    %dma_start3A_28 = tpu.memref_slice %arg3[%arg0, %dma_start3A_27] : memref<2x327936xi32, #tpu.memory_space<hbm>> -> memref<1x327936xi32, #tpu.memory_space<hbm>>
    %dma_start3A_29 = tpu.memref_squeeze %dma_start3A_28 : memref<1x327936xi32, #tpu.memory_space<hbm>> -> memref<327936xi32, #tpu.memory_space<hbm>>
    %dma_start3A_30 = tpu.memref_slice %dma_start3A_29[%add3A_22] : memref<327936xi32, #tpu.memory_space<hbm>> -> memref<128xi32, #tpu.memory_space<hbm>>
    tpu.enqueue_dma source(%dma_start3A_30 : memref<128xi32, #tpu.memory_space<hbm>>) target(%arg7 : memref<128xi32, #tpu.memory_space<vmem>>) target_semaphore(%arg18 : memref<!tpu.dma_semaphore, #tpu.memory_space<semaphore_mem>>)
    %add3A_31 = arith.constant 128 : i32
    %add3A_32 = arith.addi %mul3A_2, %add3A_31 : i32
    %dma_start3A_33 = arith.constant 0 : i32
    %dma_start3A_34 = tpu.memref_slice %arg4[%arg0, %dma_start3A_33] : memref<2x327936xi32, #tpu.memory_space<hbm>> -> memref<1x327936xi32, #tpu.memory_space<hbm>>
    %dma_start3A_35 = tpu.memref_squeeze %dma_start3A_34 : memref<1x327936xi32, #tpu.memory_space<hbm>> -> memref<327936xi32, #tpu.memory_space<hbm>>
    %dma_start3A_36 = tpu.memref_slice %dma_start3A_35[%add3A_32] : memref<327936xi32, #tpu.memory_space<hbm>> -> memref<128xi32, #tpu.memory_space<hbm>>
    %dma_start3A_37 = arith.constant 0 : i32
    %dma_start3A_38 = tpu.memref_slice %arg4[%arg0, %dma_start3A_37] : memref<2x327936xi32, #tpu.memory_space<hbm>> -> memref<1x327936xi32, #tpu.memory_space<hbm>>
    %dma_start3A_39 = tpu.memref_squeeze %dma_start3A_38 : memref<1x327936xi32, #tpu.memory_space<hbm>> -> memref<327936xi32, #tpu.memory_space<hbm>>
    %dma_start3A_40 = tpu.memref_slice %dma_start3A_39[%add3A_32] : memref<327936xi32, #tpu.memory_space<hbm>> -> memref<128xi32, #tpu.memory_space<hbm>>
    tpu.enqueue_dma source(%dma_start3A_40 : memref<128xi32, #tpu.memory_space<hbm>>) target(%arg11 : memref<128xi32, #tpu.memory_space<vmem>>) target_semaphore(%arg22 : memref<!tpu.dma_semaphore, #tpu.memory_space<semaphore_mem>>)
    %add3A_41 = arith.constant 256 : i32
    %add3A_42 = arith.addi %mul3A_2, %add3A_41 : i32
    %dma_start3A_43 = arith.constant 0 : i32
    %dma_start3A_44 = tpu.memref_slice %arg3[%arg0, %dma_start3A_43] : memref<2x327936xi32, #tpu.memory_space<hbm>> -> memref<1x327936xi32, #tpu.memory_space<hbm>>
    %dma_start3A_45 = tpu.memref_squeeze %dma_start3A_44 : memref<1x327936xi32, #tpu.memory_space<hbm>> -> memref<327936xi32, #tpu.memory_space<hbm>>
    %dma_start3A_46 = tpu.memref_slice %dma_start3A_45[%add3A_42] : memref<327936xi32, #tpu.memory_space<hbm>> -> memref<128xi32, #tpu.memory_space<hbm>>
    %dma_start3A_47 = arith.constant 0 : i32
    %dma_start3A_48 = tpu.memref_slice %arg3[%arg0, %dma_start3A_47] : memref<2x327936xi32, #tpu.memory_space<hbm>> -> memref<1x327936xi32, #tpu.memory_space<hbm>>
    %dma_start3A_49 = tpu.memref_squeeze %dma_start3A_48 : memref<1x327936xi32, #tpu.memory_space<hbm>> -> memref<327936xi32, #tpu.memory_space<hbm>>
    %dma_start3A_50 = tpu.memref_slice %dma_start3A_49[%add3A_42] : memref<327936xi32, #tpu.memory_space<hbm>> -> memref<128xi32, #tpu.memory_space<hbm>>
    tpu.enqueue_dma source(%dma_start3A_50 : memref<128xi32, #tpu.memory_space<hbm>>) target(%arg8 : memref<128xi32, #tpu.memory_space<vmem>>) target_semaphore(%arg19 : memref<!tpu.dma_semaphore, #tpu.memory_space<semaphore_mem>>)
    %add3A_51 = arith.constant 256 : i32
    %add3A_52 = arith.addi %mul3A_2, %add3A_51 : i32
    %dma_start3A_53 = arith.constant 0 : i32
    %dma_start3A_54 = tpu.memref_slice %arg4[%arg0, %dma_start3A_53] : memref<2x327936xi32, #tpu.memory_space<hbm>> -> memref<1x327936xi32, #tpu.memory_space<hbm>>
    %dma_start3A_55 = tpu.memref_squeeze %dma_start3A_54 : memref<1x327936xi32, #tpu.memory_space<hbm>> -> memref<327936xi32, #tpu.memory_space<hbm>>
    %dma_start3A_56 = tpu.memref_slice %dma_start3A_55[%add3A_52] : memref<327936xi32, #tpu.memory_space<hbm>> -> memref<128xi32, #tpu.memory_space<hbm>>
    %dma_start3A_57 = arith.constant 0 : i32
    %dma_start3A_58 = tpu.memref_slice %arg4[%arg0, %dma_start3A_57] : memref<2x327936xi32, #tpu.memory_space<hbm>> -> memref<1x327936xi32, #tpu.memory_space<hbm>>
    %dma_start3A_59 = tpu.memref_squeeze %dma_start3A_58 : memref<1x327936xi32, #tpu.memory_space<hbm>> -> memref<327936xi32, #tpu.memory_space<hbm>>
    %dma_start3A_60 = tpu.memref_slice %dma_start3A_59[%add3A_52] : memref<327936xi32, #tpu.memory_space<hbm>> -> memref<128xi32, #tpu.memory_space<hbm>>
    tpu.enqueue_dma source(%dma_start3A_60 : memref<128xi32, #tpu.memory_space<hbm>>) target(%arg12 : memref<128xi32, #tpu.memory_space<vmem>>) target_semaphore(%arg23 : memref<!tpu.dma_semaphore, #tpu.memory_space<semaphore_mem>>)
    %add3A_61 = arith.constant 0 : i32
    %add3A_62 = arith.addi %mul3A_2, %add3A_61 : i32
    %dma_wait3A = arith.constant 0 : i32
    %dma_wait3A_63 = tpu.memref_slice %arg3[%arg0, %dma_wait3A] : memref<2x327936xi32, #tpu.memory_space<hbm>> -> memref<1x327936xi32, #tpu.memory_space<hbm>>
    %dma_wait3A_64 = tpu.memref_squeeze %dma_wait3A_63 : memref<1x327936xi32, #tpu.memory_space<hbm>> -> memref<327936xi32, #tpu.memory_space<hbm>>
    %dma_wait3A_65 = tpu.memref_slice %dma_wait3A_64[%add3A_62] : memref<327936xi32, #tpu.memory_space<hbm>> -> memref<128xi32, #tpu.memory_space<hbm>>
    %dma_wait3A_66 = arith.constant 0 : i32
    %dma_wait3A_67 = tpu.memref_slice %arg3[%arg0, %dma_wait3A_66] : memref<2x327936xi32, #tpu.memory_space<hbm>> -> memref<1x327936xi32, #tpu.memory_space<hbm>>
    %dma_wait3A_68 = tpu.memref_squeeze %dma_wait3A_67 : memref<1x327936xi32, #tpu.memory_space<hbm>> -> memref<327936xi32, #tpu.memory_space<hbm>>
    %dma_wait3A_69 = tpu.memref_slice %dma_wait3A_68[%add3A_62] : memref<327936xi32, #tpu.memory_space<hbm>> -> memref<128xi32, #tpu.memory_space<hbm>>
    tpu.wait_dma2 semaphore(%arg17 : memref<!tpu.dma_semaphore, #tpu.memory_space<semaphore_mem>>) src(%dma_wait3A_69 : memref<128xi32, #tpu.memory_space<hbm>>) dst(%arg6 : memref<128xi32, #tpu.memory_space<vmem>>)
    %dma_start3A_70 = arith.constant 0 : i32
    %dma_start3A_71 = arith.constant 0 : i32
    %dma_start3A_72 = tpu.memref_slice %arg2[%arg0, %dma_start3A_70, %dma_start3A_71] : memref<2x10112x128xf32, #tpu.memory_space<hbm>> -> memref<1x10112x128xf32, #tpu.memory_space<hbm>>
    %dma_start3A_73 = tpu.memref_squeeze %dma_start3A_72 : memref<1x10112x128xf32, #tpu.memory_space<hbm>> -> memref<10112x128xf32, #tpu.memory_space<hbm>>
    %dma_start3A_74 = arith.constant 0 : i32
    %dma_start3A_75 = arith.constant 0 : i32
    %dma_start3A_76 = tpu.memref_slice %dma_start3A_73[%dma_start3A_74, %dma_start3A_75] : memref<10112x128xf32, #tpu.memory_space<hbm>> -> memref<10112x128xf32, #tpu.memory_space<hbm>>
    tpu.enqueue_indirect_dma source(%dma_start3A_76 : memref<10112x128xf32, #tpu.memory_space<hbm>>) target(%arg14 : memref<128x128xf32, #tpu.memory_space<vmem>>) offsets(%arg6 : memref<128xi32, #tpu.memory_space<vmem>>) semaphore(%arg25 : memref<!tpu.dma_semaphore, #tpu.memory_space<semaphore_mem>>)
    %dma_wait3A_77 = arith.constant 0 : i32
    %dma_wait3A_78 = arith.constant 0 : i32
    %dma_wait3A_79 = tpu.memref_slice %arg2[%arg0, %dma_wait3A_77, %dma_wait3A_78] : memref<2x10112x128xf32, #tpu.memory_space<hbm>> -> memref<1x10112x128xf32, #tpu.memory_space<hbm>>
    %dma_wait3A_80 = tpu.memref_squeeze %dma_wait3A_79 : memref<1x10112x128xf32, #tpu.memory_space<hbm>> -> memref<10112x128xf32, #tpu.memory_space<hbm>>
    %dma_wait3A_81 = arith.constant 0 : i32
    %dma_wait3A_82 = arith.constant 0 : i32
    %dma_wait3A_83 = tpu.memref_slice %dma_wait3A_80[%dma_wait3A_81, %dma_wait3A_82] : memref<10112x128xf32, #tpu.memory_space<hbm>> -> memref<10112x128xf32, #tpu.memory_space<hbm>>
    tpu.wait_indirect_dma semaphore(%arg25 : memref<!tpu.dma_semaphore, #tpu.memory_space<semaphore_mem>>) src(%dma_wait3A_83 : memref<10112x128xf32, #tpu.memory_space<hbm>>) dst(%arg14 : memref<128x128xf32, #tpu.memory_space<vmem>>)
    %add3A_84 = arith.constant 384 : i32
    %add3A_85 = arith.addi %mul3A_2, %add3A_84 : i32
    %dma_start3A_86 = arith.constant 0 : i32
    %dma_start3A_87 = tpu.memref_slice %arg3[%arg0, %dma_start3A_86] : memref<2x327936xi32, #tpu.memory_space<hbm>> -> memref<1x327936xi32, #tpu.memory_space<hbm>>
    %dma_start3A_88 = tpu.memref_squeeze %dma_start3A_87 : memref<1x327936xi32, #tpu.memory_space<hbm>> -> memref<327936xi32, #tpu.memory_space<hbm>>
    %dma_start3A_89 = tpu.memref_slice %dma_start3A_88[%add3A_85] : memref<327936xi32, #tpu.memory_space<hbm>> -> memref<128xi32, #tpu.memory_space<hbm>>
    %dma_start3A_90 = arith.constant 0 : i32
    %dma_start3A_91 = tpu.memref_slice %arg3[%arg0, %dma_start3A_90] : memref<2x327936xi32, #tpu.memory_space<hbm>> -> memref<1x327936xi32, #tpu.memory_space<hbm>>
    %dma_start3A_92 = tpu.memref_squeeze %dma_start3A_91 : memref<1x327936xi32, #tpu.memory_space<hbm>> -> memref<327936xi32, #tpu.memory_space<hbm>>
    %dma_start3A_93 = tpu.memref_slice %dma_start3A_92[%add3A_85] : memref<327936xi32, #tpu.memory_space<hbm>> -> memref<128xi32, #tpu.memory_space<hbm>>
    tpu.enqueue_dma source(%dma_start3A_93 : memref<128xi32, #tpu.memory_space<hbm>>) target(%arg9 : memref<128xi32, #tpu.memory_space<vmem>>) target_semaphore(%arg20 : memref<!tpu.dma_semaphore, #tpu.memory_space<semaphore_mem>>)
    %add3A_94 = arith.constant 384 : i32
    %add3A_95 = arith.addi %mul3A_2, %add3A_94 : i32
    %dma_start3A_96 = arith.constant 0 : i32
    %dma_start3A_97 = tpu.memref_slice %arg4[%arg0, %dma_start3A_96] : memref<2x327936xi32, #tpu.memory_space<hbm>> -> memref<1x327936xi32, #tpu.memory_space<hbm>>
    %dma_start3A_98 = tpu.memref_squeeze %dma_start3A_97 : memref<1x327936xi32, #tpu.memory_space<hbm>> -> memref<327936xi32, #tpu.memory_space<hbm>>
    %dma_start3A_99 = tpu.memref_slice %dma_start3A_98[%add3A_95] : memref<327936xi32, #tpu.memory_space<hbm>> -> memref<128xi32, #tpu.memory_space<hbm>>
    %dma_start3A_100 = arith.constant 0 : i32
    %dma_start3A_101 = tpu.memref_slice %arg4[%arg0, %dma_start3A_100] : memref<2x327936xi32, #tpu.memory_space<hbm>> -> memref<1x327936xi32, #tpu.memory_space<hbm>>
    %dma_start3A_102 = tpu.memref_squeeze %dma_start3A_101 : memref<1x327936xi32, #tpu.memory_space<hbm>> -> memref<327936xi32, #tpu.memory_space<hbm>>
    %dma_start3A_103 = tpu.memref_slice %dma_start3A_102[%add3A_95] : memref<327936xi32, #tpu.memory_space<hbm>> -> memref<128xi32, #tpu.memory_space<hbm>>
    tpu.enqueue_dma source(%dma_start3A_103 : memref<128xi32, #tpu.memory_space<hbm>>) target(%arg13 : memref<128xi32, #tpu.memory_space<vmem>>) target_semaphore(%arg24 : memref<!tpu.dma_semaphore, #tpu.memory_space<semaphore_mem>>)
    %add3A_104 = arith.constant 128 : i32
    %add3A_105 = arith.addi %mul3A_2, %add3A_104 : i32
    %dma_wait3A_106 = arith.constant 0 : i32
    %dma_wait3A_107 = tpu.memref_slice %arg3[%arg0, %dma_wait3A_106] : memref<2x327936xi32, #tpu.memory_space<hbm>> -> memref<1x327936xi32, #tpu.memory_space<hbm>>
    %dma_wait3A_108 = tpu.memref_squeeze %dma_wait3A_107 : memref<1x327936xi32, #tpu.memory_space<hbm>> -> memref<327936xi32, #tpu.memory_space<hbm>>
    %dma_wait3A_109 = tpu.memref_slice %dma_wait3A_108[%add3A_105] : memref<327936xi32, #tpu.memory_space<hbm>> -> memref<128xi32, #tpu.memory_space<hbm>>
    %dma_wait3A_110 = arith.constant 0 : i32
    %dma_wait3A_111 = tpu.memref_slice %arg3[%arg0, %dma_wait3A_110] : memref<2x327936xi32, #tpu.memory_space<hbm>> -> memref<1x327936xi32, #tpu.memory_space<hbm>>
    %dma_wait3A_112 = tpu.memref_squeeze %dma_wait3A_111 : memref<1x327936xi32, #tpu.memory_space<hbm>> -> memref<327936xi32, #tpu.memory_space<hbm>>
    %dma_wait3A_113 = tpu.memref_slice %dma_wait3A_112[%add3A_105] : memref<327936xi32, #tpu.memory_space<hbm>> -> memref<128xi32, #tpu.memory_space<hbm>>
    tpu.wait_dma2 semaphore(%arg18 : memref<!tpu.dma_semaphore, #tpu.memory_space<semaphore_mem>>) src(%dma_wait3A_113 : memref<128xi32, #tpu.memory_space<hbm>>) dst(%arg7 : memref<128xi32, #tpu.memory_space<vmem>>)
    %add3A_114 = arith.constant 128 : i32
    %add3A_115 = arith.addi %mul3A_2, %add3A_114 : i32
    %dma_wait3A_116 = arith.constant 0 : i32
    %dma_wait3A_117 = tpu.memref_slice %arg4[%arg0, %dma_wait3A_116] : memref<2x327936xi32, #tpu.memory_space<hbm>> -> memref<1x327936xi32, #tpu.memory_space<hbm>>
    %dma_wait3A_118 = tpu.memref_squeeze %dma_wait3A_117 : memref<1x327936xi32, #tpu.memory_space<hbm>> -> memref<327936xi32, #tpu.memory_space<hbm>>
    %dma_wait3A_119 = tpu.memref_slice %dma_wait3A_118[%add3A_115] : memref<327936xi32, #tpu.memory_space<hbm>> -> memref<128xi32, #tpu.memory_space<hbm>>
    %dma_wait3A_120 = arith.constant 0 : i32
    %dma_wait3A_121 = tpu.memref_slice %arg4[%arg0, %dma_wait3A_120] : memref<2x327936xi32, #tpu.memory_space<hbm>> -> memref<1x327936xi32, #tpu.memory_space<hbm>>
    %dma_wait3A_122 = tpu.memref_squeeze %dma_wait3A_121 : memref<1x327936xi32, #tpu.memory_space<hbm>> -> memref<327936xi32, #tpu.memory_space<hbm>>
    %dma_wait3A_123 = tpu.memref_slice %dma_wait3A_122[%add3A_115] : memref<327936xi32, #tpu.memory_space<hbm>> -> memref<128xi32, #tpu.memory_space<hbm>>
    tpu.wait_dma2 semaphore(%arg22 : memref<!tpu.dma_semaphore, #tpu.memory_space<semaphore_mem>>) src(%dma_wait3A_123 : memref<128xi32, #tpu.memory_space<hbm>>) dst(%arg11 : memref<128xi32, #tpu.memory_space<vmem>>)
    %dma_start3A_124 = arith.constant 0 : i32
    %dma_start3A_125 = arith.constant 0 : i32
    %dma_start3A_126 = tpu.memref_slice %arg2[%arg0, %dma_start3A_124, %dma_start3A_125] : memref<2x10112x128xf32, #tpu.memory_space<hbm>> -> memref<1x10112x128xf32, #tpu.memory_space<hbm>>
    %dma_start3A_127 = tpu.memref_squeeze %dma_start3A_126 : memref<1x10112x128xf32, #tpu.memory_space<hbm>> -> memref<10112x128xf32, #tpu.memory_space<hbm>>
    %dma_start3A_128 = arith.constant 0 : i32
    %dma_start3A_129 = arith.constant 0 : i32
    %dma_start3A_130 = tpu.memref_slice %dma_start3A_127[%dma_start3A_128, %dma_start3A_129] : memref<10112x128xf32, #tpu.memory_space<hbm>> -> memref<10112x128xf32, #tpu.memory_space<hbm>>
    tpu.enqueue_indirect_dma source(%dma_start3A_130 : memref<10112x128xf32, #tpu.memory_space<hbm>>) target(%arg15 : memref<128x128xf32, #tpu.memory_space<vmem>>) offsets(%arg7 : memref<128xi32, #tpu.memory_space<vmem>>) semaphore(%arg26 : memref<!tpu.dma_semaphore, #tpu.memory_space<semaphore_mem>>)
    %add3A_131 = arith.constant 0 : i32
    %add3A_132 = arith.addi %mul3A_2, %add3A_131 : i32
    %dma_wait3A_133 = arith.constant 0 : i32
    %dma_wait3A_134 = tpu.memref_slice %arg4[%arg0, %dma_wait3A_133] : memref<2x327936xi32, #tpu.memory_space<hbm>> -> memref<1x327936xi32, #tpu.memory_space<hbm>>
    %dma_wait3A_135 = tpu.memref_squeeze %dma_wait3A_134 : memref<1x327936xi32, #tpu.memory_space<hbm>> -> memref<327936xi32, #tpu.memory_space<hbm>>
    %dma_wait3A_136 = tpu.memref_slice %dma_wait3A_135[%add3A_132] : memref<327936xi32, #tpu.memory_space<hbm>> -> memref<128xi32, #tpu.memory_space<hbm>>
    %dma_wait3A_137 = arith.constant 0 : i32
    %dma_wait3A_138 = tpu.memref_slice %arg4[%arg0, %dma_wait3A_137] : memref<2x327936xi32, #tpu.memory_space<hbm>> -> memref<1x327936xi32, #tpu.memory_space<hbm>>
    %dma_wait3A_139 = tpu.memref_squeeze %dma_wait3A_138 : memref<1x327936xi32, #tpu.memory_space<hbm>> -> memref<327936xi32, #tpu.memory_space<hbm>>
    %dma_wait3A_140 = tpu.memref_slice %dma_wait3A_139[%add3A_132] : memref<327936xi32, #tpu.memory_space<hbm>> -> memref<128xi32, #tpu.memory_space<hbm>>
    tpu.wait_dma2 semaphore(%arg21 : memref<!tpu.dma_semaphore, #tpu.memory_space<semaphore_mem>>) src(%dma_wait3A_140 : memref<128xi32, #tpu.memory_space<hbm>>) dst(%arg10 : memref<128xi32, #tpu.memory_space<vmem>>)
    %dma_start3A_141 = arith.constant 0 : i32
    %dma_start3A_142 = arith.constant 0 : i32
    %dma_start3A_143 = tpu.memref_slice %arg16[%dma_start3A_141, %dma_start3A_142] : memref<10112x128xf32, #tpu.memory_space<vmem_shared>> -> memref<10112x128xf32, #tpu.memory_space<vmem_shared>>
    tpu.enqueue_indirect_dma source(%arg14 : memref<128x128xf32, #tpu.memory_space<vmem>>) target(%dma_start3A_143 : memref<10112x128xf32, #tpu.memory_space<vmem_shared>>) offsets(%arg10 : memref<128xi32, #tpu.memory_space<vmem>>) semaphore(%arg27 : memref<!tpu.dma_semaphore, #tpu.memory_space<semaphore_mem>>) {add = true}
    %scan3A = arith.constant 0 : i32
    %scan3A_144 = arith.constant 39 : i32
    %scan3A_145 = arith.addi %scan3A, %scan3A_144 : i32
    %scan3A_146 = arith.constant 1 : i32
    scf.for %scan3A_245 = %scan3A to %scan3A_145 step %scan3A_146  : i32 {
      %mul3A_246 = arith.constant 4 : i32
      %mul3A_247 = arith.muli %scan3A_245, %mul3A_246 : i32
      %add3A_248 = arith.constant 1 : i32
      %add3A_249 = arith.addi %add3A_248, %mul3A_247 : i32
      %add3A_250 = arith.constant 0 : i32
      %add3A_251 = arith.addi %add3A_249, %add3A_250 : i32
      %dma_wait3A_252 = arith.constant 0 : i32
      %dma_wait3A_253 = arith.constant 0 : i32
      %dma_wait3A_254 = tpu.memref_slice %arg2[%arg0, %dma_wait3A_252, %dma_wait3A_253] : memref<2x10112x128xf32, #tpu.memory_space<hbm>> -> memref<1x10112x128xf32, #tpu.memory_space<hbm>>
      %dma_wait3A_255 = tpu.memref_squeeze %dma_wait3A_254 : memref<1x10112x128xf32, #tpu.memory_space<hbm>> -> memref<10112x128xf32, #tpu.memory_space<hbm>>
      %dma_wait3A_256 = arith.constant 0 : i32
      %dma_wait3A_257 = arith.constant 0 : i32
      %dma_wait3A_258 = tpu.memref_slice %dma_wait3A_255[%dma_wait3A_256, %dma_wait3A_257] : memref<10112x128xf32, #tpu.memory_space<hbm>> -> memref<10112x128xf32, #tpu.memory_space<hbm>>
      tpu.wait_indirect_dma semaphore(%arg26 : memref<!tpu.dma_semaphore, #tpu.memory_space<semaphore_mem>>) src(%dma_wait3A_258 : memref<10112x128xf32, #tpu.memory_space<hbm>>) dst(%arg15 : memref<128x128xf32, #tpu.memory_space<vmem>>)
      %dma_wait3A_259 = arith.constant 0 : i32
      %dma_wait3A_260 = arith.constant 0 : i32
      %dma_wait3A_261 = tpu.memref_slice %arg16[%dma_wait3A_259, %dma_wait3A_260] : memref<10112x128xf32, #tpu.memory_space<vmem_shared>> -> memref<10112x128xf32, #tpu.memory_space<vmem_shared>>
      tpu.wait_indirect_dma semaphore(%arg27 : memref<!tpu.dma_semaphore, #tpu.memory_space<semaphore_mem>>) src(%arg14 : memref<128x128xf32, #tpu.memory_space<vmem>>) dst(%dma_wait3A_261 : memref<10112x128xf32, #tpu.memory_space<vmem_shared>>)
      %add3A_262 = arith.constant 3 : i32
      %add3A_263 = arith.addi %add3A_251, %add3A_262 : i32
      %mul3A_264 = arith.constant 128 : i32
      %mul3A_265 = arith.muli %add3A_263, %mul3A_264 : i32
      %add3A_266 = arith.addi %mul3A_2, %mul3A_265 : i32
      %dma_start3A_267 = arith.constant 0 : i32
      %dma_start3A_268 = tpu.memref_slice %arg3[%arg0, %dma_start3A_267] : memref<2x327936xi32, #tpu.memory_space<hbm>> -> memref<1x327936xi32, #tpu.memory_space<hbm>>
      %dma_start3A_269 = tpu.memref_squeeze %dma_start3A_268 : memref<1x327936xi32, #tpu.memory_space<hbm>> -> memref<327936xi32, #tpu.memory_space<hbm>>
      %dma_start3A_270 = tpu.memref_slice %dma_start3A_269[%add3A_266] : memref<327936xi32, #tpu.memory_space<hbm>> -> memref<128xi32, #tpu.memory_space<hbm>>
      %dma_start3A_271 = arith.constant 0 : i32
      %dma_start3A_272 = tpu.memref_slice %arg3[%arg0, %dma_start3A_271] : memref<2x327936xi32, #tpu.memory_space<hbm>> -> memref<1x327936xi32, #tpu.memory_space<hbm>>
      %dma_start3A_273 = tpu.memref_squeeze %dma_start3A_272 : memref<1x327936xi32, #tpu.memory_space<hbm>> -> memref<327936xi32, #tpu.memory_space<hbm>>
      %dma_start3A_274 = tpu.memref_slice %dma_start3A_273[%add3A_266] : memref<327936xi32, #tpu.memory_space<hbm>> -> memref<128xi32, #tpu.memory_space<hbm>>
      tpu.enqueue_dma source(%dma_start3A_274 : memref<128xi32, #tpu.memory_space<hbm>>) target(%arg6 : memref<128xi32, #tpu.memory_space<vmem>>) target_semaphore(%arg17 : memref<!tpu.dma_semaphore, #tpu.memory_space<semaphore_mem>>)
      %add3A_275 = arith.constant 3 : i32
      %add3A_276 = arith.addi %add3A_251, %add3A_275 : i32
      %mul3A_277 = arith.constant 128 : i32
      %mul3A_278 = arith.muli %add3A_276, %mul3A_277 : i32
      %add3A_279 = arith.addi %mul3A_2, %mul3A_278 : i32
      %dma_start3A_280 = arith.constant 0 : i32
      %dma_start3A_281 = tpu.memref_slice %arg4[%arg0, %dma_start3A_280] : memref<2x327936xi32, #tpu.memory_space<hbm>> -> memref<1x327936xi32, #tpu.memory_space<hbm>>
      %dma_start3A_282 = tpu.memref_squeeze %dma_start3A_281 : memref<1x327936xi32, #tpu.memory_space<hbm>> -> memref<327936xi32, #tpu.memory_space<hbm>>
      %dma_start3A_283 = tpu.memref_slice %dma_start3A_282[%add3A_279] : memref<327936xi32, #tpu.memory_space<hbm>> -> memref<128xi32, #tpu.memory_space<hbm>>
      %dma_start3A_284 = arith.constant 0 : i32
      %dma_start3A_285 = tpu.memref_slice %arg4[%arg0, %dma_start3A_284] : memref<2x327936xi32, #tpu.memory_space<hbm>> -> memref<1x327936xi32, #tpu.memory_space<hbm>>
      %dma_start3A_286 = tpu.memref_squeeze %dma_start3A_285 : memref<1x327936xi32, #tpu.memory_space<hbm>> -> memref<327936xi32, #tpu.memory_space<hbm>>
      %dma_start3A_287 = tpu.memref_slice %dma_start3A_286[%add3A_279] : memref<327936xi32, #tpu.memory_space<hbm>> -> memref<128xi32, #tpu.memory_space<hbm>>
      tpu.enqueue_dma source(%dma_start3A_287 : memref<128xi32, #tpu.memory_space<hbm>>) target(%arg10 : memref<128xi32, #tpu.memory_space<vmem>>) target_semaphore(%arg21 : memref<!tpu.dma_semaphore, #tpu.memory_space<semaphore_mem>>)
      %add3A_288 = arith.constant 1 : i32
      %add3A_289 = arith.addi %add3A_251, %add3A_288 : i32
      %mul3A_290 = arith.constant 128 : i32
      %mul3A_291 = arith.muli %add3A_289, %mul3A_290 : i32
      %add3A_292 = arith.addi %mul3A_2, %mul3A_291 : i32
      %dma_wait3A_293 = arith.constant 0 : i32
      %dma_wait3A_294 = tpu.memref_slice %arg3[%arg0, %dma_wait3A_293] : memref<2x327936xi32, #tpu.memory_space<hbm>> -> memref<1x327936xi32, #tpu.memory_space<hbm>>
      %dma_wait3A_295 = tpu.memref_squeeze %dma_wait3A_294 : memref<1x327936xi32, #tpu.memory_space<hbm>> -> memref<327936xi32, #tpu.memory_space<hbm>>
      %dma_wait3A_296 = tpu.memref_slice %dma_wait3A_295[%add3A_292] : memref<327936xi32, #tpu.memory_space<hbm>> -> memref<128xi32, #tpu.memory_space<hbm>>
      %dma_wait3A_297 = arith.constant 0 : i32
      %dma_wait3A_298 = tpu.memref_slice %arg3[%arg0, %dma_wait3A_297] : memref<2x327936xi32, #tpu.memory_space<hbm>> -> memref<1x327936xi32, #tpu.memory_space<hbm>>
      %dma_wait3A_299 = tpu.memref_squeeze %dma_wait3A_298 : memref<1x327936xi32, #tpu.memory_space<hbm>> -> memref<327936xi32, #tpu.memory_space<hbm>>
      %dma_wait3A_300 = tpu.memref_slice %dma_wait3A_299[%add3A_292] : memref<327936xi32, #tpu.memory_space<hbm>> -> memref<128xi32, #tpu.memory_space<hbm>>
      tpu.wait_dma2 semaphore(%arg19 : memref<!tpu.dma_semaphore, #tpu.memory_space<semaphore_mem>>) src(%dma_wait3A_300 : memref<128xi32, #tpu.memory_space<hbm>>) dst(%arg8 : memref<128xi32, #tpu.memory_space<vmem>>)
      %add3A_301 = arith.constant 1 : i32
      %add3A_302 = arith.addi %add3A_251, %add3A_301 : i32
      %mul3A_303 = arith.constant 128 : i32
      %mul3A_304 = arith.muli %add3A_302, %mul3A_303 : i32
      %add3A_305 = arith.addi %mul3A_2, %mul3A_304 : i32
      %dma_wait3A_306 = arith.constant 0 : i32
      %dma_wait3A_307 = tpu.memref_slice %arg4[%arg0, %dma_wait3A_306] : memref<2x327936xi32, #tpu.memory_space<hbm>> -> memref<1x327936xi32, #tpu.memory_space<hbm>>
      %dma_wait3A_308 = tpu.memref_squeeze %dma_wait3A_307 : memref<1x327936xi32, #tpu.memory_space<hbm>> -> memref<327936xi32, #tpu.memory_space<hbm>>
      %dma_wait3A_309 = tpu.memref_slice %dma_wait3A_308[%add3A_305] : memref<327936xi32, #tpu.memory_space<hbm>> -> memref<128xi32, #tpu.memory_space<hbm>>
      %dma_wait3A_310 = arith.constant 0 : i32
      %dma_wait3A_311 = tpu.memref_slice %arg4[%arg0, %dma_wait3A_310] : memref<2x327936xi32, #tpu.memory_space<hbm>> -> memref<1x327936xi32, #tpu.memory_space<hbm>>
      %dma_wait3A_312 = tpu.memref_squeeze %dma_wait3A_311 : memref<1x327936xi32, #tpu.memory_space<hbm>> -> memref<327936xi32, #tpu.memory_space<hbm>>
      %dma_wait3A_313 = tpu.memref_slice %dma_wait3A_312[%add3A_305] : memref<327936xi32, #tpu.memory_space<hbm>> -> memref<128xi32, #tpu.memory_space<hbm>>
      tpu.wait_dma2 semaphore(%arg23 : memref<!tpu.dma_semaphore, #tpu.memory_space<semaphore_mem>>) src(%dma_wait3A_313 : memref<128xi32, #tpu.memory_space<hbm>>) dst(%arg12 : memref<128xi32, #tpu.memory_space<vmem>>)
      %dma_start3A_314 = arith.constant 0 : i32
      %dma_start3A_315 = arith.constant 0 : i32
      %dma_start3A_316 = tpu.memref_slice %arg2[%arg0, %dma_start3A_314, %dma_start3A_315] : memref<2x10112x128xf32, #tpu.memory_space<hbm>> -> memref<1x10112x128xf32, #tpu.memory_space<hbm>>
      %dma_start3A_317 = tpu.memref_squeeze %dma_start3A_316 : memref<1x10112x128xf32, #tpu.memory_space<hbm>> -> memref<10112x128xf32, #tpu.memory_space<hbm>>
      %dma_start3A_318 = arith.constant 0 : i32
      %dma_start3A_319 = arith.constant 0 : i32
      %dma_start3A_320 = tpu.memref_slice %dma_start3A_317[%dma_start3A_318, %dma_start3A_319] : memref<10112x128xf32, #tpu.memory_space<hbm>> -> memref<10112x128xf32, #tpu.memory_space<hbm>>
      tpu.enqueue_indirect_dma source(%dma_start3A_320 : memref<10112x128xf32, #tpu.memory_space<hbm>>) target(%arg14 : memref<128x128xf32, #tpu.memory_space<vmem>>) offsets(%arg8 : memref<128xi32, #tpu.memory_space<vmem>>) semaphore(%arg25 : memref<!tpu.dma_semaphore, #tpu.memory_space<semaphore_mem>>)
      %dma_start3A_321 = arith.constant 0 : i32
      %dma_start3A_322 = arith.constant 0 : i32
      %dma_start3A_323 = tpu.memref_slice %arg16[%dma_start3A_321, %dma_start3A_322] : memref<10112x128xf32, #tpu.memory_space<vmem_shared>> -> memref<10112x128xf32, #tpu.memory_space<vmem_shared>>
      tpu.enqueue_indirect_dma source(%arg15 : memref<128x128xf32, #tpu.memory_space<vmem>>) target(%dma_start3A_323 : memref<10112x128xf32, #tpu.memory_space<vmem_shared>>) offsets(%arg11 : memref<128xi32, #tpu.memory_space<vmem>>) semaphore(%arg28 : memref<!tpu.dma_semaphore, #tpu.memory_space<semaphore_mem>>) {add = true}
      %add3A_324 = arith.constant 1 : i32
      %add3A_325 = arith.addi %add3A_249, %add3A_324 : i32
      %dma_wait3A_326 = arith.constant 0 : i32
      %dma_wait3A_327 = arith.constant 0 : i32
      %dma_wait3A_328 = tpu.memref_slice %arg2[%arg0, %dma_wait3A_326, %dma_wait3A_327] : memref<2x10112x128xf32, #tpu.memory_space<hbm>> -> memref<1x10112x128xf32, #tpu.memory_space<hbm>>
      %dma_wait3A_329 = tpu.memref_squeeze %dma_wait3A_328 : memref<1x10112x128xf32, #tpu.memory_space<hbm>> -> memref<10112x128xf32, #tpu.memory_space<hbm>>
      %dma_wait3A_330 = arith.constant 0 : i32
      %dma_wait3A_331 = arith.constant 0 : i32
      %dma_wait3A_332 = tpu.memref_slice %dma_wait3A_329[%dma_wait3A_330, %dma_wait3A_331] : memref<10112x128xf32, #tpu.memory_space<hbm>> -> memref<10112x128xf32, #tpu.memory_space<hbm>>
      tpu.wait_indirect_dma semaphore(%arg25 : memref<!tpu.dma_semaphore, #tpu.memory_space<semaphore_mem>>) src(%dma_wait3A_332 : memref<10112x128xf32, #tpu.memory_space<hbm>>) dst(%arg14 : memref<128x128xf32, #tpu.memory_space<vmem>>)
      %dma_wait3A_333 = arith.constant 0 : i32
      %dma_wait3A_334 = arith.constant 0 : i32
      %dma_wait3A_335 = tpu.memref_slice %arg16[%dma_wait3A_333, %dma_wait3A_334] : memref<10112x128xf32, #tpu.memory_space<vmem_shared>> -> memref<10112x128xf32, #tpu.memory_space<vmem_shared>>
      tpu.wait_indirect_dma semaphore(%arg28 : memref<!tpu.dma_semaphore, #tpu.memory_space<semaphore_mem>>) src(%arg15 : memref<128x128xf32, #tpu.memory_space<vmem>>) dst(%dma_wait3A_335 : memref<10112x128xf32, #tpu.memory_space<vmem_shared>>)
      %add3A_336 = arith.constant 3 : i32
      %add3A_337 = arith.addi %add3A_325, %add3A_336 : i32
      %mul3A_338 = arith.constant 128 : i32
      %mul3A_339 = arith.muli %add3A_337, %mul3A_338 : i32
      %add3A_340 = arith.addi %mul3A_2, %mul3A_339 : i32
      %dma_start3A_341 = arith.constant 0 : i32
      %dma_start3A_342 = tpu.memref_slice %arg3[%arg0, %dma_start3A_341] : memref<2x327936xi32, #tpu.memory_space<hbm>> -> memref<1x327936xi32, #tpu.memory_space<hbm>>
      %dma_start3A_343 = tpu.memref_squeeze %dma_start3A_342 : memref<1x327936xi32, #tpu.memory_space<hbm>> -> memref<327936xi32, #tpu.memory_space<hbm>>
      %dma_start3A_344 = tpu.memref_slice %dma_start3A_343[%add3A_340] : memref<327936xi32, #tpu.memory_space<hbm>> -> memref<128xi32, #tpu.memory_space<hbm>>
      %dma_start3A_345 = arith.constant 0 : i32
      %dma_start3A_346 = tpu.memref_slice %arg3[%arg0, %dma_start3A_345] : memref<2x327936xi32, #tpu.memory_space<hbm>> -> memref<1x327936xi32, #tpu.memory_space<hbm>>
      %dma_start3A_347 = tpu.memref_squeeze %dma_start3A_346 : memref<1x327936xi32, #tpu.memory_space<hbm>> -> memref<327936xi32, #tpu.memory_space<hbm>>
      %dma_start3A_348 = tpu.memref_slice %dma_start3A_347[%add3A_340] : memref<327936xi32, #tpu.memory_space<hbm>> -> memref<128xi32, #tpu.memory_space<hbm>>
      tpu.enqueue_dma source(%dma_start3A_348 : memref<128xi32, #tpu.memory_space<hbm>>) target(%arg7 : memref<128xi32, #tpu.memory_space<vmem>>) target_semaphore(%arg18 : memref<!tpu.dma_semaphore, #tpu.memory_space<semaphore_mem>>)
      %add3A_349 = arith.constant 3 : i32
      %add3A_350 = arith.addi %add3A_325, %add3A_349 : i32
      %mul3A_351 = arith.constant 128 : i32
      %mul3A_352 = arith.muli %add3A_350, %mul3A_351 : i32
      %add3A_353 = arith.addi %mul3A_2, %mul3A_352 : i32
      %dma_start3A_354 = arith.constant 0 : i32
      %dma_start3A_355 = tpu.memref_slice %arg4[%arg0, %dma_start3A_354] : memref<2x327936xi32, #tpu.memory_space<hbm>> -> memref<1x327936xi32, #tpu.memory_space<hbm>>
      %dma_start3A_356 = tpu.memref_squeeze %dma_start3A_355 : memref<1x327936xi32, #tpu.memory_space<hbm>> -> memref<327936xi32, #tpu.memory_space<hbm>>
      %dma_start3A_357 = tpu.memref_slice %dma_start3A_356[%add3A_353] : memref<327936xi32, #tpu.memory_space<hbm>> -> memref<128xi32, #tpu.memory_space<hbm>>
      %dma_start3A_358 = arith.constant 0 : i32
      %dma_start3A_359 = tpu.memref_slice %arg4[%arg0, %dma_start3A_358] : memref<2x327936xi32, #tpu.memory_space<hbm>> -> memref<1x327936xi32, #tpu.memory_space<hbm>>
      %dma_start3A_360 = tpu.memref_squeeze %dma_start3A_359 : memref<1x327936xi32, #tpu.memory_space<hbm>> -> memref<327936xi32, #tpu.memory_space<hbm>>
      %dma_start3A_361 = tpu.memref_slice %dma_start3A_360[%add3A_353] : memref<327936xi32, #tpu.memory_space<hbm>> -> memref<128xi32, #tpu.memory_space<hbm>>
      tpu.enqueue_dma source(%dma_start3A_361 : memref<128xi32, #tpu.memory_space<hbm>>) target(%arg11 : memref<128xi32, #tpu.memory_space<vmem>>) target_semaphore(%arg22 : memref<!tpu.dma_semaphore, #tpu.memory_space<semaphore_mem>>)
      %add3A_362 = arith.constant 1 : i32
      %add3A_363 = arith.addi %add3A_325, %add3A_362 : i32
      %mul3A_364 = arith.constant 128 : i32
      %mul3A_365 = arith.muli %add3A_363, %mul3A_364 : i32
      %add3A_366 = arith.addi %mul3A_2, %mul3A_365 : i32
      %dma_wait3A_367 = arith.constant 0 : i32
      %dma_wait3A_368 = tpu.memref_slice %arg3[%arg0, %dma_wait3A_367] : memref<2x327936xi32, #tpu.memory_space<hbm>> -> memref<1x327936xi32, #tpu.memory_space<hbm>>
      %dma_wait3A_369 = tpu.memref_squeeze %dma_wait3A_368 : memref<1x327936xi32, #tpu.memory_space<hbm>> -> memref<327936xi32, #tpu.memory_space<hbm>>
      %dma_wait3A_370 = tpu.memref_slice %dma_wait3A_369[%add3A_366] : memref<327936xi32, #tpu.memory_space<hbm>> -> memref<128xi32, #tpu.memory_space<hbm>>
      %dma_wait3A_371 = arith.constant 0 : i32
      %dma_wait3A_372 = tpu.memref_slice %arg3[%arg0, %dma_wait3A_371] : memref<2x327936xi32, #tpu.memory_space<hbm>> -> memref<1x327936xi32, #tpu.memory_space<hbm>>
      %dma_wait3A_373 = tpu.memref_squeeze %dma_wait3A_372 : memref<1x327936xi32, #tpu.memory_space<hbm>> -> memref<327936xi32, #tpu.memory_space<hbm>>
      %dma_wait3A_374 = tpu.memref_slice %dma_wait3A_373[%add3A_366] : memref<327936xi32, #tpu.memory_space<hbm>> -> memref<128xi32, #tpu.memory_space<hbm>>
      tpu.wait_dma2 semaphore(%arg20 : memref<!tpu.dma_semaphore, #tpu.memory_space<semaphore_mem>>) src(%dma_wait3A_374 : memref<128xi32, #tpu.memory_space<hbm>>) dst(%arg9 : memref<128xi32, #tpu.memory_space<vmem>>)
      %add3A_375 = arith.constant 1 : i32
      %add3A_376 = arith.addi %add3A_325, %add3A_375 : i32
      %mul3A_377 = arith.constant 128 : i32
      %mul3A_378 = arith.muli %add3A_376, %mul3A_377 : i32
      %add3A_379 = arith.addi %mul3A_2, %mul3A_378 : i32
      %dma_wait3A_380 = arith.constant 0 : i32
      %dma_wait3A_381 = tpu.memref_slice %arg4[%arg0, %dma_wait3A_380] : memref<2x327936xi32, #tpu.memory_space<hbm>> -> memref<1x327936xi32, #tpu.memory_space<hbm>>
      %dma_wait3A_382 = tpu.memref_squeeze %dma_wait3A_381 : memref<1x327936xi32, #tpu.memory_space<hbm>> -> memref<327936xi32, #tpu.memory_space<hbm>>
      %dma_wait3A_383 = tpu.memref_slice %dma_wait3A_382[%add3A_379] : memref<327936xi32, #tpu.memory_space<hbm>> -> memref<128xi32, #tpu.memory_space<hbm>>
      %dma_wait3A_384 = arith.constant 0 : i32
      %dma_wait3A_385 = tpu.memref_slice %arg4[%arg0, %dma_wait3A_384] : memref<2x327936xi32, #tpu.memory_space<hbm>> -> memref<1x327936xi32, #tpu.memory_space<hbm>>
      %dma_wait3A_386 = tpu.memref_squeeze %dma_wait3A_385 : memref<1x327936xi32, #tpu.memory_space<hbm>> -> memref<327936xi32, #tpu.memory_space<hbm>>
      %dma_wait3A_387 = tpu.memref_slice %dma_wait3A_386[%add3A_379] : memref<327936xi32, #tpu.memory_space<hbm>> -> memref<128xi32, #tpu.memory_space<hbm>>
      tpu.wait_dma2 semaphore(%arg24 : memref<!tpu.dma_semaphore, #tpu.memory_space<semaphore_mem>>) src(%dma_wait3A_387 : memref<128xi32, #tpu.memory_space<hbm>>) dst(%arg13 : memref<128xi32, #tpu.memory_space<vmem>>)
      %dma_start3A_388 = arith.constant 0 : i32
      %dma_start3A_389 = arith.constant 0 : i32
      %dma_start3A_390 = tpu.memref_slice %arg2[%arg0, %dma_start3A_388, %dma_start3A_389] : memref<2x10112x128xf32, #tpu.memory_space<hbm>> -> memref<1x10112x128xf32, #tpu.memory_space<hbm>>
      %dma_start3A_391 = tpu.memref_squeeze %dma_start3A_390 : memref<1x10112x128xf32, #tpu.memory_space<hbm>> -> memref<10112x128xf32, #tpu.memory_space<hbm>>
      %dma_start3A_392 = arith.constant 0 : i32
      %dma_start3A_393 = arith.constant 0 : i32
      %dma_start3A_394 = tpu.memref_slice %dma_start3A_391[%dma_start3A_392, %dma_start3A_393] : memref<10112x128xf32, #tpu.memory_space<hbm>> -> memref<10112x128xf32, #tpu.memory_space<hbm>>
      tpu.enqueue_indirect_dma source(%dma_start3A_394 : memref<10112x128xf32, #tpu.memory_space<hbm>>) target(%arg15 : memref<128x128xf32, #tpu.memory_space<vmem>>) offsets(%arg9 : memref<128xi32, #tpu.memory_space<vmem>>) semaphore(%arg26 : memref<!tpu.dma_semaphore, #tpu.memory_space<semaphore_mem>>)
      %dma_start3A_395 = arith.constant 0 : i32
      %dma_start3A_396 = arith.constant 0 : i32
      %dma_start3A_397 = tpu.memref_slice %arg16[%dma_start3A_395, %dma_start3A_396] : memref<10112x128xf32, #tpu.memory_space<vmem_shared>> -> memref<10112x128xf32, #tpu.memory_space<vmem_shared>>
      tpu.enqueue_indirect_dma source(%arg14 : memref<128x128xf32, #tpu.memory_space<vmem>>) target(%dma_start3A_397 : memref<10112x128xf32, #tpu.memory_space<vmem_shared>>) offsets(%arg12 : memref<128xi32, #tpu.memory_space<vmem>>) semaphore(%arg27 : memref<!tpu.dma_semaphore, #tpu.memory_space<semaphore_mem>>) {add = true}
      %add3A_398 = arith.constant 2 : i32
      %add3A_399 = arith.addi %add3A_249, %add3A_398 : i32
      %dma_wait3A_400 = arith.constant 0 : i32
      %dma_wait3A_401 = arith.constant 0 : i32
      %dma_wait3A_402 = tpu.memref_slice %arg2[%arg0, %dma_wait3A_400, %dma_wait3A_401] : memref<2x10112x128xf32, #tpu.memory_space<hbm>> -> memref<1x10112x128xf32, #tpu.memory_space<hbm>>
      %dma_wait3A_403 = tpu.memref_squeeze %dma_wait3A_402 : memref<1x10112x128xf32, #tpu.memory_space<hbm>> -> memref<10112x128xf32, #tpu.memory_space<hbm>>
      %dma_wait3A_404 = arith.constant 0 : i32
      %dma_wait3A_405 = arith.constant 0 : i32
      %dma_wait3A_406 = tpu.memref_slice %dma_wait3A_403[%dma_wait3A_404, %dma_wait3A_405] : memref<10112x128xf32, #tpu.memory_space<hbm>> -> memref<10112x128xf32, #tpu.memory_space<hbm>>
      tpu.wait_indirect_dma semaphore(%arg26 : memref<!tpu.dma_semaphore, #tpu.memory_space<semaphore_mem>>) src(%dma_wait3A_406 : memref<10112x128xf32, #tpu.memory_space<hbm>>) dst(%arg15 : memref<128x128xf32, #tpu.memory_space<vmem>>)
      %dma_wait3A_407 = arith.constant 0 : i32
      %dma_wait3A_408 = arith.constant 0 : i32
      %dma_wait3A_409 = tpu.memref_slice %arg16[%dma_wait3A_407, %dma_wait3A_408] : memref<10112x128xf32, #tpu.memory_space<vmem_shared>> -> memref<10112x128xf32, #tpu.memory_space<vmem_shared>>
      tpu.wait_indirect_dma semaphore(%arg27 : memref<!tpu.dma_semaphore, #tpu.memory_space<semaphore_mem>>) src(%arg14 : memref<128x128xf32, #tpu.memory_space<vmem>>) dst(%dma_wait3A_409 : memref<10112x128xf32, #tpu.memory_space<vmem_shared>>)
      %add3A_410 = arith.constant 3 : i32
      %add3A_411 = arith.addi %add3A_399, %add3A_410 : i32
      %mul3A_412 = arith.constant 128 : i32
      %mul3A_413 = arith.muli %add3A_411, %mul3A_412 : i32
      %add3A_414 = arith.addi %mul3A_2, %mul3A_413 : i32
      %dma_start3A_415 = arith.constant 0 : i32
      %dma_start3A_416 = tpu.memref_slice %arg3[%arg0, %dma_start3A_415] : memref<2x327936xi32, #tpu.memory_space<hbm>> -> memref<1x327936xi32, #tpu.memory_space<hbm>>
      %dma_start3A_417 = tpu.memref_squeeze %dma_start3A_416 : memref<1x327936xi32, #tpu.memory_space<hbm>> -> memref<327936xi32, #tpu.memory_space<hbm>>
      %dma_start3A_418 = tpu.memref_slice %dma_start3A_417[%add3A_414] : memref<327936xi32, #tpu.memory_space<hbm>> -> memref<128xi32, #tpu.memory_space<hbm>>
      %dma_start3A_419 = arith.constant 0 : i32
      %dma_start3A_420 = tpu.memref_slice %arg3[%arg0, %dma_start3A_419] : memref<2x327936xi32, #tpu.memory_space<hbm>> -> memref<1x327936xi32, #tpu.memory_space<hbm>>
      %dma_start3A_421 = tpu.memref_squeeze %dma_start3A_420 : memref<1x327936xi32, #tpu.memory_space<hbm>> -> memref<327936xi32, #tpu.memory_space<hbm>>
      %dma_start3A_422 = tpu.memref_slice %dma_start3A_421[%add3A_414] : memref<327936xi32, #tpu.memory_space<hbm>> -> memref<128xi32, #tpu.memory_space<hbm>>
      tpu.enqueue_dma source(%dma_start3A_422 : memref<128xi32, #tpu.memory_space<hbm>>) target(%arg8 : memref<128xi32, #tpu.memory_space<vmem>>) target_semaphore(%arg19 : memref<!tpu.dma_semaphore, #tpu.memory_space<semaphore_mem>>)
      %add3A_423 = arith.constant 3 : i32
      %add3A_424 = arith.addi %add3A_399, %add3A_423 : i32
      %mul3A_425 = arith.constant 128 : i32
      %mul3A_426 = arith.muli %add3A_424, %mul3A_425 : i32
      %add3A_427 = arith.addi %mul3A_2, %mul3A_426 : i32
      %dma_start3A_428 = arith.constant 0 : i32
      %dma_start3A_429 = tpu.memref_slice %arg4[%arg0, %dma_start3A_428] : memref<2x327936xi32, #tpu.memory_space<hbm>> -> memref<1x327936xi32, #tpu.memory_space<hbm>>
      %dma_start3A_430 = tpu.memref_squeeze %dma_start3A_429 : memref<1x327936xi32, #tpu.memory_space<hbm>> -> memref<327936xi32, #tpu.memory_space<hbm>>
      %dma_start3A_431 = tpu.memref_slice %dma_start3A_430[%add3A_427] : memref<327936xi32, #tpu.memory_space<hbm>> -> memref<128xi32, #tpu.memory_space<hbm>>
      %dma_start3A_432 = arith.constant 0 : i32
      %dma_start3A_433 = tpu.memref_slice %arg4[%arg0, %dma_start3A_432] : memref<2x327936xi32, #tpu.memory_space<hbm>> -> memref<1x327936xi32, #tpu.memory_space<hbm>>
      %dma_start3A_434 = tpu.memref_squeeze %dma_start3A_433 : memref<1x327936xi32, #tpu.memory_space<hbm>> -> memref<327936xi32, #tpu.memory_space<hbm>>
      %dma_start3A_435 = tpu.memref_slice %dma_start3A_434[%add3A_427] : memref<327936xi32, #tpu.memory_space<hbm>> -> memref<128xi32, #tpu.memory_space<hbm>>
      tpu.enqueue_dma source(%dma_start3A_435 : memref<128xi32, #tpu.memory_space<hbm>>) target(%arg12 : memref<128xi32, #tpu.memory_space<vmem>>) target_semaphore(%arg23 : memref<!tpu.dma_semaphore, #tpu.memory_space<semaphore_mem>>)
      %add3A_436 = arith.constant 1 : i32
      %add3A_437 = arith.addi %add3A_399, %add3A_436 : i32
      %mul3A_438 = arith.constant 128 : i32
      %mul3A_439 = arith.muli %add3A_437, %mul3A_438 : i32
      %add3A_440 = arith.addi %mul3A_2, %mul3A_439 : i32
      %dma_wait3A_441 = arith.constant 0 : i32
      %dma_wait3A_442 = tpu.memref_slice %arg3[%arg0, %dma_wait3A_441] : memref<2x327936xi32, #tpu.memory_space<hbm>> -> memref<1x327936xi32, #tpu.memory_space<hbm>>
      %dma_wait3A_443 = tpu.memref_squeeze %dma_wait3A_442 : memref<1x327936xi32, #tpu.memory_space<hbm>> -> memref<327936xi32, #tpu.memory_space<hbm>>
      %dma_wait3A_444 = tpu.memref_slice %dma_wait3A_443[%add3A_440] : memref<327936xi32, #tpu.memory_space<hbm>> -> memref<128xi32, #tpu.memory_space<hbm>>
      %dma_wait3A_445 = arith.constant 0 : i32
      %dma_wait3A_446 = tpu.memref_slice %arg3[%arg0, %dma_wait3A_445] : memref<2x327936xi32, #tpu.memory_space<hbm>> -> memref<1x327936xi32, #tpu.memory_space<hbm>>
      %dma_wait3A_447 = tpu.memref_squeeze %dma_wait3A_446 : memref<1x327936xi32, #tpu.memory_space<hbm>> -> memref<327936xi32, #tpu.memory_space<hbm>>
      %dma_wait3A_448 = tpu.memref_slice %dma_wait3A_447[%add3A_440] : memref<327936xi32, #tpu.memory_space<hbm>> -> memref<128xi32, #tpu.memory_space<hbm>>
      tpu.wait_dma2 semaphore(%arg17 : memref<!tpu.dma_semaphore, #tpu.memory_space<semaphore_mem>>) src(%dma_wait3A_448 : memref<128xi32, #tpu.memory_space<hbm>>) dst(%arg6 : memref<128xi32, #tpu.memory_space<vmem>>)
      %add3A_449 = arith.constant 1 : i32
      %add3A_450 = arith.addi %add3A_399, %add3A_449 : i32
      %mul3A_451 = arith.constant 128 : i32
      %mul3A_452 = arith.muli %add3A_450, %mul3A_451 : i32
      %add3A_453 = arith.addi %mul3A_2, %mul3A_452 : i32
      %dma_wait3A_454 = arith.constant 0 : i32
      %dma_wait3A_455 = tpu.memref_slice %arg4[%arg0, %dma_wait3A_454] : memref<2x327936xi32, #tpu.memory_space<hbm>> -> memref<1x327936xi32, #tpu.memory_space<hbm>>
      %dma_wait3A_456 = tpu.memref_squeeze %dma_wait3A_455 : memref<1x327936xi32, #tpu.memory_space<hbm>> -> memref<327936xi32, #tpu.memory_space<hbm>>
      %dma_wait3A_457 = tpu.memref_slice %dma_wait3A_456[%add3A_453] : memref<327936xi32, #tpu.memory_space<hbm>> -> memref<128xi32, #tpu.memory_space<hbm>>
      %dma_wait3A_458 = arith.constant 0 : i32
      %dma_wait3A_459 = tpu.memref_slice %arg4[%arg0, %dma_wait3A_458] : memref<2x327936xi32, #tpu.memory_space<hbm>> -> memref<1x327936xi32, #tpu.memory_space<hbm>>
      %dma_wait3A_460 = tpu.memref_squeeze %dma_wait3A_459 : memref<1x327936xi32, #tpu.memory_space<hbm>> -> memref<327936xi32, #tpu.memory_space<hbm>>
      %dma_wait3A_461 = tpu.memref_slice %dma_wait3A_460[%add3A_453] : memref<327936xi32, #tpu.memory_space<hbm>> -> memref<128xi32, #tpu.memory_space<hbm>>
      tpu.wait_dma2 semaphore(%arg21 : memref<!tpu.dma_semaphore, #tpu.memory_space<semaphore_mem>>) src(%dma_wait3A_461 : memref<128xi32, #tpu.memory_space<hbm>>) dst(%arg10 : memref<128xi32, #tpu.memory_space<vmem>>)
      %dma_start3A_462 = arith.constant 0 : i32
      %dma_start3A_463 = arith.constant 0 : i32
      %dma_start3A_464 = tpu.memref_slice %arg2[%arg0, %dma_start3A_462, %dma_start3A_463] : memref<2x10112x128xf32, #tpu.memory_space<hbm>> -> memref<1x10112x128xf32, #tpu.memory_space<hbm>>
      %dma_start3A_465 = tpu.memref_squeeze %dma_start3A_464 : memref<1x10112x128xf32, #tpu.memory_space<hbm>> -> memref<10112x128xf32, #tpu.memory_space<hbm>>
      %dma_start3A_466 = arith.constant 0 : i32
      %dma_start3A_467 = arith.constant 0 : i32
      %dma_start3A_468 = tpu.memref_slice %dma_start3A_465[%dma_start3A_466, %dma_start3A_467] : memref<10112x128xf32, #tpu.memory_space<hbm>> -> memref<10112x128xf32, #tpu.memory_space<hbm>>
      tpu.enqueue_indirect_dma source(%dma_start3A_468 : memref<10112x128xf32, #tpu.memory_space<hbm>>) target(%arg14 : memref<128x128xf32, #tpu.memory_space<vmem>>) offsets(%arg6 : memref<128xi32, #tpu.memory_space<vmem>>) semaphore(%arg25 : memref<!tpu.dma_semaphore, #tpu.memory_space<semaphore_mem>>)
      %dma_start3A_469 = arith.constant 0 : i32
      %dma_start3A_470 = arith.constant 0 : i32
      %dma_start3A_471 = tpu.memref_slice %arg16[%dma_start3A_469, %dma_start3A_470] : memref<10112x128xf32, #tpu.memory_space<vmem_shared>> -> memref<10112x128xf32, #tpu.memory_space<vmem_shared>>
      tpu.enqueue_indirect_dma source(%arg15 : memref<128x128xf32, #tpu.memory_space<vmem>>) target(%dma_start3A_471 : memref<10112x128xf32, #tpu.memory_space<vmem_shared>>) offsets(%arg13 : memref<128xi32, #tpu.memory_space<vmem>>) semaphore(%arg28 : memref<!tpu.dma_semaphore, #tpu.memory_space<semaphore_mem>>) {add = true}
      %add3A_472 = arith.constant 3 : i32
      %add3A_473 = arith.addi %add3A_249, %add3A_472 : i32
      %dma_wait3A_474 = arith.constant 0 : i32
      %dma_wait3A_475 = arith.constant 0 : i32
      %dma_wait3A_476 = tpu.memref_slice %arg2[%arg0, %dma_wait3A_474, %dma_wait3A_475] : memref<2x10112x128xf32, #tpu.memory_space<hbm>> -> memref<1x10112x128xf32, #tpu.memory_space<hbm>>
      %dma_wait3A_477 = tpu.memref_squeeze %dma_wait3A_476 : memref<1x10112x128xf32, #tpu.memory_space<hbm>> -> memref<10112x128xf32, #tpu.memory_space<hbm>>
      %dma_wait3A_478 = arith.constant 0 : i32
      %dma_wait3A_479 = arith.constant 0 : i32
      %dma_wait3A_480 = tpu.memref_slice %dma_wait3A_477[%dma_wait3A_478, %dma_wait3A_479] : memref<10112x128xf32, #tpu.memory_space<hbm>> -> memref<10112x128xf32, #tpu.memory_space<hbm>>
      tpu.wait_indirect_dma semaphore(%arg25 : memref<!tpu.dma_semaphore, #tpu.memory_space<semaphore_mem>>) src(%dma_wait3A_480 : memref<10112x128xf32, #tpu.memory_space<hbm>>) dst(%arg14 : memref<128x128xf32, #tpu.memory_space<vmem>>)
      %dma_wait3A_481 = arith.constant 0 : i32
      %dma_wait3A_482 = arith.constant 0 : i32
      %dma_wait3A_483 = tpu.memref_slice %arg16[%dma_wait3A_481, %dma_wait3A_482] : memref<10112x128xf32, #tpu.memory_space<vmem_shared>> -> memref<10112x128xf32, #tpu.memory_space<vmem_shared>>
      tpu.wait_indirect_dma semaphore(%arg28 : memref<!tpu.dma_semaphore, #tpu.memory_space<semaphore_mem>>) src(%arg15 : memref<128x128xf32, #tpu.memory_space<vmem>>) dst(%dma_wait3A_483 : memref<10112x128xf32, #tpu.memory_space<vmem_shared>>)
      %add3A_484 = arith.constant 3 : i32
      %add3A_485 = arith.addi %add3A_473, %add3A_484 : i32
      %mul3A_486 = arith.constant 128 : i32
      %mul3A_487 = arith.muli %add3A_485, %mul3A_486 : i32
      %add3A_488 = arith.addi %mul3A_2, %mul3A_487 : i32
      %dma_start3A_489 = arith.constant 0 : i32
      %dma_start3A_490 = tpu.memref_slice %arg3[%arg0, %dma_start3A_489] : memref<2x327936xi32, #tpu.memory_space<hbm>> -> memref<1x327936xi32, #tpu.memory_space<hbm>>
      %dma_start3A_491 = tpu.memref_squeeze %dma_start3A_490 : memref<1x327936xi32, #tpu.memory_space<hbm>> -> memref<327936xi32, #tpu.memory_space<hbm>>
      %dma_start3A_492 = tpu.memref_slice %dma_start3A_491[%add3A_488] : memref<327936xi32, #tpu.memory_space<hbm>> -> memref<128xi32, #tpu.memory_space<hbm>>
      %dma_start3A_493 = arith.constant 0 : i32
      %dma_start3A_494 = tpu.memref_slice %arg3[%arg0, %dma_start3A_493] : memref<2x327936xi32, #tpu.memory_space<hbm>> -> memref<1x327936xi32, #tpu.memory_space<hbm>>
      %dma_start3A_495 = tpu.memref_squeeze %dma_start3A_494 : memref<1x327936xi32, #tpu.memory_space<hbm>> -> memref<327936xi32, #tpu.memory_space<hbm>>
      %dma_start3A_496 = tpu.memref_slice %dma_start3A_495[%add3A_488] : memref<327936xi32, #tpu.memory_space<hbm>> -> memref<128xi32, #tpu.memory_space<hbm>>
      tpu.enqueue_dma source(%dma_start3A_496 : memref<128xi32, #tpu.memory_space<hbm>>) target(%arg9 : memref<128xi32, #tpu.memory_space<vmem>>) target_semaphore(%arg20 : memref<!tpu.dma_semaphore, #tpu.memory_space<semaphore_mem>>)
      %add3A_497 = arith.constant 3 : i32
      %add3A_498 = arith.addi %add3A_473, %add3A_497 : i32
      %mul3A_499 = arith.constant 128 : i32
      %mul3A_500 = arith.muli %add3A_498, %mul3A_499 : i32
      %add3A_501 = arith.addi %mul3A_2, %mul3A_500 : i32
      %dma_start3A_502 = arith.constant 0 : i32
      %dma_start3A_503 = tpu.memref_slice %arg4[%arg0, %dma_start3A_502] : memref<2x327936xi32, #tpu.memory_space<hbm>> -> memref<1x327936xi32, #tpu.memory_space<hbm>>
      %dma_start3A_504 = tpu.memref_squeeze %dma_start3A_503 : memref<1x327936xi32, #tpu.memory_space<hbm>> -> memref<327936xi32, #tpu.memory_space<hbm>>
      %dma_start3A_505 = tpu.memref_slice %dma_start3A_504[%add3A_501] : memref<327936xi32, #tpu.memory_space<hbm>> -> memref<128xi32, #tpu.memory_space<hbm>>
      %dma_start3A_506 = arith.constant 0 : i32
      %dma_start3A_507 = tpu.memref_slice %arg4[%arg0, %dma_start3A_506] : memref<2x327936xi32, #tpu.memory_space<hbm>> -> memref<1x327936xi32, #tpu.memory_space<hbm>>
      %dma_start3A_508 = tpu.memref_squeeze %dma_start3A_507 : memref<1x327936xi32, #tpu.memory_space<hbm>> -> memref<327936xi32, #tpu.memory_space<hbm>>
      %dma_start3A_509 = tpu.memref_slice %dma_start3A_508[%add3A_501] : memref<327936xi32, #tpu.memory_space<hbm>> -> memref<128xi32, #tpu.memory_space<hbm>>
      tpu.enqueue_dma source(%dma_start3A_509 : memref<128xi32, #tpu.memory_space<hbm>>) target(%arg13 : memref<128xi32, #tpu.memory_space<vmem>>) target_semaphore(%arg24 : memref<!tpu.dma_semaphore, #tpu.memory_space<semaphore_mem>>)
      %add3A_510 = arith.constant 1 : i32
      %add3A_511 = arith.addi %add3A_473, %add3A_510 : i32
      %mul3A_512 = arith.constant 128 : i32
      %mul3A_513 = arith.muli %add3A_511, %mul3A_512 : i32
      %add3A_514 = arith.addi %mul3A_2, %mul3A_513 : i32
      %dma_wait3A_515 = arith.constant 0 : i32
      %dma_wait3A_516 = tpu.memref_slice %arg3[%arg0, %dma_wait3A_515] : memref<2x327936xi32, #tpu.memory_space<hbm>> -> memref<1x327936xi32, #tpu.memory_space<hbm>>
      %dma_wait3A_517 = tpu.memref_squeeze %dma_wait3A_516 : memref<1x327936xi32, #tpu.memory_space<hbm>> -> memref<327936xi32, #tpu.memory_space<hbm>>
      %dma_wait3A_518 = tpu.memref_slice %dma_wait3A_517[%add3A_514] : memref<327936xi32, #tpu.memory_space<hbm>> -> memref<128xi32, #tpu.memory_space<hbm>>
      %dma_wait3A_519 = arith.constant 0 : i32
      %dma_wait3A_520 = tpu.memref_slice %arg3[%arg0, %dma_wait3A_519] : memref<2x327936xi32, #tpu.memory_space<hbm>> -> memref<1x327936xi32, #tpu.memory_space<hbm>>
      %dma_wait3A_521 = tpu.memref_squeeze %dma_wait3A_520 : memref<1x327936xi32, #tpu.memory_space<hbm>> -> memref<327936xi32, #tpu.memory_space<hbm>>
      %dma_wait3A_522 = tpu.memref_slice %dma_wait3A_521[%add3A_514] : memref<327936xi32, #tpu.memory_space<hbm>> -> memref<128xi32, #tpu.memory_space<hbm>>
      tpu.wait_dma2 semaphore(%arg18 : memref<!tpu.dma_semaphore, #tpu.memory_space<semaphore_mem>>) src(%dma_wait3A_522 : memref<128xi32, #tpu.memory_space<hbm>>) dst(%arg7 : memref<128xi32, #tpu.memory_space<vmem>>)
      %add3A_523 = arith.constant 1 : i32
      %add3A_524 = arith.addi %add3A_473, %add3A_523 : i32
      %mul3A_525 = arith.constant 128 : i32
      %mul3A_526 = arith.muli %add3A_524, %mul3A_525 : i32
      %add3A_527 = arith.addi %mul3A_2, %mul3A_526 : i32
      %dma_wait3A_528 = arith.constant 0 : i32
      %dma_wait3A_529 = tpu.memref_slice %arg4[%arg0, %dma_wait3A_528] : memref<2x327936xi32, #tpu.memory_space<hbm>> -> memref<1x327936xi32, #tpu.memory_space<hbm>>
      %dma_wait3A_530 = tpu.memref_squeeze %dma_wait3A_529 : memref<1x327936xi32, #tpu.memory_space<hbm>> -> memref<327936xi32, #tpu.memory_space<hbm>>
      %dma_wait3A_531 = tpu.memref_slice %dma_wait3A_530[%add3A_527] : memref<327936xi32, #tpu.memory_space<hbm>> -> memref<128xi32, #tpu.memory_space<hbm>>
      %dma_wait3A_532 = arith.constant 0 : i32
      %dma_wait3A_533 = tpu.memref_slice %arg4[%arg0, %dma_wait3A_532] : memref<2x327936xi32, #tpu.memory_space<hbm>> -> memref<1x327936xi32, #tpu.memory_space<hbm>>
      %dma_wait3A_534 = tpu.memref_squeeze %dma_wait3A_533 : memref<1x327936xi32, #tpu.memory_space<hbm>> -> memref<327936xi32, #tpu.memory_space<hbm>>
      %dma_wait3A_535 = tpu.memref_slice %dma_wait3A_534[%add3A_527] : memref<327936xi32, #tpu.memory_space<hbm>> -> memref<128xi32, #tpu.memory_space<hbm>>
      tpu.wait_dma2 semaphore(%arg22 : memref<!tpu.dma_semaphore, #tpu.memory_space<semaphore_mem>>) src(%dma_wait3A_535 : memref<128xi32, #tpu.memory_space<hbm>>) dst(%arg11 : memref<128xi32, #tpu.memory_space<vmem>>)
      %dma_start3A_536 = arith.constant 0 : i32
      %dma_start3A_537 = arith.constant 0 : i32
      %dma_start3A_538 = tpu.memref_slice %arg2[%arg0, %dma_start3A_536, %dma_start3A_537] : memref<2x10112x128xf32, #tpu.memory_space<hbm>> -> memref<1x10112x128xf32, #tpu.memory_space<hbm>>
      %dma_start3A_539 = tpu.memref_squeeze %dma_start3A_538 : memref<1x10112x128xf32, #tpu.memory_space<hbm>> -> memref<10112x128xf32, #tpu.memory_space<hbm>>
      %dma_start3A_540 = arith.constant 0 : i32
      %dma_start3A_541 = arith.constant 0 : i32
      %dma_start3A_542 = tpu.memref_slice %dma_start3A_539[%dma_start3A_540, %dma_start3A_541] : memref<10112x128xf32, #tpu.memory_space<hbm>> -> memref<10112x128xf32, #tpu.memory_space<hbm>>
      tpu.enqueue_indirect_dma source(%dma_start3A_542 : memref<10112x128xf32, #tpu.memory_space<hbm>>) target(%arg15 : memref<128x128xf32, #tpu.memory_space<vmem>>) offsets(%arg7 : memref<128xi32, #tpu.memory_space<vmem>>) semaphore(%arg26 : memref<!tpu.dma_semaphore, #tpu.memory_space<semaphore_mem>>)
      %dma_start3A_543 = arith.constant 0 : i32
      %dma_start3A_544 = arith.constant 0 : i32
      %dma_start3A_545 = tpu.memref_slice %arg16[%dma_start3A_543, %dma_start3A_544] : memref<10112x128xf32, #tpu.memory_space<vmem_shared>> -> memref<10112x128xf32, #tpu.memory_space<vmem_shared>>
      tpu.enqueue_indirect_dma source(%arg14 : memref<128x128xf32, #tpu.memory_space<vmem>>) target(%dma_start3A_545 : memref<10112x128xf32, #tpu.memory_space<vmem_shared>>) offsets(%arg10 : memref<128xi32, #tpu.memory_space<vmem>>) semaphore(%arg27 : memref<!tpu.dma_semaphore, #tpu.memory_space<semaphore_mem>>) {add = true}
    }
    %scan3A_147 = arith.constant 39 : i32
    %dma_wait3A_148 = arith.constant 0 : i32
    %dma_wait3A_149 = arith.constant 0 : i32
    %dma_wait3A_150 = tpu.memref_slice %arg2[%arg0, %dma_wait3A_148, %dma_wait3A_149] : memref<2x10112x128xf32, #tpu.memory_space<hbm>> -> memref<1x10112x128xf32, #tpu.memory_space<hbm>>
    %dma_wait3A_151 = tpu.memref_squeeze %dma_wait3A_150 : memref<1x10112x128xf32, #tpu.memory_space<hbm>> -> memref<10112x128xf32, #tpu.memory_space<hbm>>
    %dma_wait3A_152 = arith.constant 0 : i32
    %dma_wait3A_153 = arith.constant 0 : i32
    %dma_wait3A_154 = tpu.memref_slice %dma_wait3A_151[%dma_wait3A_152, %dma_wait3A_153] : memref<10112x128xf32, #tpu.memory_space<hbm>> -> memref<10112x128xf32, #tpu.memory_space<hbm>>
    tpu.wait_indirect_dma semaphore(%arg26 : memref<!tpu.dma_semaphore, #tpu.memory_space<semaphore_mem>>) src(%dma_wait3A_154 : memref<10112x128xf32, #tpu.memory_space<hbm>>) dst(%arg15 : memref<128x128xf32, #tpu.memory_space<vmem>>)
    %dma_wait3A_155 = arith.constant 0 : i32
    %dma_wait3A_156 = arith.constant 0 : i32
    %dma_wait3A_157 = tpu.memref_slice %arg16[%dma_wait3A_155, %dma_wait3A_156] : memref<10112x128xf32, #tpu.memory_space<vmem_shared>> -> memref<10112x128xf32, #tpu.memory_space<vmem_shared>>
    tpu.wait_indirect_dma semaphore(%arg27 : memref<!tpu.dma_semaphore, #tpu.memory_space<semaphore_mem>>) src(%arg14 : memref<128x128xf32, #tpu.memory_space<vmem>>) dst(%dma_wait3A_157 : memref<10112x128xf32, #tpu.memory_space<vmem_shared>>)
    %add3A_158 = arith.constant 20224 : i32
    %add3A_159 = arith.addi %mul3A_2, %add3A_158 : i32
    %dma_wait3A_160 = arith.constant 0 : i32
    %dma_wait3A_161 = tpu.memref_slice %arg3[%arg0, %dma_wait3A_160] : memref<2x327936xi32, #tpu.memory_space<hbm>> -> memref<1x327936xi32, #tpu.memory_space<hbm>>
    %dma_wait3A_162 = tpu.memref_squeeze %dma_wait3A_161 : memref<1x327936xi32, #tpu.memory_space<hbm>> -> memref<327936xi32, #tpu.memory_space<hbm>>
    %dma_wait3A_163 = tpu.memref_slice %dma_wait3A_162[%add3A_159] : memref<327936xi32, #tpu.memory_space<hbm>> -> memref<128xi32, #tpu.memory_space<hbm>>
    %dma_wait3A_164 = arith.constant 0 : i32
    %dma_wait3A_165 = tpu.memref_slice %arg3[%arg0, %dma_wait3A_164] : memref<2x327936xi32, #tpu.memory_space<hbm>> -> memref<1x327936xi32, #tpu.memory_space<hbm>>
    %dma_wait3A_166 = tpu.memref_squeeze %dma_wait3A_165 : memref<1x327936xi32, #tpu.memory_space<hbm>> -> memref<327936xi32, #tpu.memory_space<hbm>>
    %dma_wait3A_167 = tpu.memref_slice %dma_wait3A_166[%add3A_159] : memref<327936xi32, #tpu.memory_space<hbm>> -> memref<128xi32, #tpu.memory_space<hbm>>
    tpu.wait_dma2 semaphore(%arg19 : memref<!tpu.dma_semaphore, #tpu.memory_space<semaphore_mem>>) src(%dma_wait3A_167 : memref<128xi32, #tpu.memory_space<hbm>>) dst(%arg8 : memref<128xi32, #tpu.memory_space<vmem>>)
    %add3A_168 = arith.constant 20224 : i32
    %add3A_169 = arith.addi %mul3A_2, %add3A_168 : i32
    %dma_wait3A_170 = arith.constant 0 : i32
    %dma_wait3A_171 = tpu.memref_slice %arg4[%arg0, %dma_wait3A_170] : memref<2x327936xi32, #tpu.memory_space<hbm>> -> memref<1x327936xi32, #tpu.memory_space<hbm>>
    %dma_wait3A_172 = tpu.memref_squeeze %dma_wait3A_171 : memref<1x327936xi32, #tpu.memory_space<hbm>> -> memref<327936xi32, #tpu.memory_space<hbm>>
    %dma_wait3A_173 = tpu.memref_slice %dma_wait3A_172[%add3A_169] : memref<327936xi32, #tpu.memory_space<hbm>> -> memref<128xi32, #tpu.memory_space<hbm>>
    %dma_wait3A_174 = arith.constant 0 : i32
    %dma_wait3A_175 = tpu.memref_slice %arg4[%arg0, %dma_wait3A_174] : memref<2x327936xi32, #tpu.memory_space<hbm>> -> memref<1x327936xi32, #tpu.memory_space<hbm>>
    %dma_wait3A_176 = tpu.memref_squeeze %dma_wait3A_175 : memref<1x327936xi32, #tpu.memory_space<hbm>> -> memref<327936xi32, #tpu.memory_space<hbm>>
    %dma_wait3A_177 = tpu.memref_slice %dma_wait3A_176[%add3A_169] : memref<327936xi32, #tpu.memory_space<hbm>> -> memref<128xi32, #tpu.memory_space<hbm>>
    tpu.wait_dma2 semaphore(%arg23 : memref<!tpu.dma_semaphore, #tpu.memory_space<semaphore_mem>>) src(%dma_wait3A_177 : memref<128xi32, #tpu.memory_space<hbm>>) dst(%arg12 : memref<128xi32, #tpu.memory_space<vmem>>)
    %dma_start3A_178 = arith.constant 0 : i32
    %dma_start3A_179 = arith.constant 0 : i32
    %dma_start3A_180 = tpu.memref_slice %arg2[%arg0, %dma_start3A_178, %dma_start3A_179] : memref<2x10112x128xf32, #tpu.memory_space<hbm>> -> memref<1x10112x128xf32, #tpu.memory_space<hbm>>
    %dma_start3A_181 = tpu.memref_squeeze %dma_start3A_180 : memref<1x10112x128xf32, #tpu.memory_space<hbm>> -> memref<10112x128xf32, #tpu.memory_space<hbm>>
    %dma_start3A_182 = arith.constant 0 : i32
    %dma_start3A_183 = arith.constant 0 : i32
    %dma_start3A_184 = tpu.memref_slice %dma_start3A_181[%dma_start3A_182, %dma_start3A_183] : memref<10112x128xf32, #tpu.memory_space<hbm>> -> memref<10112x128xf32, #tpu.memory_space<hbm>>
    tpu.enqueue_indirect_dma source(%dma_start3A_184 : memref<10112x128xf32, #tpu.memory_space<hbm>>) target(%arg14 : memref<128x128xf32, #tpu.memory_space<vmem>>) offsets(%arg8 : memref<128xi32, #tpu.memory_space<vmem>>) semaphore(%arg25 : memref<!tpu.dma_semaphore, #tpu.memory_space<semaphore_mem>>)
    %dma_start3A_185 = arith.constant 0 : i32
    %dma_start3A_186 = arith.constant 0 : i32
    %dma_start3A_187 = tpu.memref_slice %arg16[%dma_start3A_185, %dma_start3A_186] : memref<10112x128xf32, #tpu.memory_space<vmem_shared>> -> memref<10112x128xf32, #tpu.memory_space<vmem_shared>>
    tpu.enqueue_indirect_dma source(%arg15 : memref<128x128xf32, #tpu.memory_space<vmem>>) target(%dma_start3A_187 : memref<10112x128xf32, #tpu.memory_space<vmem_shared>>) offsets(%arg11 : memref<128xi32, #tpu.memory_space<vmem>>) semaphore(%arg28 : memref<!tpu.dma_semaphore, #tpu.memory_space<semaphore_mem>>) {add = true}
    %dma_wait3A_188 = arith.constant 0 : i32
    %dma_wait3A_189 = arith.constant 0 : i32
    %dma_wait3A_190 = tpu.memref_slice %arg2[%arg0, %dma_wait3A_188, %dma_wait3A_189] : memref<2x10112x128xf32, #tpu.memory_space<hbm>> -> memref<1x10112x128xf32, #tpu.memory_space<hbm>>
    %dma_wait3A_191 = tpu.memref_squeeze %dma_wait3A_190 : memref<1x10112x128xf32, #tpu.memory_space<hbm>> -> memref<10112x128xf32, #tpu.memory_space<hbm>>
    %dma_wait3A_192 = arith.constant 0 : i32
    %dma_wait3A_193 = arith.constant 0 : i32
    %dma_wait3A_194 = tpu.memref_slice %dma_wait3A_191[%dma_wait3A_192, %dma_wait3A_193] : memref<10112x128xf32, #tpu.memory_space<hbm>> -> memref<10112x128xf32, #tpu.memory_space<hbm>>
    tpu.wait_indirect_dma semaphore(%arg25 : memref<!tpu.dma_semaphore, #tpu.memory_space<semaphore_mem>>) src(%dma_wait3A_194 : memref<10112x128xf32, #tpu.memory_space<hbm>>) dst(%arg14 : memref<128x128xf32, #tpu.memory_space<vmem>>)
    %dma_wait3A_195 = arith.constant 0 : i32
    %dma_wait3A_196 = arith.constant 0 : i32
    %dma_wait3A_197 = tpu.memref_slice %arg16[%dma_wait3A_195, %dma_wait3A_196] : memref<10112x128xf32, #tpu.memory_space<vmem_shared>> -> memref<10112x128xf32, #tpu.memory_space<vmem_shared>>
    tpu.wait_indirect_dma semaphore(%arg28 : memref<!tpu.dma_semaphore, #tpu.memory_space<semaphore_mem>>) src(%arg15 : memref<128x128xf32, #tpu.memory_space<vmem>>) dst(%dma_wait3A_197 : memref<10112x128xf32, #tpu.memory_space<vmem_shared>>)
    %add3A_198 = arith.constant 20352 : i32
    %add3A_199 = arith.addi %mul3A_2, %add3A_198 : i32
    %dma_wait3A_200 = arith.constant 0 : i32
    %dma_wait3A_201 = tpu.memref_slice %arg3[%arg0, %dma_wait3A_200] : memref<2x327936xi32, #tpu.memory_space<hbm>> -> memref<1x327936xi32, #tpu.memory_space<hbm>>
    %dma_wait3A_202 = tpu.memref_squeeze %dma_wait3A_201 : memref<1x327936xi32, #tpu.memory_space<hbm>> -> memref<327936xi32, #tpu.memory_space<hbm>>
    %dma_wait3A_203 = tpu.memref_slice %dma_wait3A_202[%add3A_199] : memref<327936xi32, #tpu.memory_space<hbm>> -> memref<128xi32, #tpu.memory_space<hbm>>
    %dma_wait3A_204 = arith.constant 0 : i32
    %dma_wait3A_205 = tpu.memref_slice %arg3[%arg0, %dma_wait3A_204] : memref<2x327936xi32, #tpu.memory_space<hbm>> -> memref<1x327936xi32, #tpu.memory_space<hbm>>
    %dma_wait3A_206 = tpu.memref_squeeze %dma_wait3A_205 : memref<1x327936xi32, #tpu.memory_space<hbm>> -> memref<327936xi32, #tpu.memory_space<hbm>>
    %dma_wait3A_207 = tpu.memref_slice %dma_wait3A_206[%add3A_199] : memref<327936xi32, #tpu.memory_space<hbm>> -> memref<128xi32, #tpu.memory_space<hbm>>
    tpu.wait_dma2 semaphore(%arg20 : memref<!tpu.dma_semaphore, #tpu.memory_space<semaphore_mem>>) src(%dma_wait3A_207 : memref<128xi32, #tpu.memory_space<hbm>>) dst(%arg9 : memref<128xi32, #tpu.memory_space<vmem>>)
    %add3A_208 = arith.constant 20352 : i32
    %add3A_209 = arith.addi %mul3A_2, %add3A_208 : i32
    %dma_wait3A_210 = arith.constant 0 : i32
    %dma_wait3A_211 = tpu.memref_slice %arg4[%arg0, %dma_wait3A_210] : memref<2x327936xi32, #tpu.memory_space<hbm>> -> memref<1x327936xi32, #tpu.memory_space<hbm>>
    %dma_wait3A_212 = tpu.memref_squeeze %dma_wait3A_211 : memref<1x327936xi32, #tpu.memory_space<hbm>> -> memref<327936xi32, #tpu.memory_space<hbm>>
    %dma_wait3A_213 = tpu.memref_slice %dma_wait3A_212[%add3A_209] : memref<327936xi32, #tpu.memory_space<hbm>> -> memref<128xi32, #tpu.memory_space<hbm>>
    %dma_wait3A_214 = arith.constant 0 : i32
    %dma_wait3A_215 = tpu.memref_slice %arg4[%arg0, %dma_wait3A_214] : memref<2x327936xi32, #tpu.memory_space<hbm>> -> memref<1x327936xi32, #tpu.memory_space<hbm>>
    %dma_wait3A_216 = tpu.memref_squeeze %dma_wait3A_215 : memref<1x327936xi32, #tpu.memory_space<hbm>> -> memref<327936xi32, #tpu.memory_space<hbm>>
    %dma_wait3A_217 = tpu.memref_slice %dma_wait3A_216[%add3A_209] : memref<327936xi32, #tpu.memory_space<hbm>> -> memref<128xi32, #tpu.memory_space<hbm>>
    tpu.wait_dma2 semaphore(%arg24 : memref<!tpu.dma_semaphore, #tpu.memory_space<semaphore_mem>>) src(%dma_wait3A_217 : memref<128xi32, #tpu.memory_space<hbm>>) dst(%arg13 : memref<128xi32, #tpu.memory_space<vmem>>)
    %dma_start3A_218 = arith.constant 0 : i32
    %dma_start3A_219 = arith.constant 0 : i32
    %dma_start3A_220 = tpu.memref_slice %arg2[%arg0, %dma_start3A_218, %dma_start3A_219] : memref<2x10112x128xf32, #tpu.memory_space<hbm>> -> memref<1x10112x128xf32, #tpu.memory_space<hbm>>
    %dma_start3A_221 = tpu.memref_squeeze %dma_start3A_220 : memref<1x10112x128xf32, #tpu.memory_space<hbm>> -> memref<10112x128xf32, #tpu.memory_space<hbm>>
    %dma_start3A_222 = arith.constant 0 : i32
    %dma_start3A_223 = arith.constant 0 : i32
    %dma_start3A_224 = tpu.memref_slice %dma_start3A_221[%dma_start3A_222, %dma_start3A_223] : memref<10112x128xf32, #tpu.memory_space<hbm>> -> memref<10112x128xf32, #tpu.memory_space<hbm>>
    tpu.enqueue_indirect_dma source(%dma_start3A_224 : memref<10112x128xf32, #tpu.memory_space<hbm>>) target(%arg15 : memref<128x128xf32, #tpu.memory_space<vmem>>) offsets(%arg9 : memref<128xi32, #tpu.memory_space<vmem>>) semaphore(%arg26 : memref<!tpu.dma_semaphore, #tpu.memory_space<semaphore_mem>>)
    %dma_start3A_225 = arith.constant 0 : i32
    %dma_start3A_226 = arith.constant 0 : i32
    %dma_start3A_227 = tpu.memref_slice %arg16[%dma_start3A_225, %dma_start3A_226] : memref<10112x128xf32, #tpu.memory_space<vmem_shared>> -> memref<10112x128xf32, #tpu.memory_space<vmem_shared>>
    tpu.enqueue_indirect_dma source(%arg14 : memref<128x128xf32, #tpu.memory_space<vmem>>) target(%dma_start3A_227 : memref<10112x128xf32, #tpu.memory_space<vmem_shared>>) offsets(%arg12 : memref<128xi32, #tpu.memory_space<vmem>>) semaphore(%arg27 : memref<!tpu.dma_semaphore, #tpu.memory_space<semaphore_mem>>) {add = true}
    %dma_wait3A_228 = arith.constant 0 : i32
    %dma_wait3A_229 = arith.constant 0 : i32
    %dma_wait3A_230 = tpu.memref_slice %arg2[%arg0, %dma_wait3A_228, %dma_wait3A_229] : memref<2x10112x128xf32, #tpu.memory_space<hbm>> -> memref<1x10112x128xf32, #tpu.memory_space<hbm>>
    %dma_wait3A_231 = tpu.memref_squeeze %dma_wait3A_230 : memref<1x10112x128xf32, #tpu.memory_space<hbm>> -> memref<10112x128xf32, #tpu.memory_space<hbm>>
    %dma_wait3A_232 = arith.constant 0 : i32
    %dma_wait3A_233 = arith.constant 0 : i32
    %dma_wait3A_234 = tpu.memref_slice %dma_wait3A_231[%dma_wait3A_232, %dma_wait3A_233] : memref<10112x128xf32, #tpu.memory_space<hbm>> -> memref<10112x128xf32, #tpu.memory_space<hbm>>
    tpu.wait_indirect_dma semaphore(%arg26 : memref<!tpu.dma_semaphore, #tpu.memory_space<semaphore_mem>>) src(%dma_wait3A_234 : memref<10112x128xf32, #tpu.memory_space<hbm>>) dst(%arg15 : memref<128x128xf32, #tpu.memory_space<vmem>>)
    %dma_wait3A_235 = arith.constant 0 : i32
    %dma_wait3A_236 = arith.constant 0 : i32
    %dma_wait3A_237 = tpu.memref_slice %arg16[%dma_wait3A_235, %dma_wait3A_236] : memref<10112x128xf32, #tpu.memory_space<vmem_shared>> -> memref<10112x128xf32, #tpu.memory_space<vmem_shared>>
    tpu.wait_indirect_dma semaphore(%arg27 : memref<!tpu.dma_semaphore, #tpu.memory_space<semaphore_mem>>) src(%arg14 : memref<128x128xf32, #tpu.memory_space<vmem>>) dst(%dma_wait3A_237 : memref<10112x128xf32, #tpu.memory_space<vmem_shared>>)
    %dma_start3A_238 = arith.constant 0 : i32
    %dma_start3A_239 = arith.constant 0 : i32
    %dma_start3A_240 = tpu.memref_slice %arg16[%dma_start3A_238, %dma_start3A_239] : memref<10112x128xf32, #tpu.memory_space<vmem_shared>> -> memref<10112x128xf32, #tpu.memory_space<vmem_shared>>
    tpu.enqueue_indirect_dma source(%arg15 : memref<128x128xf32, #tpu.memory_space<vmem>>) target(%dma_start3A_240 : memref<10112x128xf32, #tpu.memory_space<vmem_shared>>) offsets(%arg13 : memref<128xi32, #tpu.memory_space<vmem>>) semaphore(%arg28 : memref<!tpu.dma_semaphore, #tpu.memory_space<semaphore_mem>>) {add = true}
    %dma_wait3A_241 = arith.constant 0 : i32
    %dma_wait3A_242 = arith.constant 0 : i32
    %dma_wait3A_243 = tpu.memref_slice %arg16[%dma_wait3A_241, %dma_wait3A_242] : memref<10112x128xf32, #tpu.memory_space<vmem_shared>> -> memref<10112x128xf32, #tpu.memory_space<vmem_shared>>
    tpu.wait_indirect_dma semaphore(%arg28 : memref<!tpu.dma_semaphore, #tpu.memory_space<semaphore_mem>>) src(%arg15 : memref<128x128xf32, #tpu.memory_space<vmem>>) dst(%dma_wait3A_243 : memref<10112x128xf32, #tpu.memory_space<vmem_shared>>)
    %barrier3A_244 = arith.constant 0 : index
    tpu.barrier barrier_id(%barrier3A_244)
    "tpu.region"() ({
      %run_scoped3A = tpu.sem_alloc : memref<!tpu.dma_semaphore, #tpu.memory_space<semaphore_mem>>
      %dma_start3A_245 = arith.constant 0 : i32
      %dma_start3A_246 = arith.constant 0 : i32
      %dma_start3A_247 = tpu.memref_slice %arg5[%arg0, %dma_start3A_245, %dma_start3A_246] : memref<2x10112x128xf32, #tpu.memory_space<hbm>> -> memref<1x10112x128xf32, #tpu.memory_space<hbm>>
      %dma_start3A_248 = tpu.memref_squeeze %dma_start3A_247 : memref<1x10112x128xf32, #tpu.memory_space<hbm>> -> memref<10112x128xf32, #tpu.memory_space<hbm>>
      %dma_start3A_249 = arith.constant 0 : i32
      %dma_start3A_250 = tpu.memref_slice %dma_start3A_248[%mul3A_0, %dma_start3A_249] : memref<10112x128xf32, #tpu.memory_space<hbm>> -> memref<632x128xf32, #tpu.memory_space<hbm>>
      %dma_start3A_251 = arith.constant 0 : i32
      %dma_start3A_252 = tpu.memref_slice %arg16[%mul3A_0, %dma_start3A_251] : memref<10112x128xf32, #tpu.memory_space<vmem_shared>> -> memref<632x128xf32, #tpu.memory_space<vmem_shared>>
      tpu.enqueue_dma source(%dma_start3A_252 : memref<632x128xf32, #tpu.memory_space<vmem_shared>>) target(%dma_start3A_250 : memref<632x128xf32, #tpu.memory_space<hbm>>) target_semaphore(%run_scoped3A : memref<!tpu.dma_semaphore, #tpu.memory_space<semaphore_mem>>)
      %dma_wait3A_253 = arith.constant 0 : i32
      %dma_wait3A_254 = arith.constant 0 : i32
      %dma_wait3A_255 = tpu.memref_slice %arg5[%arg0, %dma_wait3A_253, %dma_wait3A_254] : memref<2x10112x128xf32, #tpu.memory_space<hbm>> -> memref<1x10112x128xf32, #tpu.memory_space<hbm>>
      %dma_wait3A_256 = tpu.memref_squeeze %dma_wait3A_255 : memref<1x10112x128xf32, #tpu.memory_space<hbm>> -> memref<10112x128xf32, #tpu.memory_space<hbm>>
      %dma_wait3A_257 = arith.constant 0 : i32
      %dma_wait3A_258 = tpu.memref_slice %dma_wait3A_256[%mul3A_0, %dma_wait3A_257] : memref<10112x128xf32, #tpu.memory_space<hbm>> -> memref<632x128xf32, #tpu.memory_space<hbm>>
      %dma_wait3A_259 = arith.constant 0 : i32
      %dma_wait3A_260 = tpu.memref_slice %arg16[%mul3A_0, %dma_wait3A_259] : memref<10112x128xf32, #tpu.memory_space<vmem_shared>> -> memref<632x128xf32, #tpu.memory_space<vmem_shared>>
      tpu.wait_dma2 semaphore(%run_scoped3A : memref<!tpu.dma_semaphore, #tpu.memory_space<semaphore_mem>>) src(%dma_wait3A_260 : memref<632x128xf32, #tpu.memory_space<vmem_shared>>) dst(%dma_wait3A_258 : memref<632x128xf32, #tpu.memory_space<hbm>>)
      tpu.yield
    }) : () -> ()
    return
  }
}

#map = affine_map<(d0, d1) -> (0, 0, 0)>
#map1 = affine_map<(d0, d1) -> (0, 0)>
module attributes {stable_mosaic.version = 14 : i64} {
  func.func @k(%arg0: i32, %arg1: i32, %arg2: memref<2x10112x128xf32, #tpu.memory_space<hbm>>, %arg3: memref<2x327936xi32, #tpu.memory_space<hbm>>, %arg4: memref<2x327936xi32, #tpu.memory_space<hbm>>, %arg5: memref<2x10112x128xf32, #tpu.memory_space<hbm>>, %arg6: memref<128xi32, #tpu.memory_space<vmem>>, %arg7: memref<128xi32, #tpu.memory_space<vmem>>, %arg8: memref<128xi32, #tpu.memory_space<vmem>>, %arg9: memref<128xi32, #tpu.memory_space<vmem>>, %arg10: memref<128xi32, #tpu.memory_space<vmem>>, %arg11: memref<128xi32, #tpu.memory_space<vmem>>, %arg12: memref<128xi32, #tpu.memory_space<vmem>>, %arg13: memref<128xi32, #tpu.memory_space<vmem>>, %arg14: memref<128x128xf32, #tpu.memory_space<vmem>>, %arg15: memref<128x128xf32, #tpu.memory_space<vmem>>, %arg16: memref<10112x128xf32, #tpu.memory_space<vmem_shared>>, %arg17: memref<!tpu.dma_semaphore, #tpu.memory_space<semaphore_mem>>, %arg18: memref<!tpu.dma_semaphore, #tpu.memory_space<semaphore_mem>>, %arg19: memref<!tpu.dma_semaphore, #tpu.memory_space<semaphore_mem>>, %arg20: memref<!tpu.dma_semaphore, #tpu.memory_space<semaphore_mem>>, %arg21: memref<!tpu.dma_semaphore, #tpu.memory_space<semaphore_mem>>, %arg22: memref<!tpu.dma_semaphore, #tpu.memory_space<semaphore_mem>>, %arg23: memref<!tpu.dma_semaphore, #tpu.memory_space<semaphore_mem>>, %arg24: memref<!tpu.dma_semaphore, #tpu.memory_space<semaphore_mem>>, %arg25: memref<!tpu.dma_semaphore, #tpu.memory_space<semaphore_mem>>, %arg26: memref<!tpu.dma_semaphore, #tpu.memory_space<semaphore_mem>>, %arg27: memref<!tpu.dma_semaphore, #tpu.memory_space<semaphore_mem>>, %arg28: memref<!tpu.dma_semaphore, #tpu.memory_space<semaphore_mem>>) attributes {dimension_semantics = [#tpu.dimension_semantics<core_parallel>, #tpu.dimension_semantics<subcore_parallel>], iteration_bounds = array<i64: 2, 16>, scalar_prefetch = 0 : i64, scratch_operands = 23 : i64, tpu.core_type = #tpu.core_type<sc_vector_subcore>, window_params = [{transform_indices = #map}, {transform_indices = #map1}, {transform_indices = #map1}, {transform_indices = #map}]} {
    %mul3A = arith.constant 632 : i32
    %mul3A_0 = arith.muli %arg1, %mul3A : i32
    %mul3A_1 = arith.constant 20480 : i32
    %mul3A_2 = arith.muli %arg1, %mul3A_1 : i32
    "tpu.region"() ({
      %run_scoped3A = tpu.sem_alloc : memref<!tpu.dma_semaphore, #tpu.memory_space<semaphore_mem>>
      %dma_start3A_245 = arith.constant 0 : i32
      %dma_start3A_246 = tpu.memref_slice %arg16[%mul3A_0, %dma_start3A_245] : memref<10112x128xf32, #tpu.memory_space<vmem_shared>> -> memref<632x128xf32, #tpu.memory_space<vmem_shared>>
      %dma_start3A_247 = arith.constant 0 : i32
      %dma_start3A_248 = arith.constant 0 : i32
      %dma_start3A_249 = tpu.memref_slice %arg2[%arg0, %dma_start3A_247, %dma_start3A_248] : memref<2x10112x128xf32, #tpu.memory_space<hbm>> -> memref<1x10112x128xf32, #tpu.memory_space<hbm>>
      %dma_start3A_250 = tpu.memref_squeeze %dma_start3A_249 : memref<1x10112x128xf32, #tpu.memory_space<hbm>> -> memref<10112x128xf32, #tpu.memory_space<hbm>>
      %dma_start3A_251 = arith.constant 0 : i32
      %dma_start3A_252 = tpu.memref_slice %dma_start3A_250[%mul3A_0, %dma_start3A_251] : memref<10112x128xf32, #tpu.memory_space<hbm>> -> memref<632x128xf32, #tpu.memory_space<hbm>>
      tpu.enqueue_dma source(%dma_start3A_252 : memref<632x128xf32, #tpu.memory_space<hbm>>) target(%dma_start3A_246 : memref<632x128xf32, #tpu.memory_space<vmem_shared>>) target_semaphore(%run_scoped3A : memref<!tpu.dma_semaphore, #tpu.memory_space<semaphore_mem>>)
      %dma_wait3A_253 = arith.constant 0 : i32
      %dma_wait3A_254 = tpu.memref_slice %arg16[%mul3A_0, %dma_wait3A_253] : memref<10112x128xf32, #tpu.memory_space<vmem_shared>> -> memref<632x128xf32, #tpu.memory_space<vmem_shared>>
      %dma_wait3A_255 = arith.constant 0 : i32
      %dma_wait3A_256 = arith.constant 0 : i32
      %dma_wait3A_257 = tpu.memref_slice %arg2[%arg0, %dma_wait3A_255, %dma_wait3A_256] : memref<2x10112x128xf32, #tpu.memory_space<hbm>> -> memref<1x10112x128xf32, #tpu.memory_space<hbm>>
      %dma_wait3A_258 = tpu.memref_squeeze %dma_wait3A_257 : memref<1x10112x128xf32, #tpu.memory_space<hbm>> -> memref<10112x128xf32, #tpu.memory_space<hbm>>
      %dma_wait3A_259 = arith.constant 0 : i32
      %dma_wait3A_260 = tpu.memref_slice %dma_wait3A_258[%mul3A_0, %dma_wait3A_259] : memref<10112x128xf32, #tpu.memory_space<hbm>> -> memref<632x128xf32, #tpu.memory_space<hbm>>
      tpu.wait_dma2 semaphore(%run_scoped3A : memref<!tpu.dma_semaphore, #tpu.memory_space<semaphore_mem>>) src(%dma_wait3A_260 : memref<632x128xf32, #tpu.memory_space<hbm>>) dst(%dma_wait3A_254 : memref<632x128xf32, #tpu.memory_space<vmem_shared>>)
      tpu.yield
    }) : () -> ()
    %barrier3A = arith.constant 0 : index
    tpu.barrier barrier_id(%barrier3A)
    %add3A = arith.constant 0 : i32
    %add3A_3 = arith.addi %mul3A_2, %add3A : i32
    %dma_start3A = arith.constant 0 : i32
    %dma_start3A_4 = tpu.memref_slice %arg3[%arg0, %dma_start3A] : memref<2x327936xi32, #tpu.memory_space<hbm>> -> memref<1x327936xi32, #tpu.memory_space<hbm>>
    %dma_start3A_5 = tpu.memref_squeeze %dma_start3A_4 : memref<1x327936xi32, #tpu.memory_space<hbm>> -> memref<327936xi32, #tpu.memory_space<hbm>>
    %dma_start3A_6 = tpu.memref_slice %dma_start3A_5[%add3A_3] : memref<327936xi32, #tpu.memory_space<hbm>> -> memref<128xi32, #tpu.memory_space<hbm>>
    %dma_start3A_7 = arith.constant 0 : i32
    %dma_start3A_8 = tpu.memref_slice %arg3[%arg0, %dma_start3A_7] : memref<2x327936xi32, #tpu.memory_space<hbm>> -> memref<1x327936xi32, #tpu.memory_space<hbm>>
    %dma_start3A_9 = tpu.memref_squeeze %dma_start3A_8 : memref<1x327936xi32, #tpu.memory_space<hbm>> -> memref<327936xi32, #tpu.memory_space<hbm>>
    %dma_start3A_10 = tpu.memref_slice %dma_start3A_9[%add3A_3] : memref<327936xi32, #tpu.memory_space<hbm>> -> memref<128xi32, #tpu.memory_space<hbm>>
    tpu.enqueue_dma source(%dma_start3A_10 : memref<128xi32, #tpu.memory_space<hbm>>) target(%arg6 : memref<128xi32, #tpu.memory_space<vmem>>) target_semaphore(%arg17 : memref<!tpu.dma_semaphore, #tpu.memory_space<semaphore_mem>>)
    %add3A_11 = arith.constant 0 : i32
    %add3A_12 = arith.addi %mul3A_2, %add3A_11 : i32
    %dma_start3A_13 = arith.constant 0 : i32
    %dma_start3A_14 = tpu.memref_slice %arg4[%arg0, %dma_start3A_13] : memref<2x327936xi32, #tpu.memory_space<hbm>> -> memref<1x327936xi32, #tpu.memory_space<hbm>>
    %dma_start3A_15 = tpu.memref_squeeze %dma_start3A_14 : memref<1x327936xi32, #tpu.memory_space<hbm>> -> memref<327936xi32, #tpu.memory_space<hbm>>
    %dma_start3A_16 = tpu.memref_slice %dma_start3A_15[%add3A_12] : memref<327936xi32, #tpu.memory_space<hbm>> -> memref<128xi32, #tpu.memory_space<hbm>>
    %dma_start3A_17 = arith.constant 0 : i32
    %dma_start3A_18 = tpu.memref_slice %arg4[%arg0, %dma_start3A_17] : memref<2x327936xi32, #tpu.memory_space<hbm>> -> memref<1x327936xi32, #tpu.memory_space<hbm>>
    %dma_start3A_19 = tpu.memref_squeeze %dma_start3A_18 : memref<1x327936xi32, #tpu.memory_space<hbm>> -> memref<327936xi32, #tpu.memory_space<hbm>>
    %dma_start3A_20 = tpu.memref_slice %dma_start3A_19[%add3A_12] : memref<327936xi32, #tpu.memory_space<hbm>> -> memref<128xi32, #tpu.memory_space<hbm>>
    tpu.enqueue_dma source(%dma_start3A_20 : memref<128xi32, #tpu.memory_space<hbm>>) target(%arg10 : memref<128xi32, #tpu.memory_space<vmem>>) target_semaphore(%arg21 : memref<!tpu.dma_semaphore, #tpu.memory_space<semaphore_mem>>)
    %add3A_21 = arith.constant 128 : i32
    %add3A_22 = arith.addi %mul3A_2, %add3A_21 : i32
    %dma_start3A_23 = arith.constant 0 : i32
    %dma_start3A_24 = tpu.memref_slice %arg3[%arg0, %dma_start3A_23] : memref<2x327936xi32, #tpu.memory_space<hbm>> -> memref<1x327936xi32, #tpu.memory_space<hbm>>
    %dma_start3A_25 = tpu.memref_squeeze %dma_start3A_24 : memref<1x327936xi32, #tpu.memory_space<hbm>> -> memref<327936xi32, #tpu.memory_space<hbm>>
    %dma_start3A_26 = tpu.memref_slice %dma_start3A_25[%add3A_22] : memref<327936xi32, #tpu.memory_space<hbm>> -> memref<128xi32, #tpu.memory_space<hbm>>
    %dma_start3A_27 = arith.constant 0 : i32
    %dma_start3A_28 = tpu.memref_slice %arg3[%arg0, %dma_start3A_27] : memref<2x327936xi32, #tpu.memory_space<hbm>> -> memref<1x327936xi32, #tpu.memory_space<hbm>>
    %dma_start3A_29 = tpu.memref_squeeze %dma_start3A_28 : memref<1x327936xi32, #tpu.memory_space<hbm>> -> memref<327936xi32, #tpu.memory_space<hbm>>
    %dma_start3A_30 = tpu.memref_slice %dma_start3A_29[%add3A_22] : memref<327936xi32, #tpu.memory_space<hbm>> -> memref<128xi32, #tpu.memory_space<hbm>>
    tpu.enqueue_dma source(%dma_start3A_30 : memref<128xi32, #tpu.memory_space<hbm>>) target(%arg7 : memref<128xi32, #tpu.memory_space<vmem>>) target_semaphore(%arg18 : memref<!tpu.dma_semaphore, #tpu.memory_space<semaphore_mem>>)
    %add3A_31 = arith.constant 128 : i32
    %add3A_32 = arith.addi %mul3A_2, %add3A_31 : i32
    %dma_start3A_33 = arith.constant 0 : i32
    %dma_start3A_34 = tpu.memref_slice %arg4[%arg0, %dma_start3A_33] : memref<2x327936xi32, #tpu.memory_space<hbm>> -> memref<1x327936xi32, #tpu.memory_space<hbm>>
    %dma_start3A_35 = tpu.memref_squeeze %dma_start3A_34 : memref<1x327936xi32, #tpu.memory_space<hbm>> -> memref<327936xi32, #tpu.memory_space<hbm>>
    %dma_start3A_36 = tpu.memref_slice %dma_start3A_35[%add3A_32] : memref<327936xi32, #tpu.memory_space<hbm>> -> memref<128xi32, #tpu.memory_space<hbm>>
    %dma_start3A_37 = arith.constant 0 : i32
    %dma_start3A_38 = tpu.memref_slice %arg4[%arg0, %dma_start3A_37] : memref<2x327936xi32, #tpu.memory_space<hbm>> -> memref<1x327936xi32, #tpu.memory_space<hbm>>
    %dma_start3A_39 = tpu.memref_squeeze %dma_start3A_38 : memref<1x327936xi32, #tpu.memory_space<hbm>> -> memref<327936xi32, #tpu.memory_space<hbm>>
    %dma_start3A_40 = tpu.memref_slice %dma_start3A_39[%add3A_32] : memref<327936xi32, #tpu.memory_space<hbm>> -> memref<128xi32, #tpu.memory_space<hbm>>
    tpu.enqueue_dma source(%dma_start3A_40 : memref<128xi32, #tpu.memory_space<hbm>>) target(%arg11 : memref<128xi32, #tpu.memory_space<vmem>>) target_semaphore(%arg22 : memref<!tpu.dma_semaphore, #tpu.memory_space<semaphore_mem>>)
    %add3A_41 = arith.constant 256 : i32
    %add3A_42 = arith.addi %mul3A_2, %add3A_41 : i32
    %dma_start3A_43 = arith.constant 0 : i32
    %dma_start3A_44 = tpu.memref_slice %arg3[%arg0, %dma_start3A_43] : memref<2x327936xi32, #tpu.memory_space<hbm>> -> memref<1x327936xi32, #tpu.memory_space<hbm>>
    %dma_start3A_45 = tpu.memref_squeeze %dma_start3A_44 : memref<1x327936xi32, #tpu.memory_space<hbm>> -> memref<327936xi32, #tpu.memory_space<hbm>>
    %dma_start3A_46 = tpu.memref_slice %dma_start3A_45[%add3A_42] : memref<327936xi32, #tpu.memory_space<hbm>> -> memref<128xi32, #tpu.memory_space<hbm>>
    %dma_start3A_47 = arith.constant 0 : i32
    %dma_start3A_48 = tpu.memref_slice %arg3[%arg0, %dma_start3A_47] : memref<2x327936xi32, #tpu.memory_space<hbm>> -> memref<1x327936xi32, #tpu.memory_space<hbm>>
    %dma_start3A_49 = tpu.memref_squeeze %dma_start3A_48 : memref<1x327936xi32, #tpu.memory_space<hbm>> -> memref<327936xi32, #tpu.memory_space<hbm>>
    %dma_start3A_50 = tpu.memref_slice %dma_start3A_49[%add3A_42] : memref<327936xi32, #tpu.memory_space<hbm>> -> memref<128xi32, #tpu.memory_space<hbm>>
    tpu.enqueue_dma source(%dma_start3A_50 : memref<128xi32, #tpu.memory_space<hbm>>) target(%arg8 : memref<128xi32, #tpu.memory_space<vmem>>) target_semaphore(%arg19 : memref<!tpu.dma_semaphore, #tpu.memory_space<semaphore_mem>>)
    %add3A_51 = arith.constant 256 : i32
    %add3A_52 = arith.addi %mul3A_2, %add3A_51 : i32
    %dma_start3A_53 = arith.constant 0 : i32
    %dma_start3A_54 = tpu.memref_slice %arg4[%arg0, %dma_start3A_53] : memref<2x327936xi32, #tpu.memory_space<hbm>> -> memref<1x327936xi32, #tpu.memory_space<hbm>>
    %dma_start3A_55 = tpu.memref_squeeze %dma_start3A_54 : memref<1x327936xi32, #tpu.memory_space<hbm>> -> memref<327936xi32, #tpu.memory_space<hbm>>
    %dma_start3A_56 = tpu.memref_slice %dma_start3A_55[%add3A_52] : memref<327936xi32, #tpu.memory_space<hbm>> -> memref<128xi32, #tpu.memory_space<hbm>>
    %dma_start3A_57 = arith.constant 0 : i32
    %dma_start3A_58 = tpu.memref_slice %arg4[%arg0, %dma_start3A_57] : memref<2x327936xi32, #tpu.memory_space<hbm>> -> memref<1x327936xi32, #tpu.memory_space<hbm>>
    %dma_start3A_59 = tpu.memref_squeeze %dma_start3A_58 : memref<1x327936xi32, #tpu.memory_space<hbm>> -> memref<327936xi32, #tpu.memory_space<hbm>>
    %dma_start3A_60 = tpu.memref_slice %dma_start3A_59[%add3A_52] : memref<327936xi32, #tpu.memory_space<hbm>> -> memref<128xi32, #tpu.memory_space<hbm>>
    tpu.enqueue_dma source(%dma_start3A_60 : memref<128xi32, #tpu.memory_space<hbm>>) target(%arg12 : memref<128xi32, #tpu.memory_space<vmem>>) target_semaphore(%arg23 : memref<!tpu.dma_semaphore, #tpu.memory_space<semaphore_mem>>)
    %add3A_61 = arith.constant 0 : i32
    %add3A_62 = arith.addi %mul3A_2, %add3A_61 : i32
    %dma_wait3A = arith.constant 0 : i32
    %dma_wait3A_63 = tpu.memref_slice %arg3[%arg0, %dma_wait3A] : memref<2x327936xi32, #tpu.memory_space<hbm>> -> memref<1x327936xi32, #tpu.memory_space<hbm>>
    %dma_wait3A_64 = tpu.memref_squeeze %dma_wait3A_63 : memref<1x327936xi32, #tpu.memory_space<hbm>> -> memref<327936xi32, #tpu.memory_space<hbm>>
    %dma_wait3A_65 = tpu.memref_slice %dma_wait3A_64[%add3A_62] : memref<327936xi32, #tpu.memory_space<hbm>> -> memref<128xi32, #tpu.memory_space<hbm>>
    %dma_wait3A_66 = arith.constant 0 : i32
    %dma_wait3A_67 = tpu.memref_slice %arg3[%arg0, %dma_wait3A_66] : memref<2x327936xi32, #tpu.memory_space<hbm>> -> memref<1x327936xi32, #tpu.memory_space<hbm>>
    %dma_wait3A_68 = tpu.memref_squeeze %dma_wait3A_67 : memref<1x327936xi32, #tpu.memory_space<hbm>> -> memref<327936xi32, #tpu.memory_space<hbm>>
    %dma_wait3A_69 = tpu.memref_slice %dma_wait3A_68[%add3A_62] : memref<327936xi32, #tpu.memory_space<hbm>> -> memref<128xi32, #tpu.memory_space<hbm>>
    tpu.wait_dma2 semaphore(%arg17 : memref<!tpu.dma_semaphore, #tpu.memory_space<semaphore_mem>>) src(%dma_wait3A_69 : memref<128xi32, #tpu.memory_space<hbm>>) dst(%arg6 : memref<128xi32, #tpu.memory_space<vmem>>)
    %dma_start3A_70 = arith.constant 0 : i32
    %dma_start3A_71 = arith.constant 0 : i32
    %dma_start3A_72 = tpu.memref_slice %arg2[%arg0, %dma_start3A_70, %dma_start3A_71] : memref<2x10112x128xf32, #tpu.memory_space<hbm>> -> memref<1x10112x128xf32, #tpu.memory_space<hbm>>
    %dma_start3A_73 = tpu.memref_squeeze %dma_start3A_72 : memref<1x10112x128xf32, #tpu.memory_space<hbm>> -> memref<10112x128xf32, #tpu.memory_space<hbm>>
    %dma_start3A_74 = arith.constant 0 : i32
    %dma_start3A_75 = arith.constant 0 : i32
    %dma_start3A_76 = tpu.memref_slice %dma_start3A_73[%dma_start3A_74, %dma_start3A_75] : memref<10112x128xf32, #tpu.memory_space<hbm>> -> memref<10112x128xf32, #tpu.memory_space<hbm>>
    tpu.enqueue_indirect_dma source(%dma_start3A_76 : memref<10112x128xf32, #tpu.memory_space<hbm>>) target(%arg14 : memref<128x128xf32, #tpu.memory_space<vmem>>) offsets(%arg6 : memref<128xi32, #tpu.memory_space<vmem>>) semaphore(%arg25 : memref<!tpu.dma_semaphore, #tpu.memory_space<semaphore_mem>>)
    %dma_wait3A_77 = arith.constant 0 : i32
    %dma_wait3A_78 = arith.constant 0 : i32
    %dma_wait3A_79 = tpu.memref_slice %arg2[%arg0, %dma_wait3A_77, %dma_wait3A_78] : memref<2x10112x128xf32, #tpu.memory_space<hbm>> -> memref<1x10112x128xf32, #tpu.memory_space<hbm>>
    %dma_wait3A_80 = tpu.memref_squeeze %dma_wait3A_79 : memref<1x10112x128xf32, #tpu.memory_space<hbm>> -> memref<10112x128xf32, #tpu.memory_space<hbm>>
    %dma_wait3A_81 = arith.constant 0 : i32
    %dma_wait3A_82 = arith.constant 0 : i32
    %dma_wait3A_83 = tpu.memref_slice %dma_wait3A_80[%dma_wait3A_81, %dma_wait3A_82] : memref<10112x128xf32, #tpu.memory_space<hbm>> -> memref<10112x128xf32, #tpu.memory_space<hbm>>
    tpu.wait_indirect_dma semaphore(%arg25 : memref<!tpu.dma_semaphore, #tpu.memory_space<semaphore_mem>>) src(%dma_wait3A_83 : memref<10112x128xf32, #tpu.memory_space<hbm>>) dst(%arg14 : memref<128x128xf32, #tpu.memory_space<vmem>>)
    %add3A_84 = arith.constant 384 : i32
    %add3A_85 = arith.addi %mul3A_2, %add3A_84 : i32
    %dma_start3A_86 = arith.constant 0 : i32
    %dma_start3A_87 = tpu.memref_slice %arg3[%arg0, %dma_start3A_86] : memref<2x327936xi32, #tpu.memory_space<hbm>> -> memref<1x327936xi32, #tpu.memory_space<hbm>>
    %dma_start3A_88 = tpu.memref_squeeze %dma_start3A_87 : memref<1x327936xi32, #tpu.memory_space<hbm>> -> memref<327936xi32, #tpu.memory_space<hbm>>
    %dma_start3A_89 = tpu.memref_slice %dma_start3A_88[%add3A_85] : memref<327936xi32, #tpu.memory_space<hbm>> -> memref<128xi32, #tpu.memory_space<hbm>>
    %dma_start3A_90 = arith.constant 0 : i32
    %dma_start3A_91 = tpu.memref_slice %arg3[%arg0, %dma_start3A_90] : memref<2x327936xi32, #tpu.memory_space<hbm>> -> memref<1x327936xi32, #tpu.memory_space<hbm>>
    %dma_start3A_92 = tpu.memref_squeeze %dma_start3A_91 : memref<1x327936xi32, #tpu.memory_space<hbm>> -> memref<327936xi32, #tpu.memory_space<hbm>>
    %dma_start3A_93 = tpu.memref_slice %dma_start3A_92[%add3A_85] : memref<327936xi32, #tpu.memory_space<hbm>> -> memref<128xi32, #tpu.memory_space<hbm>>
    tpu.enqueue_dma source(%dma_start3A_93 : memref<128xi32, #tpu.memory_space<hbm>>) target(%arg9 : memref<128xi32, #tpu.memory_space<vmem>>) target_semaphore(%arg20 : memref<!tpu.dma_semaphore, #tpu.memory_space<semaphore_mem>>)
    %add3A_94 = arith.constant 384 : i32
    %add3A_95 = arith.addi %mul3A_2, %add3A_94 : i32
    %dma_start3A_96 = arith.constant 0 : i32
    %dma_start3A_97 = tpu.memref_slice %arg4[%arg0, %dma_start3A_96] : memref<2x327936xi32, #tpu.memory_space<hbm>> -> memref<1x327936xi32, #tpu.memory_space<hbm>>
    %dma_start3A_98 = tpu.memref_squeeze %dma_start3A_97 : memref<1x327936xi32, #tpu.memory_space<hbm>> -> memref<327936xi32, #tpu.memory_space<hbm>>
    %dma_start3A_99 = tpu.memref_slice %dma_start3A_98[%add3A_95] : memref<327936xi32, #tpu.memory_space<hbm>> -> memref<128xi32, #tpu.memory_space<hbm>>
    %dma_start3A_100 = arith.constant 0 : i32
    %dma_start3A_101 = tpu.memref_slice %arg4[%arg0, %dma_start3A_100] : memref<2x327936xi32, #tpu.memory_space<hbm>> -> memref<1x327936xi32, #tpu.memory_space<hbm>>
    %dma_start3A_102 = tpu.memref_squeeze %dma_start3A_101 : memref<1x327936xi32, #tpu.memory_space<hbm>> -> memref<327936xi32, #tpu.memory_space<hbm>>
    %dma_start3A_103 = tpu.memref_slice %dma_start3A_102[%add3A_95] : memref<327936xi32, #tpu.memory_space<hbm>> -> memref<128xi32, #tpu.memory_space<hbm>>
    tpu.enqueue_dma source(%dma_start3A_103 : memref<128xi32, #tpu.memory_space<hbm>>) target(%arg13 : memref<128xi32, #tpu.memory_space<vmem>>) target_semaphore(%arg24 : memref<!tpu.dma_semaphore, #tpu.memory_space<semaphore_mem>>)
    %add3A_104 = arith.constant 128 : i32
    %add3A_105 = arith.addi %mul3A_2, %add3A_104 : i32
    %dma_wait3A_106 = arith.constant 0 : i32
    %dma_wait3A_107 = tpu.memref_slice %arg3[%arg0, %dma_wait3A_106] : memref<2x327936xi32, #tpu.memory_space<hbm>> -> memref<1x327936xi32, #tpu.memory_space<hbm>>
    %dma_wait3A_108 = tpu.memref_squeeze %dma_wait3A_107 : memref<1x327936xi32, #tpu.memory_space<hbm>> -> memref<327936xi32, #tpu.memory_space<hbm>>
    %dma_wait3A_109 = tpu.memref_slice %dma_wait3A_108[%add3A_105] : memref<327936xi32, #tpu.memory_space<hbm>> -> memref<128xi32, #tpu.memory_space<hbm>>
    %dma_wait3A_110 = arith.constant 0 : i32
    %dma_wait3A_111 = tpu.memref_slice %arg3[%arg0, %dma_wait3A_110] : memref<2x327936xi32, #tpu.memory_space<hbm>> -> memref<1x327936xi32, #tpu.memory_space<hbm>>
    %dma_wait3A_112 = tpu.memref_squeeze %dma_wait3A_111 : memref<1x327936xi32, #tpu.memory_space<hbm>> -> memref<327936xi32, #tpu.memory_space<hbm>>
    %dma_wait3A_113 = tpu.memref_slice %dma_wait3A_112[%add3A_105] : memref<327936xi32, #tpu.memory_space<hbm>> -> memref<128xi32, #tpu.memory_space<hbm>>
    tpu.wait_dma2 semaphore(%arg18 : memref<!tpu.dma_semaphore, #tpu.memory_space<semaphore_mem>>) src(%dma_wait3A_113 : memref<128xi32, #tpu.memory_space<hbm>>) dst(%arg7 : memref<128xi32, #tpu.memory_space<vmem>>)
    %add3A_114 = arith.constant 128 : i32
    %add3A_115 = arith.addi %mul3A_2, %add3A_114 : i32
    %dma_wait3A_116 = arith.constant 0 : i32
    %dma_wait3A_117 = tpu.memref_slice %arg4[%arg0, %dma_wait3A_116] : memref<2x327936xi32, #tpu.memory_space<hbm>> -> memref<1x327936xi32, #tpu.memory_space<hbm>>
    %dma_wait3A_118 = tpu.memref_squeeze %dma_wait3A_117 : memref<1x327936xi32, #tpu.memory_space<hbm>> -> memref<327936xi32, #tpu.memory_space<hbm>>
    %dma_wait3A_119 = tpu.memref_slice %dma_wait3A_118[%add3A_115] : memref<327936xi32, #tpu.memory_space<hbm>> -> memref<128xi32, #tpu.memory_space<hbm>>
    %dma_wait3A_120 = arith.constant 0 : i32
    %dma_wait3A_121 = tpu.memref_slice %arg4[%arg0, %dma_wait3A_120] : memref<2x327936xi32, #tpu.memory_space<hbm>> -> memref<1x327936xi32, #tpu.memory_space<hbm>>
    %dma_wait3A_122 = tpu.memref_squeeze %dma_wait3A_121 : memref<1x327936xi32, #tpu.memory_space<hbm>> -> memref<327936xi32, #tpu.memory_space<hbm>>
    %dma_wait3A_123 = tpu.memref_slice %dma_wait3A_122[%add3A_115] : memref<327936xi32, #tpu.memory_space<hbm>> -> memref<128xi32, #tpu.memory_space<hbm>>
    tpu.wait_dma2 semaphore(%arg22 : memref<!tpu.dma_semaphore, #tpu.memory_space<semaphore_mem>>) src(%dma_wait3A_123 : memref<128xi32, #tpu.memory_space<hbm>>) dst(%arg11 : memref<128xi32, #tpu.memory_space<vmem>>)
    %dma_start3A_124 = arith.constant 0 : i32
    %dma_start3A_125 = arith.constant 0 : i32
    %dma_start3A_126 = tpu.memref_slice %arg2[%arg0, %dma_start3A_124, %dma_start3A_125] : memref<2x10112x128xf32, #tpu.memory_space<hbm>> -> memref<1x10112x128xf32, #tpu.memory_space<hbm>>
    %dma_start3A_127 = tpu.memref_squeeze %dma_start3A_126 : memref<1x10112x128xf32, #tpu.memory_space<hbm>> -> memref<10112x128xf32, #tpu.memory_space<hbm>>
    %dma_start3A_128 = arith.constant 0 : i32
    %dma_start3A_129 = arith.constant 0 : i32
    %dma_start3A_130 = tpu.memref_slice %dma_start3A_127[%dma_start3A_128, %dma_start3A_129] : memref<10112x128xf32, #tpu.memory_space<hbm>> -> memref<10112x128xf32, #tpu.memory_space<hbm>>
    tpu.enqueue_indirect_dma source(%dma_start3A_130 : memref<10112x128xf32, #tpu.memory_space<hbm>>) target(%arg15 : memref<128x128xf32, #tpu.memory_space<vmem>>) offsets(%arg7 : memref<128xi32, #tpu.memory_space<vmem>>) semaphore(%arg26 : memref<!tpu.dma_semaphore, #tpu.memory_space<semaphore_mem>>)
    %add3A_131 = arith.constant 0 : i32
    %add3A_132 = arith.addi %mul3A_2, %add3A_131 : i32
    %dma_wait3A_133 = arith.constant 0 : i32
    %dma_wait3A_134 = tpu.memref_slice %arg4[%arg0, %dma_wait3A_133] : memref<2x327936xi32, #tpu.memory_space<hbm>> -> memref<1x327936xi32, #tpu.memory_space<hbm>>
    %dma_wait3A_135 = tpu.memref_squeeze %dma_wait3A_134 : memref<1x327936xi32, #tpu.memory_space<hbm>> -> memref<327936xi32, #tpu.memory_space<hbm>>
    %dma_wait3A_136 = tpu.memref_slice %dma_wait3A_135[%add3A_132] : memref<327936xi32, #tpu.memory_space<hbm>> -> memref<128xi32, #tpu.memory_space<hbm>>
    %dma_wait3A_137 = arith.constant 0 : i32
    %dma_wait3A_138 = tpu.memref_slice %arg4[%arg0, %dma_wait3A_137] : memref<2x327936xi32, #tpu.memory_space<hbm>> -> memref<1x327936xi32, #tpu.memory_space<hbm>>
    %dma_wait3A_139 = tpu.memref_squeeze %dma_wait3A_138 : memref<1x327936xi32, #tpu.memory_space<hbm>> -> memref<327936xi32, #tpu.memory_space<hbm>>
    %dma_wait3A_140 = tpu.memref_slice %dma_wait3A_139[%add3A_132] : memref<327936xi32, #tpu.memory_space<hbm>> -> memref<128xi32, #tpu.memory_space<hbm>>
    tpu.wait_dma2 semaphore(%arg21 : memref<!tpu.dma_semaphore, #tpu.memory_space<semaphore_mem>>) src(%dma_wait3A_140 : memref<128xi32, #tpu.memory_space<hbm>>) dst(%arg10 : memref<128xi32, #tpu.memory_space<vmem>>)
    %dma_start3A_141 = arith.constant 0 : i32
    %dma_start3A_142 = arith.constant 0 : i32
    %dma_start3A_143 = tpu.memref_slice %arg16[%dma_start3A_141, %dma_start3A_142] : memref<10112x128xf32, #tpu.memory_space<vmem_shared>> -> memref<10112x128xf32, #tpu.memory_space<vmem_shared>>
    tpu.enqueue_indirect_dma source(%arg14 : memref<128x128xf32, #tpu.memory_space<vmem>>) target(%dma_start3A_143 : memref<10112x128xf32, #tpu.memory_space<vmem_shared>>) offsets(%arg10 : memref<128xi32, #tpu.memory_space<vmem>>) semaphore(%arg27 : memref<!tpu.dma_semaphore, #tpu.memory_space<semaphore_mem>>) {add = true}
    %scan3A = arith.constant 0 : i32
    %scan3A_144 = arith.constant 39 : i32
    %scan3A_145 = arith.addi %scan3A, %scan3A_144 : i32
    %scan3A_146 = arith.constant 1 : i32
    scf.for %scan3A_245 = %scan3A to %scan3A_145 step %scan3A_146  : i32 {
      %mul3A_246 = arith.constant 4 : i32
      %mul3A_247 = arith.muli %scan3A_245, %mul3A_246 : i32
      %add3A_248 = arith.constant 1 : i32
      %add3A_249 = arith.addi %add3A_248, %mul3A_247 : i32
      %add3A_250 = arith.constant 0 : i32
      %add3A_251 = arith.addi %add3A_249, %add3A_250 : i32
      %dma_wait3A_252 = arith.constant 0 : i32
      %dma_wait3A_253 = arith.constant 0 : i32
      %dma_wait3A_254 = tpu.memref_slice %arg2[%arg0, %dma_wait3A_252, %dma_wait3A_253] : memref<2x10112x128xf32, #tpu.memory_space<hbm>> -> memref<1x10112x128xf32, #tpu.memory_space<hbm>>
      %dma_wait3A_255 = tpu.memref_squeeze %dma_wait3A_254 : memref<1x10112x128xf32, #tpu.memory_space<hbm>> -> memref<10112x128xf32, #tpu.memory_space<hbm>>
      %dma_wait3A_256 = arith.constant 0 : i32
      %dma_wait3A_257 = arith.constant 0 : i32
      %dma_wait3A_258 = tpu.memref_slice %dma_wait3A_255[%dma_wait3A_256, %dma_wait3A_257] : memref<10112x128xf32, #tpu.memory_space<hbm>> -> memref<10112x128xf32, #tpu.memory_space<hbm>>
      tpu.wait_indirect_dma semaphore(%arg26 : memref<!tpu.dma_semaphore, #tpu.memory_space<semaphore_mem>>) src(%dma_wait3A_258 : memref<10112x128xf32, #tpu.memory_space<hbm>>) dst(%arg15 : memref<128x128xf32, #tpu.memory_space<vmem>>)
      %dma_wait3A_259 = arith.constant 0 : i32
      %dma_wait3A_260 = arith.constant 0 : i32
      %dma_wait3A_261 = tpu.memref_slice %arg16[%dma_wait3A_259, %dma_wait3A_260] : memref<10112x128xf32, #tpu.memory_space<vmem_shared>> -> memref<10112x128xf32, #tpu.memory_space<vmem_shared>>
      tpu.wait_indirect_dma semaphore(%arg27 : memref<!tpu.dma_semaphore, #tpu.memory_space<semaphore_mem>>) src(%arg14 : memref<128x128xf32, #tpu.memory_space<vmem>>) dst(%dma_wait3A_261 : memref<10112x128xf32, #tpu.memory_space<vmem_shared>>)
      %add3A_262 = arith.constant 3 : i32
      %add3A_263 = arith.addi %add3A_251, %add3A_262 : i32
      %mul3A_264 = arith.constant 128 : i32
      %mul3A_265 = arith.muli %add3A_263, %mul3A_264 : i32
      %add3A_266 = arith.addi %mul3A_2, %mul3A_265 : i32
      %dma_start3A_267 = arith.constant 0 : i32
      %dma_start3A_268 = tpu.memref_slice %arg3[%arg0, %dma_start3A_267] : memref<2x327936xi32, #tpu.memory_space<hbm>> -> memref<1x327936xi32, #tpu.memory_space<hbm>>
      %dma_start3A_269 = tpu.memref_squeeze %dma_start3A_268 : memref<1x327936xi32, #tpu.memory_space<hbm>> -> memref<327936xi32, #tpu.memory_space<hbm>>
      %dma_start3A_270 = tpu.memref_slice %dma_start3A_269[%add3A_266] : memref<327936xi32, #tpu.memory_space<hbm>> -> memref<128xi32, #tpu.memory_space<hbm>>
      %dma_start3A_271 = arith.constant 0 : i32
      %dma_start3A_272 = tpu.memref_slice %arg3[%arg0, %dma_start3A_271] : memref<2x327936xi32, #tpu.memory_space<hbm>> -> memref<1x327936xi32, #tpu.memory_space<hbm>>
      %dma_start3A_273 = tpu.memref_squeeze %dma_start3A_272 : memref<1x327936xi32, #tpu.memory_space<hbm>> -> memref<327936xi32, #tpu.memory_space<hbm>>
      %dma_start3A_274 = tpu.memref_slice %dma_start3A_273[%add3A_266] : memref<327936xi32, #tpu.memory_space<hbm>> -> memref<128xi32, #tpu.memory_space<hbm>>
      tpu.enqueue_dma source(%dma_start3A_274 : memref<128xi32, #tpu.memory_space<hbm>>) target(%arg6 : memref<128xi32, #tpu.memory_space<vmem>>) target_semaphore(%arg17 : memref<!tpu.dma_semaphore, #tpu.memory_space<semaphore_mem>>)
      %add3A_275 = arith.constant 3 : i32
      %add3A_276 = arith.addi %add3A_251, %add3A_275 : i32
      %mul3A_277 = arith.constant 128 : i32
      %mul3A_278 = arith.muli %add3A_276, %mul3A_277 : i32
      %add3A_279 = arith.addi %mul3A_2, %mul3A_278 : i32
      %dma_start3A_280 = arith.constant 0 : i32
      %dma_start3A_281 = tpu.memref_slice %arg4[%arg0, %dma_start3A_280] : memref<2x327936xi32, #tpu.memory_space<hbm>> -> memref<1x327936xi32, #tpu.memory_space<hbm>>
      %dma_start3A_282 = tpu.memref_squeeze %dma_start3A_281 : memref<1x327936xi32, #tpu.memory_space<hbm>> -> memref<327936xi32, #tpu.memory_space<hbm>>
      %dma_start3A_283 = tpu.memref_slice %dma_start3A_282[%add3A_279] : memref<327936xi32, #tpu.memory_space<hbm>> -> memref<128xi32, #tpu.memory_space<hbm>>
      %dma_start3A_284 = arith.constant 0 : i32
      %dma_start3A_285 = tpu.memref_slice %arg4[%arg0, %dma_start3A_284] : memref<2x327936xi32, #tpu.memory_space<hbm>> -> memref<1x327936xi32, #tpu.memory_space<hbm>>
      %dma_start3A_286 = tpu.memref_squeeze %dma_start3A_285 : memref<1x327936xi32, #tpu.memory_space<hbm>> -> memref<327936xi32, #tpu.memory_space<hbm>>
      %dma_start3A_287 = tpu.memref_slice %dma_start3A_286[%add3A_279] : memref<327936xi32, #tpu.memory_space<hbm>> -> memref<128xi32, #tpu.memory_space<hbm>>
      tpu.enqueue_dma source(%dma_start3A_287 : memref<128xi32, #tpu.memory_space<hbm>>) target(%arg10 : memref<128xi32, #tpu.memory_space<vmem>>) target_semaphore(%arg21 : memref<!tpu.dma_semaphore, #tpu.memory_space<semaphore_mem>>)
      %add3A_288 = arith.constant 1 : i32
      %add3A_289 = arith.addi %add3A_251, %add3A_288 : i32
      %mul3A_290 = arith.constant 128 : i32
      %mul3A_291 = arith.muli %add3A_289, %mul3A_290 : i32
      %add3A_292 = arith.addi %mul3A_2, %mul3A_291 : i32
      %dma_wait3A_293 = arith.constant 0 : i32
      %dma_wait3A_294 = tpu.memref_slice %arg3[%arg0, %dma_wait3A_293] : memref<2x327936xi32, #tpu.memory_space<hbm>> -> memref<1x327936xi32, #tpu.memory_space<hbm>>
      %dma_wait3A_295 = tpu.memref_squeeze %dma_wait3A_294 : memref<1x327936xi32, #tpu.memory_space<hbm>> -> memref<327936xi32, #tpu.memory_space<hbm>>
      %dma_wait3A_296 = tpu.memref_slice %dma_wait3A_295[%add3A_292] : memref<327936xi32, #tpu.memory_space<hbm>> -> memref<128xi32, #tpu.memory_space<hbm>>
      %dma_wait3A_297 = arith.constant 0 : i32
      %dma_wait3A_298 = tpu.memref_slice %arg3[%arg0, %dma_wait3A_297] : memref<2x327936xi32, #tpu.memory_space<hbm>> -> memref<1x327936xi32, #tpu.memory_space<hbm>>
      %dma_wait3A_299 = tpu.memref_squeeze %dma_wait3A_298 : memref<1x327936xi32, #tpu.memory_space<hbm>> -> memref<327936xi32, #tpu.memory_space<hbm>>
      %dma_wait3A_300 = tpu.memref_slice %dma_wait3A_299[%add3A_292] : memref<327936xi32, #tpu.memory_space<hbm>> -> memref<128xi32, #tpu.memory_space<hbm>>
      tpu.wait_dma2 semaphore(%arg19 : memref<!tpu.dma_semaphore, #tpu.memory_space<semaphore_mem>>) src(%dma_wait3A_300 : memref<128xi32, #tpu.memory_space<hbm>>) dst(%arg8 : memref<128xi32, #tpu.memory_space<vmem>>)
      %add3A_301 = arith.constant 1 : i32
      %add3A_302 = arith.addi %add3A_251, %add3A_301 : i32
      %mul3A_303 = arith.constant 128 : i32
      %mul3A_304 = arith.muli %add3A_302, %mul3A_303 : i32
      %add3A_305 = arith.addi %mul3A_2, %mul3A_304 : i32
      %dma_wait3A_306 = arith.constant 0 : i32
      %dma_wait3A_307 = tpu.memref_slice %arg4[%arg0, %dma_wait3A_306] : memref<2x327936xi32, #tpu.memory_space<hbm>> -> memref<1x327936xi32, #tpu.memory_space<hbm>>
      %dma_wait3A_308 = tpu.memref_squeeze %dma_wait3A_307 : memref<1x327936xi32, #tpu.memory_space<hbm>> -> memref<327936xi32, #tpu.memory_space<hbm>>
      %dma_wait3A_309 = tpu.memref_slice %dma_wait3A_308[%add3A_305] : memref<327936xi32, #tpu.memory_space<hbm>> -> memref<128xi32, #tpu.memory_space<hbm>>
      %dma_wait3A_310 = arith.constant 0 : i32
      %dma_wait3A_311 = tpu.memref_slice %arg4[%arg0, %dma_wait3A_310] : memref<2x327936xi32, #tpu.memory_space<hbm>> -> memref<1x327936xi32, #tpu.memory_space<hbm>>
      %dma_wait3A_312 = tpu.memref_squeeze %dma_wait3A_311 : memref<1x327936xi32, #tpu.memory_space<hbm>> -> memref<327936xi32, #tpu.memory_space<hbm>>
      %dma_wait3A_313 = tpu.memref_slice %dma_wait3A_312[%add3A_305] : memref<327936xi32, #tpu.memory_space<hbm>> -> memref<128xi32, #tpu.memory_space<hbm>>
      tpu.wait_dma2 semaphore(%arg23 : memref<!tpu.dma_semaphore, #tpu.memory_space<semaphore_mem>>) src(%dma_wait3A_313 : memref<128xi32, #tpu.memory_space<hbm>>) dst(%arg12 : memref<128xi32, #tpu.memory_space<vmem>>)
      %dma_start3A_314 = arith.constant 0 : i32
      %dma_start3A_315 = arith.constant 0 : i32
      %dma_start3A_316 = tpu.memref_slice %arg2[%arg0, %dma_start3A_314, %dma_start3A_315] : memref<2x10112x128xf32, #tpu.memory_space<hbm>> -> memref<1x10112x128xf32, #tpu.memory_space<hbm>>
      %dma_start3A_317 = tpu.memref_squeeze %dma_start3A_316 : memref<1x10112x128xf32, #tpu.memory_space<hbm>> -> memref<10112x128xf32, #tpu.memory_space<hbm>>
      %dma_start3A_318 = arith.constant 0 : i32
      %dma_start3A_319 = arith.constant 0 : i32
      %dma_start3A_320 = tpu.memref_slice %dma_start3A_317[%dma_start3A_318, %dma_start3A_319] : memref<10112x128xf32, #tpu.memory_space<hbm>> -> memref<10112x128xf32, #tpu.memory_space<hbm>>
      tpu.enqueue_indirect_dma source(%dma_start3A_320 : memref<10112x128xf32, #tpu.memory_space<hbm>>) target(%arg14 : memref<128x128xf32, #tpu.memory_space<vmem>>) offsets(%arg8 : memref<128xi32, #tpu.memory_space<vmem>>) semaphore(%arg25 : memref<!tpu.dma_semaphore, #tpu.memory_space<semaphore_mem>>)
      %dma_start3A_321 = arith.constant 0 : i32
      %dma_start3A_322 = arith.constant 0 : i32
      %dma_start3A_323 = tpu.memref_slice %arg16[%dma_start3A_321, %dma_start3A_322] : memref<10112x128xf32, #tpu.memory_space<vmem_shared>> -> memref<10112x128xf32, #tpu.memory_space<vmem_shared>>
      tpu.enqueue_indirect_dma source(%arg15 : memref<128x128xf32, #tpu.memory_space<vmem>>) target(%dma_start3A_323 : memref<10112x128xf32, #tpu.memory_space<vmem_shared>>) offsets(%arg11 : memref<128xi32, #tpu.memory_space<vmem>>) semaphore(%arg28 : memref<!tpu.dma_semaphore, #tpu.memory_space<semaphore_mem>>) {add = true}
      %add3A_324 = arith.constant 1 : i32
      %add3A_325 = arith.addi %add3A_249, %add3A_324 : i32
      %dma_wait3A_326 = arith.constant 0 : i32
      %dma_wait3A_327 = arith.constant 0 : i32
      %dma_wait3A_328 = tpu.memref_slice %arg2[%arg0, %dma_wait3A_326, %dma_wait3A_327] : memref<2x10112x128xf32, #tpu.memory_space<hbm>> -> memref<1x10112x128xf32, #tpu.memory_space<hbm>>
      %dma_wait3A_329 = tpu.memref_squeeze %dma_wait3A_328 : memref<1x10112x128xf32, #tpu.memory_space<hbm>> -> memref<10112x128xf32, #tpu.memory_space<hbm>>
      %dma_wait3A_330 = arith.constant 0 : i32
      %dma_wait3A_331 = arith.constant 0 : i32
      %dma_wait3A_332 = tpu.memref_slice %dma_wait3A_329[%dma_wait3A_330, %dma_wait3A_331] : memref<10112x128xf32, #tpu.memory_space<hbm>> -> memref<10112x128xf32, #tpu.memory_space<hbm>>
      tpu.wait_indirect_dma semaphore(%arg25 : memref<!tpu.dma_semaphore, #tpu.memory_space<semaphore_mem>>) src(%dma_wait3A_332 : memref<10112x128xf32, #tpu.memory_space<hbm>>) dst(%arg14 : memref<128x128xf32, #tpu.memory_space<vmem>>)
      %dma_wait3A_333 = arith.constant 0 : i32
      %dma_wait3A_334 = arith.constant 0 : i32
      %dma_wait3A_335 = tpu.memref_slice %arg16[%dma_wait3A_333, %dma_wait3A_334] : memref<10112x128xf32, #tpu.memory_space<vmem_shared>> -> memref<10112x128xf32, #tpu.memory_space<vmem_shared>>
      tpu.wait_indirect_dma semaphore(%arg28 : memref<!tpu.dma_semaphore, #tpu.memory_space<semaphore_mem>>) src(%arg15 : memref<128x128xf32, #tpu.memory_space<vmem>>) dst(%dma_wait3A_335 : memref<10112x128xf32, #tpu.memory_space<vmem_shared>>)
      %add3A_336 = arith.constant 3 : i32
      %add3A_337 = arith.addi %add3A_325, %add3A_336 : i32
      %mul3A_338 = arith.constant 128 : i32
      %mul3A_339 = arith.muli %add3A_337, %mul3A_338 : i32
      %add3A_340 = arith.addi %mul3A_2, %mul3A_339 : i32
      %dma_start3A_341 = arith.constant 0 : i32
      %dma_start3A_342 = tpu.memref_slice %arg3[%arg0, %dma_start3A_341] : memref<2x327936xi32, #tpu.memory_space<hbm>> -> memref<1x327936xi32, #tpu.memory_space<hbm>>
      %dma_start3A_343 = tpu.memref_squeeze %dma_start3A_342 : memref<1x327936xi32, #tpu.memory_space<hbm>> -> memref<327936xi32, #tpu.memory_space<hbm>>
      %dma_start3A_344 = tpu.memref_slice %dma_start3A_343[%add3A_340] : memref<327936xi32, #tpu.memory_space<hbm>> -> memref<128xi32, #tpu.memory_space<hbm>>
      %dma_start3A_345 = arith.constant 0 : i32
      %dma_start3A_346 = tpu.memref_slice %arg3[%arg0, %dma_start3A_345] : memref<2x327936xi32, #tpu.memory_space<hbm>> -> memref<1x327936xi32, #tpu.memory_space<hbm>>
      %dma_start3A_347 = tpu.memref_squeeze %dma_start3A_346 : memref<1x327936xi32, #tpu.memory_space<hbm>> -> memref<327936xi32, #tpu.memory_space<hbm>>
      %dma_start3A_348 = tpu.memref_slice %dma_start3A_347[%add3A_340] : memref<327936xi32, #tpu.memory_space<hbm>> -> memref<128xi32, #tpu.memory_space<hbm>>
      tpu.enqueue_dma source(%dma_start3A_348 : memref<128xi32, #tpu.memory_space<hbm>>) target(%arg7 : memref<128xi32, #tpu.memory_space<vmem>>) target_semaphore(%arg18 : memref<!tpu.dma_semaphore, #tpu.memory_space<semaphore_mem>>)
      %add3A_349 = arith.constant 3 : i32
      %add3A_350 = arith.addi %add3A_325, %add3A_349 : i32
      %mul3A_351 = arith.constant 128 : i32
      %mul3A_352 = arith.muli %add3A_350, %mul3A_351 : i32
      %add3A_353 = arith.addi %mul3A_2, %mul3A_352 : i32
      %dma_start3A_354 = arith.constant 0 : i32
      %dma_start3A_355 = tpu.memref_slice %arg4[%arg0, %dma_start3A_354] : memref<2x327936xi32, #tpu.memory_space<hbm>> -> memref<1x327936xi32, #tpu.memory_space<hbm>>
      %dma_start3A_356 = tpu.memref_squeeze %dma_start3A_355 : memref<1x327936xi32, #tpu.memory_space<hbm>> -> memref<327936xi32, #tpu.memory_space<hbm>>
      %dma_start3A_357 = tpu.memref_slice %dma_start3A_356[%add3A_353] : memref<327936xi32, #tpu.memory_space<hbm>> -> memref<128xi32, #tpu.memory_space<hbm>>
      %dma_start3A_358 = arith.constant 0 : i32
      %dma_start3A_359 = tpu.memref_slice %arg4[%arg0, %dma_start3A_358] : memref<2x327936xi32, #tpu.memory_space<hbm>> -> memref<1x327936xi32, #tpu.memory_space<hbm>>
      %dma_start3A_360 = tpu.memref_squeeze %dma_start3A_359 : memref<1x327936xi32, #tpu.memory_space<hbm>> -> memref<327936xi32, #tpu.memory_space<hbm>>
      %dma_start3A_361 = tpu.memref_slice %dma_start3A_360[%add3A_353] : memref<327936xi32, #tpu.memory_space<hbm>> -> memref<128xi32, #tpu.memory_space<hbm>>
      tpu.enqueue_dma source(%dma_start3A_361 : memref<128xi32, #tpu.memory_space<hbm>>) target(%arg11 : memref<128xi32, #tpu.memory_space<vmem>>) target_semaphore(%arg22 : memref<!tpu.dma_semaphore, #tpu.memory_space<semaphore_mem>>)
      %add3A_362 = arith.constant 1 : i32
      %add3A_363 = arith.addi %add3A_325, %add3A_362 : i32
      %mul3A_364 = arith.constant 128 : i32
      %mul3A_365 = arith.muli %add3A_363, %mul3A_364 : i32
      %add3A_366 = arith.addi %mul3A_2, %mul3A_365 : i32
      %dma_wait3A_367 = arith.constant 0 : i32
      %dma_wait3A_368 = tpu.memref_slice %arg3[%arg0, %dma_wait3A_367] : memref<2x327936xi32, #tpu.memory_space<hbm>> -> memref<1x327936xi32, #tpu.memory_space<hbm>>
      %dma_wait3A_369 = tpu.memref_squeeze %dma_wait3A_368 : memref<1x327936xi32, #tpu.memory_space<hbm>> -> memref<327936xi32, #tpu.memory_space<hbm>>
      %dma_wait3A_370 = tpu.memref_slice %dma_wait3A_369[%add3A_366] : memref<327936xi32, #tpu.memory_space<hbm>> -> memref<128xi32, #tpu.memory_space<hbm>>
      %dma_wait3A_371 = arith.constant 0 : i32
      %dma_wait3A_372 = tpu.memref_slice %arg3[%arg0, %dma_wait3A_371] : memref<2x327936xi32, #tpu.memory_space<hbm>> -> memref<1x327936xi32, #tpu.memory_space<hbm>>
      %dma_wait3A_373 = tpu.memref_squeeze %dma_wait3A_372 : memref<1x327936xi32, #tpu.memory_space<hbm>> -> memref<327936xi32, #tpu.memory_space<hbm>>
      %dma_wait3A_374 = tpu.memref_slice %dma_wait3A_373[%add3A_366] : memref<327936xi32, #tpu.memory_space<hbm>> -> memref<128xi32, #tpu.memory_space<hbm>>
      tpu.wait_dma2 semaphore(%arg20 : memref<!tpu.dma_semaphore, #tpu.memory_space<semaphore_mem>>) src(%dma_wait3A_374 : memref<128xi32, #tpu.memory_space<hbm>>) dst(%arg9 : memref<128xi32, #tpu.memory_space<vmem>>)
      %add3A_375 = arith.constant 1 : i32
      %add3A_376 = arith.addi %add3A_325, %add3A_375 : i32
      %mul3A_377 = arith.constant 128 : i32
      %mul3A_378 = arith.muli %add3A_376, %mul3A_377 : i32
      %add3A_379 = arith.addi %mul3A_2, %mul3A_378 : i32
      %dma_wait3A_380 = arith.constant 0 : i32
      %dma_wait3A_381 = tpu.memref_slice %arg4[%arg0, %dma_wait3A_380] : memref<2x327936xi32, #tpu.memory_space<hbm>> -> memref<1x327936xi32, #tpu.memory_space<hbm>>
      %dma_wait3A_382 = tpu.memref_squeeze %dma_wait3A_381 : memref<1x327936xi32, #tpu.memory_space<hbm>> -> memref<327936xi32, #tpu.memory_space<hbm>>
      %dma_wait3A_383 = tpu.memref_slice %dma_wait3A_382[%add3A_379] : memref<327936xi32, #tpu.memory_space<hbm>> -> memref<128xi32, #tpu.memory_space<hbm>>
      %dma_wait3A_384 = arith.constant 0 : i32
      %dma_wait3A_385 = tpu.memref_slice %arg4[%arg0, %dma_wait3A_384] : memref<2x327936xi32, #tpu.memory_space<hbm>> -> memref<1x327936xi32, #tpu.memory_space<hbm>>
      %dma_wait3A_386 = tpu.memref_squeeze %dma_wait3A_385 : memref<1x327936xi32, #tpu.memory_space<hbm>> -> memref<327936xi32, #tpu.memory_space<hbm>>
      %dma_wait3A_387 = tpu.memref_slice %dma_wait3A_386[%add3A_379] : memref<327936xi32, #tpu.memory_space<hbm>> -> memref<128xi32, #tpu.memory_space<hbm>>
      tpu.wait_dma2 semaphore(%arg24 : memref<!tpu.dma_semaphore, #tpu.memory_space<semaphore_mem>>) src(%dma_wait3A_387 : memref<128xi32, #tpu.memory_space<hbm>>) dst(%arg13 : memref<128xi32, #tpu.memory_space<vmem>>)
      %dma_start3A_388 = arith.constant 0 : i32
      %dma_start3A_389 = arith.constant 0 : i32
      %dma_start3A_390 = tpu.memref_slice %arg2[%arg0, %dma_start3A_388, %dma_start3A_389] : memref<2x10112x128xf32, #tpu.memory_space<hbm>> -> memref<1x10112x128xf32, #tpu.memory_space<hbm>>
      %dma_start3A_391 = tpu.memref_squeeze %dma_start3A_390 : memref<1x10112x128xf32, #tpu.memory_space<hbm>> -> memref<10112x128xf32, #tpu.memory_space<hbm>>
      %dma_start3A_392 = arith.constant 0 : i32
      %dma_start3A_393 = arith.constant 0 : i32
      %dma_start3A_394 = tpu.memref_slice %dma_start3A_391[%dma_start3A_392, %dma_start3A_393] : memref<10112x128xf32, #tpu.memory_space<hbm>> -> memref<10112x128xf32, #tpu.memory_space<hbm>>
      tpu.enqueue_indirect_dma source(%dma_start3A_394 : memref<10112x128xf32, #tpu.memory_space<hbm>>) target(%arg15 : memref<128x128xf32, #tpu.memory_space<vmem>>) offsets(%arg9 : memref<128xi32, #tpu.memory_space<vmem>>) semaphore(%arg26 : memref<!tpu.dma_semaphore, #tpu.memory_space<semaphore_mem>>)
      %dma_start3A_395 = arith.constant 0 : i32
      %dma_start3A_396 = arith.constant 0 : i32
      %dma_start3A_397 = tpu.memref_slice %arg16[%dma_start3A_395, %dma_start3A_396] : memref<10112x128xf32, #tpu.memory_space<vmem_shared>> -> memref<10112x128xf32, #tpu.memory_space<vmem_shared>>
      tpu.enqueue_indirect_dma source(%arg14 : memref<128x128xf32, #tpu.memory_space<vmem>>) target(%dma_start3A_397 : memref<10112x128xf32, #tpu.memory_space<vmem_shared>>) offsets(%arg12 : memref<128xi32, #tpu.memory_space<vmem>>) semaphore(%arg27 : memref<!tpu.dma_semaphore, #tpu.memory_space<semaphore_mem>>) {add = true}
      %add3A_398 = arith.constant 2 : i32
      %add3A_399 = arith.addi %add3A_249, %add3A_398 : i32
      %dma_wait3A_400 = arith.constant 0 : i32
      %dma_wait3A_401 = arith.constant 0 : i32
      %dma_wait3A_402 = tpu.memref_slice %arg2[%arg0, %dma_wait3A_400, %dma_wait3A_401] : memref<2x10112x128xf32, #tpu.memory_space<hbm>> -> memref<1x10112x128xf32, #tpu.memory_space<hbm>>
      %dma_wait3A_403 = tpu.memref_squeeze %dma_wait3A_402 : memref<1x10112x128xf32, #tpu.memory_space<hbm>> -> memref<10112x128xf32, #tpu.memory_space<hbm>>
      %dma_wait3A_404 = arith.constant 0 : i32
      %dma_wait3A_405 = arith.constant 0 : i32
      %dma_wait3A_406 = tpu.memref_slice %dma_wait3A_403[%dma_wait3A_404, %dma_wait3A_405] : memref<10112x128xf32, #tpu.memory_space<hbm>> -> memref<10112x128xf32, #tpu.memory_space<hbm>>
      tpu.wait_indirect_dma semaphore(%arg26 : memref<!tpu.dma_semaphore, #tpu.memory_space<semaphore_mem>>) src(%dma_wait3A_406 : memref<10112x128xf32, #tpu.memory_space<hbm>>) dst(%arg15 : memref<128x128xf32, #tpu.memory_space<vmem>>)
      %dma_wait3A_407 = arith.constant 0 : i32
      %dma_wait3A_408 = arith.constant 0 : i32
      %dma_wait3A_409 = tpu.memref_slice %arg16[%dma_wait3A_407, %dma_wait3A_408] : memref<10112x128xf32, #tpu.memory_space<vmem_shared>> -> memref<10112x128xf32, #tpu.memory_space<vmem_shared>>
      tpu.wait_indirect_dma semaphore(%arg27 : memref<!tpu.dma_semaphore, #tpu.memory_space<semaphore_mem>>) src(%arg14 : memref<128x128xf32, #tpu.memory_space<vmem>>) dst(%dma_wait3A_409 : memref<10112x128xf32, #tpu.memory_space<vmem_shared>>)
      %add3A_410 = arith.constant 3 : i32
      %add3A_411 = arith.addi %add3A_399, %add3A_410 : i32
      %mul3A_412 = arith.constant 128 : i32
      %mul3A_413 = arith.muli %add3A_411, %mul3A_412 : i32
      %add3A_414 = arith.addi %mul3A_2, %mul3A_413 : i32
      %dma_start3A_415 = arith.constant 0 : i32
      %dma_start3A_416 = tpu.memref_slice %arg3[%arg0, %dma_start3A_415] : memref<2x327936xi32, #tpu.memory_space<hbm>> -> memref<1x327936xi32, #tpu.memory_space<hbm>>
      %dma_start3A_417 = tpu.memref_squeeze %dma_start3A_416 : memref<1x327936xi32, #tpu.memory_space<hbm>> -> memref<327936xi32, #tpu.memory_space<hbm>>
      %dma_start3A_418 = tpu.memref_slice %dma_start3A_417[%add3A_414] : memref<327936xi32, #tpu.memory_space<hbm>> -> memref<128xi32, #tpu.memory_space<hbm>>
      %dma_start3A_419 = arith.constant 0 : i32
      %dma_start3A_420 = tpu.memref_slice %arg3[%arg0, %dma_start3A_419] : memref<2x327936xi32, #tpu.memory_space<hbm>> -> memref<1x327936xi32, #tpu.memory_space<hbm>>
      %dma_start3A_421 = tpu.memref_squeeze %dma_start3A_420 : memref<1x327936xi32, #tpu.memory_space<hbm>> -> memref<327936xi32, #tpu.memory_space<hbm>>
      %dma_start3A_422 = tpu.memref_slice %dma_start3A_421[%add3A_414] : memref<327936xi32, #tpu.memory_space<hbm>> -> memref<128xi32, #tpu.memory_space<hbm>>
      tpu.enqueue_dma source(%dma_start3A_422 : memref<128xi32, #tpu.memory_space<hbm>>) target(%arg8 : memref<128xi32, #tpu.memory_space<vmem>>) target_semaphore(%arg19 : memref<!tpu.dma_semaphore, #tpu.memory_space<semaphore_mem>>)
      %add3A_423 = arith.constant 3 : i32
      %add3A_424 = arith.addi %add3A_399, %add3A_423 : i32
      %mul3A_425 = arith.constant 128 : i32
      %mul3A_426 = arith.muli %add3A_424, %mul3A_425 : i32
      %add3A_427 = arith.addi %mul3A_2, %mul3A_426 : i32
      %dma_start3A_428 = arith.constant 0 : i32
      %dma_start3A_429 = tpu.memref_slice %arg4[%arg0, %dma_start3A_428] : memref<2x327936xi32, #tpu.memory_space<hbm>> -> memref<1x327936xi32, #tpu.memory_space<hbm>>
      %dma_start3A_430 = tpu.memref_squeeze %dma_start3A_429 : memref<1x327936xi32, #tpu.memory_space<hbm>> -> memref<327936xi32, #tpu.memory_space<hbm>>
      %dma_start3A_431 = tpu.memref_slice %dma_start3A_430[%add3A_427] : memref<327936xi32, #tpu.memory_space<hbm>> -> memref<128xi32, #tpu.memory_space<hbm>>
      %dma_start3A_432 = arith.constant 0 : i32
      %dma_start3A_433 = tpu.memref_slice %arg4[%arg0, %dma_start3A_432] : memref<2x327936xi32, #tpu.memory_space<hbm>> -> memref<1x327936xi32, #tpu.memory_space<hbm>>
      %dma_start3A_434 = tpu.memref_squeeze %dma_start3A_433 : memref<1x327936xi32, #tpu.memory_space<hbm>> -> memref<327936xi32, #tpu.memory_space<hbm>>
      %dma_start3A_435 = tpu.memref_slice %dma_start3A_434[%add3A_427] : memref<327936xi32, #tpu.memory_space<hbm>> -> memref<128xi32, #tpu.memory_space<hbm>>
      tpu.enqueue_dma source(%dma_start3A_435 : memref<128xi32, #tpu.memory_space<hbm>>) target(%arg12 : memref<128xi32, #tpu.memory_space<vmem>>) target_semaphore(%arg23 : memref<!tpu.dma_semaphore, #tpu.memory_space<semaphore_mem>>)
      %add3A_436 = arith.constant 1 : i32
      %add3A_437 = arith.addi %add3A_399, %add3A_436 : i32
      %mul3A_438 = arith.constant 128 : i32
      %mul3A_439 = arith.muli %add3A_437, %mul3A_438 : i32
      %add3A_440 = arith.addi %mul3A_2, %mul3A_439 : i32
      %dma_wait3A_441 = arith.constant 0 : i32
      %dma_wait3A_442 = tpu.memref_slice %arg3[%arg0, %dma_wait3A_441] : memref<2x327936xi32, #tpu.memory_space<hbm>> -> memref<1x327936xi32, #tpu.memory_space<hbm>>
      %dma_wait3A_443 = tpu.memref_squeeze %dma_wait3A_442 : memref<1x327936xi32, #tpu.memory_space<hbm>> -> memref<327936xi32, #tpu.memory_space<hbm>>
      %dma_wait3A_444 = tpu.memref_slice %dma_wait3A_443[%add3A_440] : memref<327936xi32, #tpu.memory_space<hbm>> -> memref<128xi32, #tpu.memory_space<hbm>>
      %dma_wait3A_445 = arith.constant 0 : i32
      %dma_wait3A_446 = tpu.memref_slice %arg3[%arg0, %dma_wait3A_445] : memref<2x327936xi32, #tpu.memory_space<hbm>> -> memref<1x327936xi32, #tpu.memory_space<hbm>>
      %dma_wait3A_447 = tpu.memref_squeeze %dma_wait3A_446 : memref<1x327936xi32, #tpu.memory_space<hbm>> -> memref<327936xi32, #tpu.memory_space<hbm>>
      %dma_wait3A_448 = tpu.memref_slice %dma_wait3A_447[%add3A_440] : memref<327936xi32, #tpu.memory_space<hbm>> -> memref<128xi32, #tpu.memory_space<hbm>>
      tpu.wait_dma2 semaphore(%arg17 : memref<!tpu.dma_semaphore, #tpu.memory_space<semaphore_mem>>) src(%dma_wait3A_448 : memref<128xi32, #tpu.memory_space<hbm>>) dst(%arg6 : memref<128xi32, #tpu.memory_space<vmem>>)
      %add3A_449 = arith.constant 1 : i32
      %add3A_450 = arith.addi %add3A_399, %add3A_449 : i32
      %mul3A_451 = arith.constant 128 : i32
      %mul3A_452 = arith.muli %add3A_450, %mul3A_451 : i32
      %add3A_453 = arith.addi %mul3A_2, %mul3A_452 : i32
      %dma_wait3A_454 = arith.constant 0 : i32
      %dma_wait3A_455 = tpu.memref_slice %arg4[%arg0, %dma_wait3A_454] : memref<2x327936xi32, #tpu.memory_space<hbm>> -> memref<1x327936xi32, #tpu.memory_space<hbm>>
      %dma_wait3A_456 = tpu.memref_squeeze %dma_wait3A_455 : memref<1x327936xi32, #tpu.memory_space<hbm>> -> memref<327936xi32, #tpu.memory_space<hbm>>
      %dma_wait3A_457 = tpu.memref_slice %dma_wait3A_456[%add3A_453] : memref<327936xi32, #tpu.memory_space<hbm>> -> memref<128xi32, #tpu.memory_space<hbm>>
      %dma_wait3A_458 = arith.constant 0 : i32
      %dma_wait3A_459 = tpu.memref_slice %arg4[%arg0, %dma_wait3A_458] : memref<2x327936xi32, #tpu.memory_space<hbm>> -> memref<1x327936xi32, #tpu.memory_space<hbm>>
      %dma_wait3A_460 = tpu.memref_squeeze %dma_wait3A_459 : memref<1x327936xi32, #tpu.memory_space<hbm>> -> memref<327936xi32, #tpu.memory_space<hbm>>
      %dma_wait3A_461 = tpu.memref_slice %dma_wait3A_460[%add3A_453] : memref<327936xi32, #tpu.memory_space<hbm>> -> memref<128xi32, #tpu.memory_space<hbm>>
      tpu.wait_dma2 semaphore(%arg21 : memref<!tpu.dma_semaphore, #tpu.memory_space<semaphore_mem>>) src(%dma_wait3A_461 : memref<128xi32, #tpu.memory_space<hbm>>) dst(%arg10 : memref<128xi32, #tpu.memory_space<vmem>>)
      %dma_start3A_462 = arith.constant 0 : i32
      %dma_start3A_463 = arith.constant 0 : i32
      %dma_start3A_464 = tpu.memref_slice %arg2[%arg0, %dma_start3A_462, %dma_start3A_463] : memref<2x10112x128xf32, #tpu.memory_space<hbm>> -> memref<1x10112x128xf32, #tpu.memory_space<hbm>>
      %dma_start3A_465 = tpu.memref_squeeze %dma_start3A_464 : memref<1x10112x128xf32, #tpu.memory_space<hbm>> -> memref<10112x128xf32, #tpu.memory_space<hbm>>
      %dma_start3A_466 = arith.constant 0 : i32
      %dma_start3A_467 = arith.constant 0 : i32
      %dma_start3A_468 = tpu.memref_slice %dma_start3A_465[%dma_start3A_466, %dma_start3A_467] : memref<10112x128xf32, #tpu.memory_space<hbm>> -> memref<10112x128xf32, #tpu.memory_space<hbm>>
      tpu.enqueue_indirect_dma source(%dma_start3A_468 : memref<10112x128xf32, #tpu.memory_space<hbm>>) target(%arg14 : memref<128x128xf32, #tpu.memory_space<vmem>>) offsets(%arg6 : memref<128xi32, #tpu.memory_space<vmem>>) semaphore(%arg25 : memref<!tpu.dma_semaphore, #tpu.memory_space<semaphore_mem>>)
      %dma_start3A_469 = arith.constant 0 : i32
      %dma_start3A_470 = arith.constant 0 : i32
      %dma_start3A_471 = tpu.memref_slice %arg16[%dma_start3A_469, %dma_start3A_470] : memref<10112x128xf32, #tpu.memory_space<vmem_shared>> -> memref<10112x128xf32, #tpu.memory_space<vmem_shared>>
      tpu.enqueue_indirect_dma source(%arg15 : memref<128x128xf32, #tpu.memory_space<vmem>>) target(%dma_start3A_471 : memref<10112x128xf32, #tpu.memory_space<vmem_shared>>) offsets(%arg13 : memref<128xi32, #tpu.memory_space<vmem>>) semaphore(%arg28 : memref<!tpu.dma_semaphore, #tpu.memory_space<semaphore_mem>>) {add = true}
      %add3A_472 = arith.constant 3 : i32
      %add3A_473 = arith.addi %add3A_249, %add3A_472 : i32
      %dma_wait3A_474 = arith.constant 0 : i32
      %dma_wait3A_475 = arith.constant 0 : i32
      %dma_wait3A_476 = tpu.memref_slice %arg2[%arg0, %dma_wait3A_474, %dma_wait3A_475] : memref<2x10112x128xf32, #tpu.memory_space<hbm>> -> memref<1x10112x128xf32, #tpu.memory_space<hbm>>
      %dma_wait3A_477 = tpu.memref_squeeze %dma_wait3A_476 : memref<1x10112x128xf32, #tpu.memory_space<hbm>> -> memref<10112x128xf32, #tpu.memory_space<hbm>>
      %dma_wait3A_478 = arith.constant 0 : i32
      %dma_wait3A_479 = arith.constant 0 : i32
      %dma_wait3A_480 = tpu.memref_slice %dma_wait3A_477[%dma_wait3A_478, %dma_wait3A_479] : memref<10112x128xf32, #tpu.memory_space<hbm>> -> memref<10112x128xf32, #tpu.memory_space<hbm>>
      tpu.wait_indirect_dma semaphore(%arg25 : memref<!tpu.dma_semaphore, #tpu.memory_space<semaphore_mem>>) src(%dma_wait3A_480 : memref<10112x128xf32, #tpu.memory_space<hbm>>) dst(%arg14 : memref<128x128xf32, #tpu.memory_space<vmem>>)
      %dma_wait3A_481 = arith.constant 0 : i32
      %dma_wait3A_482 = arith.constant 0 : i32
      %dma_wait3A_483 = tpu.memref_slice %arg16[%dma_wait3A_481, %dma_wait3A_482] : memref<10112x128xf32, #tpu.memory_space<vmem_shared>> -> memref<10112x128xf32, #tpu.memory_space<vmem_shared>>
      tpu.wait_indirect_dma semaphore(%arg28 : memref<!tpu.dma_semaphore, #tpu.memory_space<semaphore_mem>>) src(%arg15 : memref<128x128xf32, #tpu.memory_space<vmem>>) dst(%dma_wait3A_483 : memref<10112x128xf32, #tpu.memory_space<vmem_shared>>)
      %add3A_484 = arith.constant 3 : i32
      %add3A_485 = arith.addi %add3A_473, %add3A_484 : i32
      %mul3A_486 = arith.constant 128 : i32
      %mul3A_487 = arith.muli %add3A_485, %mul3A_486 : i32
      %add3A_488 = arith.addi %mul3A_2, %mul3A_487 : i32
      %dma_start3A_489 = arith.constant 0 : i32
      %dma_start3A_490 = tpu.memref_slice %arg3[%arg0, %dma_start3A_489] : memref<2x327936xi32, #tpu.memory_space<hbm>> -> memref<1x327936xi32, #tpu.memory_space<hbm>>
      %dma_start3A_491 = tpu.memref_squeeze %dma_start3A_490 : memref<1x327936xi32, #tpu.memory_space<hbm>> -> memref<327936xi32, #tpu.memory_space<hbm>>
      %dma_start3A_492 = tpu.memref_slice %dma_start3A_491[%add3A_488] : memref<327936xi32, #tpu.memory_space<hbm>> -> memref<128xi32, #tpu.memory_space<hbm>>
      %dma_start3A_493 = arith.constant 0 : i32
      %dma_start3A_494 = tpu.memref_slice %arg3[%arg0, %dma_start3A_493] : memref<2x327936xi32, #tpu.memory_space<hbm>> -> memref<1x327936xi32, #tpu.memory_space<hbm>>
      %dma_start3A_495 = tpu.memref_squeeze %dma_start3A_494 : memref<1x327936xi32, #tpu.memory_space<hbm>> -> memref<327936xi32, #tpu.memory_space<hbm>>
      %dma_start3A_496 = tpu.memref_slice %dma_start3A_495[%add3A_488] : memref<327936xi32, #tpu.memory_space<hbm>> -> memref<128xi32, #tpu.memory_space<hbm>>
      tpu.enqueue_dma source(%dma_start3A_496 : memref<128xi32, #tpu.memory_space<hbm>>) target(%arg9 : memref<128xi32, #tpu.memory_space<vmem>>) target_semaphore(%arg20 : memref<!tpu.dma_semaphore, #tpu.memory_space<semaphore_mem>>)
      %add3A_497 = arith.constant 3 : i32
      %add3A_498 = arith.addi %add3A_473, %add3A_497 : i32
      %mul3A_499 = arith.constant 128 : i32
      %mul3A_500 = arith.muli %add3A_498, %mul3A_499 : i32
      %add3A_501 = arith.addi %mul3A_2, %mul3A_500 : i32
      %dma_start3A_502 = arith.constant 0 : i32
      %dma_start3A_503 = tpu.memref_slice %arg4[%arg0, %dma_start3A_502] : memref<2x327936xi32, #tpu.memory_space<hbm>> -> memref<1x327936xi32, #tpu.memory_space<hbm>>
      %dma_start3A_504 = tpu.memref_squeeze %dma_start3A_503 : memref<1x327936xi32, #tpu.memory_space<hbm>> -> memref<327936xi32, #tpu.memory_space<hbm>>
      %dma_start3A_505 = tpu.memref_slice %dma_start3A_504[%add3A_501] : memref<327936xi32, #tpu.memory_space<hbm>> -> memref<128xi32, #tpu.memory_space<hbm>>
      %dma_start3A_506 = arith.constant 0 : i32
      %dma_start3A_507 = tpu.memref_slice %arg4[%arg0, %dma_start3A_506] : memref<2x327936xi32, #tpu.memory_space<hbm>> -> memref<1x327936xi32, #tpu.memory_space<hbm>>
      %dma_start3A_508 = tpu.memref_squeeze %dma_start3A_507 : memref<1x327936xi32, #tpu.memory_space<hbm>> -> memref<327936xi32, #tpu.memory_space<hbm>>
      %dma_start3A_509 = tpu.memref_slice %dma_start3A_508[%add3A_501] : memref<327936xi32, #tpu.memory_space<hbm>> -> memref<128xi32, #tpu.memory_space<hbm>>
      tpu.enqueue_dma source(%dma_start3A_509 : memref<128xi32, #tpu.memory_space<hbm>>) target(%arg13 : memref<128xi32, #tpu.memory_space<vmem>>) target_semaphore(%arg24 : memref<!tpu.dma_semaphore, #tpu.memory_space<semaphore_mem>>)
      %add3A_510 = arith.constant 1 : i32
      %add3A_511 = arith.addi %add3A_473, %add3A_510 : i32
      %mul3A_512 = arith.constant 128 : i32
      %mul3A_513 = arith.muli %add3A_511, %mul3A_512 : i32
      %add3A_514 = arith.addi %mul3A_2, %mul3A_513 : i32
      %dma_wait3A_515 = arith.constant 0 : i32
      %dma_wait3A_516 = tpu.memref_slice %arg3[%arg0, %dma_wait3A_515] : memref<2x327936xi32, #tpu.memory_space<hbm>> -> memref<1x327936xi32, #tpu.memory_space<hbm>>
      %dma_wait3A_517 = tpu.memref_squeeze %dma_wait3A_516 : memref<1x327936xi32, #tpu.memory_space<hbm>> -> memref<327936xi32, #tpu.memory_space<hbm>>
      %dma_wait3A_518 = tpu.memref_slice %dma_wait3A_517[%add3A_514] : memref<327936xi32, #tpu.memory_space<hbm>> -> memref<128xi32, #tpu.memory_space<hbm>>
      %dma_wait3A_519 = arith.constant 0 : i32
      %dma_wait3A_520 = tpu.memref_slice %arg3[%arg0, %dma_wait3A_519] : memref<2x327936xi32, #tpu.memory_space<hbm>> -> memref<1x327936xi32, #tpu.memory_space<hbm>>
      %dma_wait3A_521 = tpu.memref_squeeze %dma_wait3A_520 : memref<1x327936xi32, #tpu.memory_space<hbm>> -> memref<327936xi32, #tpu.memory_space<hbm>>
      %dma_wait3A_522 = tpu.memref_slice %dma_wait3A_521[%add3A_514] : memref<327936xi32, #tpu.memory_space<hbm>> -> memref<128xi32, #tpu.memory_space<hbm>>
      tpu.wait_dma2 semaphore(%arg18 : memref<!tpu.dma_semaphore, #tpu.memory_space<semaphore_mem>>) src(%dma_wait3A_522 : memref<128xi32, #tpu.memory_space<hbm>>) dst(%arg7 : memref<128xi32, #tpu.memory_space<vmem>>)
      %add3A_523 = arith.constant 1 : i32
      %add3A_524 = arith.addi %add3A_473, %add3A_523 : i32
      %mul3A_525 = arith.constant 128 : i32
      %mul3A_526 = arith.muli %add3A_524, %mul3A_525 : i32
      %add3A_527 = arith.addi %mul3A_2, %mul3A_526 : i32
      %dma_wait3A_528 = arith.constant 0 : i32
      %dma_wait3A_529 = tpu.memref_slice %arg4[%arg0, %dma_wait3A_528] : memref<2x327936xi32, #tpu.memory_space<hbm>> -> memref<1x327936xi32, #tpu.memory_space<hbm>>
      %dma_wait3A_530 = tpu.memref_squeeze %dma_wait3A_529 : memref<1x327936xi32, #tpu.memory_space<hbm>> -> memref<327936xi32, #tpu.memory_space<hbm>>
      %dma_wait3A_531 = tpu.memref_slice %dma_wait3A_530[%add3A_527] : memref<327936xi32, #tpu.memory_space<hbm>> -> memref<128xi32, #tpu.memory_space<hbm>>
      %dma_wait3A_532 = arith.constant 0 : i32
      %dma_wait3A_533 = tpu.memref_slice %arg4[%arg0, %dma_wait3A_532] : memref<2x327936xi32, #tpu.memory_space<hbm>> -> memref<1x327936xi32, #tpu.memory_space<hbm>>
      %dma_wait3A_534 = tpu.memref_squeeze %dma_wait3A_533 : memref<1x327936xi32, #tpu.memory_space<hbm>> -> memref<327936xi32, #tpu.memory_space<hbm>>
      %dma_wait3A_535 = tpu.memref_slice %dma_wait3A_534[%add3A_527] : memref<327936xi32, #tpu.memory_space<hbm>> -> memref<128xi32, #tpu.memory_space<hbm>>
      tpu.wait_dma2 semaphore(%arg22 : memref<!tpu.dma_semaphore, #tpu.memory_space<semaphore_mem>>) src(%dma_wait3A_535 : memref<128xi32, #tpu.memory_space<hbm>>) dst(%arg11 : memref<128xi32, #tpu.memory_space<vmem>>)
      %dma_start3A_536 = arith.constant 0 : i32
      %dma_start3A_537 = arith.constant 0 : i32
      %dma_start3A_538 = tpu.memref_slice %arg2[%arg0, %dma_start3A_536, %dma_start3A_537] : memref<2x10112x128xf32, #tpu.memory_space<hbm>> -> memref<1x10112x128xf32, #tpu.memory_space<hbm>>
      %dma_start3A_539 = tpu.memref_squeeze %dma_start3A_538 : memref<1x10112x128xf32, #tpu.memory_space<hbm>> -> memref<10112x128xf32, #tpu.memory_space<hbm>>
      %dma_start3A_540 = arith.constant 0 : i32
      %dma_start3A_541 = arith.constant 0 : i32
      %dma_start3A_542 = tpu.memref_slice %dma_start3A_539[%dma_start3A_540, %dma_start3A_541] : memref<10112x128xf32, #tpu.memory_space<hbm>> -> memref<10112x128xf32, #tpu.memory_space<hbm>>
      tpu.enqueue_indirect_dma source(%dma_start3A_542 : memref<10112x128xf32, #tpu.memory_space<hbm>>) target(%arg15 : memref<128x128xf32, #tpu.memory_space<vmem>>) offsets(%arg7 : memref<128xi32, #tpu.memory_space<vmem>>) semaphore(%arg26 : memref<!tpu.dma_semaphore, #tpu.memory_space<semaphore_mem>>)
      %dma_start3A_543 = arith.constant 0 : i32
      %dma_start3A_544 = arith.constant 0 : i32
      %dma_start3A_545 = tpu.memref_slice %arg16[%dma_start3A_543, %dma_start3A_544] : memref<10112x128xf32, #tpu.memory_space<vmem_shared>> -> memref<10112x128xf32, #tpu.memory_space<vmem_shared>>
      tpu.enqueue_indirect_dma source(%arg14 : memref<128x128xf32, #tpu.memory_space<vmem>>) target(%dma_start3A_545 : memref<10112x128xf32, #tpu.memory_space<vmem_shared>>) offsets(%arg10 : memref<128xi32, #tpu.memory_space<vmem>>) semaphore(%arg27 : memref<!tpu.dma_semaphore, #tpu.memory_space<semaphore_mem>>) {add = true}
    }
    %scan3A_147 = arith.constant 39 : i32
    %dma_wait3A_148 = arith.constant 0 : i32
    %dma_wait3A_149 = arith.constant 0 : i32
    %dma_wait3A_150 = tpu.memref_slice %arg2[%arg0, %dma_wait3A_148, %dma_wait3A_149] : memref<2x10112x128xf32, #tpu.memory_space<hbm>> -> memref<1x10112x128xf32, #tpu.memory_space<hbm>>
    %dma_wait3A_151 = tpu.memref_squeeze %dma_wait3A_150 : memref<1x10112x128xf32, #tpu.memory_space<hbm>> -> memref<10112x128xf32, #tpu.memory_space<hbm>>
    %dma_wait3A_152 = arith.constant 0 : i32
    %dma_wait3A_153 = arith.constant 0 : i32
    %dma_wait3A_154 = tpu.memref_slice %dma_wait3A_151[%dma_wait3A_152, %dma_wait3A_153] : memref<10112x128xf32, #tpu.memory_space<hbm>> -> memref<10112x128xf32, #tpu.memory_space<hbm>>
    tpu.wait_indirect_dma semaphore(%arg26 : memref<!tpu.dma_semaphore, #tpu.memory_space<semaphore_mem>>) src(%dma_wait3A_154 : memref<10112x128xf32, #tpu.memory_space<hbm>>) dst(%arg15 : memref<128x128xf32, #tpu.memory_space<vmem>>)
    %dma_wait3A_155 = arith.constant 0 : i32
    %dma_wait3A_156 = arith.constant 0 : i32
    %dma_wait3A_157 = tpu.memref_slice %arg16[%dma_wait3A_155, %dma_wait3A_156] : memref<10112x128xf32, #tpu.memory_space<vmem_shared>> -> memref<10112x128xf32, #tpu.memory_space<vmem_shared>>
    tpu.wait_indirect_dma semaphore(%arg27 : memref<!tpu.dma_semaphore, #tpu.memory_space<semaphore_mem>>) src(%arg14 : memref<128x128xf32, #tpu.memory_space<vmem>>) dst(%dma_wait3A_157 : memref<10112x128xf32, #tpu.memory_space<vmem_shared>>)
    %add3A_158 = arith.constant 20224 : i32
    %add3A_159 = arith.addi %mul3A_2, %add3A_158 : i32
    %dma_wait3A_160 = arith.constant 0 : i32
    %dma_wait3A_161 = tpu.memref_slice %arg3[%arg0, %dma_wait3A_160] : memref<2x327936xi32, #tpu.memory_space<hbm>> -> memref<1x327936xi32, #tpu.memory_space<hbm>>
    %dma_wait3A_162 = tpu.memref_squeeze %dma_wait3A_161 : memref<1x327936xi32, #tpu.memory_space<hbm>> -> memref<327936xi32, #tpu.memory_space<hbm>>
    %dma_wait3A_163 = tpu.memref_slice %dma_wait3A_162[%add3A_159] : memref<327936xi32, #tpu.memory_space<hbm>> -> memref<128xi32, #tpu.memory_space<hbm>>
    %dma_wait3A_164 = arith.constant 0 : i32
    %dma_wait3A_165 = tpu.memref_slice %arg3[%arg0, %dma_wait3A_164] : memref<2x327936xi32, #tpu.memory_space<hbm>> -> memref<1x327936xi32, #tpu.memory_space<hbm>>
    %dma_wait3A_166 = tpu.memref_squeeze %dma_wait3A_165 : memref<1x327936xi32, #tpu.memory_space<hbm>> -> memref<327936xi32, #tpu.memory_space<hbm>>
    %dma_wait3A_167 = tpu.memref_slice %dma_wait3A_166[%add3A_159] : memref<327936xi32, #tpu.memory_space<hbm>> -> memref<128xi32, #tpu.memory_space<hbm>>
    tpu.wait_dma2 semaphore(%arg19 : memref<!tpu.dma_semaphore, #tpu.memory_space<semaphore_mem>>) src(%dma_wait3A_167 : memref<128xi32, #tpu.memory_space<hbm>>) dst(%arg8 : memref<128xi32, #tpu.memory_space<vmem>>)
    %add3A_168 = arith.constant 20224 : i32
    %add3A_169 = arith.addi %mul3A_2, %add3A_168 : i32
    %dma_wait3A_170 = arith.constant 0 : i32
    %dma_wait3A_171 = tpu.memref_slice %arg4[%arg0, %dma_wait3A_170] : memref<2x327936xi32, #tpu.memory_space<hbm>> -> memref<1x327936xi32, #tpu.memory_space<hbm>>
    %dma_wait3A_172 = tpu.memref_squeeze %dma_wait3A_171 : memref<1x327936xi32, #tpu.memory_space<hbm>> -> memref<327936xi32, #tpu.memory_space<hbm>>
    %dma_wait3A_173 = tpu.memref_slice %dma_wait3A_172[%add3A_169] : memref<327936xi32, #tpu.memory_space<hbm>> -> memref<128xi32, #tpu.memory_space<hbm>>
    %dma_wait3A_174 = arith.constant 0 : i32
    %dma_wait3A_175 = tpu.memref_slice %arg4[%arg0, %dma_wait3A_174] : memref<2x327936xi32, #tpu.memory_space<hbm>> -> memref<1x327936xi32, #tpu.memory_space<hbm>>
    %dma_wait3A_176 = tpu.memref_squeeze %dma_wait3A_175 : memref<1x327936xi32, #tpu.memory_space<hbm>> -> memref<327936xi32, #tpu.memory_space<hbm>>
    %dma_wait3A_177 = tpu.memref_slice %dma_wait3A_176[%add3A_169] : memref<327936xi32, #tpu.memory_space<hbm>> -> memref<128xi32, #tpu.memory_space<hbm>>
    tpu.wait_dma2 semaphore(%arg23 : memref<!tpu.dma_semaphore, #tpu.memory_space<semaphore_mem>>) src(%dma_wait3A_177 : memref<128xi32, #tpu.memory_space<hbm>>) dst(%arg12 : memref<128xi32, #tpu.memory_space<vmem>>)
    %dma_start3A_178 = arith.constant 0 : i32
    %dma_start3A_179 = arith.constant 0 : i32
    %dma_start3A_180 = tpu.memref_slice %arg2[%arg0, %dma_start3A_178, %dma_start3A_179] : memref<2x10112x128xf32, #tpu.memory_space<hbm>> -> memref<1x10112x128xf32, #tpu.memory_space<hbm>>
    %dma_start3A_181 = tpu.memref_squeeze %dma_start3A_180 : memref<1x10112x128xf32, #tpu.memory_space<hbm>> -> memref<10112x128xf32, #tpu.memory_space<hbm>>
    %dma_start3A_182 = arith.constant 0 : i32
    %dma_start3A_183 = arith.constant 0 : i32
    %dma_start3A_184 = tpu.memref_slice %dma_start3A_181[%dma_start3A_182, %dma_start3A_183] : memref<10112x128xf32, #tpu.memory_space<hbm>> -> memref<10112x128xf32, #tpu.memory_space<hbm>>
    tpu.enqueue_indirect_dma source(%dma_start3A_184 : memref<10112x128xf32, #tpu.memory_space<hbm>>) target(%arg14 : memref<128x128xf32, #tpu.memory_space<vmem>>) offsets(%arg8 : memref<128xi32, #tpu.memory_space<vmem>>) semaphore(%arg25 : memref<!tpu.dma_semaphore, #tpu.memory_space<semaphore_mem>>)
    %dma_start3A_185 = arith.constant 0 : i32
    %dma_start3A_186 = arith.constant 0 : i32
    %dma_start3A_187 = tpu.memref_slice %arg16[%dma_start3A_185, %dma_start3A_186] : memref<10112x128xf32, #tpu.memory_space<vmem_shared>> -> memref<10112x128xf32, #tpu.memory_space<vmem_shared>>
    tpu.enqueue_indirect_dma source(%arg15 : memref<128x128xf32, #tpu.memory_space<vmem>>) target(%dma_start3A_187 : memref<10112x128xf32, #tpu.memory_space<vmem_shared>>) offsets(%arg11 : memref<128xi32, #tpu.memory_space<vmem>>) semaphore(%arg28 : memref<!tpu.dma_semaphore, #tpu.memory_space<semaphore_mem>>) {add = true}
    %dma_wait3A_188 = arith.constant 0 : i32
    %dma_wait3A_189 = arith.constant 0 : i32
    %dma_wait3A_190 = tpu.memref_slice %arg2[%arg0, %dma_wait3A_188, %dma_wait3A_189] : memref<2x10112x128xf32, #tpu.memory_space<hbm>> -> memref<1x10112x128xf32, #tpu.memory_space<hbm>>
    %dma_wait3A_191 = tpu.memref_squeeze %dma_wait3A_190 : memref<1x10112x128xf32, #tpu.memory_space<hbm>> -> memref<10112x128xf32, #tpu.memory_space<hbm>>
    %dma_wait3A_192 = arith.constant 0 : i32
    %dma_wait3A_193 = arith.constant 0 : i32
    %dma_wait3A_194 = tpu.memref_slice %dma_wait3A_191[%dma_wait3A_192, %dma_wait3A_193] : memref<10112x128xf32, #tpu.memory_space<hbm>> -> memref<10112x128xf32, #tpu.memory_space<hbm>>
    tpu.wait_indirect_dma semaphore(%arg25 : memref<!tpu.dma_semaphore, #tpu.memory_space<semaphore_mem>>) src(%dma_wait3A_194 : memref<10112x128xf32, #tpu.memory_space<hbm>>) dst(%arg14 : memref<128x128xf32, #tpu.memory_space<vmem>>)
    %dma_wait3A_195 = arith.constant 0 : i32
    %dma_wait3A_196 = arith.constant 0 : i32
    %dma_wait3A_197 = tpu.memref_slice %arg16[%dma_wait3A_195, %dma_wait3A_196] : memref<10112x128xf32, #tpu.memory_space<vmem_shared>> -> memref<10112x128xf32, #tpu.memory_space<vmem_shared>>
    tpu.wait_indirect_dma semaphore(%arg28 : memref<!tpu.dma_semaphore, #tpu.memory_space<semaphore_mem>>) src(%arg15 : memref<128x128xf32, #tpu.memory_space<vmem>>) dst(%dma_wait3A_197 : memref<10112x128xf32, #tpu.memory_space<vmem_shared>>)
    %add3A_198 = arith.constant 20352 : i32
    %add3A_199 = arith.addi %mul3A_2, %add3A_198 : i32
    %dma_wait3A_200 = arith.constant 0 : i32
    %dma_wait3A_201 = tpu.memref_slice %arg3[%arg0, %dma_wait3A_200] : memref<2x327936xi32, #tpu.memory_space<hbm>> -> memref<1x327936xi32, #tpu.memory_space<hbm>>
    %dma_wait3A_202 = tpu.memref_squeeze %dma_wait3A_201 : memref<1x327936xi32, #tpu.memory_space<hbm>> -> memref<327936xi32, #tpu.memory_space<hbm>>
    %dma_wait3A_203 = tpu.memref_slice %dma_wait3A_202[%add3A_199] : memref<327936xi32, #tpu.memory_space<hbm>> -> memref<128xi32, #tpu.memory_space<hbm>>
    %dma_wait3A_204 = arith.constant 0 : i32
    %dma_wait3A_205 = tpu.memref_slice %arg3[%arg0, %dma_wait3A_204] : memref<2x327936xi32, #tpu.memory_space<hbm>> -> memref<1x327936xi32, #tpu.memory_space<hbm>>
    %dma_wait3A_206 = tpu.memref_squeeze %dma_wait3A_205 : memref<1x327936xi32, #tpu.memory_space<hbm>> -> memref<327936xi32, #tpu.memory_space<hbm>>
    %dma_wait3A_207 = tpu.memref_slice %dma_wait3A_206[%add3A_199] : memref<327936xi32, #tpu.memory_space<hbm>> -> memref<128xi32, #tpu.memory_space<hbm>>
    tpu.wait_dma2 semaphore(%arg20 : memref<!tpu.dma_semaphore, #tpu.memory_space<semaphore_mem>>) src(%dma_wait3A_207 : memref<128xi32, #tpu.memory_space<hbm>>) dst(%arg9 : memref<128xi32, #tpu.memory_space<vmem>>)
    %add3A_208 = arith.constant 20352 : i32
    %add3A_209 = arith.addi %mul3A_2, %add3A_208 : i32
    %dma_wait3A_210 = arith.constant 0 : i32
    %dma_wait3A_211 = tpu.memref_slice %arg4[%arg0, %dma_wait3A_210] : memref<2x327936xi32, #tpu.memory_space<hbm>> -> memref<1x327936xi32, #tpu.memory_space<hbm>>
    %dma_wait3A_212 = tpu.memref_squeeze %dma_wait3A_211 : memref<1x327936xi32, #tpu.memory_space<hbm>> -> memref<327936xi32, #tpu.memory_space<hbm>>
    %dma_wait3A_213 = tpu.memref_slice %dma_wait3A_212[%add3A_209] : memref<327936xi32, #tpu.memory_space<hbm>> -> memref<128xi32, #tpu.memory_space<hbm>>
    %dma_wait3A_214 = arith.constant 0 : i32
    %dma_wait3A_215 = tpu.memref_slice %arg4[%arg0, %dma_wait3A_214] : memref<2x327936xi32, #tpu.memory_space<hbm>> -> memref<1x327936xi32, #tpu.memory_space<hbm>>
    %dma_wait3A_216 = tpu.memref_squeeze %dma_wait3A_215 : memref<1x327936xi32, #tpu.memory_space<hbm>> -> memref<327936xi32, #tpu.memory_space<hbm>>
    %dma_wait3A_217 = tpu.memref_slice %dma_wait3A_216[%add3A_209] : memref<327936xi32, #tpu.memory_space<hbm>> -> memref<128xi32, #tpu.memory_space<hbm>>
    tpu.wait_dma2 semaphore(%arg24 : memref<!tpu.dma_semaphore, #tpu.memory_space<semaphore_mem>>) src(%dma_wait3A_217 : memref<128xi32, #tpu.memory_space<hbm>>) dst(%arg13 : memref<128xi32, #tpu.memory_space<vmem>>)
    %dma_start3A_218 = arith.constant 0 : i32
    %dma_start3A_219 = arith.constant 0 : i32
    %dma_start3A_220 = tpu.memref_slice %arg2[%arg0, %dma_start3A_218, %dma_start3A_219] : memref<2x10112x128xf32, #tpu.memory_space<hbm>> -> memref<1x10112x128xf32, #tpu.memory_space<hbm>>
    %dma_start3A_221 = tpu.memref_squeeze %dma_start3A_220 : memref<1x10112x128xf32, #tpu.memory_space<hbm>> -> memref<10112x128xf32, #tpu.memory_space<hbm>>
    %dma_start3A_222 = arith.constant 0 : i32
    %dma_start3A_223 = arith.constant 0 : i32
    %dma_start3A_224 = tpu.memref_slice %dma_start3A_221[%dma_start3A_222, %dma_start3A_223] : memref<10112x128xf32, #tpu.memory_space<hbm>> -> memref<10112x128xf32, #tpu.memory_space<hbm>>
    tpu.enqueue_indirect_dma source(%dma_start3A_224 : memref<10112x128xf32, #tpu.memory_space<hbm>>) target(%arg15 : memref<128x128xf32, #tpu.memory_space<vmem>>) offsets(%arg9 : memref<128xi32, #tpu.memory_space<vmem>>) semaphore(%arg26 : memref<!tpu.dma_semaphore, #tpu.memory_space<semaphore_mem>>)
    %dma_start3A_225 = arith.constant 0 : i32
    %dma_start3A_226 = arith.constant 0 : i32
    %dma_start3A_227 = tpu.memref_slice %arg16[%dma_start3A_225, %dma_start3A_226] : memref<10112x128xf32, #tpu.memory_space<vmem_shared>> -> memref<10112x128xf32, #tpu.memory_space<vmem_shared>>
    tpu.enqueue_indirect_dma source(%arg14 : memref<128x128xf32, #tpu.memory_space<vmem>>) target(%dma_start3A_227 : memref<10112x128xf32, #tpu.memory_space<vmem_shared>>) offsets(%arg12 : memref<128xi32, #tpu.memory_space<vmem>>) semaphore(%arg27 : memref<!tpu.dma_semaphore, #tpu.memory_space<semaphore_mem>>) {add = true}
    %dma_wait3A_228 = arith.constant 0 : i32
    %dma_wait3A_229 = arith.constant 0 : i32
    %dma_wait3A_230 = tpu.memref_slice %arg2[%arg0, %dma_wait3A_228, %dma_wait3A_229] : memref<2x10112x128xf32, #tpu.memory_space<hbm>> -> memref<1x10112x128xf32, #tpu.memory_space<hbm>>
    %dma_wait3A_231 = tpu.memref_squeeze %dma_wait3A_230 : memref<1x10112x128xf32, #tpu.memory_space<hbm>> -> memref<10112x128xf32, #tpu.memory_space<hbm>>
    %dma_wait3A_232 = arith.constant 0 : i32
    %dma_wait3A_233 = arith.constant 0 : i32
    %dma_wait3A_234 = tpu.memref_slice %dma_wait3A_231[%dma_wait3A_232, %dma_wait3A_233] : memref<10112x128xf32, #tpu.memory_space<hbm>> -> memref<10112x128xf32, #tpu.memory_space<hbm>>
    tpu.wait_indirect_dma semaphore(%arg26 : memref<!tpu.dma_semaphore, #tpu.memory_space<semaphore_mem>>) src(%dma_wait3A_234 : memref<10112x128xf32, #tpu.memory_space<hbm>>) dst(%arg15 : memref<128x128xf32, #tpu.memory_space<vmem>>)
    %dma_wait3A_235 = arith.constant 0 : i32
    %dma_wait3A_236 = arith.constant 0 : i32
    %dma_wait3A_237 = tpu.memref_slice %arg16[%dma_wait3A_235, %dma_wait3A_236] : memref<10112x128xf32, #tpu.memory_space<vmem_shared>> -> memref<10112x128xf32, #tpu.memory_space<vmem_shared>>
    tpu.wait_indirect_dma semaphore(%arg27 : memref<!tpu.dma_semaphore, #tpu.memory_space<semaphore_mem>>) src(%arg14 : memref<128x128xf32, #tpu.memory_space<vmem>>) dst(%dma_wait3A_237 : memref<10112x128xf32, #tpu.memory_space<vmem_shared>>)
    %dma_start3A_238 = arith.constant 0 : i32
    %dma_start3A_239 = arith.constant 0 : i32
    %dma_start3A_240 = tpu.memref_slice %arg16[%dma_start3A_238, %dma_start3A_239] : memref<10112x128xf32, #tpu.memory_space<vmem_shared>> -> memref<10112x128xf32, #tpu.memory_space<vmem_shared>>
    tpu.enqueue_indirect_dma source(%arg15 : memref<128x128xf32, #tpu.memory_space<vmem>>) target(%dma_start3A_240 : memref<10112x128xf32, #tpu.memory_space<vmem_shared>>) offsets(%arg13 : memref<128xi32, #tpu.memory_space<vmem>>) semaphore(%arg28 : memref<!tpu.dma_semaphore, #tpu.memory_space<semaphore_mem>>) {add = true}
    %dma_wait3A_241 = arith.constant 0 : i32
    %dma_wait3A_242 = arith.constant 0 : i32
    %dma_wait3A_243 = tpu.memref_slice %arg16[%dma_wait3A_241, %dma_wait3A_242] : memref<10112x128xf32, #tpu.memory_space<vmem_shared>> -> memref<10112x128xf32, #tpu.memory_space<vmem_shared>>
    tpu.wait_indirect_dma semaphore(%arg28 : memref<!tpu.dma_semaphore, #tpu.memory_space<semaphore_mem>>) src(%arg15 : memref<128x128xf32, #tpu.memory_space<vmem>>) dst(%dma_wait3A_243 : memref<10112x128xf32, #tpu.memory_space<vmem_shared>>)
    %barrier3A_244 = arith.constant 0 : index
    tpu.barrier barrier_id(%barrier3A_244)
    "tpu.region"() ({
      %run_scoped3A = tpu.sem_alloc : memref<!tpu.dma_semaphore, #tpu.memory_space<semaphore_mem>>
      %dma_start3A_245 = arith.constant 0 : i32
      %dma_start3A_246 = arith.constant 0 : i32
      %dma_start3A_247 = tpu.memref_slice %arg5[%arg0, %dma_start3A_245, %dma_start3A_246] : memref<2x10112x128xf32, #tpu.memory_space<hbm>> -> memref<1x10112x128xf32, #tpu.memory_space<hbm>>
      %dma_start3A_248 = tpu.memref_squeeze %dma_start3A_247 : memref<1x10112x128xf32, #tpu.memory_space<hbm>> -> memref<10112x128xf32, #tpu.memory_space<hbm>>
      %dma_start3A_249 = arith.constant 0 : i32
      %dma_start3A_250 = tpu.memref_slice %dma_start3A_248[%mul3A_0, %dma_start3A_249] : memref<10112x128xf32, #tpu.memory_space<hbm>> -> memref<632x128xf32, #tpu.memory_space<hbm>>
      %dma_start3A_251 = arith.constant 0 : i32
      %dma_start3A_252 = tpu.memref_slice %arg16[%mul3A_0, %dma_start3A_251] : memref<10112x128xf32, #tpu.memory_space<vmem_shared>> -> memref<632x128xf32, #tpu.memory_space<vmem_shared>>
      tpu.enqueue_dma source(%dma_start3A_252 : memref<632x128xf32, #tpu.memory_space<vmem_shared>>) target(%dma_start3A_250 : memref<632x128xf32, #tpu.memory_space<hbm>>) target_semaphore(%run_scoped3A : memref<!tpu.dma_semaphore, #tpu.memory_space<semaphore_mem>>)
      %dma_wait3A_253 = arith.constant 0 : i32
      %dma_wait3A_254 = arith.constant 0 : i32
      %dma_wait3A_255 = tpu.memref_slice %arg5[%arg0, %dma_wait3A_253, %dma_wait3A_254] : memref<2x10112x128xf32, #tpu.memory_space<hbm>> -> memref<1x10112x128xf32, #tpu.memory_space<hbm>>
      %dma_wait3A_256 = tpu.memref_squeeze %dma_wait3A_255 : memref<1x10112x128xf32, #tpu.memory_space<hbm>> -> memref<10112x128xf32, #tpu.memory_space<hbm>>
      %dma_wait3A_257 = arith.constant 0 : i32
      %dma_wait3A_258 = tpu.memref_slice %dma_wait3A_256[%mul3A_0, %dma_wait3A_257] : memref<10112x128xf32, #tpu.memory_space<hbm>> -> memref<632x128xf32, #tpu.memory_space<hbm>>
      %dma_wait3A_259 = arith.constant 0 : i32
      %dma_wait3A_260 = tpu.memref_slice %arg16[%mul3A_0, %dma_wait3A_259] : memref<10112x128xf32, #tpu.memory_space<vmem_shared>> -> memref<632x128xf32, #tpu.memory_space<vmem_shared>>
      tpu.wait_dma2 semaphore(%run_scoped3A : memref<!tpu.dma_semaphore, #tpu.memory_space<semaphore_mem>>) src(%dma_wait3A_260 : memref<632x128xf32, #tpu.memory_space<vmem_shared>>) dst(%dma_wait3A_258 : memref<632x128xf32, #tpu.memory_space<hbm>>)
      tpu.yield
    }) : () -> ()
    return
  }
}

module attributes {stable_mosaic.version = 14 : i64} {
  func.func @body(%arg0: i32, %arg1: memref<1x10000x128xf32, #tpu.memory_space<vmem>>, %arg2: memref<1x128xf32, #tpu.memory_space<vmem>>, %arg3: memref<1x128xf32, #tpu.memory_space<vmem>>, %arg4: memref<128x256xf32, #tpu.memory_space<vmem>>, %arg5: memref<1x256xf32, #tpu.memory_space<vmem>>, %arg6: memref<256x128xf32, #tpu.memory_space<vmem>>, %arg7: memref<1x128xf32, #tpu.memory_space<vmem>>, %arg8: memref<1x10000x128xf32, #tpu.memory_space<vmem>>) attributes {dimension_semantics = [#tpu.dimension_semantics<arbitrary>], iteration_bounds = array<i64: 2>, scalar_prefetch = 0 : i64, scratch_operands = 0 : i64, tpu.core_type = #tpu.core_type<tc>, window_params = [{transform_indices = @transform_0, window_bounds = array<i64: 1, 10000, 128>}, {pipeline_mode = #tpu.pipeline_mode<synchronous>, transform_indices = @transform_1, window_bounds = array<i64: 1, 128>}, {pipeline_mode = #tpu.pipeline_mode<synchronous>, transform_indices = @transform_2, window_bounds = array<i64: 1, 128>}, {pipeline_mode = #tpu.pipeline_mode<synchronous>, transform_indices = @transform_3, window_bounds = array<i64: 128, 256>}, {pipeline_mode = #tpu.pipeline_mode<synchronous>, transform_indices = @transform_4, window_bounds = array<i64: 1, 256>}, {pipeline_mode = #tpu.pipeline_mode<synchronous>, transform_indices = @transform_5, window_bounds = array<i64: 256, 128>}, {pipeline_mode = #tpu.pipeline_mode<synchronous>, transform_indices = @transform_6, window_bounds = array<i64: 1, 128>}, {transform_indices = @transform_7, window_bounds = array<i64: 1, 10000, 128>}]} {
    %get3A = arith.constant 0 : index
    %get3A_0 = arith.constant 0 : index
    %get3A_1 = arith.constant 0 : index
    %get3A_2 = vector.load %arg1[%get3A, %get3A_0, %get3A_1] : memref<1x10000x128xf32, #tpu.memory_space<vmem>>, vector<1x10000x128xf32>
    %get3A_3 = vector.shape_cast %get3A_2 : vector<1x10000x128xf32> to vector<10000x128xf32>
    %reduce_sum3A = arith.constant dense<0.000000e+00> : vector<128xf32>
    %reduce_sum3A_4 = vector.multi_reduction <add>, %get3A_3, %reduce_sum3A [0] : vector<10000x128xf32> to vector<128xf32>
    %broadcast_in_dim3A = vector.shape_cast %reduce_sum3A_4 : vector<128xf32> to vector<1x128xf32>
    %div3A = arith.constant 1.000000e+04 : f32
    %div3A_5 = vector.broadcast %div3A : f32 to vector<1x128xf32>
    %div3A_6 = arith.divf %broadcast_in_dim3A, %div3A_5 : vector<1x128xf32>
    %sub3A = vector.broadcast %div3A_6 : vector<1x128xf32> to vector<10000x128xf32>
    %sub3A_7 = arith.subf %get3A_3, %sub3A : vector<10000x128xf32>
    %mul3A = arith.mulf %sub3A_7, %sub3A_7 : vector<10000x128xf32>
    %reduce_sum3A_8 = arith.constant dense<0.000000e+00> : vector<128xf32>
    %reduce_sum3A_9 = vector.multi_reduction <add>, %mul3A, %reduce_sum3A_8 [0] : vector<10000x128xf32> to vector<128xf32>
    %broadcast_in_dim3A_10 = vector.shape_cast %reduce_sum3A_9 : vector<128xf32> to vector<1x128xf32>
    %div3A_11 = arith.constant 1.000000e+04 : f32
    %div3A_12 = vector.broadcast %div3A_11 : f32 to vector<1x128xf32>
    %div3A_13 = arith.divf %broadcast_in_dim3A_10, %div3A_12 : vector<1x128xf32>
    %add3A = arith.constant 9.99999974E-6 : f32
    %add3A_14 = vector.broadcast %add3A : f32 to vector<1x128xf32>
    %add3A_15 = arith.addf %div3A_13, %add3A_14 : vector<1x128xf32>
    %rsqrt3A = math.rsqrt %add3A_15 : vector<1x128xf32>
    %mul3A_16 = vector.broadcast %rsqrt3A : vector<1x128xf32> to vector<10000x128xf32>
    %mul3A_17 = arith.mulf %sub3A_7, %mul3A_16 : vector<10000x128xf32>
    %get3A_18 = arith.constant 0 : index
    %get3A_19 = arith.constant 0 : index
    %get3A_20 = vector.load %arg2[%get3A_18, %get3A_19] : memref<1x128xf32, #tpu.memory_space<vmem>>, vector<1x128xf32>
    %mul3A_21 = vector.broadcast %get3A_20 : vector<1x128xf32> to vector<10000x128xf32>
    %mul3A_22 = arith.mulf %mul3A_17, %mul3A_21 : vector<10000x128xf32>
    %get3A_23 = arith.constant 0 : index
    %get3A_24 = arith.constant 0 : index
    %get3A_25 = vector.load %arg3[%get3A_23, %get3A_24] : memref<1x128xf32, #tpu.memory_space<vmem>>, vector<1x128xf32>
    %add3A_26 = vector.broadcast %get3A_25 : vector<1x128xf32> to vector<10000x128xf32>
    %add3A_27 = arith.addf %mul3A_22, %add3A_26 : vector<10000x128xf32>
    %get3A_28 = arith.constant 0 : index
    %get3A_29 = arith.constant 0 : index
    %get3A_30 = vector.load %arg4[%get3A_28, %get3A_29] : memref<128x256xf32, #tpu.memory_space<vmem>>, vector<128x256xf32>
    %dot_general3A = arith.constant dense<0.000000e+00> : vector<10000x256xf32>
    %dot_general3A_31 = tpu.matmul %add3A_27, %get3A_30, %dot_general3A {dimension_numbers = #tpu.dot_dimension_numbers<[1], [0], [0], [1], [0, 0, 1, 1], [], []>, transpose_lhs_hint = false} : vector<10000x128xf32>, vector<128x256xf32>, vector<10000x256xf32> -> vector<10000x256xf32>
    %get3A_32 = arith.constant 0 : index
    %get3A_33 = arith.constant 0 : index
    %get3A_34 = vector.load %arg5[%get3A_32, %get3A_33] : memref<1x256xf32, #tpu.memory_space<vmem>>, vector<1x256xf32>
    %add3A_35 = vector.broadcast %get3A_34 : vector<1x256xf32> to vector<10000x256xf32>
    %add3A_36 = arith.addf %dot_general3A_31, %add3A_35 : vector<10000x256xf32>
    %max3A = arith.constant 0.000000e+00 : f32
    %max3A_37 = vector.broadcast %max3A : f32 to vector<10000x256xf32>
    %max3A_38 = arith.maximumf %add3A_36, %max3A_37 : vector<10000x256xf32>
    %get3A_39 = arith.constant 0 : index
    %get3A_40 = arith.constant 0 : index
    %get3A_41 = vector.load %arg6[%get3A_39, %get3A_40] : memref<256x128xf32, #tpu.memory_space<vmem>>, vector<256x128xf32>
    %dot_general3A_42 = arith.constant dense<0.000000e+00> : vector<10000x128xf32>
    %dot_general3A_43 = tpu.matmul %max3A_38, %get3A_41, %dot_general3A_42 {dimension_numbers = #tpu.dot_dimension_numbers<[1], [0], [0], [1], [0, 0, 1, 1], [], []>, transpose_lhs_hint = false} : vector<10000x256xf32>, vector<256x128xf32>, vector<10000x128xf32> -> vector<10000x128xf32>
    %get3A_44 = arith.constant 0 : index
    %get3A_45 = arith.constant 0 : index
    %get3A_46 = vector.load %arg7[%get3A_44, %get3A_45] : memref<1x128xf32, #tpu.memory_space<vmem>>, vector<1x128xf32>
    %add3A_47 = vector.broadcast %get3A_46 : vector<1x128xf32> to vector<10000x128xf32>
    %add3A_48 = arith.addf %dot_general3A_43, %add3A_47 : vector<10000x128xf32>
    %max3A_49 = arith.constant 0.000000e+00 : f32
    %max3A_50 = vector.broadcast %max3A_49 : f32 to vector<10000x128xf32>
    %max3A_51 = arith.maximumf %add3A_48, %max3A_50 : vector<10000x128xf32>
    %swap3A = arith.constant 0 : index
    %swap3A_52 = arith.constant 0 : index
    %swap3A_53 = arith.constant 0 : index
    %swap3A_54 = vector.load %arg8[%swap3A, %swap3A_52, %swap3A_53] : memref<1x10000x128xf32, #tpu.memory_space<vmem>>, vector<1x10000x128xf32>
    %swap3A_55 = vector.shape_cast %swap3A_54 : vector<1x10000x128xf32> to vector<10000x128xf32>
    %swap3A_56 = vector.shape_cast %max3A_51 : vector<10000x128xf32> to vector<1x10000x128xf32>
    tpu.vector_store %arg8[%swap3A, %swap3A_52, %swap3A_53], %swap3A_56 {strides = array<i32>} : memref<1x10000x128xf32, #tpu.memory_space<vmem>>, vector<1x10000x128xf32>,
    return
  }
  func.func @transform_0(%arg0: i32) -> (i32, i32, i32) {
    %c0_i32 = arith.constant 0 : i32
    %c0_i32_0 = arith.constant 0 : i32
    %c0_i32_1 = arith.constant 0 : i32
    return %arg0, %c0_i32, %c0_i32_0 : i32, i32, i32
  }
  func.func @transform_1(%arg0: i32) -> (i32, i32) {
    %c0_i32 = arith.constant 0 : i32
    %c0_i32_0 = arith.constant 0 : i32
    %c0_i32_1 = arith.constant 0 : i32
    return %c0_i32, %c0_i32_0 : i32, i32
  }
  func.func @transform_2(%arg0: i32) -> (i32, i32) {
    %c0_i32 = arith.constant 0 : i32
    %c0_i32_0 = arith.constant 0 : i32
    %c0_i32_1 = arith.constant 0 : i32
    return %c0_i32, %c0_i32_0 : i32, i32
  }
  func.func @transform_3(%arg0: i32) -> (i32, i32) {
    %c0_i32 = arith.constant 0 : i32
    %c0_i32_0 = arith.constant 0 : i32
    %c0_i32_1 = arith.constant 0 : i32
    return %c0_i32, %c0_i32_0 : i32, i32
  }
  func.func @transform_4(%arg0: i32) -> (i32, i32) {
    %c0_i32 = arith.constant 0 : i32
    %c0_i32_0 = arith.constant 0 : i32
    %c0_i32_1 = arith.constant 0 : i32
    return %c0_i32, %c0_i32_0 : i32, i32
  }
  func.func @transform_5(%arg0: i32) -> (i32, i32) {
    %c0_i32 = arith.constant 0 : i32
    %c0_i32_0 = arith.constant 0 : i32
    %c0_i32_1 = arith.constant 0 : i32
    return %c0_i32, %c0_i32_0 : i32, i32
  }
  func.func @transform_6(%arg0: i32) -> (i32, i32) {
    %c0_i32 = arith.constant 0 : i32
    %c0_i32_0 = arith.constant 0 : i32
    %c0_i32_1 = arith.constant 0 : i32
    return %c0_i32, %c0_i32_0 : i32, i32
  }
  func.func @transform_7(%arg0: i32) -> (i32, i32, i32) {
    %c0_i32 = arith.constant 0 : i32
    %c0_i32_0 = arith.constant 0 : i32
    %c0_i32_1 = arith.constant 0 : i32
    return %arg0, %c0_i32, %c0_i32_0 : i32, i32, i32
  }
}

module attributes {stable_mosaic.version = 14 : i64} {
  func.func @body(%arg0: i32, %arg1: memref<1x10112x128xf32, #tpu.memory_space<vmem>>, %arg2: memref<1x10112x128xf32, #tpu.memory_space<vmem>>, %arg3: memref<128x128xf32, #tpu.memory_space<vmem>>, %arg4: memref<1x10112x128xf32, #tpu.memory_space<vmem>>) attributes {dimension_semantics = [#tpu.dimension_semantics<arbitrary>], iteration_bounds = array<i64: 2>, scalar_prefetch = 0 : i64, scratch_operands = 0 : i64, tpu.core_type = #tpu.core_type<tc>, window_params = [{transform_indices = @transform_0, window_bounds = array<i64: 1, 10112, 128>}, {transform_indices = @transform_1, window_bounds = array<i64: 1, 10112, 128>}, {pipeline_mode = #tpu.pipeline_mode<synchronous>, transform_indices = @transform_2, window_bounds = array<i64: 128, 128>}, {transform_indices = @transform_3, window_bounds = array<i64: 1, 10112, 128>}]} {
    %get3A = arith.constant 0 : index
    %get3A_0 = arith.constant 0 : index
    %get3A_1 = arith.constant 0 : index
    %get3A_2 = vector.load %arg1[%get3A, %get3A_0, %get3A_1] : memref<1x10112x128xf32, #tpu.memory_space<vmem>>, vector<1x10112x128xf32>
    %get3A_3 = vector.shape_cast %get3A_2 : vector<1x10112x128xf32> to vector<10112x128xf32>
    %get3A_4 = arith.constant 0 : index
    %get3A_5 = arith.constant 0 : index
    %get3A_6 = vector.load %arg3[%get3A_4, %get3A_5] : memref<128x128xf32, #tpu.memory_space<vmem>>, vector<128x128xf32>
    %dot_general3A = arith.constant dense<0.000000e+00> : vector<10112x128xf32>
    %dot_general3A_7 = tpu.matmul %get3A_3, %get3A_6, %dot_general3A {dimension_numbers = #tpu.dot_dimension_numbers<[1], [0], [0], [1], [0, 0, 1, 1], [], []>, transpose_lhs_hint = false} : vector<10112x128xf32>, vector<128x128xf32>, vector<10112x128xf32> -> vector<10112x128xf32>
    %get3A_8 = arith.constant 0 : index
    %get3A_9 = arith.constant 0 : index
    %get3A_10 = arith.constant 0 : index
    %get3A_11 = vector.load %arg2[%get3A_8, %get3A_9, %get3A_10] : memref<1x10112x128xf32, #tpu.memory_space<vmem>>, vector<1x10112x1xf32>
    %get3A_12 = vector.shape_cast %get3A_11 : vector<1x10112x1xf32> to vector<10112x1xf32>
    %rsqrt3A = math.rsqrt %get3A_12 : vector<10112x1xf32>
    %mul3A = vector.broadcast %rsqrt3A : vector<10112x1xf32> to vector<10112x128xf32>
    %mul3A_13 = arith.mulf %dot_general3A_7, %mul3A : vector<10112x128xf32>
    %swap3A = arith.constant 0 : index
    %swap3A_14 = arith.constant 0 : index
    %swap3A_15 = arith.constant 0 : index
    %swap3A_16 = vector.load %arg4[%swap3A, %swap3A_14, %swap3A_15] : memref<1x10112x128xf32, #tpu.memory_space<vmem>>, vector<1x10112x128xf32>
    %swap3A_17 = vector.shape_cast %swap3A_16 : vector<1x10112x128xf32> to vector<10112x128xf32>
    %swap3A_18 = vector.shape_cast %mul3A_13 : vector<10112x128xf32> to vector<1x10112x128xf32>
    tpu.vector_store %arg4[%swap3A, %swap3A_14, %swap3A_15], %swap3A_18 {strides = array<i32>} : memref<1x10112x128xf32, #tpu.memory_space<vmem>>, vector<1x10112x128xf32>,
    return
  }
  func.func @transform_0(%arg0: i32) -> (i32, i32, i32) {
    %c0_i32 = arith.constant 0 : i32
    %c0_i32_0 = arith.constant 0 : i32
    %c0_i32_1 = arith.constant 0 : i32
    return %arg0, %c0_i32, %c0_i32_0 : i32, i32, i32
  }
  func.func @transform_1(%arg0: i32) -> (i32, i32, i32) {
    %c0_i32 = arith.constant 0 : i32
    %c0_i32_0 = arith.constant 0 : i32
    %c0_i32_1 = arith.constant 0 : i32
    return %arg0, %c0_i32, %c0_i32_0 : i32, i32, i32
  }
  func.func @transform_2(%arg0: i32) -> (i32, i32) {
    %c0_i32 = arith.constant 0 : i32
    %c0_i32_0 = arith.constant 0 : i32
    %c0_i32_1 = arith.constant 0 : i32
    return %c0_i32, %c0_i32_0 : i32, i32
  }
  func.func @transform_3(%arg0: i32) -> (i32, i32, i32) {
    %c0_i32 = arith.constant 0 : i32
    %c0_i32_0 = arith.constant 0 : i32
    %c0_i32_1 = arith.constant 0 : i32
    return %arg0, %c0_i32, %c0_i32_0 : i32, i32, i32
  }
}

module attributes {stable_mosaic.version = 14 : i64} {
  func.func @body(%arg0: i32, %arg1: memref<1x10112x128xf32, #tpu.memory_space<vmem>>, %arg2: memref<1x10112x128xf32, #tpu.memory_space<vmem>>, %arg3: memref<1x128xf32, #tpu.memory_space<vmem>>, %arg4: memref<128x128xf32, #tpu.memory_space<vmem>>, %arg5: memref<1x10112x128xf32, #tpu.memory_space<vmem>>) attributes {dimension_semantics = [#tpu.dimension_semantics<arbitrary>], iteration_bounds = array<i64: 2>, scalar_prefetch = 0 : i64, scratch_operands = 0 : i64, tpu.core_type = #tpu.core_type<tc>, window_params = [{transform_indices = @transform_0, window_bounds = array<i64: 1, 10112, 128>}, {transform_indices = @transform_1, window_bounds = array<i64: 1, 10112, 128>}, {pipeline_mode = #tpu.pipeline_mode<synchronous>, transform_indices = @transform_2, window_bounds = array<i64: 1, 128>}, {pipeline_mode = #tpu.pipeline_mode<synchronous>, transform_indices = @transform_3, window_bounds = array<i64: 128, 128>}, {transform_indices = @transform_4, window_bounds = array<i64: 1, 10112, 128>}]} {
    %get3A = arith.constant 0 : index
    %get3A_0 = arith.constant 0 : index
    %get3A_1 = arith.constant 0 : index
    %get3A_2 = vector.load %arg2[%get3A, %get3A_0, %get3A_1] : memref<1x10112x128xf32, #tpu.memory_space<vmem>>, vector<1x10112x1xf32>
    %get3A_3 = vector.shape_cast %get3A_2 : vector<1x10112x1xf32> to vector<10112x1xf32>
    %rsqrt3A = math.rsqrt %get3A_3 : vector<10112x1xf32>
    %get3A_4 = arith.constant 0 : index
    %get3A_5 = arith.constant 0 : index
    %get3A_6 = arith.constant 0 : index
    %get3A_7 = vector.load %arg1[%get3A_4, %get3A_5, %get3A_6] : memref<1x10112x128xf32, #tpu.memory_space<vmem>>, vector<1x10112x128xf32>
    %get3A_8 = vector.shape_cast %get3A_7 : vector<1x10112x128xf32> to vector<10112x128xf32>
    %mul3A = vector.broadcast %rsqrt3A : vector<10112x1xf32> to vector<10112x128xf32>
    %mul3A_9 = arith.mulf %get3A_8, %mul3A : vector<10112x128xf32>
    %get3A_10 = arith.constant 0 : index
    %get3A_11 = arith.constant 0 : index
    %get3A_12 = vector.load %arg3[%get3A_10, %get3A_11] : memref<1x128xf32, #tpu.memory_space<vmem>>, vector<1x128xf32>
    %add3A = vector.broadcast %get3A_12 : vector<1x128xf32> to vector<10112x128xf32>
    %add3A_13 = arith.addf %mul3A_9, %add3A : vector<10112x128xf32>
    %max3A = arith.constant 0.000000e+00 : f32
    %max3A_14 = vector.broadcast %max3A : f32 to vector<10112x128xf32>
    %max3A_15 = arith.maximumf %add3A_13, %max3A_14 : vector<10112x128xf32>
    %iota3A = tpu.iota {dimensions = array<i32: 0>} : vector<10112x1xi32>
    %lt3A = arith.constant 10000 : i32
    %lt3A_16 = vector.broadcast %lt3A : i32 to vector<10112x1xi32>
    %lt3A_17 = arith.cmpi slt, %iota3A, %lt3A_16 : vector<10112x1xi32>
    %jit3A = arith.constant 0.000000e+00 : f32
    %broadcast_in_dim3A = vector.shape_cast %lt3A_17 : vector<10112x1xi1> to vector<10112x1xi1>
    %broadcast_in_dim3A_18 = vector.broadcast %broadcast_in_dim3A : vector<10112x1xi1> to vector<10112x128xi1>
    %broadcast_in_dim3A_19 = vector.broadcast %jit3A : f32 to vector<10112x128xf32>
    %select_n3A = arith.select %broadcast_in_dim3A_18, %max3A_15, %broadcast_in_dim3A_19 : vector<10112x128xi1>, vector<10112x128xf32>
    %get3A_20 = arith.constant 0 : index
    %get3A_21 = arith.constant 0 : index
    %get3A_22 = vector.load %arg4[%get3A_20, %get3A_21] : memref<128x128xf32, #tpu.memory_space<vmem>>, vector<128x128xf32>
    %dot_general3A = arith.constant dense<0.000000e+00> : vector<10112x128xf32>
    %dot_general3A_23 = tpu.matmul %select_n3A, %get3A_22, %dot_general3A {dimension_numbers = #tpu.dot_dimension_numbers<[1], [0], [0], [1], [0, 0, 1, 1], [], []>, transpose_lhs_hint = false} : vector<10112x128xf32>, vector<128x128xf32>, vector<10112x128xf32> -> vector<10112x128xf32>
    %mul3A_24 = vector.broadcast %rsqrt3A : vector<10112x1xf32> to vector<10112x128xf32>
    %mul3A_25 = arith.mulf %dot_general3A_23, %mul3A_24 : vector<10112x128xf32>
    %swap3A = arith.constant 0 : index
    %swap3A_26 = arith.constant 0 : index
    %swap3A_27 = arith.constant 0 : index
    %swap3A_28 = vector.load %arg5[%swap3A, %swap3A_26, %swap3A_27] : memref<1x10112x128xf32, #tpu.memory_space<vmem>>, vector<1x10112x128xf32>
    %swap3A_29 = vector.shape_cast %swap3A_28 : vector<1x10112x128xf32> to vector<10112x128xf32>
    %swap3A_30 = vector.shape_cast %mul3A_25 : vector<10112x128xf32> to vector<1x10112x128xf32>
    tpu.vector_store %arg5[%swap3A, %swap3A_26, %swap3A_27], %swap3A_30 {strides = array<i32>} : memref<1x10112x128xf32, #tpu.memory_space<vmem>>, vector<1x10112x128xf32>,
    return
  }
  func.func @transform_0(%arg0: i32) -> (i32, i32, i32) {
    %c0_i32 = arith.constant 0 : i32
    %c0_i32_0 = arith.constant 0 : i32
    %c0_i32_1 = arith.constant 0 : i32
    return %arg0, %c0_i32, %c0_i32_0 : i32, i32, i32
  }
  func.func @transform_1(%arg0: i32) -> (i32, i32, i32) {
    %c0_i32 = arith.constant 0 : i32
    %c0_i32_0 = arith.constant 0 : i32
    %c0_i32_1 = arith.constant 0 : i32
    return %arg0, %c0_i32, %c0_i32_0 : i32, i32, i32
  }
  func.func @transform_2(%arg0: i32) -> (i32, i32) {
    %c0_i32 = arith.constant 0 : i32
    %c0_i32_0 = arith.constant 0 : i32
    %c0_i32_1 = arith.constant 0 : i32
    return %c0_i32, %c0_i32_0 : i32, i32
  }
  func.func @transform_3(%arg0: i32) -> (i32, i32) {
    %c0_i32 = arith.constant 0 : i32
    %c0_i32_0 = arith.constant 0 : i32
    %c0_i32_1 = arith.constant 0 : i32
    return %c0_i32, %c0_i32_0 : i32, i32
  }
  func.func @transform_4(%arg0: i32) -> (i32, i32, i32) {
    %c0_i32 = arith.constant 0 : i32
    %c0_i32_0 = arith.constant 0 : i32
    %c0_i32_1 = arith.constant 0 : i32
    return %arg0, %c0_i32, %c0_i32_0 : i32, i32, i32
  }
}

module attributes {stable_mosaic.version = 14 : i64} {
  func.func @body(%arg0: i32, %arg1: memref<1x10112x128xf32, #tpu.memory_space<vmem>>, %arg2: memref<1x10112x128xf32, #tpu.memory_space<vmem>>, %arg3: memref<1x128xf32, #tpu.memory_space<vmem>>, %arg4: memref<1x10000x1xi32, #tpu.memory_space<vmem>>, %arg5: memref<1x64x128xf32, #tpu.memory_space<vmem>>) attributes {dimension_semantics = [#tpu.dimension_semantics<arbitrary>], iteration_bounds = array<i64: 2>, scalar_prefetch = 0 : i64, scratch_operands = 0 : i64, tpu.core_type = #tpu.core_type<tc>, window_params = [{transform_indices = @transform_0, window_bounds = array<i64: 1, 10112, 128>}, {transform_indices = @transform_1, window_bounds = array<i64: 1, 10112, 128>}, {pipeline_mode = #tpu.pipeline_mode<synchronous>, transform_indices = @transform_2, window_bounds = array<i64: 1, 128>}, {transform_indices = @transform_3, window_bounds = array<i64: 1, 10000, 1>}, {transform_indices = @transform_4, window_bounds = array<i64: 1, 64, 128>}]} {
    %get3A = arith.constant 0 : index
    %get3A_0 = arith.constant 0 : index
    %get3A_1 = arith.constant 0 : index
    %get3A_2 = vector.load %arg2[%get3A, %get3A_0, %get3A_1] : memref<1x10112x128xf32, #tpu.memory_space<vmem>>, vector<1x10112x1xf32>
    %get3A_3 = vector.shape_cast %get3A_2 : vector<1x10112x1xf32> to vector<10112x1xf32>
    %rsqrt3A = math.rsqrt %get3A_3 : vector<10112x1xf32>
    %slice3A = vector.extract_strided_slice %rsqrt3A {offsets = [0, 0], sizes = [10000, 1], strides = [1, 1]} : vector<10112x1xf32> to vector<10000x1xf32>
    %get3A_4 = arith.constant 0 : index
    %get3A_5 = arith.constant 0 : index
    %get3A_6 = arith.constant 0 : index
    %get3A_7 = vector.load %arg1[%get3A_4, %get3A_5, %get3A_6] : memref<1x10112x128xf32, #tpu.memory_space<vmem>>, vector<1x10000x128xf32>
    %get3A_8 = vector.shape_cast %get3A_7 : vector<1x10000x128xf32> to vector<10000x128xf32>
    %mul3A = vector.broadcast %slice3A : vector<10000x1xf32> to vector<10000x128xf32>
    %mul3A_9 = arith.mulf %get3A_8, %mul3A : vector<10000x128xf32>
    %get3A_10 = arith.constant 0 : index
    %get3A_11 = arith.constant 0 : index
    %get3A_12 = vector.load %arg3[%get3A_10, %get3A_11] : memref<1x128xf32, #tpu.memory_space<vmem>>, vector<1x128xf32>
    %add3A = vector.broadcast %get3A_12 : vector<1x128xf32> to vector<10000x128xf32>
    %add3A_13 = arith.addf %mul3A_9, %add3A : vector<10000x128xf32>
    %max3A = arith.constant 0.000000e+00 : f32
    %max3A_14 = vector.broadcast %max3A : f32 to vector<10000x128xf32>
    %max3A_15 = arith.maximumf %add3A_13, %max3A_14 : vector<10000x128xf32>
    %get3A_16 = arith.constant 0 : index
    %get3A_17 = arith.constant 0 : index
    %get3A_18 = arith.constant 0 : index
    %get3A_19 = vector.load %arg4[%get3A_16, %get3A_17, %get3A_18] : memref<1x10000x1xi32, #tpu.memory_space<vmem>>, vector<1x10000x1xi32>
    %get3A_20 = vector.shape_cast %get3A_19 : vector<1x10000x1xi32> to vector<10000x1xi32>
    %iota3A = tpu.iota {dimensions = array<i32: 1>} : vector<1x64xi32>
    %eq3A = vector.broadcast %get3A_20 : vector<10000x1xi32> to vector<10000x64xi32>
    %eq3A_21 = vector.broadcast %iota3A : vector<1x64xi32> to vector<10000x64xi32>
    %eq3A_22 = arith.cmpi eq, %eq3A, %eq3A_21 : vector<10000x64xi32>
    %convert_element_type3A = arith.extui %eq3A_22 : vector<10000x64xi1> to vector<10000x64xi32>
    %convert_element_type3A_23 = arith.sitofp %convert_element_type3A : vector<10000x64xi32> to vector<10000x64xf32>
    %dot_general3A = arith.constant dense<0.000000e+00> : vector<64x128xf32>
    %dot_general3A_24 = tpu.matmul %convert_element_type3A_23, %max3A_15, %dot_general3A {dimension_numbers = #tpu.dot_dimension_numbers<[0], [0], [1], [1], [0, 1, 1, 1], [], []>, transpose_lhs_hint = false} : vector<10000x64xf32>, vector<10000x128xf32>, vector<64x128xf32> -> vector<64x128xf32>
    %broadcast_in_dim3A = arith.constant 1.000000e+00 : f32
    %broadcast_in_dim3A_25 = vector.broadcast %broadcast_in_dim3A : f32 to vector<10000x128xf32>
    %dot_general3A_26 = arith.constant dense<0.000000e+00> : vector<64x128xf32>
    %dot_general3A_27 = tpu.matmul %convert_element_type3A_23, %broadcast_in_dim3A_25, %dot_general3A_26 {dimension_numbers = #tpu.dot_dimension_numbers<[0], [0], [1], [1], [0, 1, 1, 1], [], []>, transpose_lhs_hint = false} : vector<10000x64xf32>, vector<10000x128xf32>, vector<64x128xf32> -> vector<64x128xf32>
    %max3A_28 = arith.constant 1.000000e+00 : f32
    %max3A_29 = vector.broadcast %max3A_28 : f32 to vector<64x128xf32>
    %max3A_30 = arith.maximumf %dot_general3A_27, %max3A_29 : vector<64x128xf32>
    %div3A = arith.divf %dot_general3A_24, %max3A_30 : vector<64x128xf32>
    %swap3A = arith.constant 0 : index
    %swap3A_31 = arith.constant 0 : index
    %swap3A_32 = arith.constant 0 : index
    %swap3A_33 = vector.load %arg5[%swap3A, %swap3A_31, %swap3A_32] : memref<1x64x128xf32, #tpu.memory_space<vmem>>, vector<1x64x128xf32>
    %swap3A_34 = vector.shape_cast %swap3A_33 : vector<1x64x128xf32> to vector<64x128xf32>
    %swap3A_35 = vector.shape_cast %div3A : vector<64x128xf32> to vector<1x64x128xf32>
    tpu.vector_store %arg5[%swap3A, %swap3A_31, %swap3A_32], %swap3A_35 {strides = array<i32>} : memref<1x64x128xf32, #tpu.memory_space<vmem>>, vector<1x64x128xf32>,
    return
  }
  func.func @transform_0(%arg0: i32) -> (i32, i32, i32) {
    %c0_i32 = arith.constant 0 : i32
    %c0_i32_0 = arith.constant 0 : i32
    %c0_i32_1 = arith.constant 0 : i32
    return %arg0, %c0_i32, %c0_i32_0 : i32, i32, i32
  }
  func.func @transform_1(%arg0: i32) -> (i32, i32, i32) {
    %c0_i32 = arith.constant 0 : i32
    %c0_i32_0 = arith.constant 0 : i32
    %c0_i32_1 = arith.constant 0 : i32
    return %arg0, %c0_i32, %c0_i32_0 : i32, i32, i32
  }
  func.func @transform_2(%arg0: i32) -> (i32, i32) {
    %c0_i32 = arith.constant 0 : i32
    %c0_i32_0 = arith.constant 0 : i32
    %c0_i32_1 = arith.constant 0 : i32
    return %c0_i32, %c0_i32_0 : i32, i32
  }
  func.func @transform_3(%arg0: i32) -> (i32, i32, i32) {
    %c0_i32 = arith.constant 0 : i32
    %c0_i32_0 = arith.constant 0 : i32
    %c0_i32_1 = arith.constant 0 : i32
    return %arg0, %c0_i32, %c0_i32_0 : i32, i32, i32
  }
  func.func @transform_4(%arg0: i32) -> (i32, i32, i32) {
    %c0_i32 = arith.constant 0 : i32
    %c0_i32_0 = arith.constant 0 : i32
    %c0_i32_1 = arith.constant 0 : i32
    return %arg0, %c0_i32, %c0_i32_0 : i32, i32, i32
  }
}

module attributes {stable_mosaic.version = 14 : i64} {
  func.func @body(%arg0: memref<64x256xf32, #tpu.memory_space<vmem>>, %arg1: memref<256x256xf32, #tpu.memory_space<vmem>>, %arg2: memref<1x256xf32, #tpu.memory_space<vmem>>, %arg3: memref<256x128xf32, #tpu.memory_space<vmem>>, %arg4: memref<1x128xf32, #tpu.memory_space<vmem>>, %arg5: memref<128x1xf32, #tpu.memory_space<vmem>>, %arg6: memref<1x1xf32, #tpu.memory_space<vmem>>, %arg7: memref<64x1xf32, #tpu.memory_space<vmem>>) attributes {dimension_semantics = [], scalar_prefetch = 0 : i64, scratch_operands = 0 : i64, tpu.core_type = #tpu.core_type<tc>} {
    %get3A = arith.constant 0 : index
    %get3A_0 = arith.constant 0 : index
    %get3A_1 = vector.load %arg0[%get3A, %get3A_0] : memref<64x256xf32, #tpu.memory_space<vmem>>, vector<64x256xf32>
    %get3A_2 = arith.constant 0 : index
    %get3A_3 = arith.constant 0 : index
    %get3A_4 = vector.load %arg1[%get3A_2, %get3A_3] : memref<256x256xf32, #tpu.memory_space<vmem>>, vector<256x256xf32>
    %dot_general3A = arith.constant dense<0.000000e+00> : vector<64x256xf32>
    %dot_general3A_5 = tpu.matmul %get3A_1, %get3A_4, %dot_general3A {dimension_numbers = #tpu.dot_dimension_numbers<[1], [0], [0], [1], [0, 0, 1, 1], [], []>, transpose_lhs_hint = false} : vector<64x256xf32>, vector<256x256xf32>, vector<64x256xf32> -> vector<64x256xf32>
    %get3A_6 = arith.constant 0 : index
    %get3A_7 = arith.constant 0 : index
    %get3A_8 = vector.load %arg2[%get3A_6, %get3A_7] : memref<1x256xf32, #tpu.memory_space<vmem>>, vector<1x256xf32>
    %add3A = vector.broadcast %get3A_8 : vector<1x256xf32> to vector<64x256xf32>
    %add3A_9 = arith.addf %dot_general3A_5, %add3A : vector<64x256xf32>
    %max3A = arith.constant 0.000000e+00 : f32
    %max3A_10 = vector.broadcast %max3A : f32 to vector<64x256xf32>
    %max3A_11 = arith.maximumf %add3A_9, %max3A_10 : vector<64x256xf32>
    %get3A_12 = arith.constant 0 : index
    %get3A_13 = arith.constant 0 : index
    %get3A_14 = vector.load %arg3[%get3A_12, %get3A_13] : memref<256x128xf32, #tpu.memory_space<vmem>>, vector<256x128xf32>
    %dot_general3A_15 = arith.constant dense<0.000000e+00> : vector<64x128xf32>
    %dot_general3A_16 = tpu.matmul %max3A_11, %get3A_14, %dot_general3A_15 {dimension_numbers = #tpu.dot_dimension_numbers<[1], [0], [0], [1], [0, 0, 1, 1], [], []>, transpose_lhs_hint = false} : vector<64x256xf32>, vector<256x128xf32>, vector<64x128xf32> -> vector<64x128xf32>
    %get3A_17 = arith.constant 0 : index
    %get3A_18 = arith.constant 0 : index
    %get3A_19 = vector.load %arg4[%get3A_17, %get3A_18] : memref<1x128xf32, #tpu.memory_space<vmem>>, vector<1x128xf32>
    %add3A_20 = vector.broadcast %get3A_19 : vector<1x128xf32> to vector<64x128xf32>
    %add3A_21 = arith.addf %dot_general3A_16, %add3A_20 : vector<64x128xf32>
    %max3A_22 = arith.constant 0.000000e+00 : f32
    %max3A_23 = vector.broadcast %max3A_22 : f32 to vector<64x128xf32>
    %max3A_24 = arith.maximumf %add3A_21, %max3A_23 : vector<64x128xf32>
    %get3A_25 = arith.constant 0 : index
    %get3A_26 = arith.constant 0 : index
    %get3A_27 = vector.load %arg5[%get3A_25, %get3A_26] : memref<128x1xf32, #tpu.memory_space<vmem>>, vector<128x1xf32>
    %dot_general3A_28 = arith.constant dense<0.000000e+00> : vector<64x1xf32>
    %dot_general3A_29 = tpu.matmul %max3A_24, %get3A_27, %dot_general3A_28 {dimension_numbers = #tpu.dot_dimension_numbers<[1], [0], [0], [1], [0, 0, 1, 1], [], []>, transpose_lhs_hint = false} : vector<64x128xf32>, vector<128x1xf32>, vector<64x1xf32> -> vector<64x1xf32>
    %get3A_30 = arith.constant 0 : index
    %get3A_31 = arith.constant 0 : index
    %get3A_32 = vector.load %arg6[%get3A_30, %get3A_31] : memref<1x1xf32, #tpu.memory_space<vmem>>, vector<1x1xf32>
    %add3A_33 = vector.broadcast %get3A_32 : vector<1x1xf32> to vector<64x1xf32>
    %add3A_34 = arith.addf %dot_general3A_29, %add3A_33 : vector<64x1xf32>
    %swap3A = arith.constant 0 : index
    %swap3A_35 = arith.constant 0 : index
    %swap3A_36 = vector.load %arg7[%swap3A, %swap3A_35] : memref<64x1xf32, #tpu.memory_space<vmem>>, vector<64x1xf32>
    tpu.vector_store %arg7[%swap3A, %swap3A_35], %add3A_34 {strides = array<i32>} : memref<64x1xf32, #tpu.memory_space<vmem>>, vector<64x1xf32>,
    return
  }
}

</mosaic_0001>

<sc_bundles>
// kernel: kernel.12.cloned.1.call-start
scs
__scs_entry_jumppad:
0x0: {  	(pc) =	sbr.rel $0x88, $3  }
0x1: {  	(tag) =	ssettag $0x0;
	lr =	simm.s32 $0x1  }
0x2: {  	[smem:$0x3F89] =	sst lr;
	_ =	strace $0xD0000000  }
0x3: {  	_ = 	snop  }
0x4: {  	_ = 	snop  }
0x5: {  	_ = 	snop  }
0x6: {  	_ = 	snop  }
0x7: {  	_ = 	snop  }
__scs_overlays_trampoline_lowered:
0x8: {  	[smem:$0x3F98] =	sst s0  }
0x9: {  	[smem:$0x3F99] =	sst s1  }
0xa: {  	[smem:$0x3F9A] =	sst s2  }
0xb: {  	[smem:$0x3F9B] =	sst s3  }
0xc: {  	[smem:$0x3F9C] =	sst s4  }
0xd: {  	[smem:$0x3F9D] =	sst s5  }
0xe: {  	[smem:$0x3F9E] =	sst s6  }
0xf: {  	[smem:$0x3F9F] =	sst s7  }
0x10: {  	[smem:$0x3FA0] =	sst s8  }
0x11: {  	[smem:$0x3FA1] =	sst s9;
	s0 =	simm.s32 @!p0 $0x0  }
0x12: {  	s1 =	sld [smem:$0x3F87];
	s0 =	simm.s32 @p0 $0x1  }
0x13: {  	[smem:$0x3FA2] =	sst s0;
	s0 =	simm.s32 @!p1 $0x0  }
0x14: {  	s2 =	sld [smem:$0x3F86];
	s0 =	simm.s32 @p1 $0x1  }
0x15: {  	[smem:$0x3FA3] =	sst s0;
	s0 =	simm.s32 @!p2 $0x0  }
0x16: {  	s3 =	sld [smem:$0x3FDB];
	s0 =	simm.s32 @p2 $0x1  }
0x17: {  	s4 =	simm.s32 $0x1BF5;
	[smem:$0x3FA5] =	sst s0  }
0x18: {  	s0 =	sld [smem:$0x3F88];
	_ =	swait.ge [sflag:s4], $0x0  }
0x19: {  	s7 =	sld [smem:$0x3F89]  }
0x1a: {  	s8 =	sadd.s32 $0xFFFFE003, lr  }
0x1b: {  	s9 =	sadd.s32 $0xFFFFFEF7, lr;
	s5 =	simm.s32 $0xFFFFFFFF;
	p2 =	slt.u32 s8, $0xFFFFF086  }
0x1c: {  	p1 =	slt.u32 s9, $0xF7A;
	s5 =	simm.s32 @!p2 $0x0  }
0x1d: {  	s5 =	simm.s32 @p1 $0x1;
	p0 =	seq.s32 s7, s2  }
0x1e: {  	s7 =	smul.u32 @!p0 $0xF7A, s2;
	p2 =	seq.s32 @!p0 s5, $0x0  }
0x1f: {  	s9 =	smul.u32 $0xF7A, s1;
	s8 =	simm.s32 @!p0 $0x1BF5;
	p2 =	por !p2, p0  }
0x20: {  	[sflag:s8] =	ssyncset.s32 @!p0 $0xFFFFF086;
	s6 =	sadd.s32 @!p0 s3, s7;
	s7 =	simm.s32 @!p0 $0x108  }
0x21: {  	s3 =	sadd.s32 s3, s9;
	s6 =	sadd.s32 @!p0 $0x88, s6;
	s7 =	simm.s32 @p2 $0x1082  }
0x22: {  	[simem:s7], [sflag:s8] =	dma.local @!p0 [hbm:s6], $0xF7A  }
0x23: {  	s9 =	sor.u32 $0xD0000000, s2;
	s6 =	simm.s32 $0x108;
	_ =	swait.ge @!p0 [sflag:s8], $0x0  }
0x24: {  	s3 =	sadd.s32 $0x88, s3;
	s6 =	simm.s32 @!p1 $0x1082;
	[sflag:s4] =	ssyncset.s32 $0xFFFFF086  }
0x25: {  	[simem:s6], [sflag:s4] =	dma.local [hbm:s3], $0xF7A  }
0x26: {  	[smem:$0x3F89] =	sst s1;
	(tag) =	ssettag s2;
	_ =	strace s9  }
0x27: {  	s1 =	sld [smem:$0x3F99]  }
0x28: {  	s2 =	sld [smem:$0x3F9A]  }
0x29: {  	s4 =	sld [smem:$0x3F9C]  }
0x2a: {  	p0 =	seq.s32 s5, $0x0;
	s5 =	sld [smem:$0x3F9D]  }
0x2b: {  	s6 =	sld [smem:$0x3F9E]  }
0x2c: {  	s7 =	sld [smem:$0x3F9F]  }
0x2d: {  	s3 =	simm.s32 $0x108;
	s8 =	sld [smem:$0x3FA0]  }
0x2e: {  	s3 =	simm.s32 @!p0 $0x1082;
	s9 =	sld [smem:$0x3FA1]  }
0x2f: {  	lr =	sadd.s32 s0, s3;
	s0 =	sld [smem:$0x3F98]  }
0x30: {  	s3 =	sld [smem:$0x3F9B]  }
0x31: {  	[smem:$0x3FA4] =	sst s10  }
0x32: {  	s10 =	sld [smem:$0x3FA2];
	_ =	sdelay $0x3  }
0x33: {  	p0 =	seq.s32 s10, $0x1;
	s10 =	sld [smem:$0x3FA4];
	_ =	sdelay $0x3  }
0x34: {  	[smem:$0x3FA4] =	sst s10  }
0x35: {  	s10 =	sld [smem:$0x3FA3];
	_ =	sdelay $0x3  }
0x36: {  	p1 =	seq.s32 s10, $0x1;
	s10 =	sld [smem:$0x3FA4];
	_ =	sdelay $0x3  }
0x37: {  	[smem:$0x3FA4] =	sst s10  }
0x38: {  	s10 =	sld [smem:$0x3FA5]  }
0x39: {  	_ = 	snop;
	(pc) =	sbr.ind lr, $3  }
0x3a: {  	_ = 	snop  }
0x3b: {  	_ = 	snop  }
0x3c: {  	p2 =	seq.s32 s10, $0x1;
	s10 =	sld [smem:$0x3FA4]  }
0x3d: {  	_ =	shalt  }
0x3e: {  	_ =	shalt  }
0x3f: {  	_ =	shalt  }
0x40: {  	_ =	shalt  }
0x41: {  	_ =	shalt  }
0x42: {  	_ =	shalt  }
0x43: {  	_ =	shalt  }
0x44: {  	_ =	shalt  }
0x45: {  	_ =	shalt  }
0x46: {  	_ =	shalt  }
0x47: {  	_ =	shalt  }
0x48: {  	_ =	shalt  }
0x49: {  	_ =	shalt  }
0x4a: {  	_ =	shalt  }
0x4b: {  	_ =	shalt  }
0x4c: {  	_ =	shalt  }
0x4d: {  	_ =	shalt  }
0x4e: {  	_ =	shalt  }
0x4f: {  	_ =	shalt  }
0x50: {  	_ =	shalt  }
0x51: {  	_ =	shalt  }
0x52: {  	_ =	shalt  }
0x53: {  	_ =	shalt  }
0x54: {  	_ =	shalt  }
0x55: {  	_ =	shalt  }
0x56: {  	_ =	shalt  }
0x57: {  	_ =	shalt  }
0x58: {  	_ =	shalt  }
0x59: {  	_ =	shalt  }
0x5a: {  	_ =	shalt  }
0x5b: {  	_ =	shalt  }
0x5c: {  	_ =	shalt  }
0x5d: {  	_ =	shalt  }
0x5e: {  	_ =	shalt  }
0x5f: {  	_ =	shalt  }
0x60: {  	_ =	shalt  }
0x61: {  	_ =	shalt  }
0x62: {  	_ =	shalt  }
0x63: {  	_ =	shalt  }
0x64: {  	_ =	shalt  }
0x65: {  	_ =	shalt  }
0x66: {  	_ =	shalt  }
0x67: {  	_ =	shalt  }
0x68: {  	_ =	shalt  }
0x69: {  	_ =	shalt  }
0x6a: {  	_ =	shalt  }
0x6b: {  	_ =	shalt  }
0x6c: {  	_ =	shalt  }
0x6d: {  	_ =	shalt  }
0x6e: {  	_ =	shalt  }
0x6f: {  	_ =	shalt  }
0x70: {  	_ =	shalt  }
0x71: {  	_ =	shalt  }
0x72: {  	_ =	shalt  }
0x73: {  	_ =	shalt  }
0x74: {  	_ =	shalt  }
0x75: {  	_ =	shalt  }
0x76: {  	_ =	shalt  }
0x77: {  	_ =	shalt  }
0x78: {  	_ =	shalt  }
0x79: {  	_ =	shalt  }
0x7a: {  	_ =	shalt  }
0x7b: {  	_ =	shalt  }
0x7c: {  	_ =	shalt  }
0x7d: {  	_ =	shalt  }
0x7e: {  	_ =	shalt  }
0x7f: {  	_ =	shalt  }
0x80: {  	_ =	shalt  }
0x81: {  	_ =	shalt  }
0x82: {  	_ =	shalt  }
0x83: {  	_ =	shalt  }
0x84: {  	_ =	shalt  }
0x85: {  	_ =	shalt  }
0x86: {  	_ =	shalt  }
0x87: {  	_ =	shalt  }
.Lfunc_end0:
.L_simem_size_0:
called_computation_lowered:
.L_overlay_start_0:
0x88: {  	s2 =	sld [smem:$0x3FD9]  }
0x89: {  	s3 =	sld [smem:$0x3FFE];
	_ =	sdelay $0x1  }
0x8a: {  	s1 =	srdreg.scid  }
0x8b: {  	s0 =	sand.u32 $0x1, s1  }
0x8c: {  	s16 =	sshll.u32 s0, $0xA;
	s2 =	sadd.s32 s3, s2  }
0x8d: {  	s2 =	sadd.s32 s2, s16  }
0x8e: {  	[smem:$0x3FB0] =	sst s2  }
0x8f: {  	_ = 	snop  }
0x90: {  	(tm) =	ssettm $0x1  }
0x91: {  	s17 =	sld [smem:$0x3FFB];
	_ =	sdelay $0x3  }
0x92: {  	_ =	strace s17  }
0x93: {  	s2 =	sld [smem:$0x3FFC];
	_ =	sdelay $0x3  }
0x94: {  	_ =	strace s2  }
0x95: {  	s2 =	sld [smem:$0x3FFD];
	_ =	sdelay $0x3  }
0x96: {  	_ =	strace s2  }
0x97: {  	_ =	strace $0x8FFFFFFF  }
0x98: {  	s18 =	sld [smem:$0x3FDB];
	_ =	sdelay $0x1  }
0x99: {  	s19 =	simm.s32 $_scs_section_size  }
0x9a: {  	s4 =	simm.s32 $_size__tile_overlayer_lowered;
	s5 =	simm.s32 $_tile_overlayer_lowered  }
0x9b: {  	s22 =	simm.s32 $0x1BFF;
	s21 =	sshll.u32 s5, $0x1;
	s2 =	sadd.s32 s19, s18  }
0x9c: {  	s6 =	simm.s32 $0x0;
	s20 =	sshll.u32 s4, $0x1;
	s4 =	sadd.s32 s21, s2  }
0x9d: {  	[timem:s6], [sflag:s22] =	dma.local [hbm:s4], s20  }
0x9e: {  	_ =	swait.ge [sflag:s22], s20  }
0x9f: {  	s3 =	ssub.s32 $0x0, s20;
	[sflag:s22] =	ssyncset.done $0x0  }
0xa0: {  	[sflag:s22] =	ssyncadd.s32 s3;
	_ =	sdelay $0x1  }
0xa1: {  	s23 =	simm.s32 $0x1B8B  }
0xa2: {  	_ =	swait.ge [sflag:s23], $0x1  }
0xa3: {  	[sflag:s23] =	ssyncset.done $0x0  }
0xa4: {  	s25 =	simm.s32 $0x1B8E;
	s24 =	sld [smem:$0x3FFE];
	[sflag:s23] =	ssyncadd.s32 $0xFFFFFFFF  }
0xa5: {  	s26 =	simm.s32 $execute0_lowered;
	[smem:$0x3FD2] =	sst s25  }
0xa6: {  	s4 =	sshll.u32 s26, $0x1;
	_ =	strace $0x80000046;
	[dreg:$0x1] =	wrdreg $0xFFFFFFFF  }
0xa7: {  	s28 =	simm.s32 $_size_execute0_lowered;
	s2 =	sadd.s32 s2, s4;
	[dreg:$0x0] =	wrdreg $0x0  }
0xa8: {  	s4 =	sshll.u32 s28, $0x1;
	[dreg:$0x2] =	wrdreg s2  }
0xa9: {  	[dreg:$0x3] =	wrdreg s4  }
0xaa: {  	[dreg:$0x4] =	wrdreg $0xC0  }
0xab: {  	_ =	task [dreg:s6], $0x5FFFF  }
0xac: {  	[dreg:$0x1] =	wrdreg $0xFFFFFFFF  }
0xad: {  	[dreg:$0x0] =	wrdreg $0x60  }
0xae: {  	[dreg:$0x2] =	wrdreg s24  }
0xaf: {  	[dreg:$0x3] =	wrdreg $0x84000  }
0xb0: {  	[dreg:$0x4] =	wrdreg $0x9  }
0xb1: {  	_ =	task.clear_ibuf [dreg:s6], $0x5FFFF;
	_ =	strace $0x90000046  }
0xb2: {  	s29 =	simm.s32 $0x9;
	_ =	strace $0x80000048  }
0xb3: {  	_ =	swait.ge [sflag:s29], $0x1  }
0xb4: {  	[sflag:s29] =	ssyncadd.s32 $0xFFFFFFFF  }
0xb5: {  	_ =	strace $0x90000048  }
0xb6: {  	_ =	sfence  }
0xb7: {  	s30 =	sld [smem:$0x0];
	_ =	sdelay $0x2  }
0xb8: {  	s31 =	sshll.u32 s1, $0xD;
	s1 =	sshrl.u32 s1, $0x2  }
0xb9: {  	s3 =	sand.u32 $0x4000, s31;
	s1 =	sadd.s32 s1, s30  }
0xba: {  	s0 =	sor.u32 s3, s0;
	s1 =	sshll.u32 s1, $0x11  }
0xbb: {  	s0 =	sor.u32 s1, s0  }
0xbc: {  	s0 =	sadd.s32 $0x8F2B, s0  }
0xbd: {  	[sflag:s0] =	ssyncadd.remote.s32 $0x1  }
0xbe: {  	_ =	sfence.sel $0xFFFF  }
0xbf: {  	[dreg:$0x0] =	wrdreg $0xFFFFFFFF;
	(pc) =	sbr.abs _section_cstart, $3  }
0xc0: {  	[dreg:$0x1] =	wrdreg $0xFFFFFFFF  }
0xc1: {  	_ =	task.clear_ibuf [dreg:s6], $0x2FFFF;
	_ =	strace $0x9FFFFFFF  }
0xc2: {  	(tm) =	ssettm $0x7FFFFFFF  }
0xc3: {  	_ =	shalt  }
tec
execute0_lowered:
.L_overlay_start_1:
0x0: {  	(tag) =	ssettag $0x1  }
0x1: {  	s0 =	rddreg [dreg:$0x0]  }
0x2: {  	s1 =	rddreg [dreg:$0x1];
	s2 =	simm.s32 $0x0;
	s3 =	srdreg.scid  }
0x3: {  	s9 =	stileid.u32;
	s14 =	simm.s32 $0xD;
	s17 =	simm.s32 $0x200  }
0x4: {  	s28 =	simm.s32 $0x9;
	s29 =	simm.s32 $0x180;
	s30 =	simm.s32 $0x380  }
0x5: {  	s31 =	simm.s32 $0x2;
	s15 =	simm.s32 $0xB;
	s6 =	smul.u32 $0x4F000, s9  }
0x6: {  	s16 =	simm.s32 $0x3;
	s18 =	simm.s32 $0x7;
	s7 =	smul.u32 $0x2780, s9  }
0x7: {  	[smem:$0x7FF] =	sst s2;
	s3 =	sand.u32 $0x1, s3;
	s10 =	smul.u32 $0x1400, s9  }
0x8: {  	s8 =	sshll.u32 s9, $0x6;
	_ =	strace $0x80000047;
	s4 =	smul.u32 $0x27800, s3  }
0x9: {  	s5 =	sshll.u32 s3, $0x4;
	s3 =	ssub.s32 $0x2, s3;
	s8 =	sor.u32 $0x1C0D, s8  }
0xa: {  	s5 =	sadd.s32 s5, s0;
	s19 =	sshrl.u32 s3, $0x1;
	s6 =	sshrl.u32 s6, $0x2  }
0xb: {  	s21 =	sor.u32 $0x20, s10;
	s12 =	sor.u32 $0x40, s10;
	[dreg:$0x5] =	wrdreg s10  }
0xc: {  	s22 =	sor.u32 $0x60, s10;
	[dreg:$0x7] =	wrdreg s8;
	s0 =	sadd.s32 s4, s0  }
0xd: {  	s3 =	ssub.s32 s3, s19;
	s6 =	sadd.s32 s6, s1;
	[dreg:$0x9] =	wrdreg s12  }
0xe: {  	s11 =	sadd.s32 $0x19A00, s5;
	s9 =	sadd.s32 $0x5800, s5;
	[dreg:$0xa] =	wrdreg s22  }
0xf: {  	s19 =	simm.s32 $0x80;
	s22 =	simm.s32 $0x100;
	s12 =	simm.s32 $0xA  }
0x10: {  	s4 =	sadd.s32 $0x2DC00, s0;
	s3 =	smax.u32 s3, $0x1;
	[dreg:$0x8] =	wrdreg s11  }
0x11: {  	s0 =	sadd.s32 $0x7CC00, s0;
	s23 =	sadd.s32 s10, s11;
	[dreg:$0xb] =	wrdreg s3  }
0x12: {  	s13 =	sshrl.u32 s6, $0x3;
	s24 =	sadd.s32 s10, s9;
	[dreg:$0xd] =	wrdreg s23  }
0x13: {  	s25 =	sadd.s32 s21, s11;
	s26 =	sadd.s32 s21, s9;
	[dreg:$0xe] =	wrdreg s24  }
0x14: {  	s21 =	simm.s32 $0x280;
	s6 =	simm.s32 $0x5;
	[dreg:$0xf] =	wrdreg s25  }
0x15: {  	s10 =	simm.s32 $0x0;
	s20 =	sadd.s32 s7, s4;
	[dreg:$0x10] =	wrdreg s26  }
0x16: {  	s23 =	simm.s32 $0x300;
	s0 =	sadd.s32 s7, s0;
	s25 =	simm.s32 $0x1  }
0x17: {  	s26 =	simm.s32 $0x400;
	s3 =	simm.s32 $0x4400;
	[dreg:$0xc] =	wrdreg s13  }
0x18: {  	s24 =	simm.s32 $0x4;
	s7 =	simm.s32 $0x8;
	[dreg:$0x6] =	wrdreg s20  }
0x19: {  	[dreg:$0x11] =	wrdreg s0;
	s0 =	simm.s32 $0x6;
	s20 =	simm.s32 $0xC  }
.LBB2_1:
0x1a: {  	s5 =	rddreg [dreg:$0x6]  }
0x1b: {  	[spmem:s13], [sflag:s8] =	dma.local [hbm:s5], $0x2780  }
0x1c: {  	_ =	swait.ge [sflag:s14], $0x2780  }
0x1d: {  	[sflag:s14] =	ssyncset.done $0x0  }
0x1e: {  	[sflag:s14] =	ssyncadd.s32 $0xFFFFD880  }
0x1f: {  	[bflag:$0x0] =	sbarrier.arrive $0xFFFF  }
0x20: {  	s13 =	rddreg [dreg:$0xd]  }
0x21: {  	s14 =	rddreg [dreg:$0xe]  }
0x22: {  	[tilespmem:s2], [sflag:$0x1] =	stream.linear.gather [hbm4b:s13+s2], $0x80, $0x38;
	[tilespmem:$0x1C000] =	vst v63  }
0x23: {  	s8 =	rddreg [dreg:$0xf]  }
0x24: {  	[tilespmem:s17], [sflag:$0x5] =	stream.linear.gather [hbm4b:s14+s2], $0x80, $0x38;
	[tilespmem:$0x1C000] =	vst v63  }
0x25: {  	s11 =	rddreg [dreg:$0x10]  }
0x26: {  	[tilespmem:s19], [sflag:$0x2] =	stream.linear.gather [hbm4b:s8+s2], $0x80, $0x38;
	[tilespmem:$0x1C000] =	vst v63  }
0x27: {  	s13 =	rddreg [dreg:$0x9]  }
0x28: {  	[tilespmem:s21], [sflag:$0x6] =	stream.linear.gather [hbm4b:s11+s2], $0x80, $0x38;
	[tilespmem:$0x1C000] =	vst v63  }
0x29: {  	s11 =	rddreg [dreg:$0x8]  }
0x2a: {  	s14 =	sadd.s32 s13, s11  }
0x2b: {  	[tilespmem:s22], [sflag:$0x3] =	stream.linear.gather [hbm4b:s14+s2], $0x80, $0x38;
	[tilespmem:$0x1C000] =	vst v63  }
0x2c: {  	s8 =	sadd.s32 s13, s9  }
0x2d: {  	[tilespmem:s23], [sflag:$0x7] =	stream.linear.gather [hbm4b:s8+s2], $0x80, $0x38;
	[tilespmem:$0x1C000] =	vst v63  }
0x2e: {  	_ =	swait.ge [sflag:s25], $0x80  }
0x2f: {  	[sflag:s25] =	ssyncset.done $0x0  }
0x30: {  	[sflag:s25] =	ssyncadd.s32 $0xFFFFFF80  }
0x31: {  	[tilespmem:s26], [sflag:$0x9] =	stream.indirect.gather [hbm4b:s4+s19], $0x80, s2, s19, $0xb8;
	[tilespmem:$0x1C000] =	vst v63  }
0x32: {  	_ =	swait.ge [sflag:s28], $0x4000  }
0x33: {  	[sflag:s28] =	ssyncset.done $0x0;
	s13 =	rddreg [dreg:$0xa]  }
0x34: {  	[sflag:s28] =	ssyncadd.s32 $0xFFFFC000;
	s14 =	sadd.s32 s13, s11  }
0x35: {  	[tilespmem:s29], [sflag:$0x4] =	stream.linear.gather [hbm4b:s14+s2], $0x80, $0x38;
	[tilespmem:$0x1C000] =	vst v63  }
0x36: {  	s8 =	sadd.s32 s13, s9  }
0x37: {  	[tilespmem:s30], [sflag:$0x8] =	stream.linear.gather [hbm4b:s8+s2], $0x80, $0x38;
	[tilespmem:$0x1C000] =	vst v63  }
0x38: {  	_ =	swait.ge [sflag:s31], $0x80  }
0x39: {  	[sflag:s31] =	ssyncset.done $0x0  }
0x3a: {  	[sflag:s31] =	ssyncadd.s32 $0xFFFFFF80  }
0x3b: {  	_ =	swait.ge [sflag:s0], $0x80  }
0x3c: {  	[sflag:s0] =	ssyncset.done $0x0  }
0x3d: {  	[sflag:s0] =	ssyncadd.s32 $0xFFFFFF80  }
0x3e: {  	[tilespmem:s3], [sflag:$0xA] =	stream.indirect.gather [hbm4b:s4+s19], $0x80, s19, s19, $0xb8;
	[tilespmem:$0x1C000] =	vst v63  }
0x3f: {  	_ =	swait.ge [sflag:s6], $0x80  }
0x40: {  	[sflag:s6] =	ssyncset.done $0x0;
	s13 =	rddreg [dreg:$0x5]  }
0x41: {  	[sflag:s6] =	ssyncadd.s32 $0xFFFFFF80;
	s14 =	sadd.s32 s11, s13  }
0x42: {  	[spmem:s1] =	stream.indirect.scatter.add.f32 [tilespmem:s26], [sflag:$0xB], $0x80, s17, s19, $0xb8;
	[tilespmem:$0x1C000] =	vst v63  }
0x43: {  	s8 =	sadd.s32 s9, s13;
	[dreg:$0x3] =	wrdreg s14  }
0x44: {  	[dreg:$0x4] =	wrdreg s8  }
0x45: {  	_ =	swait.ge [sflag:s12], $0x4000  }
0x46: {  	[sflag:s12] =	ssyncset.done $0x0  }
0x47: {  	[sflag:s12] =	ssyncadd.s32 $0xFFFFC000  }
0x48: {  	_ =	swait.ge [sflag:s15], $0x4000  }
0x49: {  	s11 =	rddreg [dreg:$0x3]  }
0x4a: {  	s13 =	rddreg [dreg:$0x4];
	[sflag:s15] =	ssyncset.done $0x0;
	s5 =	sadd.s32 $0x0, s11  }
0x4b: {  	[sflag:s15] =	ssyncadd.s32 $0xFFFFC000;
	s11 =	sadd.s32 $0x0, s13;
	s14 =	sadd.s32 $0x80, s5  }
0x4c: {  	[tilespmem:s2], [sflag:$0x1] =	stream.linear.gather [hbm4b:s14+s2], $0x80, $0x38;
	[tilespmem:$0x1C000] =	vst v63  }
0x4d: {  	s8 =	sadd.s32 $0x80, s11  }
0x4e: {  	[tilespmem:s17], [sflag:$0x5] =	stream.linear.gather [hbm4b:s8+s2], $0x80, $0x38;
	[tilespmem:$0x1C000] =	vst v63  }
0x4f: {  	_ =	swait.ge [sflag:s16], $0x80  }
0x50: {  	[sflag:s16] =	ssyncset.done $0x0  }
0x51: {  	[sflag:s16] =	ssyncadd.s32 $0xFFFFFF80  }
0x52: {  	_ =	swait.ge [sflag:s18], $0x80  }
0x53: {  	[sflag:s18] =	ssyncset.done $0x0  }
0x54: {  	[sflag:s18] =	ssyncadd.s32 $0xFFFFFF80  }
0x55: {  	[tilespmem:s26], [sflag:$0x9] =	stream.indirect.gather [hbm4b:s4+s19], $0x80, s22, s19, $0xb8;
	[tilespmem:$0x1C000] =	vst v63  }
0x56: {  	_ = 	snop  }
0x57: {  	[spmem:s1] =	stream.indirect.scatter.add.f32 [tilespmem:s3], [sflag:$0xC], $0x80, s21, s19, $0xb8;
	[tilespmem:$0x1C000] =	vst v63  }
0x58: {  	_ =	swait.ge [sflag:s28], $0x4000  }
0x59: {  	[sflag:s28] =	ssyncset.done $0x0  }
0x5a: {  	[sflag:s28] =	ssyncadd.s32 $0xFFFFC000  }
0x5b: {  	_ =	swait.ge [sflag:s20], $0x4000  }
0x5c: {  	[sflag:s20] =	ssyncset.done $0x0  }
0x5d: {  	s14 =	sadd.s32 $0xA0, s5;
	[sflag:s20] =	ssyncadd.s32 $0xFFFFC000  }
0x5e: {  	[tilespmem:s19], [sflag:$0x2] =	stream.linear.gather [hbm4b:s14+s2], $0x80, $0x38;
	[tilespmem:$0x1C000] =	vst v63  }
0x5f: {  	s8 =	sadd.s32 $0xA0, s11  }
0x60: {  	[tilespmem:s21], [sflag:$0x6] =	stream.linear.gather [hbm4b:s8+s2], $0x80, $0x38;
	[tilespmem:$0x1C000] =	vst v63  }
0x61: {  	_ =	swait.ge [sflag:s24], $0x80  }
0x62: {  	[sflag:s24] =	ssyncset.done $0x0  }
0x63: {  	[sflag:s24] =	ssyncadd.s32 $0xFFFFFF80  }
0x64: {  	_ =	swait.ge [sflag:s7], $0x80  }
0x65: {  	[sflag:s7] =	ssyncset.done $0x0  }
0x66: {  	[sflag:s7] =	ssyncadd.s32 $0xFFFFFF80  }
0x67: {  	[tilespmem:s3], [sflag:$0xA] =	stream.indirect.gather [hbm4b:s4+s19], $0x80, s29, s19, $0xb8;
	[tilespmem:$0x1C000] =	vst v63  }
0x68: {  	_ = 	snop  }
0x69: {  	[spmem:s1] =	stream.indirect.scatter.add.f32 [tilespmem:s26], [sflag:$0xB], $0x80, s23, s19, $0xb8;
	[tilespmem:$0x1C000] =	vst v63  }
0x6a: {  	_ =	swait.ge [sflag:s12], $0x4000  }
0x6b: {  	[sflag:s12] =	ssyncset.done $0x0  }
0x6c: {  	[sflag:s12] =	ssyncadd.s32 $0xFFFFC000  }
0x6d: {  	_ =	swait.ge [sflag:s15], $0x4000  }
0x6e: {  	[sflag:s15] =	ssyncset.done $0x0  }
0x6f: {  	s14 =	sadd.s32 $0xC0, s5;
	[sflag:s15] =	ssyncadd.s32 $0xFFFFC000  }
0x70: {  	[tilespmem:s22], [sflag:$0x3] =	stream.linear.gather [hbm4b:s14+s2], $0x80, $0x38;
	[tilespmem:$0x1C000] =	vst v63  }
0x71: {  	s8 =	sadd.s32 $0xC0, s11  }
0x72: {  	[tilespmem:s23], [sflag:$0x7] =	stream.linear.gather [hbm4b:s8+s2], $0x80, $0x38;
	[tilespmem:$0x1C000] =	vst v63  }
0x73: {  	_ =	swait.ge [sflag:s25], $0x80  }
0x74: {  	[sflag:s25] =	ssyncset.done $0x0  }
0x75: {  	[sflag:s25] =	ssyncadd.s32 $0xFFFFFF80  }
0x76: {  	_ =	swait.ge [sflag:s6], $0x80  }
0x77: {  	[sflag:s6] =	ssyncset.done $0x0  }
0x78: {  	[sflag:s6] =	ssyncadd.s32 $0xFFFFFF80  }
0x79: {  	[tilespmem:s26], [sflag:$0x9] =	stream.indirect.gather [hbm4b:s4+s19], $0x80, s2, s19, $0xb8;
	[tilespmem:$0x1C000] =	vst v63  }
0x7a: {  	_ = 	snop  }
0x7b: {  	[spmem:s1] =	stream.indirect.scatter.add.f32 [tilespmem:s3], [sflag:$0xC], $0x80, s30, s19, $0xb8;
	[tilespmem:$0x1C000] =	vst v63  }
0x7c: {  	_ =	swait.ge [sflag:s28], $0x4000  }
0x7d: {  	[sflag:s28] =	ssyncset.done $0x0  }
0x7e: {  	[sflag:s28] =	ssyncadd.s32 $0xFFFFC000  }
0x7f: {  	_ =	swait.ge [sflag:s20], $0x4000  }
0x80: {  	[sflag:s20] =	ssyncset.done $0x0  }
0x81: {  	s5 =	sadd.s32 $0xE0, s5;
	[sflag:s20] =	ssyncadd.s32 $0xFFFFC000  }
0x82: {  	[tilespmem:s29], [sflag:$0x4] =	stream.linear.gather [hbm4b:s5+s2], $0x80, $0x38;
	[tilespmem:$0x1C000] =	vst v63  }
0x83: {  	s14 =	sadd.s32 $0xE0, s11  }
0x84: {  	[tilespmem:s30], [sflag:$0x8] =	stream.linear.gather [hbm4b:s14+s2], $0x80, $0x38;
	[tilespmem:$0x1C000] =	vst v63  }
0x85: {  	_ =	swait.ge [sflag:s31], $0x80  }
0x86: {  	[sflag:s31] =	ssyncset.done $0x0  }
0x87: {  	[sflag:s31] =	ssyncadd.s32 $0xFFFFFF80  }
0x88: {  	_ =	swait.ge [sflag:s0], $0x80  }
0x89: {  	[sflag:s0] =	ssyncset.done $0x0  }
0x8a: {  	s11 =	simm.s32 $0x80;
	[sflag:s0] =	ssyncadd.s32 $0xFFFFFF80  }
0x8b: {  	[tilespmem:s3], [sflag:$0xA] =	stream.indirect.gather [hbm4b:s4+s19], $0x80, s19, s19, $0xb8;
	[tilespmem:$0x1C000] =	vst v63  }
.LBB2_2:
0x8c: {  	[spmem:s1] =	stream.indirect.scatter.add.f32 [tilespmem:s26], [sflag:$0xB], $0x80, s17, s19, $0xb8;
	[tilespmem:$0x1C000] =	vst v63  }
0x8d: {  	_ =	swait.ge [sflag:s12], $0x4000  }
0x8e: {  	[sflag:s12] =	ssyncset.done $0x0  }
0x8f: {  	[sflag:s12] =	ssyncadd.s32 $0xFFFFC000  }
0x90: {  	_ =	swait.ge [sflag:s15], $0x4000  }
0x91: {  	s5 =	smov.u32 s11;
	s13 =	rddreg [dreg:$0x3]  }
0x92: {  	s14 =	rddreg [dreg:$0x4];
	[sflag:s15] =	ssyncset.done $0x0;
	s13 =	sadd.s32 s5, s13  }
0x93: {  	[sflag:s15] =	ssyncadd.s32 $0xFFFFC000;
	s5 =	sadd.s32 s5, s14;
	s8 =	sadd.s32 $0x80, s13  }
0x94: {  	[tilespmem:s2], [sflag:$0x1] =	stream.linear.gather [hbm4b:s8+s2], $0x80, $0x38;
	[tilespmem:$0x1C000] =	vst v63  }
0x95: {  	s14 =	sadd.s32 $0x80, s5  }
0x96: {  	[tilespmem:s17], [sflag:$0x5] =	stream.linear.gather [hbm4b:s14+s2], $0x80, $0x38;
	[tilespmem:$0x1C000] =	vst v63  }
0x97: {  	_ =	swait.ge [sflag:s16], $0x80  }
0x98: {  	[sflag:s16] =	ssyncset.done $0x0  }
0x99: {  	[sflag:s16] =	ssyncadd.s32 $0xFFFFFF80  }
0x9a: {  	_ =	swait.ge [sflag:s18], $0x80  }
0x9b: {  	[sflag:s18] =	ssyncset.done $0x0  }
0x9c: {  	[sflag:s18] =	ssyncadd.s32 $0xFFFFFF80  }
0x9d: {  	[tilespmem:s26], [sflag:$0x9] =	stream.indirect.gather [hbm4b:s4+s19], $0x80, s22, s19, $0xb8;
	[tilespmem:$0x1C000] =	vst v63  }
0x9e: {  	_ = 	snop  }
0x9f: {  	[spmem:s1] =	stream.indirect.scatter.add.f32 [tilespmem:s3], [sflag:$0xC], $0x80, s21, s19, $0xb8;
	[tilespmem:$0x1C000] =	vst v63  }
0xa0: {  	_ =	swait.ge [sflag:s28], $0x4000  }
0xa1: {  	[sflag:s28] =	ssyncset.done $0x0  }
0xa2: {  	[sflag:s28] =	ssyncadd.s32 $0xFFFFC000  }
0xa3: {  	_ =	swait.ge [sflag:s20], $0x4000  }
0xa4: {  	[sflag:s20] =	ssyncset.done $0x0  }
0xa5: {  	s8 =	sadd.s32 $0xA0, s13;
	[sflag:s20] =	ssyncadd.s32 $0xFFFFC000  }
0xa6: {  	[tilespmem:s19], [sflag:$0x2] =	stream.linear.gather [hbm4b:s8+s2], $0x80, $0x38;
	[tilespmem:$0x1C000] =	vst v63  }
0xa7: {  	s14 =	sadd.s32 $0xA0, s5  }
0xa8: {  	[tilespmem:s21], [sflag:$0x6] =	stream.linear.gather [hbm4b:s14+s2], $0x80, $0x38;
	[tilespmem:$0x1C000] =	vst v63  }
0xa9: {  	_ =	swait.ge [sflag:s24], $0x80  }
0xaa: {  	[sflag:s24] =	ssyncset.done $0x0  }
0xab: {  	[sflag:s24] =	ssyncadd.s32 $0xFFFFFF80  }
0xac: {  	_ =	swait.ge [sflag:s7], $0x80  }
0xad: {  	[sflag:s7] =	ssyncset.done $0x0  }
0xae: {  	[sflag:s7] =	ssyncadd.s32 $0xFFFFFF80  }
0xaf: {  	[tilespmem:s3], [sflag:$0xA] =	stream.indirect.gather [hbm4b:s4+s19], $0x80, s29, s19, $0xb8;
	[tilespmem:$0x1C000] =	vst v63  }
0xb0: {  	_ = 	snop  }
0xb1: {  	[spmem:s1] =	stream.indirect.scatter.add.f32 [tilespmem:s26], [sflag:$0xB], $0x80, s23, s19, $0xb8;
	[tilespmem:$0x1C000] =	vst v63  }
0xb2: {  	_ =	swait.ge [sflag:s12], $0x4000  }
0xb3: {  	[sflag:s12] =	ssyncset.done $0x0  }
0xb4: {  	[sflag:s12] =	ssyncadd.s32 $0xFFFFC000  }
0xb5: {  	_ =	swait.ge [sflag:s15], $0x4000  }
0xb6: {  	[sflag:s15] =	ssyncset.done $0x0  }
0xb7: {  	s8 =	sadd.s32 $0xC0, s13;
	[sflag:s15] =	ssyncadd.s32 $0xFFFFC000  }
0xb8: {  	[tilespmem:s22], [sflag:$0x3] =	stream.linear.gather [hbm4b:s8+s2], $0x80, $0x38;
	[tilespmem:$0x1C000] =	vst v63  }
0xb9: {  	s14 =	sadd.s32 $0xC0, s5  }
0xba: {  	[tilespmem:s23], [sflag:$0x7] =	stream.linear.gather [hbm4b:s14+s2], $0x80, $0x38;
	[tilespmem:$0x1C000] =	vst v63  }
0xbb: {  	_ =	swait.ge [sflag:s25], $0x80  }
0xbc: {  	[sflag:s25] =	ssyncset.done $0x0  }
0xbd: {  	[sflag:s25] =	ssyncadd.s32 $0xFFFFFF80  }
0xbe: {  	_ =	swait.ge [sflag:s6], $0x80  }
0xbf: {  	[sflag:s6] =	ssyncset.done $0x0  }
0xc0: {  	[sflag:s6] =	ssyncadd.s32 $0xFFFFFF80  }
0xc1: {  	[tilespmem:s26], [sflag:$0x9] =	stream.indirect.gather [hbm4b:s4+s19], $0x80, s2, s19, $0xb8;
	[tilespmem:$0x1C000] =	vst v63  }
0xc2: {  	_ = 	snop  }
0xc3: {  	[spmem:s1] =	stream.indirect.scatter.add.f32 [tilespmem:s3], [sflag:$0xC], $0x80, s30, s19, $0xb8;
	[tilespmem:$0x1C000] =	vst v63  }
0xc4: {  	_ =	swait.ge [sflag:s28], $0x4000  }
0xc5: {  	[sflag:s28] =	ssyncset.done $0x0  }
0xc6: {  	[sflag:s28] =	ssyncadd.s32 $0xFFFFC000  }
0xc7: {  	_ =	swait.ge [sflag:s20], $0x4000  }
0xc8: {  	[sflag:s20] =	ssyncset.done $0x0  }
0xc9: {  	s14 =	sadd.s32 $0xE0, s13;
	[sflag:s20] =	ssyncadd.s32 $0xFFFFC000  }
0xca: {  	[tilespmem:s29], [sflag:$0x4] =	stream.linear.gather [hbm4b:s14+s2], $0x80, $0x38;
	[tilespmem:$0x1C000] =	vst v63  }
0xcb: {  	s5 =	sadd.s32 $0xE0, s5  }
0xcc: {  	[tilespmem:s30], [sflag:$0x8] =	stream.linear.gather [hbm4b:s5+s2], $0x80, $0x38;
	[tilespmem:$0x1C000] =	vst v63  }
0xcd: {  	_ =	swait.ge [sflag:s31], $0x80  }
0xce: {  	p0 =	sne.s32 s11, $0x1300;
	[sflag:s31] =	ssyncset.done $0x0  }
.Ltmp0:
0xcf: {  	[sflag:s31] =	ssyncadd.s32 $0xFFFFFF80;
	(pc) =	sbr.rel @p0 .LBB2_2-.Ltmp0, $4  }
0xd0: {  	_ =	swait.ge [sflag:s0], $0x80  }
0xd1: {  	[sflag:s0] =	ssyncset.done $0x0  }
0xd2: {  	s11 =	sadd.s32 $0x80, s11;
	[sflag:s0] =	ssyncadd.s32 $0xFFFFFF80  }
0xd3: {  	[tilespmem:s3], [sflag:$0xA] =	stream.indirect.gather [hbm4b:s4+s19], $0x80, s19, s19, $0xb8;
	[tilespmem:$0x1C000] =	vst v63  }
0xd4: {  	[spmem:s1] =	stream.indirect.scatter.add.f32 [tilespmem:s26], [sflag:$0xB], $0x80, s17, s19, $0xb8;
	[tilespmem:$0x1C000] =	vst v63  }
0xd5: {  	_ =	swait.ge [sflag:s12], $0x4000  }
0xd6: {  	[sflag:s12] =	ssyncset.done $0x0  }
0xd7: {  	[sflag:s12] =	ssyncadd.s32 $0xFFFFC000  }
0xd8: {  	_ =	swait.ge [sflag:s15], $0x4000  }
0xd9: {  	[sflag:s15] =	ssyncset.done $0x0  }
0xda: {  	[sflag:s15] =	ssyncadd.s32 $0xFFFFC000  }
0xdb: {  	_ =	swait.ge [sflag:s16], $0x80  }
0xdc: {  	[sflag:s16] =	ssyncset.done $0x0  }
0xdd: {  	[sflag:s16] =	ssyncadd.s32 $0xFFFFFF80  }
0xde: {  	_ =	swait.ge [sflag:s18], $0x80  }
0xdf: {  	[sflag:s18] =	ssyncset.done $0x0  }
0xe0: {  	[sflag:s18] =	ssyncadd.s32 $0xFFFFFF80  }
0xe1: {  	[tilespmem:s26], [sflag:$0x9] =	stream.indirect.gather [hbm4b:s4+s19], $0x80, s22, s19, $0xb8;
	[tilespmem:$0x1C000] =	vst v63  }
0xe2: {  	_ = 	snop  }
0xe3: {  	[spmem:s1] =	stream.indirect.scatter.add.f32 [tilespmem:s3], [sflag:$0xC], $0x80, s21, s19, $0xb8;
	[tilespmem:$0x1C000] =	vst v63  }
0xe4: {  	_ =	swait.ge [sflag:s28], $0x4000  }
0xe5: {  	[sflag:s28] =	ssyncset.done $0x0  }
0xe6: {  	[sflag:s28] =	ssyncadd.s32 $0xFFFFC000  }
0xe7: {  	_ =	swait.ge [sflag:s20], $0x4000  }
0xe8: {  	[sflag:s20] =	ssyncset.done $0x0  }
0xe9: {  	[sflag:s20] =	ssyncadd.s32 $0xFFFFC000  }
0xea: {  	_ =	swait.ge [sflag:s24], $0x80  }
0xeb: {  	[sflag:s24] =	ssyncset.done $0x0  }
0xec: {  	[sflag:s24] =	ssyncadd.s32 $0xFFFFFF80  }
0xed: {  	_ =	swait.ge [sflag:s7], $0x80  }
0xee: {  	[sflag:s7] =	ssyncset.done $0x0  }
0xef: {  	[sflag:s7] =	ssyncadd.s32 $0xFFFFFF80  }
0xf0: {  	[tilespmem:s3], [sflag:$0xA] =	stream.indirect.gather [hbm4b:s4+s19], $0x80, s29, s19, $0xb8;
	[tilespmem:$0x1C000] =	vst v63  }
0xf1: {  	_ = 	snop  }
0xf2: {  	[spmem:s1] =	stream.indirect.scatter.add.f32 [tilespmem:s26], [sflag:$0xB], $0x80, s23, s19, $0xb8;
	[tilespmem:$0x1C000] =	vst v63  }
0xf3: {  	_ =	swait.ge [sflag:s12], $0x4000  }
0xf4: {  	[sflag:s12] =	ssyncset.done $0x0  }
0xf5: {  	[sflag:s12] =	ssyncadd.s32 $0xFFFFC000  }
0xf6: {  	_ =	swait.ge [sflag:s15], $0x4000  }
0xf7: {  	[sflag:s15] =	ssyncset.done $0x0  }
0xf8: {  	[sflag:s15] =	ssyncadd.s32 $0xFFFFC000  }
0xf9: {  	[spmem:s1] =	stream.indirect.scatter.add.f32 [tilespmem:s3], [sflag:$0xC], $0x80, s30, s19, $0xb8;
	[tilespmem:$0x1C000] =	vst v63  }
0xfa: {  	_ =	swait.ge [sflag:s20], $0x4000  }
0xfb: {  	[sflag:s20] =	ssyncset.done $0x0  }
0xfc: {  	[sflag:s20] =	ssyncadd.s32 $0xFFFFC000  }
0xfd: {  	[bflag:$0x0] =	sbarrier.arrive $0xFFFF  }
0xfe: {  	s8 =	rddreg [dreg:$0x7]  }
0xff: {  	s13 =	rddreg [dreg:$0xc]  }
0x100: {  	s14 =	simm.s32 $0xD;
	s5 =	rddreg [dreg:$0x11]  }
0x101: {  	[hbm:s5], [sflag:s8] =	dma.local [spmem:s13], $0x2780  }
0x102: {  	_ =	swait.ge [sflag:s14], $0x2780  }
0x103: {  	s10 =	sadd.s32 $0x1, s10;
	s11 =	rddreg [dreg:$0xb]  }
0x104: {  	p0 =	sne.s32 s10, s11  }
.Ltmp1:
0x105: {  	_ = 	snop;
	(pc) =	sbr.rel @p0 .LBB2_1-.Ltmp1, $3  }
0x106: {  	_ =	sdelay $0x1  }
0x107: {  	[sflag:s14] =	ssyncset.done $0x0  }
0x108: {  	[sflag:s14] =	ssyncadd.s32 $0xFFFFD880  }
0x109: {  	_ =	sfence.sel $0x180000  }
0x10a: {  	[bflag:$0x0] =	sbarrier.arrive $0xFFFF  }
0x10b: {  	_ =	strace $0x90000047  }
0x10c: {  	s0 =	stileid.u32;
	[bflag:$0x2] =	sbarrier.arrive $0xFFFF  }
0x10d: {  	p0 =	sne.s32 s0, $0x0;
	s0 =	rddreg [dreg:$0x2]  }
0x10e: {  	s0 =	sadd.s32 @!p0 $0x100000, s0  }
0x10f: {  	[sflag:s0] =	ssyncadd.tile.s32 @!p0 $0x1;
	_ =	shalt  }
.Lfunc_end2:
_tile_overlayer_lowered:
.L_overlay_start_2:
0x110: {  	(tag) =	ssettag $0x2  }
0x111: {  	s0 =	rddreg [dreg:$0x0];
	s2 =	stileid.u32  }
0x112: {  	s1 =	rddreg [dreg:$0x1];
	p0 =	sne.s32 s2, $0x0  }
0x113: {  	s3 =	rddreg [dreg:$0x2];
	[bflag:$0x3] =	sbarrier.arrive $0xFFFF;
	s2 =	simm.s32 @!p0 $0x1C0D  }
0x114: {  	[timem:s3], [sflag:s2] =	dma.local @!p0 [hbm:s0], s1  }
0x115: {  	s0 =	simm.s32 @!p0 $0xD  }
0x116: {  	_ =	swait.ge @!p0 [sflag:s0], s1  }
0x117: {  	s1 =	ssub.s32 @!p0 $0x0, s1;
	[sflag:s0] =	ssyncset.done @!p0 $0x0  }
0x118: {  	[sflag:s0] =	ssyncadd.s32 @!p0 s1  }
0x119: {  	[bflag:$0x3] =	sbarrier.arrive $0xFFFF  }
0x11a: {  	_ =	shalt  }

// kernel: kernel.15.cloned.1.call-start
scs
__scs_entry_jumppad:
0x0: {  	(pc) =	sbr.rel $0x88, $3  }
0x1: {  	(tag) =	ssettag $0x0;
	lr =	simm.s32 $0x1  }
0x2: {  	[smem:$0x3F89] =	sst lr;
	_ =	strace $0xD0000000  }
0x3: {  	_ = 	snop  }
0x4: {  	_ = 	snop  }
0x5: {  	_ = 	snop  }
0x6: {  	_ = 	snop  }
0x7: {  	_ = 	snop  }
__scs_overlays_trampoline_lowered:
0x8: {  	[smem:$0x3F98] =	sst s0  }
0x9: {  	[smem:$0x3F99] =	sst s1  }
0xa: {  	[smem:$0x3F9A] =	sst s2  }
0xb: {  	[smem:$0x3F9B] =	sst s3  }
0xc: {  	[smem:$0x3F9C] =	sst s4  }
0xd: {  	[smem:$0x3F9D] =	sst s5  }
0xe: {  	[smem:$0x3F9E] =	sst s6  }
0xf: {  	[smem:$0x3F9F] =	sst s7  }
0x10: {  	[smem:$0x3FA0] =	sst s8  }
0x11: {  	[smem:$0x3FA1] =	sst s9;
	s0 =	simm.s32 @!p0 $0x0  }
0x12: {  	s1 =	sld [smem:$0x3F87];
	s0 =	simm.s32 @p0 $0x1  }
0x13: {  	[smem:$0x3FA2] =	sst s0;
	s0 =	simm.s32 @!p1 $0x0  }
0x14: {  	s2 =	sld [smem:$0x3F86];
	s0 =	simm.s32 @p1 $0x1  }
0x15: {  	[smem:$0x3FA3] =	sst s0;
	s0 =	simm.s32 @!p2 $0x0  }
0x16: {  	s3 =	sld [smem:$0x3FDB];
	s0 =	simm.s32 @p2 $0x1  }
0x17: {  	s4 =	simm.s32 $0x1BF5;
	[smem:$0x3FA5] =	sst s0  }
0x18: {  	s0 =	sld [smem:$0x3F88];
	_ =	swait.ge [sflag:s4], $0x0  }
0x19: {  	s7 =	sld [smem:$0x3F89]  }
0x1a: {  	s8 =	sadd.s32 $0xFFFFE003, lr  }
0x1b: {  	s9 =	sadd.s32 $0xFFFFFEF7, lr;
	s5 =	simm.s32 $0xFFFFFFFF;
	p2 =	slt.u32 s8, $0xFFFFF086  }
0x1c: {  	p1 =	slt.u32 s9, $0xF7A;
	s5 =	simm.s32 @!p2 $0x0  }
0x1d: {  	s5 =	simm.s32 @p1 $0x1;
	p0 =	seq.s32 s7, s2  }
0x1e: {  	s7 =	smul.u32 @!p0 $0xF7A, s2;
	p2 =	seq.s32 @!p0 s5, $0x0  }
0x1f: {  	s9 =	smul.u32 $0xF7A, s1;
	s8 =	simm.s32 @!p0 $0x1BF5;
	p2 =	por !p2, p0  }
0x20: {  	[sflag:s8] =	ssyncset.s32 @!p0 $0xFFFFF086;
	s6 =	sadd.s32 @!p0 s3, s7;
	s7 =	simm.s32 @!p0 $0x108  }
0x21: {  	s3 =	sadd.s32 s3, s9;
	s6 =	sadd.s32 @!p0 $0x88, s6;
	s7 =	simm.s32 @p2 $0x1082  }
0x22: {  	[simem:s7], [sflag:s8] =	dma.local @!p0 [hbm:s6], $0xF7A  }
0x23: {  	s9 =	sor.u32 $0xD0000000, s2;
	s6 =	simm.s32 $0x108;
	_ =	swait.ge @!p0 [sflag:s8], $0x0  }
0x24: {  	s3 =	sadd.s32 $0x88, s3;
	s6 =	simm.s32 @!p1 $0x1082;
	[sflag:s4] =	ssyncset.s32 $0xFFFFF086  }
0x25: {  	[simem:s6], [sflag:s4] =	dma.local [hbm:s3], $0xF7A  }
0x26: {  	[smem:$0x3F89] =	sst s1;
	(tag) =	ssettag s2;
	_ =	strace s9  }
0x27: {  	s1 =	sld [smem:$0x3F99]  }
0x28: {  	s2 =	sld [smem:$0x3F9A]  }
0x29: {  	s4 =	sld [smem:$0x3F9C]  }
0x2a: {  	p0 =	seq.s32 s5, $0x0;
	s5 =	sld [smem:$0x3F9D]  }
0x2b: {  	s6 =	sld [smem:$0x3F9E]  }
0x2c: {  	s7 =	sld [smem:$0x3F9F]  }
0x2d: {  	s3 =	simm.s32 $0x108;
	s8 =	sld [smem:$0x3FA0]  }
0x2e: {  	s3 =	simm.s32 @!p0 $0x1082;
	s9 =	sld [smem:$0x3FA1]  }
0x2f: {  	lr =	sadd.s32 s0, s3;
	s0 =	sld [smem:$0x3F98]  }
0x30: {  	s3 =	sld [smem:$0x3F9B]  }
0x31: {  	[smem:$0x3FA4] =	sst s10  }
0x32: {  	s10 =	sld [smem:$0x3FA2];
	_ =	sdelay $0x3  }
0x33: {  	p0 =	seq.s32 s10, $0x1;
	s10 =	sld [smem:$0x3FA4];
	_ =	sdelay $0x3  }
0x34: {  	[smem:$0x3FA4] =	sst s10  }
0x35: {  	s10 =	sld [smem:$0x3FA3];
	_ =	sdelay $0x3  }
0x36: {  	p1 =	seq.s32 s10, $0x1;
	s10 =	sld [smem:$0x3FA4];
	_ =	sdelay $0x3  }
0x37: {  	[smem:$0x3FA4] =	sst s10  }
0x38: {  	s10 =	sld [smem:$0x3FA5]  }
0x39: {  	_ = 	snop;
	(pc) =	sbr.ind lr, $3  }
0x3a: {  	_ = 	snop  }
0x3b: {  	_ = 	snop  }
0x3c: {  	p2 =	seq.s32 s10, $0x1;
	s10 =	sld [smem:$0x3FA4]  }
0x3d: {  	_ =	shalt  }
0x3e: {  	_ =	shalt  }
0x3f: {  	_ =	shalt  }
0x40: {  	_ =	shalt  }
0x41: {  	_ =	shalt  }
0x42: {  	_ =	shalt  }
0x43: {  	_ =	shalt  }
0x44: {  	_ =	shalt  }
0x45: {  	_ =	shalt  }
0x46: {  	_ =	shalt  }
0x47: {  	_ =	shalt  }
0x48: {  	_ =	shalt  }
0x49: {  	_ =	shalt  }
0x4a: {  	_ =	shalt  }
0x4b: {  	_ =	shalt  }
0x4c: {  	_ =	shalt  }
0x4d: {  	_ =	shalt  }
0x4e: {  	_ =	shalt  }
0x4f: {  	_ =	shalt  }
0x50: {  	_ =	shalt  }
0x51: {  	_ =	shalt  }
0x52: {  	_ =	shalt  }
0x53: {  	_ =	shalt  }
0x54: {  	_ =	shalt  }
0x55: {  	_ =	shalt  }
0x56: {  	_ =	shalt  }
0x57: {  	_ =	shalt  }
0x58: {  	_ =	shalt  }
0x59: {  	_ =	shalt  }
0x5a: {  	_ =	shalt  }
0x5b: {  	_ =	shalt  }
0x5c: {  	_ =	shalt  }
0x5d: {  	_ =	shalt  }
0x5e: {  	_ =	shalt  }
0x5f: {  	_ =	shalt  }
0x60: {  	_ =	shalt  }
0x61: {  	_ =	shalt  }
0x62: {  	_ =	shalt  }
0x63: {  	_ =	shalt  }
0x64: {  	_ =	shalt  }
0x65: {  	_ =	shalt  }
0x66: {  	_ =	shalt  }
0x67: {  	_ =	shalt  }
0x68: {  	_ =	shalt  }
0x69: {  	_ =	shalt  }
0x6a: {  	_ =	shalt  }
0x6b: {  	_ =	shalt  }
0x6c: {  	_ =	shalt  }
0x6d: {  	_ =	shalt  }
0x6e: {  	_ =	shalt  }
0x6f: {  	_ =	shalt  }
0x70: {  	_ =	shalt  }
0x71: {  	_ =	shalt  }
0x72: {  	_ =	shalt  }
0x73: {  	_ =	shalt  }
0x74: {  	_ =	shalt  }
0x75: {  	_ =	shalt  }
0x76: {  	_ =	shalt  }
0x77: {  	_ =	shalt  }
0x78: {  	_ =	shalt  }
0x79: {  	_ =	shalt  }
0x7a: {  	_ =	shalt  }
0x7b: {  	_ =	shalt  }
0x7c: {  	_ =	shalt  }
0x7d: {  	_ =	shalt  }
0x7e: {  	_ =	shalt  }
0x7f: {  	_ =	shalt  }
0x80: {  	_ =	shalt  }
0x81: {  	_ =	shalt  }
0x82: {  	_ =	shalt  }
0x83: {  	_ =	shalt  }
0x84: {  	_ =	shalt  }
0x85: {  	_ =	shalt  }
0x86: {  	_ =	shalt  }
0x87: {  	_ =	shalt  }
.Lfunc_end0:
.L_simem_size_0:
called_computation.1_lowered:
.L_overlay_start_0:
0x88: {  	s2 =	sld [smem:$0x3FD9]  }
0x89: {  	s3 =	sld [smem:$0x3FFE];
	_ =	sdelay $0x1  }
0x8a: {  	s1 =	srdreg.scid  }
0x8b: {  	s0 =	sand.u32 $0x1, s1  }
0x8c: {  	s16 =	sshll.u32 s0, $0xA;
	s2 =	sadd.s32 s3, s2  }
0x8d: {  	s2 =	sadd.s32 s2, s16  }
0x8e: {  	[smem:$0x3FB0] =	sst s2  }
0x8f: {  	_ = 	snop  }
0x90: {  	(tm) =	ssettm $0x1  }
0x91: {  	s17 =	sld [smem:$0x3FFB];
	_ =	sdelay $0x3  }
0x92: {  	_ =	strace s17  }
0x93: {  	s2 =	sld [smem:$0x3FFC];
	_ =	sdelay $0x3  }
0x94: {  	_ =	strace s2  }
0x95: {  	s2 =	sld [smem:$0x3FFD];
	_ =	sdelay $0x3  }
0x96: {  	_ =	strace s2  }
0x97: {  	_ =	strace $0x8FFFFFFF  }
0x98: {  	s18 =	sld [smem:$0x3FDB];
	_ =	sdelay $0x1  }
0x99: {  	s19 =	simm.s32 $_scs_section_size  }
0x9a: {  	s4 =	simm.s32 $_size__tile_overlayer_lowered;
	s5 =	simm.s32 $_tile_overlayer_lowered  }
0x9b: {  	s22 =	simm.s32 $0x1BFF;
	s21 =	sshll.u32 s5, $0x1;
	s2 =	sadd.s32 s19, s18  }
0x9c: {  	s6 =	simm.s32 $0x0;
	s20 =	sshll.u32 s4, $0x1;
	s4 =	sadd.s32 s21, s2  }
0x9d: {  	[timem:s6], [sflag:s22] =	dma.local [hbm:s4], s20  }
0x9e: {  	_ =	swait.ge [sflag:s22], s20  }
0x9f: {  	s3 =	ssub.s32 $0x0, s20;
	[sflag:s22] =	ssyncset.done $0x0  }
0xa0: {  	[sflag:s22] =	ssyncadd.s32 s3;
	_ =	sdelay $0x1  }
0xa1: {  	s23 =	simm.s32 $0x1B8B  }
0xa2: {  	_ =	swait.ge [sflag:s23], $0x1  }
0xa3: {  	[sflag:s23] =	ssyncset.done $0x0  }
0xa4: {  	s25 =	simm.s32 $0x1B8E;
	s24 =	sld [smem:$0x3FFE];
	[sflag:s23] =	ssyncadd.s32 $0xFFFFFFFF  }
0xa5: {  	s26 =	simm.s32 $execute0_lowered;
	[smem:$0x3FD2] =	sst s25  }
0xa6: {  	s4 =	sshll.u32 s26, $0x1;
	_ =	strace $0x80000049;
	[dreg:$0x1] =	wrdreg $0xFFFFFFFF  }
0xa7: {  	s28 =	simm.s32 $_size_execute0_lowered;
	s2 =	sadd.s32 s2, s4;
	[dreg:$0x0] =	wrdreg $0x0  }
0xa8: {  	s4 =	sshll.u32 s28, $0x1;
	[dreg:$0x2] =	wrdreg s2  }
0xa9: {  	[dreg:$0x3] =	wrdreg s4  }
0xaa: {  	[dreg:$0x4] =	wrdreg $0xC0  }
0xab: {  	_ =	task [dreg:s6], $0x5FFFF  }
0xac: {  	[dreg:$0x1] =	wrdreg $0xFFFFFFFF  }
0xad: {  	[dreg:$0x0] =	wrdreg $0x60  }
0xae: {  	[dreg:$0x2] =	wrdreg s24  }
0xaf: {  	[dreg:$0x3] =	wrdreg $0x84000  }
0xb0: {  	[dreg:$0x4] =	wrdreg $0x9  }
0xb1: {  	_ =	task.clear_ibuf [dreg:s6], $0x5FFFF;
	_ =	strace $0x90000049  }
0xb2: {  	s29 =	simm.s32 $0x9;
	_ =	strace $0x8000004B  }
0xb3: {  	_ =	swait.ge [sflag:s29], $0x1  }
0xb4: {  	[sflag:s29] =	ssyncadd.s32 $0xFFFFFFFF  }
0xb5: {  	_ =	strace $0x9000004B  }
0xb6: {  	_ =	sfence  }
0xb7: {  	s30 =	sld [smem:$0x0];
	_ =	sdelay $0x2  }
0xb8: {  	s31 =	sshll.u32 s1, $0xD;
	s1 =	sshrl.u32 s1, $0x2  }
0xb9: {  	s3 =	sand.u32 $0x4000, s31;
	s1 =	sadd.s32 s1, s30  }
0xba: {  	s0 =	sor.u32 s3, s0;
	s1 =	sshll.u32 s1, $0x11  }
0xbb: {  	s0 =	sor.u32 s1, s0  }
0xbc: {  	s0 =	sadd.s32 $0x8F2B, s0  }
0xbd: {  	[sflag:s0] =	ssyncadd.remote.s32 $0x1  }
0xbe: {  	_ =	sfence.sel $0xFFFF  }
0xbf: {  	[dreg:$0x0] =	wrdreg $0xFFFFFFFF;
	(pc) =	sbr.abs _section_cstart, $3  }
0xc0: {  	[dreg:$0x1] =	wrdreg $0xFFFFFFFF  }
0xc1: {  	_ =	task.clear_ibuf [dreg:s6], $0x2FFFF;
	_ =	strace $0x9FFFFFFF  }
0xc2: {  	(tm) =	ssettm $0x7FFFFFFF  }
0xc3: {  	_ =	shalt  }
tec
execute0_lowered:
.L_overlay_start_1:
0x0: {  	(tag) =	ssettag $0x1  }
0x1: {  	s0 =	rddreg [dreg:$0x0]  }
0x2: {  	s1 =	rddreg [dreg:$0x1];
	s2 =	simm.s32 $0x0;
	s3 =	srdreg.scid  }
0x3: {  	s9 =	stileid.u32;
	s14 =	simm.s32 $0xD;
	s17 =	simm.s32 $0x200  }
0x4: {  	s28 =	simm.s32 $0x9;
	s29 =	simm.s32 $0x180;
	s30 =	simm.s32 $0x380  }
0x5: {  	s31 =	simm.s32 $0x2;
	s15 =	simm.s32 $0xB;
	s6 =	smul.u32 $0x4F000, s9  }
0x6: {  	s16 =	simm.s32 $0x3;
	s18 =	simm.s32 $0x7;
	s7 =	smul.u32 $0x2780, s9  }
0x7: {  	[smem:$0x7FF] =	sst s2;
	s3 =	sand.u32 $0x1, s3;
	s10 =	smul.u32 $0x1400, s9  }
0x8: {  	s8 =	sshll.u32 s9, $0x6;
	_ =	strace $0x8000004A;
	s4 =	smul.u32 $0x27800, s3  }
0x9: {  	s5 =	sshll.u32 s3, $0x4;
	s3 =	ssub.s32 $0x2, s3;
	s8 =	sor.u32 $0x1C0D, s8  }
0xa: {  	s5 =	sadd.s32 s5, s0;
	s19 =	sshrl.u32 s3, $0x1;
	s6 =	sshrl.u32 s6, $0x2  }
0xb: {  	s21 =	sor.u32 $0x20, s10;
	s12 =	sor.u32 $0x40, s10;
	[dreg:$0x5] =	wrdreg s10  }
0xc: {  	s22 =	sor.u32 $0x60, s10;
	[dreg:$0x7] =	wrdreg s8;
	s0 =	sadd.s32 s4, s0  }
0xd: {  	s3 =	ssub.s32 s3, s19;
	s6 =	sadd.s32 s6, s1;
	[dreg:$0x9] =	wrdreg s12  }
0xe: {  	s11 =	sadd.s32 $0x19A00, s5;
	s9 =	sadd.s32 $0x5800, s5;
	[dreg:$0xa] =	wrdreg s22  }
0xf: {  	s19 =	simm.s32 $0x80;
	s22 =	simm.s32 $0x100;
	s12 =	simm.s32 $0xA  }
0x10: {  	s4 =	sadd.s32 $0x2DC00, s0;
	s3 =	smax.u32 s3, $0x1;
	[dreg:$0x8] =	wrdreg s11  }
0x11: {  	s0 =	sadd.s32 $0xCBC00, s0;
	s23 =	sadd.s32 s10, s11;
	[dreg:$0xb] =	wrdreg s3  }
0x12: {  	s13 =	sshrl.u32 s6, $0x3;
	s24 =	sadd.s32 s10, s9;
	[dreg:$0xd] =	wrdreg s23  }
0x13: {  	s25 =	sadd.s32 s21, s11;
	s26 =	sadd.s32 s21, s9;
	[dreg:$0xe] =	wrdreg s24  }
0x14: {  	s21 =	simm.s32 $0x280;
	s6 =	simm.s32 $0x5;
	[dreg:$0xf] =	wrdreg s25  }
0x15: {  	s10 =	simm.s32 $0x0;
	s20 =	sadd.s32 s7, s4;
	[dreg:$0x10] =	wrdreg s26  }
0x16: {  	s23 =	simm.s32 $0x300;
	s0 =	sadd.s32 s7, s0;
	s25 =	simm.s32 $0x1  }
0x17: {  	s26 =	simm.s32 $0x400;
	s3 =	simm.s32 $0x4400;
	[dreg:$0xc] =	wrdreg s13  }
0x18: {  	s24 =	simm.s32 $0x4;
	s7 =	simm.s32 $0x8;
	[dreg:$0x6] =	wrdreg s20  }
0x19: {  	[dreg:$0x11] =	wrdreg s0;
	s0 =	simm.s32 $0x6;
	s20 =	simm.s32 $0xC  }
.LBB2_1:
0x1a: {  	s5 =	rddreg [dreg:$0x6]  }
0x1b: {  	[spmem:s13], [sflag:s8] =	dma.local [hbm:s5], $0x2780  }
0x1c: {  	_ =	swait.ge [sflag:s14], $0x2780  }
0x1d: {  	[sflag:s14] =	ssyncset.done $0x0  }
0x1e: {  	[sflag:s14] =	ssyncadd.s32 $0xFFFFD880  }
0x1f: {  	[bflag:$0x0] =	sbarrier.arrive $0xFFFF  }
0x20: {  	s13 =	rddreg [dreg:$0xd]  }
0x21: {  	s14 =	rddreg [dreg:$0xe]  }
0x22: {  	[tilespmem:s2], [sflag:$0x1] =	stream.linear.gather [hbm4b:s13+s2], $0x80, $0x38;
	[tilespmem:$0x1C000] =	vst v63  }
0x23: {  	s8 =	rddreg [dreg:$0xf]  }
0x24: {  	[tilespmem:s17], [sflag:$0x5] =	stream.linear.gather [hbm4b:s14+s2], $0x80, $0x38;
	[tilespmem:$0x1C000] =	vst v63  }
0x25: {  	s11 =	rddreg [dreg:$0x10]  }
0x26: {  	[tilespmem:s19], [sflag:$0x2] =	stream.linear.gather [hbm4b:s8+s2], $0x80, $0x38;
	[tilespmem:$0x1C000] =	vst v63  }
0x27: {  	s13 =	rddreg [dreg:$0x9]  }
0x28: {  	[tilespmem:s21], [sflag:$0x6] =	stream.linear.gather [hbm4b:s11+s2], $0x80, $0x38;
	[tilespmem:$0x1C000] =	vst v63  }
0x29: {  	s11 =	rddreg [dreg:$0x8]  }
0x2a: {  	s14 =	sadd.s32 s13, s11  }
0x2b: {  	[tilespmem:s22], [sflag:$0x3] =	stream.linear.gather [hbm4b:s14+s2], $0x80, $0x38;
	[tilespmem:$0x1C000] =	vst v63  }
0x2c: {  	s8 =	sadd.s32 s13, s9  }
0x2d: {  	[tilespmem:s23], [sflag:$0x7] =	stream.linear.gather [hbm4b:s8+s2], $0x80, $0x38;
	[tilespmem:$0x1C000] =	vst v63  }
0x2e: {  	_ =	swait.ge [sflag:s25], $0x80  }
0x2f: {  	[sflag:s25] =	ssyncset.done $0x0  }
0x30: {  	[sflag:s25] =	ssyncadd.s32 $0xFFFFFF80  }
0x31: {  	[tilespmem:s26], [sflag:$0x9] =	stream.indirect.gather [hbm4b:s4+s19], $0x80, s2, s19, $0xb8;
	[tilespmem:$0x1C000] =	vst v63  }
0x32: {  	_ =	swait.ge [sflag:s28], $0x4000  }
0x33: {  	[sflag:s28] =	ssyncset.done $0x0;
	s13 =	rddreg [dreg:$0xa]  }
0x34: {  	[sflag:s28] =	ssyncadd.s32 $0xFFFFC000;
	s14 =	sadd.s32 s13, s11  }
0x35: {  	[tilespmem:s29], [sflag:$0x4] =	stream.linear.gather [hbm4b:s14+s2], $0x80, $0x38;
	[tilespmem:$0x1C000] =	vst v63  }
0x36: {  	s8 =	sadd.s32 s13, s9  }
0x37: {  	[tilespmem:s30], [sflag:$0x8] =	stream.linear.gather [hbm4b:s8+s2], $0x80, $0x38;
	[tilespmem:$0x1C000] =	vst v63  }
0x38: {  	_ =	swait.ge [sflag:s31], $0x80  }
0x39: {  	[sflag:s31] =	ssyncset.done $0x0  }
0x3a: {  	[sflag:s31] =	ssyncadd.s32 $0xFFFFFF80  }
0x3b: {  	_ =	swait.ge [sflag:s0], $0x80  }
0x3c: {  	[sflag:s0] =	ssyncset.done $0x0  }
0x3d: {  	[sflag:s0] =	ssyncadd.s32 $0xFFFFFF80  }
0x3e: {  	[tilespmem:s3], [sflag:$0xA] =	stream.indirect.gather [hbm4b:s4+s19], $0x80, s19, s19, $0xb8;
	[tilespmem:$0x1C000] =	vst v63  }
0x3f: {  	_ =	swait.ge [sflag:s6], $0x80  }
0x40: {  	[sflag:s6] =	ssyncset.done $0x0;
	s13 =	rddreg [dreg:$0x5]  }
0x41: {  	[sflag:s6] =	ssyncadd.s32 $0xFFFFFF80;
	s14 =	sadd.s32 s11, s13  }
0x42: {  	[spmem:s1] =	stream.indirect.scatter.add.f32 [tilespmem:s26], [sflag:$0xB], $0x80, s17, s19, $0xb8;
	[tilespmem:$0x1C000] =	vst v63  }
0x43: {  	s8 =	sadd.s32 s9, s13;
	[dreg:$0x3] =	wrdreg s14  }
0x44: {  	[dreg:$0x4] =	wrdreg s8  }
0x45: {  	_ =	swait.ge [sflag:s12], $0x4000  }
0x46: {  	[sflag:s12] =	ssyncset.done $0x0  }
0x47: {  	[sflag:s12] =	ssyncadd.s32 $0xFFFFC000  }
0x48: {  	_ =	swait.ge [sflag:s15], $0x4000  }
0x49: {  	s11 =	rddreg [dreg:$0x3]  }
0x4a: {  	s13 =	rddreg [dreg:$0x4];
	[sflag:s15] =	ssyncset.done $0x0;
	s5 =	sadd.s32 $0x0, s11  }
0x4b: {  	[sflag:s15] =	ssyncadd.s32 $0xFFFFC000;
	s11 =	sadd.s32 $0x0, s13;
	s14 =	sadd.s32 $0x80, s5  }
0x4c: {  	[tilespmem:s2], [sflag:$0x1] =	stream.linear.gather [hbm4b:s14+s2], $0x80, $0x38;
	[tilespmem:$0x1C000] =	vst v63  }
0x4d: {  	s8 =	sadd.s32 $0x80, s11  }
0x4e: {  	[tilespmem:s17], [sflag:$0x5] =	stream.linear.gather [hbm4b:s8+s2], $0x80, $0x38;
	[tilespmem:$0x1C000] =	vst v63  }
0x4f: {  	_ =	swait.ge [sflag:s16], $0x80  }
0x50: {  	[sflag:s16] =	ssyncset.done $0x0  }
0x51: {  	[sflag:s16] =	ssyncadd.s32 $0xFFFFFF80  }
0x52: {  	_ =	swait.ge [sflag:s18], $0x80  }
0x53: {  	[sflag:s18] =	ssyncset.done $0x0  }
0x54: {  	[sflag:s18] =	ssyncadd.s32 $0xFFFFFF80  }
0x55: {  	[tilespmem:s26], [sflag:$0x9] =	stream.indirect.gather [hbm4b:s4+s19], $0x80, s22, s19, $0xb8;
	[tilespmem:$0x1C000] =	vst v63  }
0x56: {  	_ = 	snop  }
0x57: {  	[spmem:s1] =	stream.indirect.scatter.add.f32 [tilespmem:s3], [sflag:$0xC], $0x80, s21, s19, $0xb8;
	[tilespmem:$0x1C000] =	vst v63  }
0x58: {  	_ =	swait.ge [sflag:s28], $0x4000  }
0x59: {  	[sflag:s28] =	ssyncset.done $0x0  }
0x5a: {  	[sflag:s28] =	ssyncadd.s32 $0xFFFFC000  }
0x5b: {  	_ =	swait.ge [sflag:s20], $0x4000  }
0x5c: {  	[sflag:s20] =	ssyncset.done $0x0  }
0x5d: {  	s14 =	sadd.s32 $0xA0, s5;
	[sflag:s20] =	ssyncadd.s32 $0xFFFFC000  }
0x5e: {  	[tilespmem:s19], [sflag:$0x2] =	stream.linear.gather [hbm4b:s14+s2], $0x80, $0x38;
	[tilespmem:$0x1C000] =	vst v63  }
0x5f: {  	s8 =	sadd.s32 $0xA0, s11  }
0x60: {  	[tilespmem:s21], [sflag:$0x6] =	stream.linear.gather [hbm4b:s8+s2], $0x80, $0x38;
	[tilespmem:$0x1C000] =	vst v63  }
0x61: {  	_ =	swait.ge [sflag:s24], $0x80  }
0x62: {  	[sflag:s24] =	ssyncset.done $0x0  }
0x63: {  	[sflag:s24] =	ssyncadd.s32 $0xFFFFFF80  }
0x64: {  	_ =	swait.ge [sflag:s7], $0x80  }
0x65: {  	[sflag:s7] =	ssyncset.done $0x0  }
0x66: {  	[sflag:s7] =	ssyncadd.s32 $0xFFFFFF80  }
0x67: {  	[tilespmem:s3], [sflag:$0xA] =	stream.indirect.gather [hbm4b:s4+s19], $0x80, s29, s19, $0xb8;
	[tilespmem:$0x1C000] =	vst v63  }
0x68: {  	_ = 	snop  }
0x69: {  	[spmem:s1] =	stream.indirect.scatter.add.f32 [tilespmem:s26], [sflag:$0xB], $0x80, s23, s19, $0xb8;
	[tilespmem:$0x1C000] =	vst v63  }
0x6a: {  	_ =	swait.ge [sflag:s12], $0x4000  }
0x6b: {  	[sflag:s12] =	ssyncset.done $0x0  }
0x6c: {  	[sflag:s12] =	ssyncadd.s32 $0xFFFFC000  }
0x6d: {  	_ =	swait.ge [sflag:s15], $0x4000  }
0x6e: {  	[sflag:s15] =	ssyncset.done $0x0  }
0x6f: {  	s14 =	sadd.s32 $0xC0, s5;
	[sflag:s15] =	ssyncadd.s32 $0xFFFFC000  }
0x70: {  	[tilespmem:s22], [sflag:$0x3] =	stream.linear.gather [hbm4b:s14+s2], $0x80, $0x38;
	[tilespmem:$0x1C000] =	vst v63  }
0x71: {  	s8 =	sadd.s32 $0xC0, s11  }
0x72: {  	[tilespmem:s23], [sflag:$0x7] =	stream.linear.gather [hbm4b:s8+s2], $0x80, $0x38;
	[tilespmem:$0x1C000] =	vst v63  }
0x73: {  	_ =	swait.ge [sflag:s25], $0x80  }
0x74: {  	[sflag:s25] =	ssyncset.done $0x0  }
0x75: {  	[sflag:s25] =	ssyncadd.s32 $0xFFFFFF80  }
0x76: {  	_ =	swait.ge [sflag:s6], $0x80  }
0x77: {  	[sflag:s6] =	ssyncset.done $0x0  }
0x78: {  	[sflag:s6] =	ssyncadd.s32 $0xFFFFFF80  }
0x79: {  	[tilespmem:s26], [sflag:$0x9] =	stream.indirect.gather [hbm4b:s4+s19], $0x80, s2, s19, $0xb8;
	[tilespmem:$0x1C000] =	vst v63  }
0x7a: {  	_ = 	snop  }
0x7b: {  	[spmem:s1] =	stream.indirect.scatter.add.f32 [tilespmem:s3], [sflag:$0xC], $0x80, s30, s19, $0xb8;
	[tilespmem:$0x1C000] =	vst v63  }
0x7c: {  	_ =	swait.ge [sflag:s28], $0x4000  }
0x7d: {  	[sflag:s28] =	ssyncset.done $0x0  }
0x7e: {  	[sflag:s28] =	ssyncadd.s32 $0xFFFFC000  }
0x7f: {  	_ =	swait.ge [sflag:s20], $0x4000  }
0x80: {  	[sflag:s20] =	ssyncset.done $0x0  }
0x81: {  	s5 =	sadd.s32 $0xE0, s5;
	[sflag:s20] =	ssyncadd.s32 $0xFFFFC000  }
0x82: {  	[tilespmem:s29], [sflag:$0x4] =	stream.linear.gather [hbm4b:s5+s2], $0x80, $0x38;
	[tilespmem:$0x1C000] =	vst v63  }
0x83: {  	s14 =	sadd.s32 $0xE0, s11  }
0x84: {  	[tilespmem:s30], [sflag:$0x8] =	stream.linear.gather [hbm4b:s14+s2], $0x80, $0x38;
	[tilespmem:$0x1C000] =	vst v63  }
0x85: {  	_ =	swait.ge [sflag:s31], $0x80  }
0x86: {  	[sflag:s31] =	ssyncset.done $0x0  }
0x87: {  	[sflag:s31] =	ssyncadd.s32 $0xFFFFFF80  }
0x88: {  	_ =	swait.ge [sflag:s0], $0x80  }
0x89: {  	[sflag:s0] =	ssyncset.done $0x0  }
0x8a: {  	s11 =	simm.s32 $0x80;
	[sflag:s0] =	ssyncadd.s32 $0xFFFFFF80  }
0x8b: {  	[tilespmem:s3], [sflag:$0xA] =	stream.indirect.gather [hbm4b:s4+s19], $0x80, s19, s19, $0xb8;
	[tilespmem:$0x1C000] =	vst v63  }
.LBB2_2:
0x8c: {  	[spmem:s1] =	stream.indirect.scatter.add.f32 [tilespmem:s26], [sflag:$0xB], $0x80, s17, s19, $0xb8;
	[tilespmem:$0x1C000] =	vst v63  }
0x8d: {  	_ =	swait.ge [sflag:s12], $0x4000  }
0x8e: {  	[sflag:s12] =	ssyncset.done $0x0  }
0x8f: {  	[sflag:s12] =	ssyncadd.s32 $0xFFFFC000  }
0x90: {  	_ =	swait.ge [sflag:s15], $0x4000  }
0x91: {  	s5 =	smov.u32 s11;
	s13 =	rddreg [dreg:$0x3]  }
0x92: {  	s14 =	rddreg [dreg:$0x4];
	[sflag:s15] =	ssyncset.done $0x0;
	s13 =	sadd.s32 s5, s13  }
0x93: {  	[sflag:s15] =	ssyncadd.s32 $0xFFFFC000;
	s5 =	sadd.s32 s5, s14;
	s8 =	sadd.s32 $0x80, s13  }
0x94: {  	[tilespmem:s2], [sflag:$0x1] =	stream.linear.gather [hbm4b:s8+s2], $0x80, $0x38;
	[tilespmem:$0x1C000] =	vst v63  }
0x95: {  	s14 =	sadd.s32 $0x80, s5  }
0x96: {  	[tilespmem:s17], [sflag:$0x5] =	stream.linear.gather [hbm4b:s14+s2], $0x80, $0x38;
	[tilespmem:$0x1C000] =	vst v63  }
0x97: {  	_ =	swait.ge [sflag:s16], $0x80  }
0x98: {  	[sflag:s16] =	ssyncset.done $0x0  }
0x99: {  	[sflag:s16] =	ssyncadd.s32 $0xFFFFFF80  }
0x9a: {  	_ =	swait.ge [sflag:s18], $0x80  }
0x9b: {  	[sflag:s18] =	ssyncset.done $0x0  }
0x9c: {  	[sflag:s18] =	ssyncadd.s32 $0xFFFFFF80  }
0x9d: {  	[tilespmem:s26], [sflag:$0x9] =	stream.indirect.gather [hbm4b:s4+s19], $0x80, s22, s19, $0xb8;
	[tilespmem:$0x1C000] =	vst v63  }
0x9e: {  	_ = 	snop  }
0x9f: {  	[spmem:s1] =	stream.indirect.scatter.add.f32 [tilespmem:s3], [sflag:$0xC], $0x80, s21, s19, $0xb8;
	[tilespmem:$0x1C000] =	vst v63  }
0xa0: {  	_ =	swait.ge [sflag:s28], $0x4000  }
0xa1: {  	[sflag:s28] =	ssyncset.done $0x0  }
0xa2: {  	[sflag:s28] =	ssyncadd.s32 $0xFFFFC000  }
0xa3: {  	_ =	swait.ge [sflag:s20], $0x4000  }
0xa4: {  	[sflag:s20] =	ssyncset.done $0x0  }
0xa5: {  	s8 =	sadd.s32 $0xA0, s13;
	[sflag:s20] =	ssyncadd.s32 $0xFFFFC000  }
0xa6: {  	[tilespmem:s19], [sflag:$0x2] =	stream.linear.gather [hbm4b:s8+s2], $0x80, $0x38;
	[tilespmem:$0x1C000] =	vst v63  }
0xa7: {  	s14 =	sadd.s32 $0xA0, s5  }
0xa8: {  	[tilespmem:s21], [sflag:$0x6] =	stream.linear.gather [hbm4b:s14+s2], $0x80, $0x38;
	[tilespmem:$0x1C000] =	vst v63  }
0xa9: {  	_ =	swait.ge [sflag:s24], $0x80  }
0xaa: {  	[sflag:s24] =	ssyncset.done $0x0  }
0xab: {  	[sflag:s24] =	ssyncadd.s32 $0xFFFFFF80  }
0xac: {  	_ =	swait.ge [sflag:s7], $0x80  }
0xad: {  	[sflag:s7] =	ssyncset.done $0x0  }
0xae: {  	[sflag:s7] =	ssyncadd.s32 $0xFFFFFF80  }
0xaf: {  	[tilespmem:s3], [sflag:$0xA] =	stream.indirect.gather [hbm4b:s4+s19], $0x80, s29, s19, $0xb8;
	[tilespmem:$0x1C000] =	vst v63  }
0xb0: {  	_ = 	snop  }
0xb1: {  	[spmem:s1] =	stream.indirect.scatter.add.f32 [tilespmem:s26], [sflag:$0xB], $0x80, s23, s19, $0xb8;
	[tilespmem:$0x1C000] =	vst v63  }
0xb2: {  	_ =	swait.ge [sflag:s12], $0x4000  }
0xb3: {  	[sflag:s12] =	ssyncset.done $0x0  }
0xb4: {  	[sflag:s12] =	ssyncadd.s32 $0xFFFFC000  }
0xb5: {  	_ =	swait.ge [sflag:s15], $0x4000  }
0xb6: {  	[sflag:s15] =	ssyncset.done $0x0  }
0xb7: {  	s8 =	sadd.s32 $0xC0, s13;
	[sflag:s15] =	ssyncadd.s32 $0xFFFFC000  }
0xb8: {  	[tilespmem:s22], [sflag:$0x3] =	stream.linear.gather [hbm4b:s8+s2], $0x80, $0x38;
	[tilespmem:$0x1C000] =	vst v63  }
0xb9: {  	s14 =	sadd.s32 $0xC0, s5  }
0xba: {  	[tilespmem:s23], [sflag:$0x7] =	stream.linear.gather [hbm4b:s14+s2], $0x80, $0x38;
	[tilespmem:$0x1C000] =	vst v63  }
0xbb: {  	_ =	swait.ge [sflag:s25], $0x80  }
0xbc: {  	[sflag:s25] =	ssyncset.done $0x0  }
0xbd: {  	[sflag:s25] =	ssyncadd.s32 $0xFFFFFF80  }
0xbe: {  	_ =	swait.ge [sflag:s6], $0x80  }
0xbf: {  	[sflag:s6] =	ssyncset.done $0x0  }
0xc0: {  	[sflag:s6] =	ssyncadd.s32 $0xFFFFFF80  }
0xc1: {  	[tilespmem:s26], [sflag:$0x9] =	stream.indirect.gather [hbm4b:s4+s19], $0x80, s2, s19, $0xb8;
	[tilespmem:$0x1C000] =	vst v63  }
0xc2: {  	_ = 	snop  }
0xc3: {  	[spmem:s1] =	stream.indirect.scatter.add.f32 [tilespmem:s3], [sflag:$0xC], $0x80, s30, s19, $0xb8;
	[tilespmem:$0x1C000] =	vst v63  }
0xc4: {  	_ =	swait.ge [sflag:s28], $0x4000  }
0xc5: {  	[sflag:s28] =	ssyncset.done $0x0  }
0xc6: {  	[sflag:s28] =	ssyncadd.s32 $0xFFFFC000  }
0xc7: {  	_ =	swait.ge [sflag:s20], $0x4000  }
0xc8: {  	[sflag:s20] =	ssyncset.done $0x0  }
0xc9: {  	s14 =	sadd.s32 $0xE0, s13;
	[sflag:s20] =	ssyncadd.s32 $0xFFFFC000  }
0xca: {  	[tilespmem:s29], [sflag:$0x4] =	stream.linear.gather [hbm4b:s14+s2], $0x80, $0x38;
	[tilespmem:$0x1C000] =	vst v63  }
0xcb: {  	s5 =	sadd.s32 $0xE0, s5  }
0xcc: {  	[tilespmem:s30], [sflag:$0x8] =	stream.linear.gather [hbm4b:s5+s2], $0x80, $0x38;
	[tilespmem:$0x1C000] =	vst v63  }
0xcd: {  	_ =	swait.ge [sflag:s31], $0x80  }
0xce: {  	p0 =	sne.s32 s11, $0x1300;
	[sflag:s31] =	ssyncset.done $0x0  }
.Ltmp0:
0xcf: {  	[sflag:s31] =	ssyncadd.s32 $0xFFFFFF80;
	(pc) =	sbr.rel @p0 .LBB2_2-.Ltmp0, $4  }
0xd0: {  	_ =	swait.ge [sflag:s0], $0x80  }
0xd1: {  	[sflag:s0] =	ssyncset.done $0x0  }
0xd2: {  	s11 =	sadd.s32 $0x80, s11;
	[sflag:s0] =	ssyncadd.s32 $0xFFFFFF80  }
0xd3: {  	[tilespmem:s3], [sflag:$0xA] =	stream.indirect.gather [hbm4b:s4+s19], $0x80, s19, s19, $0xb8;
	[tilespmem:$0x1C000] =	vst v63  }
0xd4: {  	[spmem:s1] =	stream.indirect.scatter.add.f32 [tilespmem:s26], [sflag:$0xB], $0x80, s17, s19, $0xb8;
	[tilespmem:$0x1C000] =	vst v63  }
0xd5: {  	_ =	swait.ge [sflag:s12], $0x4000  }
0xd6: {  	[sflag:s12] =	ssyncset.done $0x0  }
0xd7: {  	[sflag:s12] =	ssyncadd.s32 $0xFFFFC000  }
0xd8: {  	_ =	swait.ge [sflag:s15], $0x4000  }
0xd9: {  	[sflag:s15] =	ssyncset.done $0x0  }
0xda: {  	[sflag:s15] =	ssyncadd.s32 $0xFFFFC000  }
0xdb: {  	_ =	swait.ge [sflag:s16], $0x80  }
0xdc: {  	[sflag:s16] =	ssyncset.done $0x0  }
0xdd: {  	[sflag:s16] =	ssyncadd.s32 $0xFFFFFF80  }
0xde: {  	_ =	swait.ge [sflag:s18], $0x80  }
0xdf: {  	[sflag:s18] =	ssyncset.done $0x0  }
0xe0: {  	[sflag:s18] =	ssyncadd.s32 $0xFFFFFF80  }
0xe1: {  	[tilespmem:s26], [sflag:$0x9] =	stream.indirect.gather [hbm4b:s4+s19], $0x80, s22, s19, $0xb8;
	[tilespmem:$0x1C000] =	vst v63  }
0xe2: {  	_ = 	snop  }
0xe3: {  	[spmem:s1] =	stream.indirect.scatter.add.f32 [tilespmem:s3], [sflag:$0xC], $0x80, s21, s19, $0xb8;
	[tilespmem:$0x1C000] =	vst v63  }
0xe4: {  	_ =	swait.ge [sflag:s28], $0x4000  }
0xe5: {  	[sflag:s28] =	ssyncset.done $0x0  }
0xe6: {  	[sflag:s28] =	ssyncadd.s32 $0xFFFFC000  }
0xe7: {  	_ =	swait.ge [sflag:s20], $0x4000  }
0xe8: {  	[sflag:s20] =	ssyncset.done $0x0  }
0xe9: {  	[sflag:s20] =	ssyncadd.s32 $0xFFFFC000  }
0xea: {  	_ =	swait.ge [sflag:s24], $0x80  }
0xeb: {  	[sflag:s24] =	ssyncset.done $0x0  }
0xec: {  	[sflag:s24] =	ssyncadd.s32 $0xFFFFFF80  }
0xed: {  	_ =	swait.ge [sflag:s7], $0x80  }
0xee: {  	[sflag:s7] =	ssyncset.done $0x0  }
0xef: {  	[sflag:s7] =	ssyncadd.s32 $0xFFFFFF80  }
0xf0: {  	[tilespmem:s3], [sflag:$0xA] =	stream.indirect.gather [hbm4b:s4+s19], $0x80, s29, s19, $0xb8;
	[tilespmem:$0x1C000] =	vst v63  }
0xf1: {  	_ = 	snop  }
0xf2: {  	[spmem:s1] =	stream.indirect.scatter.add.f32 [tilespmem:s26], [sflag:$0xB], $0x80, s23, s19, $0xb8;
	[tilespmem:$0x1C000] =	vst v63  }
0xf3: {  	_ =	swait.ge [sflag:s12], $0x4000  }
0xf4: {  	[sflag:s12] =	ssyncset.done $0x0  }
0xf5: {  	[sflag:s12] =	ssyncadd.s32 $0xFFFFC000  }
0xf6: {  	_ =	swait.ge [sflag:s15], $0x4000  }
0xf7: {  	[sflag:s15] =	ssyncset.done $0x0  }
0xf8: {  	[sflag:s15] =	ssyncadd.s32 $0xFFFFC000  }
0xf9: {  	[spmem:s1] =	stream.indirect.scatter.add.f32 [tilespmem:s3], [sflag:$0xC], $0x80, s30, s19, $0xb8;
	[tilespmem:$0x1C000] =	vst v63  }
0xfa: {  	_ =	swait.ge [sflag:s20], $0x4000  }
0xfb: {  	[sflag:s20] =	ssyncset.done $0x0  }
0xfc: {  	[sflag:s20] =	ssyncadd.s32 $0xFFFFC000  }
0xfd: {  	[bflag:$0x0] =	sbarrier.arrive $0xFFFF  }
0xfe: {  	s8 =	rddreg [dreg:$0x7]  }
0xff: {  	s13 =	rddreg [dreg:$0xc]  }
0x100: {  	s14 =	simm.s32 $0xD;
	s5 =	rddreg [dreg:$0x11]  }
0x101: {  	[hbm:s5], [sflag:s8] =	dma.local [spmem:s13], $0x2780  }
0x102: {  	_ =	swait.ge [sflag:s14], $0x2780  }
0x103: {  	s10 =	sadd.s32 $0x1, s10;
	s11 =	rddreg [dreg:$0xb]  }
0x104: {  	p0 =	sne.s32 s10, s11  }
.Ltmp1:
0x105: {  	_ = 	snop;
	(pc) =	sbr.rel @p0 .LBB2_1-.Ltmp1, $3  }
0x106: {  	_ =	sdelay $0x1  }
0x107: {  	[sflag:s14] =	ssyncset.done $0x0  }
0x108: {  	[sflag:s14] =	ssyncadd.s32 $0xFFFFD880  }
0x109: {  	_ =	sfence.sel $0x180000  }
0x10a: {  	[bflag:$0x0] =	sbarrier.arrive $0xFFFF  }
0x10b: {  	_ =	strace $0x9000004A  }
0x10c: {  	s0 =	stileid.u32;
	[bflag:$0x2] =	sbarrier.arrive $0xFFFF  }
0x10d: {  	p0 =	sne.s32 s0, $0x0;
	s0 =	rddreg [dreg:$0x2]  }
0x10e: {  	s0 =	sadd.s32 @!p0 $0x100000, s0  }
0x10f: {  	[sflag:s0] =	ssyncadd.tile.s32 @!p0 $0x1;
	_ =	shalt  }
.Lfunc_end2:
_tile_overlayer_lowered:
.L_overlay_start_2:
0x110: {  	(tag) =	ssettag $0x2  }
0x111: {  	s0 =	rddreg [dreg:$0x0];
	s2 =	stileid.u32  }
0x112: {  	s1 =	rddreg [dreg:$0x1];
	p0 =	sne.s32 s2, $0x0  }
0x113: {  	s3 =	rddreg [dreg:$0x2];
	[bflag:$0x3] =	sbarrier.arrive $0xFFFF;
	s2 =	simm.s32 @!p0 $0x1C0D  }
0x114: {  	[timem:s3], [sflag:s2] =	dma.local @!p0 [hbm:s0], s1  }
0x115: {  	s0 =	simm.s32 @!p0 $0xD  }
0x116: {  	_ =	swait.ge @!p0 [sflag:s0], s1  }
0x117: {  	s1 =	ssub.s32 @!p0 $0x0, s1;
	[sflag:s0] =	ssyncset.done @!p0 $0x0  }
0x118: {  	[sflag:s0] =	ssyncadd.s32 @!p0 s1  }
0x119: {  	[bflag:$0x3] =	sbarrier.arrive $0xFFFF  }
0x11a: {  	_ =	shalt  }

// kernel: kernel.18.cloned.1.call-start
scs
__scs_entry_jumppad:
0x0: {  	(pc) =	sbr.rel $0x88, $3  }
0x1: {  	(tag) =	ssettag $0x0;
	lr =	simm.s32 $0x1  }
0x2: {  	[smem:$0x3F89] =	sst lr;
	_ =	strace $0xD0000000  }
0x3: {  	_ = 	snop  }
0x4: {  	_ = 	snop  }
0x5: {  	_ = 	snop  }
0x6: {  	_ = 	snop  }
0x7: {  	_ = 	snop  }
__scs_overlays_trampoline_lowered:
0x8: {  	[smem:$0x3F98] =	sst s0  }
0x9: {  	[smem:$0x3F99] =	sst s1  }
0xa: {  	[smem:$0x3F9A] =	sst s2  }
0xb: {  	[smem:$0x3F9B] =	sst s3  }
0xc: {  	[smem:$0x3F9C] =	sst s4  }
0xd: {  	[smem:$0x3F9D] =	sst s5  }
0xe: {  	[smem:$0x3F9E] =	sst s6  }
0xf: {  	[smem:$0x3F9F] =	sst s7  }
0x10: {  	[smem:$0x3FA0] =	sst s8  }
0x11: {  	[smem:$0x3FA1] =	sst s9;
	s0 =	simm.s32 @!p0 $0x0  }
0x12: {  	s1 =	sld [smem:$0x3F87];
	s0 =	simm.s32 @p0 $0x1  }
0x13: {  	[smem:$0x3FA2] =	sst s0;
	s0 =	simm.s32 @!p1 $0x0  }
0x14: {  	s2 =	sld [smem:$0x3F86];
	s0 =	simm.s32 @p1 $0x1  }
0x15: {  	[smem:$0x3FA3] =	sst s0;
	s0 =	simm.s32 @!p2 $0x0  }
0x16: {  	s3 =	sld [smem:$0x3FDB];
	s0 =	simm.s32 @p2 $0x1  }
0x17: {  	s4 =	simm.s32 $0x1BF5;
	[smem:$0x3FA5] =	sst s0  }
0x18: {  	s0 =	sld [smem:$0x3F88];
	_ =	swait.ge [sflag:s4], $0x0  }
0x19: {  	s7 =	sld [smem:$0x3F89]  }
0x1a: {  	s8 =	sadd.s32 $0xFFFFE003, lr  }
0x1b: {  	s9 =	sadd.s32 $0xFFFFFEF7, lr;
	s5 =	simm.s32 $0xFFFFFFFF;
	p2 =	slt.u32 s8, $0xFFFFF086  }
0x1c: {  	p1 =	slt.u32 s9, $0xF7A;
	s5 =	simm.s32 @!p2 $0x0  }
0x1d: {  	s5 =	simm.s32 @p1 $0x1;
	p0 =	seq.s32 s7, s2  }
0x1e: {  	s7 =	smul.u32 @!p0 $0xF7A, s2;
	p2 =	seq.s32 @!p0 s5, $0x0  }
0x1f: {  	s9 =	smul.u32 $0xF7A, s1;
	s8 =	simm.s32 @!p0 $0x1BF5;
	p2 =	por !p2, p0  }
0x20: {  	[sflag:s8] =	ssyncset.s32 @!p0 $0xFFFFF086;
	s6 =	sadd.s32 @!p0 s3, s7;
	s7 =	simm.s32 @!p0 $0x108  }
0x21: {  	s3 =	sadd.s32 s3, s9;
	s6 =	sadd.s32 @!p0 $0x88, s6;
	s7 =	simm.s32 @p2 $0x1082  }
0x22: {  	[simem:s7], [sflag:s8] =	dma.local @!p0 [hbm:s6], $0xF7A  }
0x23: {  	s9 =	sor.u32 $0xD0000000, s2;
	s6 =	simm.s32 $0x108;
	_ =	swait.ge @!p0 [sflag:s8], $0x0  }
0x24: {  	s3 =	sadd.s32 $0x88, s3;
	s6 =	simm.s32 @!p1 $0x1082;
	[sflag:s4] =	ssyncset.s32 $0xFFFFF086  }
0x25: {  	[simem:s6], [sflag:s4] =	dma.local [hbm:s3], $0xF7A  }
0x26: {  	[smem:$0x3F89] =	sst s1;
	(tag) =	ssettag s2;
	_ =	strace s9  }
0x27: {  	s1 =	sld [smem:$0x3F99]  }
0x28: {  	s2 =	sld [smem:$0x3F9A]  }
0x29: {  	s4 =	sld [smem:$0x3F9C]  }
0x2a: {  	p0 =	seq.s32 s5, $0x0;
	s5 =	sld [smem:$0x3F9D]  }
0x2b: {  	s6 =	sld [smem:$0x3F9E]  }
0x2c: {  	s7 =	sld [smem:$0x3F9F]  }
0x2d: {  	s3 =	simm.s32 $0x108;
	s8 =	sld [smem:$0x3FA0]  }
0x2e: {  	s3 =	simm.s32 @!p0 $0x1082;
	s9 =	sld [smem:$0x3FA1]  }
0x2f: {  	lr =	sadd.s32 s0, s3;
	s0 =	sld [smem:$0x3F98]  }
0x30: {  	s3 =	sld [smem:$0x3F9B]  }
0x31: {  	[smem:$0x3FA4] =	sst s10  }
0x32: {  	s10 =	sld [smem:$0x3FA2];
	_ =	sdelay $0x3  }
0x33: {  	p0 =	seq.s32 s10, $0x1;
	s10 =	sld [smem:$0x3FA4];
	_ =	sdelay $0x3  }
0x34: {  	[smem:$0x3FA4] =	sst s10  }
0x35: {  	s10 =	sld [smem:$0x3FA3];
	_ =	sdelay $0x3  }
0x36: {  	p1 =	seq.s32 s10, $0x1;
	s10 =	sld [smem:$0x3FA4];
	_ =	sdelay $0x3  }
0x37: {  	[smem:$0x3FA4] =	sst s10  }
0x38: {  	s10 =	sld [smem:$0x3FA5]  }
0x39: {  	_ = 	snop;
	(pc) =	sbr.ind lr, $3  }
0x3a: {  	_ = 	snop  }
0x3b: {  	_ = 	snop  }
0x3c: {  	p2 =	seq.s32 s10, $0x1;
	s10 =	sld [smem:$0x3FA4]  }
0x3d: {  	_ =	shalt  }
0x3e: {  	_ =	shalt  }
0x3f: {  	_ =	shalt  }
0x40: {  	_ =	shalt  }
0x41: {  	_ =	shalt  }
0x42: {  	_ =	shalt  }
0x43: {  	_ =	shalt  }
0x44: {  	_ =	shalt  }
0x45: {  	_ =	shalt  }
0x46: {  	_ =	shalt  }
0x47: {  	_ =	shalt  }
0x48: {  	_ =	shalt  }
0x49: {  	_ =	shalt  }
0x4a: {  	_ =	shalt  }
0x4b: {  	_ =	shalt  }
0x4c: {  	_ =	shalt  }
0x4d: {  	_ =	shalt  }
0x4e: {  	_ =	shalt  }
0x4f: {  	_ =	shalt  }
0x50: {  	_ =	shalt  }
0x51: {  	_ =	shalt  }
0x52: {  	_ =	shalt  }
0x53: {  	_ =	shalt  }
0x54: {  	_ =	shalt  }
0x55: {  	_ =	shalt  }
0x56: {  	_ =	shalt  }
0x57: {  	_ =	shalt  }
0x58: {  	_ =	shalt  }
0x59: {  	_ =	shalt  }
0x5a: {  	_ =	shalt  }
0x5b: {  	_ =	shalt  }
0x5c: {  	_ =	shalt  }
0x5d: {  	_ =	shalt  }
0x5e: {  	_ =	shalt  }
0x5f: {  	_ =	shalt  }
0x60: {  	_ =	shalt  }
0x61: {  	_ =	shalt  }
0x62: {  	_ =	shalt  }
0x63: {  	_ =	shalt  }
0x64: {  	_ =	shalt  }
0x65: {  	_ =	shalt  }
0x66: {  	_ =	shalt  }
0x67: {  	_ =	shalt  }
0x68: {  	_ =	shalt  }
0x69: {  	_ =	shalt  }
0x6a: {  	_ =	shalt  }
0x6b: {  	_ =	shalt  }
0x6c: {  	_ =	shalt  }
0x6d: {  	_ =	shalt  }
0x6e: {  	_ =	shalt  }
0x6f: {  	_ =	shalt  }
0x70: {  	_ =	shalt  }
0x71: {  	_ =	shalt  }
0x72: {  	_ =	shalt  }
0x73: {  	_ =	shalt  }
0x74: {  	_ =	shalt  }
0x75: {  	_ =	shalt  }
0x76: {  	_ =	shalt  }
0x77: {  	_ =	shalt  }
0x78: {  	_ =	shalt  }
0x79: {  	_ =	shalt  }
0x7a: {  	_ =	shalt  }
0x7b: {  	_ =	shalt  }
0x7c: {  	_ =	shalt  }
0x7d: {  	_ =	shalt  }
0x7e: {  	_ =	shalt  }
0x7f: {  	_ =	shalt  }
0x80: {  	_ =	shalt  }
0x81: {  	_ =	shalt  }
0x82: {  	_ =	shalt  }
0x83: {  	_ =	shalt  }
0x84: {  	_ =	shalt  }
0x85: {  	_ =	shalt  }
0x86: {  	_ =	shalt  }
0x87: {  	_ =	shalt  }
.Lfunc_end0:
.L_simem_size_0:
called_computation.2_lowered:
.L_overlay_start_0:
0x88: {  	s2 =	sld [smem:$0x3FD9]  }
0x89: {  	s3 =	sld [smem:$0x3FFE];
	_ =	sdelay $0x1  }
0x8a: {  	s1 =	srdreg.scid  }
0x8b: {  	s0 =	sand.u32 $0x1, s1  }
0x8c: {  	s16 =	sshll.u32 s0, $0xA;
	s2 =	sadd.s32 s3, s2  }
0x8d: {  	s2 =	sadd.s32 s2, s16  }
0x8e: {  	[smem:$0x3FB0] =	sst s2  }
0x8f: {  	_ = 	snop  }
0x90: {  	(tm) =	ssettm $0x1  }
0x91: {  	s17 =	sld [smem:$0x3FFB];
	_ =	sdelay $0x3  }
0x92: {  	_ =	strace s17  }
0x93: {  	s2 =	sld [smem:$0x3FFC];
	_ =	sdelay $0x3  }
0x94: {  	_ =	strace s2  }
0x95: {  	s2 =	sld [smem:$0x3FFD];
	_ =	sdelay $0x3  }
0x96: {  	_ =	strace s2  }
0x97: {  	_ =	strace $0x8FFFFFFF  }
0x98: {  	s18 =	sld [smem:$0x3FDB];
	_ =	sdelay $0x1  }
0x99: {  	s19 =	simm.s32 $_scs_section_size  }
0x9a: {  	s4 =	simm.s32 $_size__tile_overlayer_lowered;
	s5 =	simm.s32 $_tile_overlayer_lowered  }
0x9b: {  	s22 =	simm.s32 $0x1BFF;
	s21 =	sshll.u32 s5, $0x1;
	s2 =	sadd.s32 s19, s18  }
0x9c: {  	s6 =	simm.s32 $0x0;
	s20 =	sshll.u32 s4, $0x1;
	s4 =	sadd.s32 s21, s2  }
0x9d: {  	[timem:s6], [sflag:s22] =	dma.local [hbm:s4], s20  }
0x9e: {  	_ =	swait.ge [sflag:s22], s20  }
0x9f: {  	s3 =	ssub.s32 $0x0, s20;
	[sflag:s22] =	ssyncset.done $0x0  }
0xa0: {  	[sflag:s22] =	ssyncadd.s32 s3;
	_ =	sdelay $0x1  }
0xa1: {  	s23 =	simm.s32 $0x1B8B  }
0xa2: {  	_ =	swait.ge [sflag:s23], $0x1  }
0xa3: {  	[sflag:s23] =	ssyncset.done $0x0  }
0xa4: {  	s25 =	simm.s32 $0x1B8E;
	s24 =	sld [smem:$0x3FFE];
	[sflag:s23] =	ssyncadd.s32 $0xFFFFFFFF  }
0xa5: {  	s26 =	simm.s32 $execute0_lowered;
	[smem:$0x3FD2] =	sst s25  }
0xa6: {  	s4 =	sshll.u32 s26, $0x1;
	_ =	strace $0x8000004C;
	[dreg:$0x1] =	wrdreg $0xFFFFFFFF  }
0xa7: {  	s28 =	simm.s32 $_size_execute0_lowered;
	s2 =	sadd.s32 s2, s4;
	[dreg:$0x0] =	wrdreg $0x0  }
0xa8: {  	s4 =	sshll.u32 s28, $0x1;
	[dreg:$0x2] =	wrdreg s2  }
0xa9: {  	[dreg:$0x3] =	wrdreg s4  }
0xaa: {  	[dreg:$0x4] =	wrdreg $0xC0  }
0xab: {  	_ =	task [dreg:s6], $0x5FFFF  }
0xac: {  	[dreg:$0x1] =	wrdreg $0xFFFFFFFF  }
0xad: {  	[dreg:$0x0] =	wrdreg $0x60  }
0xae: {  	[dreg:$0x2] =	wrdreg s24  }
0xaf: {  	[dreg:$0x3] =	wrdreg $0x84000  }
0xb0: {  	[dreg:$0x4] =	wrdreg $0x9  }
0xb1: {  	_ =	task.clear_ibuf [dreg:s6], $0x5FFFF;
	_ =	strace $0x9000004C  }
0xb2: {  	s29 =	simm.s32 $0x9;
	_ =	strace $0x8000004E  }
0xb3: {  	_ =	swait.ge [sflag:s29], $0x1  }
0xb4: {  	[sflag:s29] =	ssyncadd.s32 $0xFFFFFFFF  }
0xb5: {  	_ =	strace $0x9000004E  }
0xb6: {  	_ =	sfence  }
0xb7: {  	s30 =	sld [smem:$0x0];
	_ =	sdelay $0x2  }
0xb8: {  	s31 =	sshll.u32 s1, $0xD;
	s1 =	sshrl.u32 s1, $0x2  }
0xb9: {  	s3 =	sand.u32 $0x4000, s31;
	s1 =	sadd.s32 s1, s30  }
0xba: {  	s0 =	sor.u32 s3, s0;
	s1 =	sshll.u32 s1, $0x11  }
0xbb: {  	s0 =	sor.u32 s1, s0  }
0xbc: {  	s0 =	sadd.s32 $0x8F2B, s0  }
0xbd: {  	[sflag:s0] =	ssyncadd.remote.s32 $0x1  }
0xbe: {  	_ =	sfence.sel $0xFFFF  }
0xbf: {  	[dreg:$0x0] =	wrdreg $0xFFFFFFFF;
	(pc) =	sbr.abs _section_cstart, $3  }
0xc0: {  	[dreg:$0x1] =	wrdreg $0xFFFFFFFF  }
0xc1: {  	_ =	task.clear_ibuf [dreg:s6], $0x2FFFF;
	_ =	strace $0x9FFFFFFF  }
0xc2: {  	(tm) =	ssettm $0x7FFFFFFF  }
0xc3: {  	_ =	shalt  }
tec
execute0_lowered:
.L_overlay_start_1:
0x0: {  	(tag) =	ssettag $0x1  }
0x1: {  	s0 =	rddreg [dreg:$0x0]  }
0x2: {  	s1 =	rddreg [dreg:$0x1];
	s2 =	simm.s32 $0x0;
	s3 =	srdreg.scid  }
0x3: {  	s9 =	stileid.u32;
	s14 =	simm.s32 $0xD;
	s17 =	simm.s32 $0x200  }
0x4: {  	s28 =	simm.s32 $0x9;
	s29 =	simm.s32 $0x180;
	s30 =	simm.s32 $0x380  }
0x5: {  	s31 =	simm.s32 $0x2;
	s15 =	simm.s32 $0xB;
	s6 =	smul.u32 $0x4F000, s9  }
0x6: {  	s16 =	simm.s32 $0x3;
	s18 =	simm.s32 $0x7;
	s7 =	smul.u32 $0x2780, s9  }
0x7: {  	[smem:$0x7FF] =	sst s2;
	s3 =	sand.u32 $0x1, s3;
	s10 =	smul.u32 $0x1400, s9  }
0x8: {  	s8 =	sshll.u32 s9, $0x6;
	_ =	strace $0x8000004D;
	s4 =	smul.u32 $0x27800, s3  }
0x9: {  	s5 =	sshll.u32 s3, $0x4;
	s3 =	ssub.s32 $0x2, s3;
	s8 =	sor.u32 $0x1C0D, s8  }
0xa: {  	s5 =	sadd.s32 s5, s0;
	s19 =	sshrl.u32 s3, $0x1;
	s6 =	sshrl.u32 s6, $0x2  }
0xb: {  	s21 =	sor.u32 $0x20, s10;
	s12 =	sor.u32 $0x40, s10;
	[dreg:$0x5] =	wrdreg s10  }
0xc: {  	s22 =	sor.u32 $0x60, s10;
	[dreg:$0x7] =	wrdreg s8;
	s0 =	sadd.s32 s4, s0  }
0xd: {  	s3 =	ssub.s32 s3, s19;
	s6 =	sadd.s32 s6, s1;
	[dreg:$0x9] =	wrdreg s12  }
0xe: {  	s11 =	sadd.s32 $0x19A00, s5;
	s9 =	sadd.s32 $0x5800, s5;
	[dreg:$0xa] =	wrdreg s22  }
0xf: {  	s19 =	simm.s32 $0x80;
	s22 =	simm.s32 $0x100;
	s12 =	simm.s32 $0xA  }
0x10: {  	s4 =	sadd.s32 $0x2DC00, s0;
	s3 =	smax.u32 s3, $0x1;
	[dreg:$0x8] =	wrdreg s11  }
0x11: {  	s0 =	sadd.s32 $0xCBC00, s0;
	s23 =	sadd.s32 s10, s11;
	[dreg:$0xb] =	wrdreg s3  }
0x12: {  	s13 =	sshrl.u32 s6, $0x3;
	s24 =	sadd.s32 s10, s9;
	[dreg:$0xd] =	wrdreg s23  }
0x13: {  	s25 =	sadd.s32 s21, s11;
	s26 =	sadd.s32 s21, s9;
	[dreg:$0xe] =	wrdreg s24  }
0x14: {  	s21 =	simm.s32 $0x280;
	s6 =	simm.s32 $0x5;
	[dreg:$0xf] =	wrdreg s25  }
0x15: {  	s10 =	simm.s32 $0x0;
	s20 =	sadd.s32 s7, s4;
	[dreg:$0x10] =	wrdreg s26  }
0x16: {  	s23 =	simm.s32 $0x300;
	s0 =	sadd.s32 s7, s0;
	s25 =	simm.s32 $0x1  }
0x17: {  	s26 =	simm.s32 $0x400;
	s3 =	simm.s32 $0x4400;
	[dreg:$0xc] =	wrdreg s13  }
0x18: {  	s24 =	simm.s32 $0x4;
	s7 =	simm.s32 $0x8;
	[dreg:$0x6] =	wrdreg s20  }
0x19: {  	[dreg:$0x11] =	wrdreg s0;
	s0 =	simm.s32 $0x6;
	s20 =	simm.s32 $0xC  }
.LBB2_1:
0x1a: {  	s5 =	rddreg [dreg:$0x6]  }
0x1b: {  	[spmem:s13], [sflag:s8] =	dma.local [hbm:s5], $0x2780  }
0x1c: {  	_ =	swait.ge [sflag:s14], $0x2780  }
0x1d: {  	[sflag:s14] =	ssyncset.done $0x0  }
0x1e: {  	[sflag:s14] =	ssyncadd.s32 $0xFFFFD880  }
0x1f: {  	[bflag:$0x0] =	sbarrier.arrive $0xFFFF  }
0x20: {  	s13 =	rddreg [dreg:$0xd]  }
0x21: {  	s14 =	rddreg [dreg:$0xe]  }
0x22: {  	[tilespmem:s2], [sflag:$0x1] =	stream.linear.gather [hbm4b:s13+s2], $0x80, $0x38;
	[tilespmem:$0x1C000] =	vst v63  }
0x23: {  	s8 =	rddreg [dreg:$0xf]  }
0x24: {  	[tilespmem:s17], [sflag:$0x5] =	stream.linear.gather [hbm4b:s14+s2], $0x80, $0x38;
	[tilespmem:$0x1C000] =	vst v63  }
0x25: {  	s11 =	rddreg [dreg:$0x10]  }
0x26: {  	[tilespmem:s19], [sflag:$0x2] =	stream.linear.gather [hbm4b:s8+s2], $0x80, $0x38;
	[tilespmem:$0x1C000] =	vst v63  }
0x27: {  	s13 =	rddreg [dreg:$0x9]  }
0x28: {  	[tilespmem:s21], [sflag:$0x6] =	stream.linear.gather [hbm4b:s11+s2], $0x80, $0x38;
	[tilespmem:$0x1C000] =	vst v63  }
0x29: {  	s11 =	rddreg [dreg:$0x8]  }
0x2a: {  	s14 =	sadd.s32 s13, s11  }
0x2b: {  	[tilespmem:s22], [sflag:$0x3] =	stream.linear.gather [hbm4b:s14+s2], $0x80, $0x38;
	[tilespmem:$0x1C000] =	vst v63  }
0x2c: {  	s8 =	sadd.s32 s13, s9  }
0x2d: {  	[tilespmem:s23], [sflag:$0x7] =	stream.linear.gather [hbm4b:s8+s2], $0x80, $0x38;
	[tilespmem:$0x1C000] =	vst v63  }
0x2e: {  	_ =	swait.ge [sflag:s25], $0x80  }
0x2f: {  	[sflag:s25] =	ssyncset.done $0x0  }
0x30: {  	[sflag:s25] =	ssyncadd.s32 $0xFFFFFF80  }
0x31: {  	[tilespmem:s26], [sflag:$0x9] =	stream.indirect.gather [hbm4b:s4+s19], $0x80, s2, s19, $0xb8;
	[tilespmem:$0x1C000] =	vst v63  }
0x32: {  	_ =	swait.ge [sflag:s28], $0x4000  }
0x33: {  	[sflag:s28] =	ssyncset.done $0x0;
	s13 =	rddreg [dreg:$0xa]  }
0x34: {  	[sflag:s28] =	ssyncadd.s32 $0xFFFFC000;
	s14 =	sadd.s32 s13, s11  }
0x35: {  	[tilespmem:s29], [sflag:$0x4] =	stream.linear.gather [hbm4b:s14+s2], $0x80, $0x38;
	[tilespmem:$0x1C000] =	vst v63  }
0x36: {  	s8 =	sadd.s32 s13, s9  }
0x37: {  	[tilespmem:s30], [sflag:$0x8] =	stream.linear.gather [hbm4b:s8+s2], $0x80, $0x38;
	[tilespmem:$0x1C000] =	vst v63  }
0x38: {  	_ =	swait.ge [sflag:s31], $0x80  }
0x39: {  	[sflag:s31] =	ssyncset.done $0x0  }
0x3a: {  	[sflag:s31] =	ssyncadd.s32 $0xFFFFFF80  }
0x3b: {  	_ =	swait.ge [sflag:s0], $0x80  }
0x3c: {  	[sflag:s0] =	ssyncset.done $0x0  }
0x3d: {  	[sflag:s0] =	ssyncadd.s32 $0xFFFFFF80  }
0x3e: {  	[tilespmem:s3], [sflag:$0xA] =	stream.indirect.gather [hbm4b:s4+s19], $0x80, s19, s19, $0xb8;
	[tilespmem:$0x1C000] =	vst v63  }
0x3f: {  	_ =	swait.ge [sflag:s6], $0x80  }
0x40: {  	[sflag:s6] =	ssyncset.done $0x0;
	s13 =	rddreg [dreg:$0x5]  }
0x41: {  	[sflag:s6] =	ssyncadd.s32 $0xFFFFFF80;
	s14 =	sadd.s32 s11, s13  }
0x42: {  	[spmem:s1] =	stream.indirect.scatter.add.f32 [tilespmem:s26], [sflag:$0xB], $0x80, s17, s19, $0xb8;
	[tilespmem:$0x1C000] =	vst v63  }
0x43: {  	s8 =	sadd.s32 s9, s13;
	[dreg:$0x3] =	wrdreg s14  }
0x44: {  	[dreg:$0x4] =	wrdreg s8  }
0x45: {  	_ =	swait.ge [sflag:s12], $0x4000  }
0x46: {  	[sflag:s12] =	ssyncset.done $0x0  }
0x47: {  	[sflag:s12] =	ssyncadd.s32 $0xFFFFC000  }
0x48: {  	_ =	swait.ge [sflag:s15], $0x4000  }
0x49: {  	s11 =	rddreg [dreg:$0x3]  }
0x4a: {  	s13 =	rddreg [dreg:$0x4];
	[sflag:s15] =	ssyncset.done $0x0;
	s5 =	sadd.s32 $0x0, s11  }
0x4b: {  	[sflag:s15] =	ssyncadd.s32 $0xFFFFC000;
	s11 =	sadd.s32 $0x0, s13;
	s14 =	sadd.s32 $0x80, s5  }
0x4c: {  	[tilespmem:s2], [sflag:$0x1] =	stream.linear.gather [hbm4b:s14+s2], $0x80, $0x38;
	[tilespmem:$0x1C000] =	vst v63  }
0x4d: {  	s8 =	sadd.s32 $0x80, s11  }
0x4e: {  	[tilespmem:s17], [sflag:$0x5] =	stream.linear.gather [hbm4b:s8+s2], $0x80, $0x38;
	[tilespmem:$0x1C000] =	vst v63  }
0x4f: {  	_ =	swait.ge [sflag:s16], $0x80  }
0x50: {  	[sflag:s16] =	ssyncset.done $0x0  }
0x51: {  	[sflag:s16] =	ssyncadd.s32 $0xFFFFFF80  }
0x52: {  	_ =	swait.ge [sflag:s18], $0x80  }
0x53: {  	[sflag:s18] =	ssyncset.done $0x0  }
0x54: {  	[sflag:s18] =	ssyncadd.s32 $0xFFFFFF80  }
0x55: {  	[tilespmem:s26], [sflag:$0x9] =	stream.indirect.gather [hbm4b:s4+s19], $0x80, s22, s19, $0xb8;
	[tilespmem:$0x1C000] =	vst v63  }
0x56: {  	_ = 	snop  }
0x57: {  	[spmem:s1] =	stream.indirect.scatter.add.f32 [tilespmem:s3], [sflag:$0xC], $0x80, s21, s19, $0xb8;
	[tilespmem:$0x1C000] =	vst v63  }
0x58: {  	_ =	swait.ge [sflag:s28], $0x4000  }
0x59: {  	[sflag:s28] =	ssyncset.done $0x0  }
0x5a: {  	[sflag:s28] =	ssyncadd.s32 $0xFFFFC000  }
0x5b: {  	_ =	swait.ge [sflag:s20], $0x4000  }
0x5c: {  	[sflag:s20] =	ssyncset.done $0x0  }
0x5d: {  	s14 =	sadd.s32 $0xA0, s5;
	[sflag:s20] =	ssyncadd.s32 $0xFFFFC000  }
0x5e: {  	[tilespmem:s19], [sflag:$0x2] =	stream.linear.gather [hbm4b:s14+s2], $0x80, $0x38;
	[tilespmem:$0x1C000] =	vst v63  }
0x5f: {  	s8 =	sadd.s32 $0xA0, s11  }
0x60: {  	[tilespmem:s21], [sflag:$0x6] =	stream.linear.gather [hbm4b:s8+s2], $0x80, $0x38;
	[tilespmem:$0x1C000] =	vst v63  }
0x61: {  	_ =	swait.ge [sflag:s24], $0x80  }
0x62: {  	[sflag:s24] =	ssyncset.done $0x0  }
0x63: {  	[sflag:s24] =	ssyncadd.s32 $0xFFFFFF80  }
0x64: {  	_ =	swait.ge [sflag:s7], $0x80  }
0x65: {  	[sflag:s7] =	ssyncset.done $0x0  }
0x66: {  	[sflag:s7] =	ssyncadd.s32 $0xFFFFFF80  }
0x67: {  	[tilespmem:s3], [sflag:$0xA] =	stream.indirect.gather [hbm4b:s4+s19], $0x80, s29, s19, $0xb8;
	[tilespmem:$0x1C000] =	vst v63  }
0x68: {  	_ = 	snop  }
0x69: {  	[spmem:s1] =	stream.indirect.scatter.add.f32 [tilespmem:s26], [sflag:$0xB], $0x80, s23, s19, $0xb8;
	[tilespmem:$0x1C000] =	vst v63  }
0x6a: {  	_ =	swait.ge [sflag:s12], $0x4000  }
0x6b: {  	[sflag:s12] =	ssyncset.done $0x0  }
0x6c: {  	[sflag:s12] =	ssyncadd.s32 $0xFFFFC000  }
0x6d: {  	_ =	swait.ge [sflag:s15], $0x4000  }
0x6e: {  	[sflag:s15] =	ssyncset.done $0x0  }
0x6f: {  	s14 =	sadd.s32 $0xC0, s5;
	[sflag:s15] =	ssyncadd.s32 $0xFFFFC000  }
0x70: {  	[tilespmem:s22], [sflag:$0x3] =	stream.linear.gather [hbm4b:s14+s2], $0x80, $0x38;
	[tilespmem:$0x1C000] =	vst v63  }
0x71: {  	s8 =	sadd.s32 $0xC0, s11  }
0x72: {  	[tilespmem:s23], [sflag:$0x7] =	stream.linear.gather [hbm4b:s8+s2], $0x80, $0x38;
	[tilespmem:$0x1C000] =	vst v63  }
0x73: {  	_ =	swait.ge [sflag:s25], $0x80  }
0x74: {  	[sflag:s25] =	ssyncset.done $0x0  }
0x75: {  	[sflag:s25] =	ssyncadd.s32 $0xFFFFFF80  }
0x76: {  	_ =	swait.ge [sflag:s6], $0x80  }
0x77: {  	[sflag:s6] =	ssyncset.done $0x0  }
0x78: {  	[sflag:s6] =	ssyncadd.s32 $0xFFFFFF80  }
0x79: {  	[tilespmem:s26], [sflag:$0x9] =	stream.indirect.gather [hbm4b:s4+s19], $0x80, s2, s19, $0xb8;
	[tilespmem:$0x1C000] =	vst v63  }
0x7a: {  	_ = 	snop  }
0x7b: {  	[spmem:s1] =	stream.indirect.scatter.add.f32 [tilespmem:s3], [sflag:$0xC], $0x80, s30, s19, $0xb8;
	[tilespmem:$0x1C000] =	vst v63  }
0x7c: {  	_ =	swait.ge [sflag:s28], $0x4000  }
0x7d: {  	[sflag:s28] =	ssyncset.done $0x0  }
0x7e: {  	[sflag:s28] =	ssyncadd.s32 $0xFFFFC000  }
0x7f: {  	_ =	swait.ge [sflag:s20], $0x4000  }
0x80: {  	[sflag:s20] =	ssyncset.done $0x0  }
0x81: {  	s5 =	sadd.s32 $0xE0, s5;
	[sflag:s20] =	ssyncadd.s32 $0xFFFFC000  }
0x82: {  	[tilespmem:s29], [sflag:$0x4] =	stream.linear.gather [hbm4b:s5+s2], $0x80, $0x38;
	[tilespmem:$0x1C000] =	vst v63  }
0x83: {  	s14 =	sadd.s32 $0xE0, s11  }
0x84: {  	[tilespmem:s30], [sflag:$0x8] =	stream.linear.gather [hbm4b:s14+s2], $0x80, $0x38;
	[tilespmem:$0x1C000] =	vst v63  }
0x85: {  	_ =	swait.ge [sflag:s31], $0x80  }
0x86: {  	[sflag:s31] =	ssyncset.done $0x0  }
0x87: {  	[sflag:s31] =	ssyncadd.s32 $0xFFFFFF80  }
0x88: {  	_ =	swait.ge [sflag:s0], $0x80  }
0x89: {  	[sflag:s0] =	ssyncset.done $0x0  }
0x8a: {  	s11 =	simm.s32 $0x80;
	[sflag:s0] =	ssyncadd.s32 $0xFFFFFF80  }
0x8b: {  	[tilespmem:s3], [sflag:$0xA] =	stream.indirect.gather [hbm4b:s4+s19], $0x80, s19, s19, $0xb8;
	[tilespmem:$0x1C000] =	vst v63  }
.LBB2_2:
0x8c: {  	[spmem:s1] =	stream.indirect.scatter.add.f32 [tilespmem:s26], [sflag:$0xB], $0x80, s17, s19, $0xb8;
	[tilespmem:$0x1C000] =	vst v63  }
0x8d: {  	_ =	swait.ge [sflag:s12], $0x4000  }
0x8e: {  	[sflag:s12] =	ssyncset.done $0x0  }
0x8f: {  	[sflag:s12] =	ssyncadd.s32 $0xFFFFC000  }
0x90: {  	_ =	swait.ge [sflag:s15], $0x4000  }
0x91: {  	s5 =	smov.u32 s11;
	s13 =	rddreg [dreg:$0x3]  }
0x92: {  	s14 =	rddreg [dreg:$0x4];
	[sflag:s15] =	ssyncset.done $0x0;
	s13 =	sadd.s32 s5, s13  }
0x93: {  	[sflag:s15] =	ssyncadd.s32 $0xFFFFC000;
	s5 =	sadd.s32 s5, s14;
	s8 =	sadd.s32 $0x80, s13  }
0x94: {  	[tilespmem:s2], [sflag:$0x1] =	stream.linear.gather [hbm4b:s8+s2], $0x80, $0x38;
	[tilespmem:$0x1C000] =	vst v63  }
0x95: {  	s14 =	sadd.s32 $0x80, s5  }
0x96: {  	[tilespmem:s17], [sflag:$0x5] =	stream.linear.gather [hbm4b:s14+s2], $0x80, $0x38;
	[tilespmem:$0x1C000] =	vst v63  }
0x97: {  	_ =	swait.ge [sflag:s16], $0x80  }
0x98: {  	[sflag:s16] =	ssyncset.done $0x0  }
0x99: {  	[sflag:s16] =	ssyncadd.s32 $0xFFFFFF80  }
0x9a: {  	_ =	swait.ge [sflag:s18], $0x80  }
0x9b: {  	[sflag:s18] =	ssyncset.done $0x0  }
0x9c: {  	[sflag:s18] =	ssyncadd.s32 $0xFFFFFF80  }
0x9d: {  	[tilespmem:s26], [sflag:$0x9] =	stream.indirect.gather [hbm4b:s4+s19], $0x80, s22, s19, $0xb8;
	[tilespmem:$0x1C000] =	vst v63  }
0x9e: {  	_ = 	snop  }
0x9f: {  	[spmem:s1] =	stream.indirect.scatter.add.f32 [tilespmem:s3], [sflag:$0xC], $0x80, s21, s19, $0xb8;
	[tilespmem:$0x1C000] =	vst v63  }
0xa0: {  	_ =	swait.ge [sflag:s28], $0x4000  }
0xa1: {  	[sflag:s28] =	ssyncset.done $0x0  }
0xa2: {  	[sflag:s28] =	ssyncadd.s32 $0xFFFFC000  }
0xa3: {  	_ =	swait.ge [sflag:s20], $0x4000  }
0xa4: {  	[sflag:s20] =	ssyncset.done $0x0  }
0xa5: {  	s8 =	sadd.s32 $0xA0, s13;
	[sflag:s20] =	ssyncadd.s32 $0xFFFFC000  }
0xa6: {  	[tilespmem:s19], [sflag:$0x2] =	stream.linear.gather [hbm4b:s8+s2], $0x80, $0x38;
	[tilespmem:$0x1C000] =	vst v63  }
0xa7: {  	s14 =	sadd.s32 $0xA0, s5  }
0xa8: {  	[tilespmem:s21], [sflag:$0x6] =	stream.linear.gather [hbm4b:s14+s2], $0x80, $0x38;
	[tilespmem:$0x1C000] =	vst v63  }
0xa9: {  	_ =	swait.ge [sflag:s24], $0x80  }
0xaa: {  	[sflag:s24] =	ssyncset.done $0x0  }
0xab: {  	[sflag:s24] =	ssyncadd.s32 $0xFFFFFF80  }
0xac: {  	_ =	swait.ge [sflag:s7], $0x80  }
0xad: {  	[sflag:s7] =	ssyncset.done $0x0  }
0xae: {  	[sflag:s7] =	ssyncadd.s32 $0xFFFFFF80  }
0xaf: {  	[tilespmem:s3], [sflag:$0xA] =	stream.indirect.gather [hbm4b:s4+s19], $0x80, s29, s19, $0xb8;
	[tilespmem:$0x1C000] =	vst v63  }
0xb0: {  	_ = 	snop  }
0xb1: {  	[spmem:s1] =	stream.indirect.scatter.add.f32 [tilespmem:s26], [sflag:$0xB], $0x80, s23, s19, $0xb8;
	[tilespmem:$0x1C000] =	vst v63  }
0xb2: {  	_ =	swait.ge [sflag:s12], $0x4000  }
0xb3: {  	[sflag:s12] =	ssyncset.done $0x0  }
0xb4: {  	[sflag:s12] =	ssyncadd.s32 $0xFFFFC000  }
0xb5: {  	_ =	swait.ge [sflag:s15], $0x4000  }
0xb6: {  	[sflag:s15] =	ssyncset.done $0x0  }
0xb7: {  	s8 =	sadd.s32 $0xC0, s13;
	[sflag:s15] =	ssyncadd.s32 $0xFFFFC000  }
0xb8: {  	[tilespmem:s22], [sflag:$0x3] =	stream.linear.gather [hbm4b:s8+s2], $0x80, $0x38;
	[tilespmem:$0x1C000] =	vst v63  }
0xb9: {  	s14 =	sadd.s32 $0xC0, s5  }
0xba: {  	[tilespmem:s23], [sflag:$0x7] =	stream.linear.gather [hbm4b:s14+s2], $0x80, $0x38;
	[tilespmem:$0x1C000] =	vst v63  }
0xbb: {  	_ =	swait.ge [sflag:s25], $0x80  }
0xbc: {  	[sflag:s25] =	ssyncset.done $0x0  }
0xbd: {  	[sflag:s25] =	ssyncadd.s32 $0xFFFFFF80  }
0xbe: {  	_ =	swait.ge [sflag:s6], $0x80  }
0xbf: {  	[sflag:s6] =	ssyncset.done $0x0  }
0xc0: {  	[sflag:s6] =	ssyncadd.s32 $0xFFFFFF80  }
0xc1: {  	[tilespmem:s26], [sflag:$0x9] =	stream.indirect.gather [hbm4b:s4+s19], $0x80, s2, s19, $0xb8;
	[tilespmem:$0x1C000] =	vst v63  }
0xc2: {  	_ = 	snop  }
0xc3: {  	[spmem:s1] =	stream.indirect.scatter.add.f32 [tilespmem:s3], [sflag:$0xC], $0x80, s30, s19, $0xb8;
	[tilespmem:$0x1C000] =	vst v63  }
0xc4: {  	_ =	swait.ge [sflag:s28], $0x4000  }
0xc5: {  	[sflag:s28] =	ssyncset.done $0x0  }
0xc6: {  	[sflag:s28] =	ssyncadd.s32 $0xFFFFC000  }
0xc7: {  	_ =	swait.ge [sflag:s20], $0x4000  }
0xc8: {  	[sflag:s20] =	ssyncset.done $0x0  }
0xc9: {  	s14 =	sadd.s32 $0xE0, s13;
	[sflag:s20] =	ssyncadd.s32 $0xFFFFC000  }
0xca: {  	[tilespmem:s29], [sflag:$0x4] =	stream.linear.gather [hbm4b:s14+s2], $0x80, $0x38;
	[tilespmem:$0x1C000] =	vst v63  }
0xcb: {  	s5 =	sadd.s32 $0xE0, s5  }
0xcc: {  	[tilespmem:s30], [sflag:$0x8] =	stream.linear.gather [hbm4b:s5+s2], $0x80, $0x38;
	[tilespmem:$0x1C000] =	vst v63  }
0xcd: {  	_ =	swait.ge [sflag:s31], $0x80  }
0xce: {  	p0 =	sne.s32 s11, $0x1300;
	[sflag:s31] =	ssyncset.done $0x0  }
.Ltmp0:
0xcf: {  	[sflag:s31] =	ssyncadd.s32 $0xFFFFFF80;
	(pc) =	sbr.rel @p0 .LBB2_2-.Ltmp0, $4  }
0xd0: {  	_ =	swait.ge [sflag:s0], $0x80  }
0xd1: {  	[sflag:s0] =	ssyncset.done $0x0  }
0xd2: {  	s11 =	sadd.s32 $0x80, s11;
	[sflag:s0] =	ssyncadd.s32 $0xFFFFFF80  }
0xd3: {  	[tilespmem:s3], [sflag:$0xA] =	stream.indirect.gather [hbm4b:s4+s19], $0x80, s19, s19, $0xb8;
	[tilespmem:$0x1C000] =	vst v63  }
0xd4: {  	[spmem:s1] =	stream.indirect.scatter.add.f32 [tilespmem:s26], [sflag:$0xB], $0x80, s17, s19, $0xb8;
	[tilespmem:$0x1C000] =	vst v63  }
0xd5: {  	_ =	swait.ge [sflag:s12], $0x4000  }
0xd6: {  	[sflag:s12] =	ssyncset.done $0x0  }
0xd7: {  	[sflag:s12] =	ssyncadd.s32 $0xFFFFC000  }
0xd8: {  	_ =	swait.ge [sflag:s15], $0x4000  }
0xd9: {  	[sflag:s15] =	ssyncset.done $0x0  }
0xda: {  	[sflag:s15] =	ssyncadd.s32 $0xFFFFC000  }
0xdb: {  	_ =	swait.ge [sflag:s16], $0x80  }
0xdc: {  	[sflag:s16] =	ssyncset.done $0x0  }
0xdd: {  	[sflag:s16] =	ssyncadd.s32 $0xFFFFFF80  }
0xde: {  	_ =	swait.ge [sflag:s18], $0x80  }
0xdf: {  	[sflag:s18] =	ssyncset.done $0x0  }
0xe0: {  	[sflag:s18] =	ssyncadd.s32 $0xFFFFFF80  }
0xe1: {  	[tilespmem:s26], [sflag:$0x9] =	stream.indirect.gather [hbm4b:s4+s19], $0x80, s22, s19, $0xb8;
	[tilespmem:$0x1C000] =	vst v63  }
0xe2: {  	_ = 	snop  }
0xe3: {  	[spmem:s1] =	stream.indirect.scatter.add.f32 [tilespmem:s3], [sflag:$0xC], $0x80, s21, s19, $0xb8;
	[tilespmem:$0x1C000] =	vst v63  }
0xe4: {  	_ =	swait.ge [sflag:s28], $0x4000  }
0xe5: {  	[sflag:s28] =	ssyncset.done $0x0  }
0xe6: {  	[sflag:s28] =	ssyncadd.s32 $0xFFFFC000  }
0xe7: {  	_ =	swait.ge [sflag:s20], $0x4000  }
0xe8: {  	[sflag:s20] =	ssyncset.done $0x0  }
0xe9: {  	[sflag:s20] =	ssyncadd.s32 $0xFFFFC000  }
0xea: {  	_ =	swait.ge [sflag:s24], $0x80  }
0xeb: {  	[sflag:s24] =	ssyncset.done $0x0  }
0xec: {  	[sflag:s24] =	ssyncadd.s32 $0xFFFFFF80  }
0xed: {  	_ =	swait.ge [sflag:s7], $0x80  }
0xee: {  	[sflag:s7] =	ssyncset.done $0x0  }
0xef: {  	[sflag:s7] =	ssyncadd.s32 $0xFFFFFF80  }
0xf0: {  	[tilespmem:s3], [sflag:$0xA] =	stream.indirect.gather [hbm4b:s4+s19], $0x80, s29, s19, $0xb8;
	[tilespmem:$0x1C000] =	vst v63  }
0xf1: {  	_ = 	snop  }
0xf2: {  	[spmem:s1] =	stream.indirect.scatter.add.f32 [tilespmem:s26], [sflag:$0xB], $0x80, s23, s19, $0xb8;
	[tilespmem:$0x1C000] =	vst v63  }
0xf3: {  	_ =	swait.ge [sflag:s12], $0x4000  }
0xf4: {  	[sflag:s12] =	ssyncset.done $0x0  }
0xf5: {  	[sflag:s12] =	ssyncadd.s32 $0xFFFFC000  }
0xf6: {  	_ =	swait.ge [sflag:s15], $0x4000  }
0xf7: {  	[sflag:s15] =	ssyncset.done $0x0  }
0xf8: {  	[sflag:s15] =	ssyncadd.s32 $0xFFFFC000  }
0xf9: {  	[spmem:s1] =	stream.indirect.scatter.add.f32 [tilespmem:s3], [sflag:$0xC], $0x80, s30, s19, $0xb8;
	[tilespmem:$0x1C000] =	vst v63  }
0xfa: {  	_ =	swait.ge [sflag:s20], $0x4000  }
0xfb: {  	[sflag:s20] =	ssyncset.done $0x0  }
0xfc: {  	[sflag:s20] =	ssyncadd.s32 $0xFFFFC000  }
0xfd: {  	[bflag:$0x0] =	sbarrier.arrive $0xFFFF  }
0xfe: {  	s8 =	rddreg [dreg:$0x7]  }
0xff: {  	s13 =	rddreg [dreg:$0xc]  }
0x100: {  	s14 =	simm.s32 $0xD;
	s5 =	rddreg [dreg:$0x11]  }
0x101: {  	[hbm:s5], [sflag:s8] =	dma.local [spmem:s13], $0x2780  }
0x102: {  	_ =	swait.ge [sflag:s14], $0x2780  }
0x103: {  	s10 =	sadd.s32 $0x1, s10;
	s11 =	rddreg [dreg:$0xb]  }
0x104: {  	p0 =	sne.s32 s10, s11  }
.Ltmp1:
0x105: {  	_ = 	snop;
	(pc) =	sbr.rel @p0 .LBB2_1-.Ltmp1, $3  }
0x106: {  	_ =	sdelay $0x1  }
0x107: {  	[sflag:s14] =	ssyncset.done $0x0  }
0x108: {  	[sflag:s14] =	ssyncadd.s32 $0xFFFFD880  }
0x109: {  	_ =	sfence.sel $0x180000  }
0x10a: {  	[bflag:$0x0] =	sbarrier.arrive $0xFFFF  }
0x10b: {  	_ =	strace $0x9000004D  }
0x10c: {  	s0 =	stileid.u32;
	[bflag:$0x2] =	sbarrier.arrive $0xFFFF  }
0x10d: {  	p0 =	sne.s32 s0, $0x0;
	s0 =	rddreg [dreg:$0x2]  }
0x10e: {  	s0 =	sadd.s32 @!p0 $0x100000, s0  }
0x10f: {  	[sflag:s0] =	ssyncadd.tile.s32 @!p0 $0x1;
	_ =	shalt  }
.Lfunc_end2:
_tile_overlayer_lowered:
.L_overlay_start_2:
0x110: {  	(tag) =	ssettag $0x2  }
0x111: {  	s0 =	rddreg [dreg:$0x0];
	s2 =	stileid.u32  }
0x112: {  	s1 =	rddreg [dreg:$0x1];
	p0 =	sne.s32 s2, $0x0  }
0x113: {  	s3 =	rddreg [dreg:$0x2];
	[bflag:$0x3] =	sbarrier.arrive $0xFFFF;
	s2 =	simm.s32 @!p0 $0x1C0D  }
0x114: {  	[timem:s3], [sflag:s2] =	dma.local @!p0 [hbm:s0], s1  }
0x115: {  	s0 =	simm.s32 @!p0 $0xD  }
0x116: {  	_ =	swait.ge @!p0 [sflag:s0], s1  }
0x117: {  	s1 =	ssub.s32 @!p0 $0x0, s1;
	[sflag:s0] =	ssyncset.done @!p0 $0x0  }
0x118: {  	[sflag:s0] =	ssyncadd.s32 @!p0 s1  }
0x119: {  	[bflag:$0x3] =	sbarrier.arrive $0xFFFF  }
0x11a: {  	_ =	shalt  }

// kernel: kernel.21.cloned.1.call-start
scs
__scs_entry_jumppad:
0x0: {  	(pc) =	sbr.rel $0x88, $3  }
0x1: {  	(tag) =	ssettag $0x0;
	lr =	simm.s32 $0x1  }
0x2: {  	[smem:$0x3F89] =	sst lr;
	_ =	strace $0xD0000000  }
0x3: {  	_ = 	snop  }
0x4: {  	_ = 	snop  }
0x5: {  	_ = 	snop  }
0x6: {  	_ = 	snop  }
0x7: {  	_ = 	snop  }
__scs_overlays_trampoline_lowered:
0x8: {  	[smem:$0x3F98] =	sst s0  }
0x9: {  	[smem:$0x3F99] =	sst s1  }
0xa: {  	[smem:$0x3F9A] =	sst s2  }
0xb: {  	[smem:$0x3F9B] =	sst s3  }
0xc: {  	[smem:$0x3F9C] =	sst s4  }
0xd: {  	[smem:$0x3F9D] =	sst s5  }
0xe: {  	[smem:$0x3F9E] =	sst s6  }
0xf: {  	[smem:$0x3F9F] =	sst s7  }
0x10: {  	[smem:$0x3FA0] =	sst s8  }
0x11: {  	[smem:$0x3FA1] =	sst s9;
	s0 =	simm.s32 @!p0 $0x0  }
0x12: {  	s1 =	sld [smem:$0x3F87];
	s0 =	simm.s32 @p0 $0x1  }
0x13: {  	[smem:$0x3FA2] =	sst s0;
	s0 =	simm.s32 @!p1 $0x0  }
0x14: {  	s2 =	sld [smem:$0x3F86];
	s0 =	simm.s32 @p1 $0x1  }
0x15: {  	[smem:$0x3FA3] =	sst s0;
	s0 =	simm.s32 @!p2 $0x0  }
0x16: {  	s3 =	sld [smem:$0x3FDB];
	s0 =	simm.s32 @p2 $0x1  }
0x17: {  	s4 =	simm.s32 $0x1BF5;
	[smem:$0x3FA5] =	sst s0  }
0x18: {  	s0 =	sld [smem:$0x3F88];
	_ =	swait.ge [sflag:s4], $0x0  }
0x19: {  	s7 =	sld [smem:$0x3F89]  }
0x1a: {  	s8 =	sadd.s32 $0xFFFFE003, lr  }
0x1b: {  	s9 =	sadd.s32 $0xFFFFFEF7, lr;
	s5 =	simm.s32 $0xFFFFFFFF;
	p2 =	slt.u32 s8, $0xFFFFF086  }
0x1c: {  	p1 =	slt.u32 s9, $0xF7A;
	s5 =	simm.s32 @!p2 $0x0  }
0x1d: {  	s5 =	simm.s32 @p1 $0x1;
	p0 =	seq.s32 s7, s2  }
0x1e: {  	s7 =	smul.u32 @!p0 $0xF7A, s2;
	p2 =	seq.s32 @!p0 s5, $0x0  }
0x1f: {  	s9 =	smul.u32 $0xF7A, s1;
	s8 =	simm.s32 @!p0 $0x1BF5;
	p2 =	por !p2, p0  }
0x20: {  	[sflag:s8] =	ssyncset.s32 @!p0 $0xFFFFF086;
	s6 =	sadd.s32 @!p0 s3, s7;
	s7 =	simm.s32 @!p0 $0x108  }
0x21: {  	s3 =	sadd.s32 s3, s9;
	s6 =	sadd.s32 @!p0 $0x88, s6;
	s7 =	simm.s32 @p2 $0x1082  }
0x22: {  	[simem:s7], [sflag:s8] =	dma.local @!p0 [hbm:s6], $0xF7A  }
0x23: {  	s9 =	sor.u32 $0xD0000000, s2;
	s6 =	simm.s32 $0x108;
	_ =	swait.ge @!p0 [sflag:s8], $0x0  }
0x24: {  	s3 =	sadd.s32 $0x88, s3;
	s6 =	simm.s32 @!p1 $0x1082;
	[sflag:s4] =	ssyncset.s32 $0xFFFFF086  }
0x25: {  	[simem:s6], [sflag:s4] =	dma.local [hbm:s3], $0xF7A  }
0x26: {  	[smem:$0x3F89] =	sst s1;
	(tag) =	ssettag s2;
	_ =	strace s9  }
0x27: {  	s1 =	sld [smem:$0x3F99]  }
0x28: {  	s2 =	sld [smem:$0x3F9A]  }
0x29: {  	s4 =	sld [smem:$0x3F9C]  }
0x2a: {  	p0 =	seq.s32 s5, $0x0;
	s5 =	sld [smem:$0x3F9D]  }
0x2b: {  	s6 =	sld [smem:$0x3F9E]  }
0x2c: {  	s7 =	sld [smem:$0x3F9F]  }
0x2d: {  	s3 =	simm.s32 $0x108;
	s8 =	sld [smem:$0x3FA0]  }
0x2e: {  	s3 =	simm.s32 @!p0 $0x1082;
	s9 =	sld [smem:$0x3FA1]  }
0x2f: {  	lr =	sadd.s32 s0, s3;
	s0 =	sld [smem:$0x3F98]  }
0x30: {  	s3 =	sld [smem:$0x3F9B]  }
0x31: {  	[smem:$0x3FA4] =	sst s10  }
0x32: {  	s10 =	sld [smem:$0x3FA2];
	_ =	sdelay $0x3  }
0x33: {  	p0 =	seq.s32 s10, $0x1;
	s10 =	sld [smem:$0x3FA4];
	_ =	sdelay $0x3  }
0x34: {  	[smem:$0x3FA4] =	sst s10  }
0x35: {  	s10 =	sld [smem:$0x3FA3];
	_ =	sdelay $0x3  }
0x36: {  	p1 =	seq.s32 s10, $0x1;
	s10 =	sld [smem:$0x3FA4];
	_ =	sdelay $0x3  }
0x37: {  	[smem:$0x3FA4] =	sst s10  }
0x38: {  	s10 =	sld [smem:$0x3FA5]  }
0x39: {  	_ = 	snop;
	(pc) =	sbr.ind lr, $3  }
0x3a: {  	_ = 	snop  }
0x3b: {  	_ = 	snop  }
0x3c: {  	p2 =	seq.s32 s10, $0x1;
	s10 =	sld [smem:$0x3FA4]  }
0x3d: {  	_ =	shalt  }
0x3e: {  	_ =	shalt  }
0x3f: {  	_ =	shalt  }
0x40: {  	_ =	shalt  }
0x41: {  	_ =	shalt  }
0x42: {  	_ =	shalt  }
0x43: {  	_ =	shalt  }
0x44: {  	_ =	shalt  }
0x45: {  	_ =	shalt  }
0x46: {  	_ =	shalt  }
0x47: {  	_ =	shalt  }
0x48: {  	_ =	shalt  }
0x49: {  	_ =	shalt  }
0x4a: {  	_ =	shalt  }
0x4b: {  	_ =	shalt  }
0x4c: {  	_ =	shalt  }
0x4d: {  	_ =	shalt  }
0x4e: {  	_ =	shalt  }
0x4f: {  	_ =	shalt  }
0x50: {  	_ =	shalt  }
0x51: {  	_ =	shalt  }
0x52: {  	_ =	shalt  }
0x53: {  	_ =	shalt  }
0x54: {  	_ =	shalt  }
0x55: {  	_ =	shalt  }
0x56: {  	_ =	shalt  }
0x57: {  	_ =	shalt  }
0x58: {  	_ =	shalt  }
0x59: {  	_ =	shalt  }
0x5a: {  	_ =	shalt  }
0x5b: {  	_ =	shalt  }
0x5c: {  	_ =	shalt  }
0x5d: {  	_ =	shalt  }
0x5e: {  	_ =	shalt  }
0x5f: {  	_ =	shalt  }
0x60: {  	_ =	shalt  }
0x61: {  	_ =	shalt  }
0x62: {  	_ =	shalt  }
0x63: {  	_ =	shalt  }
0x64: {  	_ =	shalt  }
0x65: {  	_ =	shalt  }
0x66: {  	_ =	shalt  }
0x67: {  	_ =	shalt  }
0x68: {  	_ =	shalt  }
0x69: {  	_ =	shalt  }
0x6a: {  	_ =	shalt  }
0x6b: {  	_ =	shalt  }
0x6c: {  	_ =	shalt  }
0x6d: {  	_ =	shalt  }
0x6e: {  	_ =	shalt  }
0x6f: {  	_ =	shalt  }
0x70: {  	_ =	shalt  }
0x71: {  	_ =	shalt  }
0x72: {  	_ =	shalt  }
0x73: {  	_ =	shalt  }
0x74: {  	_ =	shalt  }
0x75: {  	_ =	shalt  }
0x76: {  	_ =	shalt  }
0x77: {  	_ =	shalt  }
0x78: {  	_ =	shalt  }
0x79: {  	_ =	shalt  }
0x7a: {  	_ =	shalt  }
0x7b: {  	_ =	shalt  }
0x7c: {  	_ =	shalt  }
0x7d: {  	_ =	shalt  }
0x7e: {  	_ =	shalt  }
0x7f: {  	_ =	shalt  }
0x80: {  	_ =	shalt  }
0x81: {  	_ =	shalt  }
0x82: {  	_ =	shalt  }
0x83: {  	_ =	shalt  }
0x84: {  	_ =	shalt  }
0x85: {  	_ =	shalt  }
0x86: {  	_ =	shalt  }
0x87: {  	_ =	shalt  }
.Lfunc_end0:
.L_simem_size_0:
called_computation.3_lowered:
.L_overlay_start_0:
0x88: {  	s2 =	sld [smem:$0x3FD9]  }
0x89: {  	s3 =	sld [smem:$0x3FFE];
	_ =	sdelay $0x1  }
0x8a: {  	s1 =	srdreg.scid  }
0x8b: {  	s0 =	sand.u32 $0x1, s1  }
0x8c: {  	s16 =	sshll.u32 s0, $0xA;
	s2 =	sadd.s32 s3, s2  }
0x8d: {  	s2 =	sadd.s32 s2, s16  }
0x8e: {  	[smem:$0x3FB0] =	sst s2  }
0x8f: {  	_ = 	snop  }
0x90: {  	(tm) =	ssettm $0x1  }
0x91: {  	s17 =	sld [smem:$0x3FFB];
	_ =	sdelay $0x3  }
0x92: {  	_ =	strace s17  }
0x93: {  	s2 =	sld [smem:$0x3FFC];
	_ =	sdelay $0x3  }
0x94: {  	_ =	strace s2  }
0x95: {  	s2 =	sld [smem:$0x3FFD];
	_ =	sdelay $0x3  }
0x96: {  	_ =	strace s2  }
0x97: {  	_ =	strace $0x8FFFFFFF  }
0x98: {  	s18 =	sld [smem:$0x3FDB];
	_ =	sdelay $0x1  }
0x99: {  	s19 =	simm.s32 $_scs_section_size  }
0x9a: {  	s4 =	simm.s32 $_size__tile_overlayer_lowered;
	s5 =	simm.s32 $_tile_overlayer_lowered  }
0x9b: {  	s22 =	simm.s32 $0x1BFF;
	s21 =	sshll.u32 s5, $0x1;
	s2 =	sadd.s32 s19, s18  }
0x9c: {  	s6 =	simm.s32 $0x0;
	s20 =	sshll.u32 s4, $0x1;
	s4 =	sadd.s32 s21, s2  }
0x9d: {  	[timem:s6], [sflag:s22] =	dma.local [hbm:s4], s20  }
0x9e: {  	_ =	swait.ge [sflag:s22], s20  }
0x9f: {  	s3 =	ssub.s32 $0x0, s20;
	[sflag:s22] =	ssyncset.done $0x0  }
0xa0: {  	[sflag:s22] =	ssyncadd.s32 s3;
	_ =	sdelay $0x1  }
0xa1: {  	s23 =	simm.s32 $0x1B8B  }
0xa2: {  	_ =	swait.ge [sflag:s23], $0x1  }
0xa3: {  	[sflag:s23] =	ssyncset.done $0x0  }
0xa4: {  	s25 =	simm.s32 $0x1B8E;
	s24 =	sld [smem:$0x3FFE];
	[sflag:s23] =	ssyncadd.s32 $0xFFFFFFFF  }
0xa5: {  	s26 =	simm.s32 $execute0_lowered;
	[smem:$0x3FD2] =	sst s25  }
0xa6: {  	s4 =	sshll.u32 s26, $0x1;
	_ =	strace $0x8000004F;
	[dreg:$0x1] =	wrdreg $0xFFFFFFFF  }
0xa7: {  	s28 =	simm.s32 $_size_execute0_lowered;
	s2 =	sadd.s32 s2, s4;
	[dreg:$0x0] =	wrdreg $0x0  }
0xa8: {  	s4 =	sshll.u32 s28, $0x1;
	[dreg:$0x2] =	wrdreg s2  }
0xa9: {  	[dreg:$0x3] =	wrdreg s4  }
0xaa: {  	[dreg:$0x4] =	wrdreg $0xC0  }
0xab: {  	_ =	task [dreg:s6], $0x5FFFF  }
0xac: {  	[dreg:$0x1] =	wrdreg $0xFFFFFFFF  }
0xad: {  	[dreg:$0x0] =	wrdreg $0x60  }
0xae: {  	[dreg:$0x2] =	wrdreg s24  }
0xaf: {  	[dreg:$0x3] =	wrdreg $0x84000  }
0xb0: {  	[dreg:$0x4] =	wrdreg $0x9  }
0xb1: {  	_ =	task.clear_ibuf [dreg:s6], $0x5FFFF;
	_ =	strace $0x9000004F  }
0xb2: {  	s29 =	simm.s32 $0x9;
	_ =	strace $0x80000051  }
0xb3: {  	_ =	swait.ge [sflag:s29], $0x1  }
0xb4: {  	[sflag:s29] =	ssyncadd.s32 $0xFFFFFFFF  }
0xb5: {  	_ =	strace $0x90000051  }
0xb6: {  	_ =	sfence  }
0xb7: {  	s30 =	sld [smem:$0x0];
	_ =	sdelay $0x2  }
0xb8: {  	s31 =	sshll.u32 s1, $0xD;
	s1 =	sshrl.u32 s1, $0x2  }
0xb9: {  	s3 =	sand.u32 $0x4000, s31;
	s1 =	sadd.s32 s1, s30  }
0xba: {  	s0 =	sor.u32 s3, s0;
	s1 =	sshll.u32 s1, $0x11  }
0xbb: {  	s0 =	sor.u32 s1, s0  }
0xbc: {  	s0 =	sadd.s32 $0x8F2B, s0  }
0xbd: {  	[sflag:s0] =	ssyncadd.remote.s32 $0x1  }
0xbe: {  	_ =	sfence.sel $0xFFFF  }
0xbf: {  	[dreg:$0x0] =	wrdreg $0xFFFFFFFF;
	(pc) =	sbr.abs _section_cstart, $3  }
0xc0: {  	[dreg:$0x1] =	wrdreg $0xFFFFFFFF  }
0xc1: {  	_ =	task.clear_ibuf [dreg:s6], $0x2FFFF;
	_ =	strace $0x9FFFFFFF  }
0xc2: {  	(tm) =	ssettm $0x7FFFFFFF  }
0xc3: {  	_ =	shalt  }
tec
execute0_lowered:
.L_overlay_start_1:
0x0: {  	(tag) =	ssettag $0x1  }
0x1: {  	s0 =	rddreg [dreg:$0x0]  }
0x2: {  	s1 =	rddreg [dreg:$0x1];
	s2 =	simm.s32 $0x0;
	s3 =	srdreg.scid  }
0x3: {  	s9 =	stileid.u32;
	s14 =	simm.s32 $0xD;
	s17 =	simm.s32 $0x200  }
0x4: {  	s28 =	simm.s32 $0x9;
	s29 =	simm.s32 $0x180;
	s30 =	simm.s32 $0x380  }
0x5: {  	s31 =	simm.s32 $0x2;
	s15 =	simm.s32 $0xB;
	s6 =	smul.u32 $0x4F000, s9  }
0x6: {  	s16 =	simm.s32 $0x3;
	s18 =	simm.s32 $0x7;
	s7 =	smul.u32 $0x2780, s9  }
0x7: {  	[smem:$0x7FF] =	sst s2;
	s3 =	sand.u32 $0x1, s3;
	s10 =	smul.u32 $0x1400, s9  }
0x8: {  	s8 =	sshll.u32 s9, $0x6;
	_ =	strace $0x80000050;
	s4 =	smul.u32 $0x27800, s3  }
0x9: {  	s5 =	sshll.u32 s3, $0x4;
	s3 =	ssub.s32 $0x2, s3;
	s8 =	sor.u32 $0x1C0D, s8  }
0xa: {  	s5 =	sadd.s32 s5, s0;
	s19 =	sshrl.u32 s3, $0x1;
	s6 =	sshrl.u32 s6, $0x2  }
0xb: {  	s21 =	sor.u32 $0x20, s10;
	s12 =	sor.u32 $0x40, s10;
	[dreg:$0x5] =	wrdreg s10  }
0xc: {  	s22 =	sor.u32 $0x60, s10;
	[dreg:$0x7] =	wrdreg s8;
	s0 =	sadd.s32 s4, s0  }
0xd: {  	s3 =	ssub.s32 s3, s19;
	s6 =	sadd.s32 s6, s1;
	[dreg:$0x9] =	wrdreg s12  }
0xe: {  	s11 =	sadd.s32 $0x19A00, s5;
	s9 =	sadd.s32 $0x5800, s5;
	[dreg:$0xa] =	wrdreg s22  }
0xf: {  	s19 =	simm.s32 $0x80;
	s22 =	simm.s32 $0x100;
	s12 =	simm.s32 $0xA  }
0x10: {  	s4 =	sadd.s32 $0x2DC00, s0;
	s3 =	smax.u32 s3, $0x1;
	[dreg:$0x8] =	wrdreg s11  }
0x11: {  	s0 =	sadd.s32 $0xCBC00, s0;
	s23 =	sadd.s32 s10, s11;
	[dreg:$0xb] =	wrdreg s3  }
0x12: {  	s13 =	sshrl.u32 s6, $0x3;
	s24 =	sadd.s32 s10, s9;
	[dreg:$0xd] =	wrdreg s23  }
0x13: {  	s25 =	sadd.s32 s21, s11;
	s26 =	sadd.s32 s21, s9;
	[dreg:$0xe] =	wrdreg s24  }
0x14: {  	s21 =	simm.s32 $0x280;
	s6 =	simm.s32 $0x5;
	[dreg:$0xf] =	wrdreg s25  }
0x15: {  	s10 =	simm.s32 $0x0;
	s20 =	sadd.s32 s7, s4;
	[dreg:$0x10] =	wrdreg s26  }
0x16: {  	s23 =	simm.s32 $0x300;
	s0 =	sadd.s32 s7, s0;
	s25 =	simm.s32 $0x1  }
0x17: {  	s26 =	simm.s32 $0x400;
	s3 =	simm.s32 $0x4400;
	[dreg:$0xc] =	wrdreg s13  }
0x18: {  	s24 =	simm.s32 $0x4;
	s7 =	simm.s32 $0x8;
	[dreg:$0x6] =	wrdreg s20  }
0x19: {  	[dreg:$0x11] =	wrdreg s0;
	s0 =	simm.s32 $0x6;
	s20 =	simm.s32 $0xC  }
.LBB2_1:
0x1a: {  	s5 =	rddreg [dreg:$0x6]  }
0x1b: {  	[spmem:s13], [sflag:s8] =	dma.local [hbm:s5], $0x2780  }
0x1c: {  	_ =	swait.ge [sflag:s14], $0x2780  }
0x1d: {  	[sflag:s14] =	ssyncset.done $0x0  }
0x1e: {  	[sflag:s14] =	ssyncadd.s32 $0xFFFFD880  }
0x1f: {  	[bflag:$0x0] =	sbarrier.arrive $0xFFFF  }
0x20: {  	s13 =	rddreg [dreg:$0xd]  }
0x21: {  	s14 =	rddreg [dreg:$0xe]  }
0x22: {  	[tilespmem:s2], [sflag:$0x1] =	stream.linear.gather [hbm4b:s13+s2], $0x80, $0x38;
	[tilespmem:$0x1C000] =	vst v63  }
0x23: {  	s8 =	rddreg [dreg:$0xf]  }
0x24: {  	[tilespmem:s17], [sflag:$0x5] =	stream.linear.gather [hbm4b:s14+s2], $0x80, $0x38;
	[tilespmem:$0x1C000] =	vst v63  }
0x25: {  	s11 =	rddreg [dreg:$0x10]  }
0x26: {  	[tilespmem:s19], [sflag:$0x2] =	stream.linear.gather [hbm4b:s8+s2], $0x80, $0x38;
	[tilespmem:$0x1C000] =	vst v63  }
0x27: {  	s13 =	rddreg [dreg:$0x9]  }
0x28: {  	[tilespmem:s21], [sflag:$0x6] =	stream.linear.gather [hbm4b:s11+s2], $0x80, $0x38;
	[tilespmem:$0x1C000] =	vst v63  }
0x29: {  	s11 =	rddreg [dreg:$0x8]  }
0x2a: {  	s14 =	sadd.s32 s13, s11  }
0x2b: {  	[tilespmem:s22], [sflag:$0x3] =	stream.linear.gather [hbm4b:s14+s2], $0x80, $0x38;
	[tilespmem:$0x1C000] =	vst v63  }
0x2c: {  	s8 =	sadd.s32 s13, s9  }
0x2d: {  	[tilespmem:s23], [sflag:$0x7] =	stream.linear.gather [hbm4b:s8+s2], $0x80, $0x38;
	[tilespmem:$0x1C000] =	vst v63  }
0x2e: {  	_ =	swait.ge [sflag:s25], $0x80  }
0x2f: {  	[sflag:s25] =	ssyncset.done $0x0  }
0x30: {  	[sflag:s25] =	ssyncadd.s32 $0xFFFFFF80  }
0x31: {  	[tilespmem:s26], [sflag:$0x9] =	stream.indirect.gather [hbm4b:s4+s19], $0x80, s2, s19, $0xb8;
	[tilespmem:$0x1C000] =	vst v63  }
0x32: {  	_ =	swait.ge [sflag:s28], $0x4000  }
0x33: {  	[sflag:s28] =	ssyncset.done $0x0;
	s13 =	rddreg [dreg:$0xa]  }
0x34: {  	[sflag:s28] =	ssyncadd.s32 $0xFFFFC000;
	s14 =	sadd.s32 s13, s11  }
0x35: {  	[tilespmem:s29], [sflag:$0x4] =	stream.linear.gather [hbm4b:s14+s2], $0x80, $0x38;
	[tilespmem:$0x1C000] =	vst v63  }
0x36: {  	s8 =	sadd.s32 s13, s9  }
0x37: {  	[tilespmem:s30], [sflag:$0x8] =	stream.linear.gather [hbm4b:s8+s2], $0x80, $0x38;
	[tilespmem:$0x1C000] =	vst v63  }
0x38: {  	_ =	swait.ge [sflag:s31], $0x80  }
0x39: {  	[sflag:s31] =	ssyncset.done $0x0  }
0x3a: {  	[sflag:s31] =	ssyncadd.s32 $0xFFFFFF80  }
0x3b: {  	_ =	swait.ge [sflag:s0], $0x80  }
0x3c: {  	[sflag:s0] =	ssyncset.done $0x0  }
0x3d: {  	[sflag:s0] =	ssyncadd.s32 $0xFFFFFF80  }
0x3e: {  	[tilespmem:s3], [sflag:$0xA] =	stream.indirect.gather [hbm4b:s4+s19], $0x80, s19, s19, $0xb8;
	[tilespmem:$0x1C000] =	vst v63  }
0x3f: {  	_ =	swait.ge [sflag:s6], $0x80  }
0x40: {  	[sflag:s6] =	ssyncset.done $0x0;
	s13 =	rddreg [dreg:$0x5]  }
0x41: {  	[sflag:s6] =	ssyncadd.s32 $0xFFFFFF80;
	s14 =	sadd.s32 s11, s13  }
0x42: {  	[spmem:s1] =	stream.indirect.scatter.add.f32 [tilespmem:s26], [sflag:$0xB], $0x80, s17, s19, $0xb8;
	[tilespmem:$0x1C000] =	vst v63  }
0x43: {  	s8 =	sadd.s32 s9, s13;
	[dreg:$0x3] =	wrdreg s14  }
0x44: {  	[dreg:$0x4] =	wrdreg s8  }
0x45: {  	_ =	swait.ge [sflag:s12], $0x4000  }
0x46: {  	[sflag:s12] =	ssyncset.done $0x0  }
0x47: {  	[sflag:s12] =	ssyncadd.s32 $0xFFFFC000  }
0x48: {  	_ =	swait.ge [sflag:s15], $0x4000  }
0x49: {  	s11 =	rddreg [dreg:$0x3]  }
0x4a: {  	s13 =	rddreg [dreg:$0x4];
	[sflag:s15] =	ssyncset.done $0x0;
	s5 =	sadd.s32 $0x0, s11  }
0x4b: {  	[sflag:s15] =	ssyncadd.s32 $0xFFFFC000;
	s11 =	sadd.s32 $0x0, s13;
	s14 =	sadd.s32 $0x80, s5  }
0x4c: {  	[tilespmem:s2], [sflag:$0x1] =	stream.linear.gather [hbm4b:s14+s2], $0x80, $0x38;
	[tilespmem:$0x1C000] =	vst v63  }
0x4d: {  	s8 =	sadd.s32 $0x80, s11  }
0x4e: {  	[tilespmem:s17], [sflag:$0x5] =	stream.linear.gather [hbm4b:s8+s2], $0x80, $0x38;
	[tilespmem:$0x1C000] =	vst v63  }
0x4f: {  	_ =	swait.ge [sflag:s16], $0x80  }
0x50: {  	[sflag:s16] =	ssyncset.done $0x0  }
0x51: {  	[sflag:s16] =	ssyncadd.s32 $0xFFFFFF80  }
0x52: {  	_ =	swait.ge [sflag:s18], $0x80  }
0x53: {  	[sflag:s18] =	ssyncset.done $0x0  }
0x54: {  	[sflag:s18] =	ssyncadd.s32 $0xFFFFFF80  }
0x55: {  	[tilespmem:s26], [sflag:$0x9] =	stream.indirect.gather [hbm4b:s4+s19], $0x80, s22, s19, $0xb8;
	[tilespmem:$0x1C000] =	vst v63  }
0x56: {  	_ = 	snop  }
0x57: {  	[spmem:s1] =	stream.indirect.scatter.add.f32 [tilespmem:s3], [sflag:$0xC], $0x80, s21, s19, $0xb8;
	[tilespmem:$0x1C000] =	vst v63  }
0x58: {  	_ =	swait.ge [sflag:s28], $0x4000  }
0x59: {  	[sflag:s28] =	ssyncset.done $0x0  }
0x5a: {  	[sflag:s28] =	ssyncadd.s32 $0xFFFFC000  }
0x5b: {  	_ =	swait.ge [sflag:s20], $0x4000  }
0x5c: {  	[sflag:s20] =	ssyncset.done $0x0  }
0x5d: {  	s14 =	sadd.s32 $0xA0, s5;
	[sflag:s20] =	ssyncadd.s32 $0xFFFFC000  }
0x5e: {  	[tilespmem:s19], [sflag:$0x2] =	stream.linear.gather [hbm4b:s14+s2], $0x80, $0x38;
	[tilespmem:$0x1C000] =	vst v63  }
0x5f: {  	s8 =	sadd.s32 $0xA0, s11  }
0x60: {  	[tilespmem:s21], [sflag:$0x6] =	stream.linear.gather [hbm4b:s8+s2], $0x80, $0x38;
	[tilespmem:$0x1C000] =	vst v63  }
0x61: {  	_ =	swait.ge [sflag:s24], $0x80  }
0x62: {  	[sflag:s24] =	ssyncset.done $0x0  }
0x63: {  	[sflag:s24] =	ssyncadd.s32 $0xFFFFFF80  }
0x64: {  	_ =	swait.ge [sflag:s7], $0x80  }
0x65: {  	[sflag:s7] =	ssyncset.done $0x0  }
0x66: {  	[sflag:s7] =	ssyncadd.s32 $0xFFFFFF80  }
0x67: {  	[tilespmem:s3], [sflag:$0xA] =	stream.indirect.gather [hbm4b:s4+s19], $0x80, s29, s19, $0xb8;
	[tilespmem:$0x1C000] =	vst v63  }
0x68: {  	_ = 	snop  }
0x69: {  	[spmem:s1] =	stream.indirect.scatter.add.f32 [tilespmem:s26], [sflag:$0xB], $0x80, s23, s19, $0xb8;
	[tilespmem:$0x1C000] =	vst v63  }
0x6a: {  	_ =	swait.ge [sflag:s12], $0x4000  }
0x6b: {  	[sflag:s12] =	ssyncset.done $0x0  }
0x6c: {  	[sflag:s12] =	ssyncadd.s32 $0xFFFFC000  }
0x6d: {  	_ =	swait.ge [sflag:s15], $0x4000  }
0x6e: {  	[sflag:s15] =	ssyncset.done $0x0  }
0x6f: {  	s14 =	sadd.s32 $0xC0, s5;
	[sflag:s15] =	ssyncadd.s32 $0xFFFFC000  }
0x70: {  	[tilespmem:s22], [sflag:$0x3] =	stream.linear.gather [hbm4b:s14+s2], $0x80, $0x38;
	[tilespmem:$0x1C000] =	vst v63  }
0x71: {  	s8 =	sadd.s32 $0xC0, s11  }
0x72: {  	[tilespmem:s23], [sflag:$0x7] =	stream.linear.gather [hbm4b:s8+s2], $0x80, $0x38;
	[tilespmem:$0x1C000] =	vst v63  }
0x73: {  	_ =	swait.ge [sflag:s25], $0x80  }
0x74: {  	[sflag:s25] =	ssyncset.done $0x0  }
0x75: {  	[sflag:s25] =	ssyncadd.s32 $0xFFFFFF80  }
0x76: {  	_ =	swait.ge [sflag:s6], $0x80  }
0x77: {  	[sflag:s6] =	ssyncset.done $0x0  }
0x78: {  	[sflag:s6] =	ssyncadd.s32 $0xFFFFFF80  }
0x79: {  	[tilespmem:s26], [sflag:$0x9] =	stream.indirect.gather [hbm4b:s4+s19], $0x80, s2, s19, $0xb8;
	[tilespmem:$0x1C000] =	vst v63  }
0x7a: {  	_ = 	snop  }
0x7b: {  	[spmem:s1] =	stream.indirect.scatter.add.f32 [tilespmem:s3], [sflag:$0xC], $0x80, s30, s19, $0xb8;
	[tilespmem:$0x1C000] =	vst v63  }
0x7c: {  	_ =	swait.ge [sflag:s28], $0x4000  }
0x7d: {  	[sflag:s28] =	ssyncset.done $0x0  }
0x7e: {  	[sflag:s28] =	ssyncadd.s32 $0xFFFFC000  }
0x7f: {  	_ =	swait.ge [sflag:s20], $0x4000  }
0x80: {  	[sflag:s20] =	ssyncset.done $0x0  }
0x81: {  	s5 =	sadd.s32 $0xE0, s5;
	[sflag:s20] =	ssyncadd.s32 $0xFFFFC000  }
0x82: {  	[tilespmem:s29], [sflag:$0x4] =	stream.linear.gather [hbm4b:s5+s2], $0x80, $0x38;
	[tilespmem:$0x1C000] =	vst v63  }
0x83: {  	s14 =	sadd.s32 $0xE0, s11  }
0x84: {  	[tilespmem:s30], [sflag:$0x8] =	stream.linear.gather [hbm4b:s14+s2], $0x80, $0x38;
	[tilespmem:$0x1C000] =	vst v63  }
0x85: {  	_ =	swait.ge [sflag:s31], $0x80  }
0x86: {  	[sflag:s31] =	ssyncset.done $0x0  }
0x87: {  	[sflag:s31] =	ssyncadd.s32 $0xFFFFFF80  }
0x88: {  	_ =	swait.ge [sflag:s0], $0x80  }
0x89: {  	[sflag:s0] =	ssyncset.done $0x0  }
0x8a: {  	s11 =	simm.s32 $0x80;
	[sflag:s0] =	ssyncadd.s32 $0xFFFFFF80  }
0x8b: {  	[tilespmem:s3], [sflag:$0xA] =	stream.indirect.gather [hbm4b:s4+s19], $0x80, s19, s19, $0xb8;
	[tilespmem:$0x1C000] =	vst v63  }
.LBB2_2:
0x8c: {  	[spmem:s1] =	stream.indirect.scatter.add.f32 [tilespmem:s26], [sflag:$0xB], $0x80, s17, s19, $0xb8;
	[tilespmem:$0x1C000] =	vst v63  }
0x8d: {  	_ =	swait.ge [sflag:s12], $0x4000  }
0x8e: {  	[sflag:s12] =	ssyncset.done $0x0  }
0x8f: {  	[sflag:s12] =	ssyncadd.s32 $0xFFFFC000  }
0x90: {  	_ =	swait.ge [sflag:s15], $0x4000  }
0x91: {  	s5 =	smov.u32 s11;
	s13 =	rddreg [dreg:$0x3]  }
0x92: {  	s14 =	rddreg [dreg:$0x4];
	[sflag:s15] =	ssyncset.done $0x0;
	s13 =	sadd.s32 s5, s13  }
0x93: {  	[sflag:s15] =	ssyncadd.s32 $0xFFFFC000;
	s5 =	sadd.s32 s5, s14;
	s8 =	sadd.s32 $0x80, s13  }
0x94: {  	[tilespmem:s2], [sflag:$0x1] =	stream.linear.gather [hbm4b:s8+s2], $0x80, $0x38;
	[tilespmem:$0x1C000] =	vst v63  }
0x95: {  	s14 =	sadd.s32 $0x80, s5  }
0x96: {  	[tilespmem:s17], [sflag:$0x5] =	stream.linear.gather [hbm4b:s14+s2], $0x80, $0x38;
	[tilespmem:$0x1C000] =	vst v63  }
0x97: {  	_ =	swait.ge [sflag:s16], $0x80  }
0x98: {  	[sflag:s16] =	ssyncset.done $0x0  }
0x99: {  	[sflag:s16] =	ssyncadd.s32 $0xFFFFFF80  }
0x9a: {  	_ =	swait.ge [sflag:s18], $0x80  }
0x9b: {  	[sflag:s18] =	ssyncset.done $0x0  }
0x9c: {  	[sflag:s18] =	ssyncadd.s32 $0xFFFFFF80  }
0x9d: {  	[tilespmem:s26], [sflag:$0x9] =	stream.indirect.gather [hbm4b:s4+s19], $0x80, s22, s19, $0xb8;
	[tilespmem:$0x1C000] =	vst v63  }
0x9e: {  	_ = 	snop  }
0x9f: {  	[spmem:s1] =	stream.indirect.scatter.add.f32 [tilespmem:s3], [sflag:$0xC], $0x80, s21, s19, $0xb8;
	[tilespmem:$0x1C000] =	vst v63  }
0xa0: {  	_ =	swait.ge [sflag:s28], $0x4000  }
0xa1: {  	[sflag:s28] =	ssyncset.done $0x0  }
0xa2: {  	[sflag:s28] =	ssyncadd.s32 $0xFFFFC000  }
0xa3: {  	_ =	swait.ge [sflag:s20], $0x4000  }
0xa4: {  	[sflag:s20] =	ssyncset.done $0x0  }
0xa5: {  	s8 =	sadd.s32 $0xA0, s13;
	[sflag:s20] =	ssyncadd.s32 $0xFFFFC000  }
0xa6: {  	[tilespmem:s19], [sflag:$0x2] =	stream.linear.gather [hbm4b:s8+s2], $0x80, $0x38;
	[tilespmem:$0x1C000] =	vst v63  }
0xa7: {  	s14 =	sadd.s32 $0xA0, s5  }
0xa8: {  	[tilespmem:s21], [sflag:$0x6] =	stream.linear.gather [hbm4b:s14+s2], $0x80, $0x38;
	[tilespmem:$0x1C000] =	vst v63  }
0xa9: {  	_ =	swait.ge [sflag:s24], $0x80  }
0xaa: {  	[sflag:s24] =	ssyncset.done $0x0  }
0xab: {  	[sflag:s24] =	ssyncadd.s32 $0xFFFFFF80  }
0xac: {  	_ =	swait.ge [sflag:s7], $0x80  }
0xad: {  	[sflag:s7] =	ssyncset.done $0x0  }
0xae: {  	[sflag:s7] =	ssyncadd.s32 $0xFFFFFF80  }
0xaf: {  	[tilespmem:s3], [sflag:$0xA] =	stream.indirect.gather [hbm4b:s4+s19], $0x80, s29, s19, $0xb8;
	[tilespmem:$0x1C000] =	vst v63  }
0xb0: {  	_ = 	snop  }
0xb1: {  	[spmem:s1] =	stream.indirect.scatter.add.f32 [tilespmem:s26], [sflag:$0xB], $0x80, s23, s19, $0xb8;
	[tilespmem:$0x1C000] =	vst v63  }
0xb2: {  	_ =	swait.ge [sflag:s12], $0x4000  }
0xb3: {  	[sflag:s12] =	ssyncset.done $0x0  }
0xb4: {  	[sflag:s12] =	ssyncadd.s32 $0xFFFFC000  }
0xb5: {  	_ =	swait.ge [sflag:s15], $0x4000  }
0xb6: {  	[sflag:s15] =	ssyncset.done $0x0  }
0xb7: {  	s8 =	sadd.s32 $0xC0, s13;
	[sflag:s15] =	ssyncadd.s32 $0xFFFFC000  }
0xb8: {  	[tilespmem:s22], [sflag:$0x3] =	stream.linear.gather [hbm4b:s8+s2], $0x80, $0x38;
	[tilespmem:$0x1C000] =	vst v63  }
0xb9: {  	s14 =	sadd.s32 $0xC0, s5  }
0xba: {  	[tilespmem:s23], [sflag:$0x7] =	stream.linear.gather [hbm4b:s14+s2], $0x80, $0x38;
	[tilespmem:$0x1C000] =	vst v63  }
0xbb: {  	_ =	swait.ge [sflag:s25], $0x80  }
0xbc: {  	[sflag:s25] =	ssyncset.done $0x0  }
0xbd: {  	[sflag:s25] =	ssyncadd.s32 $0xFFFFFF80  }
0xbe: {  	_ =	swait.ge [sflag:s6], $0x80  }
0xbf: {  	[sflag:s6] =	ssyncset.done $0x0  }
0xc0: {  	[sflag:s6] =	ssyncadd.s32 $0xFFFFFF80  }
0xc1: {  	[tilespmem:s26], [sflag:$0x9] =	stream.indirect.gather [hbm4b:s4+s19], $0x80, s2, s19, $0xb8;
	[tilespmem:$0x1C000] =	vst v63  }
0xc2: {  	_ = 	snop  }
0xc3: {  	[spmem:s1] =	stream.indirect.scatter.add.f32 [tilespmem:s3], [sflag:$0xC], $0x80, s30, s19, $0xb8;
	[tilespmem:$0x1C000] =	vst v63  }
0xc4: {  	_ =	swait.ge [sflag:s28], $0x4000  }
0xc5: {  	[sflag:s28] =	ssyncset.done $0x0  }
0xc6: {  	[sflag:s28] =	ssyncadd.s32 $0xFFFFC000  }
0xc7: {  	_ =	swait.ge [sflag:s20], $0x4000  }
0xc8: {  	[sflag:s20] =	ssyncset.done $0x0  }
0xc9: {  	s14 =	sadd.s32 $0xE0, s13;
	[sflag:s20] =	ssyncadd.s32 $0xFFFFC000  }
0xca: {  	[tilespmem:s29], [sflag:$0x4] =	stream.linear.gather [hbm4b:s14+s2], $0x80, $0x38;
	[tilespmem:$0x1C000] =	vst v63  }
0xcb: {  	s5 =	sadd.s32 $0xE0, s5  }
0xcc: {  	[tilespmem:s30], [sflag:$0x8] =	stream.linear.gather [hbm4b:s5+s2], $0x80, $0x38;
	[tilespmem:$0x1C000] =	vst v63  }
0xcd: {  	_ =	swait.ge [sflag:s31], $0x80  }
0xce: {  	p0 =	sne.s32 s11, $0x1300;
	[sflag:s31] =	ssyncset.done $0x0  }
.Ltmp0:
0xcf: {  	[sflag:s31] =	ssyncadd.s32 $0xFFFFFF80;
	(pc) =	sbr.rel @p0 .LBB2_2-.Ltmp0, $4  }
0xd0: {  	_ =	swait.ge [sflag:s0], $0x80  }
0xd1: {  	[sflag:s0] =	ssyncset.done $0x0  }
0xd2: {  	s11 =	sadd.s32 $0x80, s11;
	[sflag:s0] =	ssyncadd.s32 $0xFFFFFF80  }
0xd3: {  	[tilespmem:s3], [sflag:$0xA] =	stream.indirect.gather [hbm4b:s4+s19], $0x80, s19, s19, $0xb8;
	[tilespmem:$0x1C000] =	vst v63  }
0xd4: {  	[spmem:s1] =	stream.indirect.scatter.add.f32 [tilespmem:s26], [sflag:$0xB], $0x80, s17, s19, $0xb8;
	[tilespmem:$0x1C000] =	vst v63  }
0xd5: {  	_ =	swait.ge [sflag:s12], $0x4000  }
0xd6: {  	[sflag:s12] =	ssyncset.done $0x0  }
0xd7: {  	[sflag:s12] =	ssyncadd.s32 $0xFFFFC000  }
0xd8: {  	_ =	swait.ge [sflag:s15], $0x4000  }
0xd9: {  	[sflag:s15] =	ssyncset.done $0x0  }
0xda: {  	[sflag:s15] =	ssyncadd.s32 $0xFFFFC000  }
0xdb: {  	_ =	swait.ge [sflag:s16], $0x80  }
0xdc: {  	[sflag:s16] =	ssyncset.done $0x0  }
0xdd: {  	[sflag:s16] =	ssyncadd.s32 $0xFFFFFF80  }
0xde: {  	_ =	swait.ge [sflag:s18], $0x80  }
0xdf: {  	[sflag:s18] =	ssyncset.done $0x0  }
0xe0: {  	[sflag:s18] =	ssyncadd.s32 $0xFFFFFF80  }
0xe1: {  	[tilespmem:s26], [sflag:$0x9] =	stream.indirect.gather [hbm4b:s4+s19], $0x80, s22, s19, $0xb8;
	[tilespmem:$0x1C000] =	vst v63  }
0xe2: {  	_ = 	snop  }
0xe3: {  	[spmem:s1] =	stream.indirect.scatter.add.f32 [tilespmem:s3], [sflag:$0xC], $0x80, s21, s19, $0xb8;
	[tilespmem:$0x1C000] =	vst v63  }
0xe4: {  	_ =	swait.ge [sflag:s28], $0x4000  }
0xe5: {  	[sflag:s28] =	ssyncset.done $0x0  }
0xe6: {  	[sflag:s28] =	ssyncadd.s32 $0xFFFFC000  }
0xe7: {  	_ =	swait.ge [sflag:s20], $0x4000  }
0xe8: {  	[sflag:s20] =	ssyncset.done $0x0  }
0xe9: {  	[sflag:s20] =	ssyncadd.s32 $0xFFFFC000  }
0xea: {  	_ =	swait.ge [sflag:s24], $0x80  }
0xeb: {  	[sflag:s24] =	ssyncset.done $0x0  }
0xec: {  	[sflag:s24] =	ssyncadd.s32 $0xFFFFFF80  }
0xed: {  	_ =	swait.ge [sflag:s7], $0x80  }
0xee: {  	[sflag:s7] =	ssyncset.done $0x0  }
0xef: {  	[sflag:s7] =	ssyncadd.s32 $0xFFFFFF80  }
0xf0: {  	[tilespmem:s3], [sflag:$0xA] =	stream.indirect.gather [hbm4b:s4+s19], $0x80, s29, s19, $0xb8;
	[tilespmem:$0x1C000] =	vst v63  }
0xf1: {  	_ = 	snop  }
0xf2: {  	[spmem:s1] =	stream.indirect.scatter.add.f32 [tilespmem:s26], [sflag:$0xB], $0x80, s23, s19, $0xb8;
	[tilespmem:$0x1C000] =	vst v63  }
0xf3: {  	_ =	swait.ge [sflag:s12], $0x4000  }
0xf4: {  	[sflag:s12] =	ssyncset.done $0x0  }
0xf5: {  	[sflag:s12] =	ssyncadd.s32 $0xFFFFC000  }
0xf6: {  	_ =	swait.ge [sflag:s15], $0x4000  }
0xf7: {  	[sflag:s15] =	ssyncset.done $0x0  }
0xf8: {  	[sflag:s15] =	ssyncadd.s32 $0xFFFFC000  }
0xf9: {  	[spmem:s1] =	stream.indirect.scatter.add.f32 [tilespmem:s3], [sflag:$0xC], $0x80, s30, s19, $0xb8;
	[tilespmem:$0x1C000] =	vst v63  }
0xfa: {  	_ =	swait.ge [sflag:s20], $0x4000  }
0xfb: {  	[sflag:s20] =	ssyncset.done $0x0  }
0xfc: {  	[sflag:s20] =	ssyncadd.s32 $0xFFFFC000  }
0xfd: {  	[bflag:$0x0] =	sbarrier.arrive $0xFFFF  }
0xfe: {  	s8 =	rddreg [dreg:$0x7]  }
0xff: {  	s13 =	rddreg [dreg:$0xc]  }
0x100: {  	s14 =	simm.s32 $0xD;
	s5 =	rddreg [dreg:$0x11]  }
0x101: {  	[hbm:s5], [sflag:s8] =	dma.local [spmem:s13], $0x2780  }
0x102: {  	_ =	swait.ge [sflag:s14], $0x2780  }
0x103: {  	s10 =	sadd.s32 $0x1, s10;
	s11 =	rddreg [dreg:$0xb]  }
0x104: {  	p0 =	sne.s32 s10, s11  }
.Ltmp1:
0x105: {  	_ = 	snop;
	(pc) =	sbr.rel @p0 .LBB2_1-.Ltmp1, $3  }
0x106: {  	_ =	sdelay $0x1  }
0x107: {  	[sflag:s14] =	ssyncset.done $0x0  }
0x108: {  	[sflag:s14] =	ssyncadd.s32 $0xFFFFD880  }
0x109: {  	_ =	sfence.sel $0x180000  }
0x10a: {  	[bflag:$0x0] =	sbarrier.arrive $0xFFFF  }
0x10b: {  	_ =	strace $0x90000050  }
0x10c: {  	s0 =	stileid.u32;
	[bflag:$0x2] =	sbarrier.arrive $0xFFFF  }
0x10d: {  	p0 =	sne.s32 s0, $0x0;
	s0 =	rddreg [dreg:$0x2]  }
0x10e: {  	s0 =	sadd.s32 @!p0 $0x100000, s0  }
0x10f: {  	[sflag:s0] =	ssyncadd.tile.s32 @!p0 $0x1;
	_ =	shalt  }
.Lfunc_end2:
_tile_overlayer_lowered:
.L_overlay_start_2:
0x110: {  	(tag) =	ssettag $0x2  }
0x111: {  	s0 =	rddreg [dreg:$0x0];
	s2 =	stileid.u32  }
0x112: {  	s1 =	rddreg [dreg:$0x1];
	p0 =	sne.s32 s2, $0x0  }
0x113: {  	s3 =	rddreg [dreg:$0x2];
	[bflag:$0x3] =	sbarrier.arrive $0xFFFF;
	s2 =	simm.s32 @!p0 $0x1C0D  }
0x114: {  	[timem:s3], [sflag:s2] =	dma.local @!p0 [hbm:s0], s1  }
0x115: {  	s0 =	simm.s32 @!p0 $0xD  }
0x116: {  	_ =	swait.ge @!p0 [sflag:s0], s1  }
0x117: {  	s1 =	ssub.s32 @!p0 $0x0, s1;
	[sflag:s0] =	ssyncset.done @!p0 $0x0  }
0x118: {  	[sflag:s0] =	ssyncadd.s32 @!p0 s1  }
0x119: {  	[bflag:$0x3] =	sbarrier.arrive $0xFFFF  }
0x11a: {  	_ =	shalt  }

</sc_bundles>
